<compile_context>
chip_gen: v7x
topology: tpu7x:2x2x1
jax: 0.10.2.dev20260603
libtpu: 0.0.44.dev20260713+nightly
codegen_flags: <defaults>
</compile_context>

<pallas_src>
import functools

import jax
import jax.numpy as jnp
from jax import lax
from jax.experimental import pallas as pl
from jax.experimental.pallas import tpu as pltpu
from jax.experimental.pallas import tpu_sc as plsc

ALPHA = 0.1
KSTEPS = 5
NSUB = 16
NCORE = 2
LANES = 16
CHUNK = 128

_SC_PARAMS = pltpu.CompilerParams(
    needs_layout_passes=False, use_tc_tiling_on_sc=False)


def _sc_degree(n_pad, rpt, chunks):
    mesh = plsc.VectorSubcoreMesh(core_axis_name="c", subcore_axis_name="s")

    half = -(-chunks // 2)

    @functools.partial(
        pl.kernel,
        out_type=jax.ShapeDtypeStruct((NCORE, n_pad), jnp.float32),
        mesh=mesh,
        compiler_params=_SC_PARAMS,
        scratch_types=[
            pltpu.VMEM_SHARED((n_pad,), jnp.float32),
            pltpu.VMEM((CHUNK,), jnp.int32),
            pltpu.VMEM((CHUNK,), jnp.int32),
            pltpu.VMEM((CHUNK,), jnp.float32),
            pltpu.VMEM((CHUNK,), jnp.float32),
            pltpu.SemaphoreType.DMA,
            pltpu.SemaphoreType.DMA,
        ],
    )
    def deg_kernel(ei_hbm, deg_out, DEG, didx_a, didx_b, ones_t, init_t,
                   isem_a, isem_b):
        c = lax.axis_index("c")
        s = lax.axis_index("s")
        row0 = s * rpt
        ones16 = jnp.full((LANES,), 1.0, jnp.float32)
        init16 = jnp.full((LANES,), jnp.where(c == 0, 1.0, 0.0))

        def f_ones(i, carry):
            ones_t[pl.ds(i * LANES, LANES)] = ones16
            init_t[pl.ds(i * LANES, LANES)] = init16
            return carry
        lax.fori_loop(0, CHUNK // LANES, f_ones, 0)

        def f_deginit(j, carry):
            pltpu.sync_copy(init_t, DEG.at[pl.ds(row0 + j * CHUNK, CHUNK)])
            return carry
        lax.fori_loop(0, rpt // CHUNK, f_deginit, 0)
        plsc.subcore_barrier()

        w0 = s * chunks + c * half
        hc = jnp.where(c == 0, half, chunks - half)
        wlast = s * chunks + chunks - 1
        ia = pltpu.make_async_copy(ei_hbm.at[w0, 1], didx_a, isem_a)
        ia.start()

        def f_deg(i2, carry):
            c0 = w0 + 2 * i2
            ib = pltpu.make_async_copy(
                ei_hbm.at[jnp.minimum(c0 + 1, wlast), 1], didx_b, isem_b)
            ib.start()
            ia.wait()

            @pl.when(c0 < w0 + hc)
            def _():
                pltpu.sync_copy(ones_t, DEG.at[didx_a], add=True)
            ia2 = pltpu.make_async_copy(
                ei_hbm.at[jnp.minimum(c0 + 2, wlast), 1], didx_a, isem_a)
            ia2.start()
            ib.wait()

            @pl.when(c0 + 1 < w0 + hc)
            def _():
                pltpu.sync_copy(ones_t, DEG.at[didx_b], add=True)
            return carry
        lax.fori_loop(0, (half + 1) // 2, f_deg, 0)
        ia.wait()
        plsc.subcore_barrier()
        pltpu.sync_copy(DEG.at[pl.ds(row0, rpt)],
                        deg_out.at[c, pl.ds(row0, rpt)])

    return deg_kernel


def _sc_propagate(n_pad, f_half, rpt, chunks):
    mesh = plsc.VectorSubcoreMesh(core_axis_name="c", subcore_axis_name="s")

    @functools.partial(
        pl.kernel,
        out_type=jax.ShapeDtypeStruct((KSTEPS, NCORE, n_pad, f_half),
                                      jnp.float32),
        mesh=mesh,
        compiler_params=_SC_PARAMS,
        scratch_types=[
            pltpu.VMEM_SHARED((n_pad, f_half), jnp.float32),
            pltpu.VMEM_SHARED((n_pad, f_half), jnp.float32),
            pltpu.VMEM((CHUNK, f_half), jnp.float32),
            pltpu.VMEM((CHUNK, f_half), jnp.float32),
            pltpu.VMEM((CHUNK, f_half), jnp.float32),
            pltpu.VMEM((CHUNK, f_half), jnp.float32),
            pltpu.VMEM((CHUNK, f_half), jnp.float32),
            pltpu.VMEM((2, CHUNK), jnp.int32),
            pltpu.VMEM((2, CHUNK), jnp.int32),
            pltpu.VMEM((2, CHUNK), jnp.int32),
            pltpu.VMEM((2, CHUNK), jnp.int32),
            pltpu.VMEM((rpt,), jnp.float32),
            pltpu.VMEM((rpt,), jnp.float32),
            pltpu.SemaphoreType.DMA,
            pltpu.SemaphoreType.DMA,
            pltpu.SemaphoreType.DMA,
            pltpu.SemaphoreType.DMA,
            pltpu.SemaphoreType.DMA,
            pltpu.SemaphoreType.DMA,
            pltpu.SemaphoreType.DMA,
            pltpu.SemaphoreType.DMA,
        ],
    )
    def prop(x2_hbm, ei_hbm, dinv_hbm, recip_hbm, u_out,
             U, Y, ytile, rows_0, rows_1, rows_2, rows_3,
             idx_0, idx_1, idx_2, idx_3, dinv_v, recip_v,
             gsem_0, gsem_1, gsem_2, gsem_3, ssem_0, ssem_1, ssem_2, ssem_3):
        c = lax.axis_index("c")
        s = lax.axis_index("s")
        row0 = s * rpt
        ch0 = s * chunks
        nsub = rpt // CHUNK

        pltpu.sync_copy(dinv_hbm.at[pl.ds(row0, rpt)], dinv_v)
        pltpu.sync_copy(recip_hbm.at[pl.ds(row0, rpt)], recip_v)

        def f_x(j, carry):
            r0 = row0 + j * CHUNK
            pltpu.sync_copy(x2_hbm.at[c, pl.ds(r0, CHUNK)], ytile)

            def f_row(r, carry2):
                idx = jnp.full((LANES,), j * CHUNK + r, jnp.int32)
                dv = plsc.load_gather(dinv_v, [idx])
                for c2 in range(f_half // LANES):
                    sl = pl.ds(c2 * LANES, LANES)
                    ytile[r, sl] = ytile[r, sl] * dv
                return carry2
            lax.fori_loop(0, CHUNK, f_row, 0)
            pltpu.sync_copy(ytile, U.at[pl.ds(r0, CHUNK)])
            pltpu.sync_copy(ytile, Y.at[pl.ds(r0, CHUNK)])
            return carry
        lax.fori_loop(0, nsub, f_x, 0)
        plsc.subcore_barrier()


        rows = (rows_0, rows_1, rows_2, rows_3)
        idx = (idx_0, idx_1, idx_2, idx_3)
        gsem = (gsem_0, gsem_1, gsem_2, gsem_3)
        ssem = (ssem_0, ssem_1, ssem_2, ssem_3)
        gd = tuple(pltpu.make_async_copy(U.at[idx[j].at[0]], rows[j], gsem[j])
                   for j in range(4))
        clast = ch0 + chunks - 1

        for k in range(1, KSTEPS + 1):
            pltpu.sync_copy(ei_hbm.at[ch0], idx_0)
            gd[0].start()
            pltpu.sync_copy(ei_hbm.at[ch0 + 1], idx_1)
            gd[1].start()
            pltpu.sync_copy(ei_hbm.at[ch0 + 2], idx_2)
            gd[2].start()

            def f_quad(i4, carry):
                c0 = ch0 + 4 * i4
                scat = []
                for j in range(4):
                    gd[j].wait()
                    scat.append(pltpu.async_copy(
                        rows[j], Y.at[idx[j].at[1]], ssem[j], add=True))
                    if j > 0:
                        scat[j - 1].wait()
                        jp = j - 1
                    else:
                        jp = 3
                    cn = jnp.minimum(c0 + 3 + j, clast)
                    pltpu.sync_copy(ei_hbm.at[cn], idx[jp])
                    gd[jp].start()
                scat[3].wait()
                return carry
            lax.fori_loop(0, chunks // 4, f_quad, 0)
            gd[0].wait()
            gd[1].wait()
            gd[2].wait()
            plsc.subcore_barrier()

            def scale(buf, jj):
                def f_row(r, carry2):
                    bidx = jnp.full((LANES,), jj * CHUNK + r, jnp.int32)
                    rv = plsc.load_gather(recip_v, [bidx])
                    for c2 in range(f_half // LANES):
                        sl = pl.ds(c2 * LANES, LANES)
                        buf[r, sl] = buf[r, sl] * rv
                    return carry2
                lax.fori_loop(0, CHUNK, f_row, 0)

            def f_ew(j, carry):
                r0 = row0 + j * CHUNK
                pltpu.sync_copy(Y.at[pl.ds(r0, CHUNK)], ytile)
                scale(ytile, j)
                pltpu.sync_copy(ytile, u_out.at[k - 1, c, pl.ds(r0, CHUNK)])
                if k < KSTEPS:
                    pltpu.sync_copy(ytile, U.at[pl.ds(r0, CHUNK)])
                    pltpu.sync_copy(ytile, Y.at[pl.ds(r0, CHUNK)])
                return carry
            lax.fori_loop(0, nsub, f_ew, 0)
            if k < KSTEPS:
                plsc.subcore_barrier()

    return prop


def _tc_linear(n_pad, d_in, d_out, blk):
    f_half = d_in // 2
    coef = (1.0 - ALPHA) / KSTEPS

    def body(x_ref, u_ref, deg_ref, w_ref, b_ref, o_ref):
        dg = jnp.sqrt(deg_ref[...])
        us = u_ref[...]
        ssum = us[0]
        for k in range(1, KSTEPS):
            ssum = ssum + us[k]
        s_full = jnp.concatenate([ssum[0], ssum[1]], axis=1)
        xo = ALPHA * x_ref[...] + coef * dg * s_full
        o_ref[...] = (
            jnp.dot(xo, w_ref[...], preferred_element_type=jnp.float32)
            + b_ref[...]
        )

    return pl.pallas_call(
        body,
        grid=(n_pad // blk,),
        in_specs=[
            pl.BlockSpec((blk, d_in), lambda i: (i, 0)),
            pl.BlockSpec((KSTEPS, NCORE, blk, f_half), lambda i: (0, 0, i, 0)),
            pl.BlockSpec((blk, 1), lambda i: (i, 0)),
            pl.BlockSpec((d_in, d_out), lambda i: (0, 0)),
            pl.BlockSpec((1, d_out), lambda i: (0, 0)),
        ],
        out_specs=pl.BlockSpec((blk, d_out), lambda i: (i, 0)),
        out_shape=jax.ShapeDtypeStruct((n_pad, d_out), jnp.float32),
    )


def _tc_linear_exact(n, n_pad, d_in, d_out, blk):
    f_half = d_in // 2
    coef = (1.0 - ALPHA) / KSTEPS

    def body(x_ref, u_ref, deg_ref, w_ref, b_ref, o_ref):
        dg = jnp.sqrt(deg_ref[...])
        us = u_ref[...]
        ssum = us[0]
        for kk in range(1, KSTEPS):
            ssum = ssum + us[kk]
        s_full = jnp.concatenate([ssum[0], ssum[1]], axis=1)
        xo = ALPHA * x_ref[...] + coef * dg * s_full
        o_ref[...] = (
            jnp.dot(xo, w_ref[...], preferred_element_type=jnp.float32)
            + b_ref[...]
        )

    return pl.pallas_call(
        body,
        grid=(n // blk,),
        in_specs=[
            pl.BlockSpec((blk, d_in), lambda i: (i, 0)),
            pl.BlockSpec((KSTEPS, NCORE, blk, f_half), lambda i: (0, 0, i, 0)),
            pl.BlockSpec((blk, 1), lambda i: (i, 0)),
            pl.BlockSpec((d_in, d_out), lambda i: (0, 0)),
            pl.BlockSpec((1, d_out), lambda i: (0, 0)),
        ],
        out_specs=pl.BlockSpec((blk, d_out), lambda i: (i, 0)),
        out_shape=jax.ShapeDtypeStruct((n, d_out), jnp.float32),
    )


def kernel(x, edge_index, W, b):
    n, d_in = x.shape
    d_out = W.shape[1]
    e = edge_index.shape[1]
    f_half = d_in // NCORE

    rpt = -(-n // (NSUB * CHUNK)) * CHUNK
    n_pad = NSUB * rpt
    chunks = 4 * -(-e // (NSUB * CHUNK * 4))
    e_pad = NSUB * chunks * CHUNK

    src = edge_index[0]
    dst = edge_index[1]
    npad_e = e_pad - e
    if npad_e:
        fill = jnp.arange(npad_e, dtype=jnp.int32)
        src = jnp.concatenate([src, fill % n])
        dst = jnp.concatenate([dst, n + fill % (n_pad - n)])
    ei = jnp.stack([src.reshape(-1, CHUNK), dst.reshape(-1, CHUNK)], axis=1)

    deg2 = _sc_degree(n_pad, rpt, chunks)(ei)
    deg = deg2[0] + deg2[1]
    dinv = lax.rsqrt(deg)
    recip = dinv * dinv

    x2 = jnp.stack([x[:, :f_half], x[:, f_half:]])
    x2 = jnp.pad(x2, ((0, 0), (0, n_pad - n), (0, 0)))

    u_all = _sc_propagate(n_pad, f_half, rpt, chunks)(x2, ei, dinv, recip)

    if n % 1000 == 0:
        return _tc_linear_exact(n, n_pad, d_in, d_out, 1000)(
            x, u_all, deg[:, None], W, b[None, :]
        )
    x_pad = jnp.pad(x, ((0, n_pad - n), (0, 0)))
    out = _tc_linear(n_pad, d_in, d_out, 1024)(
        x_pad, u_all, deg[:, None], W, b[None, :]
    )
    return out[:n]

# --- scband reference (transcript-rebuilt; emitter-appended) ---
"""Pipeline reference for scband-ssgconv-27659589386301 (READ-ONLY COPY).

The authoritative reference and input builder live on the scoring server;
editing this copy changes nothing except your own understanding.
"""

import jax, jax.numpy as jnp
import numpy as np

N = 10000
E = 320000
D_IN = 128
D_OUT = 128
K = 5
ALPHA = 0.1


def setup_inputs(seed: int = 0) -> dict:
    key = jax.random.key(seed)
    k1, k2, k3 = jax.random.split(key, 3)
    x = jax.random.normal(k1, (N, D_IN), dtype=jnp.float32)
    edge_index = jax.random.randint(k2, (2, E), 0, N, dtype=jnp.int32)
    # glorot (xavier uniform) init for linear weight [in, out]
    limit = np.sqrt(6.0 / (D_IN + D_OUT)).astype(np.float32)
    W = jax.random.uniform(k3, (D_IN, D_OUT), dtype=jnp.float32, minval=-limit, maxval=limit)
    b = jnp.zeros((D_OUT,), dtype=jnp.float32)
    return {"x": x, "edge_index": edge_index, "W": W, "b": b}


def reference(x, edge_index, W, b):
    n = x.shape[0]
    src = edge_index[0]
    dst = edge_index[1]
    # add_self_loops=True: append (i, i) edges with weight 1
    loop = jnp.arange(n, dtype=edge_index.dtype)
    src = jnp.concatenate([src, loop])
    dst = jnp.concatenate([dst, loop])
    ew = jnp.ones((src.shape[0],), dtype=x.dtype)
    # gcn_norm (symmetric) without re-adding self loops
    deg = jnp.zeros((n,), dtype=x.dtype).at[dst].add(ew)
    dinv = jnp.where(deg > 0, deg ** -0.5, jnp.zeros_like(deg))
    w = dinv[src] * ew * dinv[dst]
    # SSGC propagation: x_out = alpha*x + (1-alpha)/K * sum_k A_hat^k x
    x_out = x * ALPHA
    h = x
    for _ in range(K):
        h = jnp.zeros_like(x).at[dst].add(w[:, None] * h[src])
        x_out = x_out + (1.0 - ALPHA) / K * h
    # final linear layer
    return x_out @ W + b

if __name__ == "__main__":
    import jax
    _d = setup_inputs()
    print(jax.jit(kernel)(*tuple(_d.values())))

</pallas_src>

<mosaic_0001>
#map = affine_map<(d0, d1) -> (0, 0, 0)>
#map1 = affine_map<(d0, d1) -> (0, 0)>
module attributes {stable_mosaic.version = 14 : i64} {
  func.func @deg_kernel(%arg0: i32, %arg1: i32, %arg2: memref<2560x2x128xi32, #tpu.memory_space<hbm>>, %arg3: memref<2x10240xf32, #tpu.memory_space<hbm>>, %arg4: memref<10240xf32, #tpu.memory_space<vmem_shared>>, %arg5: memref<128xi32, #tpu.memory_space<vmem>>, %arg6: memref<128xi32, #tpu.memory_space<vmem>>, %arg7: memref<128xf32, #tpu.memory_space<vmem>>, %arg8: memref<128xf32, #tpu.memory_space<vmem>>, %arg9: memref<!tpu.dma_semaphore, #tpu.memory_space<semaphore_mem>>, %arg10: memref<!tpu.dma_semaphore, #tpu.memory_space<semaphore_mem>>) attributes {dimension_semantics = [#tpu.dimension_semantics<core_parallel>, #tpu.dimension_semantics<subcore_parallel>], iteration_bounds = array<i64: 2, 16>, scalar_prefetch = 0 : i64, scratch_operands = 7 : i64, tpu.core_type = #tpu.core_type<sc_vector_subcore>, window_params = [{transform_indices = #map}, {transform_indices = #map1}]} {
    %mul3A = arith.constant 640 : i32
    %mul3A_0 = arith.muli %arg1, %mul3A : i32
    %broadcast_in_dim3A = arith.constant 1.000000e+00 : f32
    %broadcast_in_dim3A_1 = vector.broadcast %broadcast_in_dim3A : f32 to vector<16xf32>
    %eq3A = arith.constant 0 : i32
    %eq3A_2 = arith.cmpi eq, %arg0, %eq3A : i32
    %jit3A = arith.constant 1.000000e+00 : f32
    %jit3A_3 = arith.constant 0.000000e+00 : f32
    %select_n3A = arith.select %eq3A_2, %jit3A, %jit3A_3 : f32
    %broadcast_in_dim3A_4 = vector.broadcast %select_n3A : f32 to vector<16xf32>
    %scan3A = arith.constant 0 : i32
    %scan3A_5 = arith.constant 0 : i32
    %scan3A_6 = arith.constant 8 : i32
    %scan3A_7 = arith.addi %scan3A_5, %scan3A_6 : i32
    %scan3A_8 = arith.constant 1 : i32
    scf.for %scan3A_50 = %scan3A_5 to %scan3A_7 step %scan3A_8  : i32 {
      %mul3A_51 = arith.constant 16 : i32
      %mul3A_52 = arith.muli %scan3A_50, %mul3A_51 : i32
      %swap3A = arith.index_cast %mul3A_52 : i32 to index
      %swap3A_53 = tpu.vector_load %arg7[%swap3A] {strides = array<i32>} : memref<128xf32, #tpu.memory_space<vmem>>, vector<16xf32>,
      tpu.vector_store %arg7[%swap3A], %broadcast_in_dim3A_1 {strides = array<i32>} : memref<128xf32, #tpu.memory_space<vmem>>, vector<16xf32>,
      %mul3A_54 = arith.constant 16 : i32
      %mul3A_55 = arith.muli %scan3A_50, %mul3A_54 : i32
      %swap3A_56 = arith.index_cast %mul3A_55 : i32 to index
      %swap3A_57 = tpu.vector_load %arg8[%swap3A_56] {strides = array<i32>} : memref<128xf32, #tpu.memory_space<vmem>>, vector<16xf32>,
      tpu.vector_store %arg8[%swap3A_56], %broadcast_in_dim3A_4 {strides = array<i32>} : memref<128xf32, #tpu.memory_space<vmem>>, vector<16xf32>,
    }
    %scan3A_9 = arith.constant 8 : i32
    %scan3A_10 = arith.constant 0 : i32
    %scan3A_11 = arith.constant 0 : i32
    %scan3A_12 = arith.constant 5 : i32
    %scan3A_13 = arith.addi %scan3A_11, %scan3A_12 : i32
    %scan3A_14 = arith.constant 1 : i32
    scf.for %scan3A_50 = %scan3A_11 to %scan3A_13 step %scan3A_14  : i32 {
      %mul3A_51 = arith.constant 128 : i32
      %mul3A_52 = arith.muli %scan3A_50, %mul3A_51 : i32
      %add3A_53 = arith.addi %mul3A_0, %mul3A_52 : i32
      "tpu.region"() ({
        %run_scoped3A = tpu.sem_alloc : memref<!tpu.dma_semaphore, #tpu.memory_space<semaphore_mem>>
        %dma_start3A_54 = tpu.memref_slice %arg4[%add3A_53] : memref<10240xf32, #tpu.memory_space<vmem_shared>> -> memref<128xf32, #tpu.memory_space<vmem_shared>>
        %dma_start3A_55 = tpu.memref_slice %arg4[%add3A_53] : memref<10240xf32, #tpu.memory_space<vmem_shared>> -> memref<128xf32, #tpu.memory_space<vmem_shared>>
        tpu.enqueue_dma source(%arg8 : memref<128xf32, #tpu.memory_space<vmem>>) target(%dma_start3A_55 : memref<128xf32, #tpu.memory_space<vmem_shared>>) target_semaphore(%run_scoped3A : memref<!tpu.dma_semaphore, #tpu.memory_space<semaphore_mem>>)
        %dma_wait3A_56 = tpu.memref_slice %arg4[%add3A_53] : memref<10240xf32, #tpu.memory_space<vmem_shared>> -> memref<128xf32, #tpu.memory_space<vmem_shared>>
        %dma_wait3A_57 = tpu.memref_slice %arg4[%add3A_53] : memref<10240xf32, #tpu.memory_space<vmem_shared>> -> memref<128xf32, #tpu.memory_space<vmem_shared>>
        tpu.wait_dma2 semaphore(%run_scoped3A : memref<!tpu.dma_semaphore, #tpu.memory_space<semaphore_mem>>) src(%arg8 : memref<128xf32, #tpu.memory_space<vmem>>) dst(%dma_wait3A_57 : memref<128xf32, #tpu.memory_space<vmem_shared>>)
        tpu.yield
      }) : () -> ()
    }
    %scan3A_15 = arith.constant 5 : i32
    %barrier3A = arith.constant 0 : index
    tpu.barrier barrier_id(%barrier3A)
    %mul3A_16 = arith.constant 160 : i32
    %mul3A_17 = arith.muli %arg1, %mul3A_16 : i32
    %mul3A_18 = arith.constant 80 : i32
    %mul3A_19 = arith.muli %arg0, %mul3A_18 : i32
    %add3A = arith.addi %mul3A_17, %mul3A_19 : i32
    %eq3A_20 = arith.constant 0 : i32
    %eq3A_21 = arith.cmpi eq, %arg0, %eq3A_20 : i32
    %jit3A_22 = arith.constant 80 : i32
    %jit3A_23 = arith.constant 80 : i32
    %select_n3A_24 = arith.select %eq3A_21, %jit3A_22, %jit3A_23 : i32
    %mul3A_25 = arith.constant 160 : i32
    %mul3A_26 = arith.muli %arg1, %mul3A_25 : i32
    %add3A_27 = arith.constant 160 : i32
    %add3A_28 = arith.addi %mul3A_26, %add3A_27 : i32
    %sub3A = arith.constant 1 : i32
    %sub3A_29 = arith.subi %add3A_28, %sub3A : i32
    %dma_start3A = arith.constant 1 : i32
    %dma_start3A_30 = arith.constant 0 : i32
    %dma_start3A_31 = tpu.memref_slice %arg2[%add3A, %dma_start3A, %dma_start3A_30] : memref<2560x2x128xi32, #tpu.memory_space<hbm>> -> memref<1x1x128xi32, #tpu.memory_space<hbm>>
    %dma_start3A_32 = tpu.memref_squeeze %dma_start3A_31 : memref<1x1x128xi32, #tpu.memory_space<hbm>> -> memref<128xi32, #tpu.memory_space<hbm>>
    %dma_start3A_33 = arith.constant 0 : i32
    %dma_start3A_34 = tpu.memref_slice %arg2[%add3A, %dma_start3A, %dma_start3A_33] : memref<2560x2x128xi32, #tpu.memory_space<hbm>> -> memref<1x1x128xi32, #tpu.memory_space<hbm>>
    %dma_start3A_35 = tpu.memref_squeeze %dma_start3A_34 : memref<1x1x128xi32, #tpu.memory_space<hbm>> -> memref<128xi32, #tpu.memory_space<hbm>>
    tpu.enqueue_dma source(%dma_start3A_35 : memref<128xi32, #tpu.memory_space<hbm>>) target(%arg5 : memref<128xi32, #tpu.memory_space<vmem>>) target_semaphore(%arg9 : memref<!tpu.dma_semaphore, #tpu.memory_space<semaphore_mem>>)
    %scan3A_36 = arith.constant 0 : i32
    %scan3A_37 = arith.constant 1 : i32
    %scan3A_38 = arith.constant 0 : i32
    %scan3A_39 = arith.constant 40 : i32
    %scan3A_40 = arith.addi %scan3A_38, %scan3A_39 : i32
    %scan3A_41 = arith.constant 1 : i32
    scf.for %scan3A_50 = %scan3A_38 to %scan3A_40 step %scan3A_41  : i32 {
      %mul3A_51 = arith.constant 2 : i32
      %mul3A_52 = arith.muli %mul3A_51, %scan3A_50 : i32
      %add3A_53 = arith.addi %add3A, %mul3A_52 : i32
      %add3A_54 = arith.constant 1 : i32
      %add3A_55 = arith.addi %add3A_53, %add3A_54 : i32
      %min3A = arith.minsi %add3A_55, %sub3A_29 : i32
      %dma_start3A_56 = arith.constant 1 : i32
      %dma_start3A_57 = arith.constant 0 : i32
      %dma_start3A_58 = tpu.memref_slice %arg2[%min3A, %dma_start3A_56, %dma_start3A_57] : memref<2560x2x128xi32, #tpu.memory_space<hbm>> -> memref<1x1x128xi32, #tpu.memory_space<hbm>>
      %dma_start3A_59 = tpu.memref_squeeze %dma_start3A_58 : memref<1x1x128xi32, #tpu.memory_space<hbm>> -> memref<128xi32, #tpu.memory_space<hbm>>
      %dma_start3A_60 = arith.constant 0 : i32
      %dma_start3A_61 = tpu.memref_slice %arg2[%min3A, %dma_start3A_56, %dma_start3A_60] : memref<2560x2x128xi32, #tpu.memory_space<hbm>> -> memref<1x1x128xi32, #tpu.memory_space<hbm>>
      %dma_start3A_62 = tpu.memref_squeeze %dma_start3A_61 : memref<1x1x128xi32, #tpu.memory_space<hbm>> -> memref<128xi32, #tpu.memory_space<hbm>>
      tpu.enqueue_dma source(%dma_start3A_62 : memref<128xi32, #tpu.memory_space<hbm>>) target(%arg6 : memref<128xi32, #tpu.memory_space<vmem>>) target_semaphore(%arg10 : memref<!tpu.dma_semaphore, #tpu.memory_space<semaphore_mem>>)
      %dma_wait3A_63 = arith.constant 0 : i32
      %dma_wait3A_64 = tpu.memref_slice %arg2[%add3A, %scan3A_37, %dma_wait3A_63] : memref<2560x2x128xi32, #tpu.memory_space<hbm>> -> memref<1x1x128xi32, #tpu.memory_space<hbm>>
      %dma_wait3A_65 = tpu.memref_squeeze %dma_wait3A_64 : memref<1x1x128xi32, #tpu.memory_space<hbm>> -> memref<128xi32, #tpu.memory_space<hbm>>
      %dma_wait3A_66 = arith.constant 0 : i32
      %dma_wait3A_67 = tpu.memref_slice %arg2[%add3A, %scan3A_37, %dma_wait3A_66] : memref<2560x2x128xi32, #tpu.memory_space<hbm>> -> memref<1x1x128xi32, #tpu.memory_space<hbm>>
      %dma_wait3A_68 = tpu.memref_squeeze %dma_wait3A_67 : memref<1x1x128xi32, #tpu.memory_space<hbm>> -> memref<128xi32, #tpu.memory_space<hbm>>
      tpu.wait_dma2 semaphore(%arg9 : memref<!tpu.dma_semaphore, #tpu.memory_space<semaphore_mem>>) src(%dma_wait3A_68 : memref<128xi32, #tpu.memory_space<hbm>>) dst(%arg5 : memref<128xi32, #tpu.memory_space<vmem>>)
      %add3A_69 = arith.addi %add3A, %select_n3A_24 : i32
      %lt3A = arith.cmpi slt, %add3A_53, %add3A_69 : i32
      %convert_element_type3A = arith.extui %lt3A : i1 to i32
      %cond3A = arith.constant 0 : i32
      %cond3A_70 = arith.cmpi ne, %convert_element_type3A, %cond3A : i32
      scf.if %cond3A_70 {
        "tpu.region"() ({
          %run_scoped3A = tpu.sem_alloc : memref<!tpu.dma_semaphore, #tpu.memory_space<semaphore_mem>>
          %dma_start3A_95 = arith.constant 0 : i32
          %dma_start3A_96 = tpu.memref_slice %arg4[%dma_start3A_95] : memref<10240xf32, #tpu.memory_space<vmem_shared>> -> memref<10240xf32, #tpu.memory_space<vmem_shared>>
          tpu.enqueue_indirect_dma source(%arg7 : memref<128xf32, #tpu.memory_space<vmem>>) target(%dma_start3A_96 : memref<10240xf32, #tpu.memory_space<vmem_shared>>) offsets(%arg5 : memref<128xi32, #tpu.memory_space<vmem>>) semaphore(%run_scoped3A : memref<!tpu.dma_semaphore, #tpu.memory_space<semaphore_mem>>) {add = true}
          %dma_wait3A_97 = arith.constant 0 : i32
          %dma_wait3A_98 = tpu.memref_slice %arg4[%dma_wait3A_97] : memref<10240xf32, #tpu.memory_space<vmem_shared>> -> memref<10240xf32, #tpu.memory_space<vmem_shared>>
          tpu.wait_indirect_dma semaphore(%run_scoped3A : memref<!tpu.dma_semaphore, #tpu.memory_space<semaphore_mem>>) src(%arg7 : memref<128xf32, #tpu.memory_space<vmem>>) dst(%dma_wait3A_98 : memref<10240xf32, #tpu.memory_space<vmem_shared>>)
          tpu.yield
        }) : () -> ()
      } else {
      }
      %add3A_71 = arith.constant 2 : i32
      %add3A_72 = arith.addi %add3A_53, %add3A_71 : i32
      %min3A_73 = arith.minsi %add3A_72, %sub3A_29 : i32
      %dma_start3A_74 = arith.constant 1 : i32
      %dma_start3A_75 = arith.constant 0 : i32
      %dma_start3A_76 = tpu.memref_slice %arg2[%min3A_73, %dma_start3A_74, %dma_start3A_75] : memref<2560x2x128xi32, #tpu.memory_space<hbm>> -> memref<1x1x128xi32, #tpu.memory_space<hbm>>
      %dma_start3A_77 = tpu.memref_squeeze %dma_start3A_76 : memref<1x1x128xi32, #tpu.memory_space<hbm>> -> memref<128xi32, #tpu.memory_space<hbm>>
      %dma_start3A_78 = arith.constant 0 : i32
      %dma_start3A_79 = tpu.memref_slice %arg2[%min3A_73, %dma_start3A_74, %dma_start3A_78] : memref<2560x2x128xi32, #tpu.memory_space<hbm>> -> memref<1x1x128xi32, #tpu.memory_space<hbm>>
      %dma_start3A_80 = tpu.memref_squeeze %dma_start3A_79 : memref<1x1x128xi32, #tpu.memory_space<hbm>> -> memref<128xi32, #tpu.memory_space<hbm>>
      tpu.enqueue_dma source(%dma_start3A_80 : memref<128xi32, #tpu.memory_space<hbm>>) target(%arg5 : memref<128xi32, #tpu.memory_space<vmem>>) target_semaphore(%arg9 : memref<!tpu.dma_semaphore, #tpu.memory_space<semaphore_mem>>)
      %dma_wait3A_81 = arith.constant 1 : i32
      %dma_wait3A_82 = arith.constant 0 : i32
      %dma_wait3A_83 = tpu.memref_slice %arg2[%min3A, %dma_wait3A_81, %dma_wait3A_82] : memref<2560x2x128xi32, #tpu.memory_space<hbm>> -> memref<1x1x128xi32, #tpu.memory_space<hbm>>
      %dma_wait3A_84 = tpu.memref_squeeze %dma_wait3A_83 : memref<1x1x128xi32, #tpu.memory_space<hbm>> -> memref<128xi32, #tpu.memory_space<hbm>>
      %dma_wait3A_85 = arith.constant 0 : i32
      %dma_wait3A_86 = tpu.memref_slice %arg2[%min3A, %dma_wait3A_81, %dma_wait3A_85] : memref<2560x2x128xi32, #tpu.memory_space<hbm>> -> memref<1x1x128xi32, #tpu.memory_space<hbm>>
      %dma_wait3A_87 = tpu.memref_squeeze %dma_wait3A_86 : memref<1x1x128xi32, #tpu.memory_space<hbm>> -> memref<128xi32, #tpu.memory_space<hbm>>
      tpu.wait_dma2 semaphore(%arg10 : memref<!tpu.dma_semaphore, #tpu.memory_space<semaphore_mem>>) src(%dma_wait3A_87 : memref<128xi32, #tpu.memory_space<hbm>>) dst(%arg6 : memref<128xi32, #tpu.memory_space<vmem>>)
      %add3A_88 = arith.constant 1 : i32
      %add3A_89 = arith.addi %add3A_53, %add3A_88 : i32
      %add3A_90 = arith.addi %add3A, %select_n3A_24 : i32
      %lt3A_91 = arith.cmpi slt, %add3A_89, %add3A_90 : i32
      %convert_element_type3A_92 = arith.extui %lt3A_91 : i1 to i32
      %cond3A_93 = arith.constant 0 : i32
      %cond3A_94 = arith.cmpi ne, %convert_element_type3A_92, %cond3A_93 : i32
      scf.if %cond3A_94 {
        "tpu.region"() ({
          %run_scoped3A = tpu.sem_alloc : memref<!tpu.dma_semaphore, #tpu.memory_space<semaphore_mem>>
          %dma_start3A_95 = arith.constant 0 : i32
          %dma_start3A_96 = tpu.memref_slice %arg4[%dma_start3A_95] : memref<10240xf32, #tpu.memory_space<vmem_shared>> -> memref<10240xf32, #tpu.memory_space<vmem_shared>>
          tpu.enqueue_indirect_dma source(%arg7 : memref<128xf32, #tpu.memory_space<vmem>>) target(%dma_start3A_96 : memref<10240xf32, #tpu.memory_space<vmem_shared>>) offsets(%arg6 : memref<128xi32, #tpu.memory_space<vmem>>) semaphore(%run_scoped3A : memref<!tpu.dma_semaphore, #tpu.memory_space<semaphore_mem>>) {add = true}
          %dma_wait3A_97 = arith.constant 0 : i32
          %dma_wait3A_98 = tpu.memref_slice %arg4[%dma_wait3A_97] : memref<10240xf32, #tpu.memory_space<vmem_shared>> -> memref<10240xf32, #tpu.memory_space<vmem_shared>>
          tpu.wait_indirect_dma semaphore(%run_scoped3A : memref<!tpu.dma_semaphore, #tpu.memory_space<semaphore_mem>>) src(%arg7 : memref<128xf32, #tpu.memory_space<vmem>>) dst(%dma_wait3A_98 : memref<10240xf32, #tpu.memory_space<vmem_shared>>)
          tpu.yield
        }) : () -> ()
      } else {
      }
    }
    %scan3A_42 = arith.constant 40 : i32
    %dma_wait3A = arith.constant 1 : i32
    %dma_wait3A_43 = arith.constant 0 : i32
    %dma_wait3A_44 = tpu.memref_slice %arg2[%add3A, %dma_wait3A, %dma_wait3A_43] : memref<2560x2x128xi32, #tpu.memory_space<hbm>> -> memref<1x1x128xi32, #tpu.memory_space<hbm>>
    %dma_wait3A_45 = tpu.memref_squeeze %dma_wait3A_44 : memref<1x1x128xi32, #tpu.memory_space<hbm>> -> memref<128xi32, #tpu.memory_space<hbm>>
    %dma_wait3A_46 = arith.constant 0 : i32
    %dma_wait3A_47 = tpu.memref_slice %arg2[%add3A, %dma_wait3A, %dma_wait3A_46] : memref<2560x2x128xi32, #tpu.memory_space<hbm>> -> memref<1x1x128xi32, #tpu.memory_space<hbm>>
    %dma_wait3A_48 = tpu.memref_squeeze %dma_wait3A_47 : memref<1x1x128xi32, #tpu.memory_space<hbm>> -> memref<128xi32, #tpu.memory_space<hbm>>
    tpu.wait_dma2 semaphore(%arg9 : memref<!tpu.dma_semaphore, #tpu.memory_space<semaphore_mem>>) src(%dma_wait3A_48 : memref<128xi32, #tpu.memory_space<hbm>>) dst(%arg5 : memref<128xi32, #tpu.memory_space<vmem>>)
    %barrier3A_49 = arith.constant 0 : index
    tpu.barrier barrier_id(%barrier3A_49)
    "tpu.region"() ({
      %run_scoped3A = tpu.sem_alloc : memref<!tpu.dma_semaphore, #tpu.memory_space<semaphore_mem>>
      %dma_start3A_50 = tpu.memref_slice %arg3[%arg0, %mul3A_0] : memref<2x10240xf32, #tpu.memory_space<hbm>> -> memref<1x640xf32, #tpu.memory_space<hbm>>
      %dma_start3A_51 = tpu.memref_squeeze %dma_start3A_50 : memref<1x640xf32, #tpu.memory_space<hbm>> -> memref<640xf32, #tpu.memory_space<hbm>>
      %dma_start3A_52 = tpu.memref_slice %arg4[%mul3A_0] : memref<10240xf32, #tpu.memory_space<vmem_shared>> -> memref<640xf32, #tpu.memory_space<vmem_shared>>
      tpu.enqueue_dma source(%dma_start3A_52 : memref<640xf32, #tpu.memory_space<vmem_shared>>) target(%dma_start3A_51 : memref<640xf32, #tpu.memory_space<hbm>>) target_semaphore(%run_scoped3A : memref<!tpu.dma_semaphore, #tpu.memory_space<semaphore_mem>>)
      %dma_wait3A_53 = tpu.memref_slice %arg3[%arg0, %mul3A_0] : memref<2x10240xf32, #tpu.memory_space<hbm>> -> memref<1x640xf32, #tpu.memory_space<hbm>>
      %dma_wait3A_54 = tpu.memref_squeeze %dma_wait3A_53 : memref<1x640xf32, #tpu.memory_space<hbm>> -> memref<640xf32, #tpu.memory_space<hbm>>
      %dma_wait3A_55 = tpu.memref_slice %arg4[%mul3A_0] : memref<10240xf32, #tpu.memory_space<vmem_shared>> -> memref<640xf32, #tpu.memory_space<vmem_shared>>
      tpu.wait_dma2 semaphore(%run_scoped3A : memref<!tpu.dma_semaphore, #tpu.memory_space<semaphore_mem>>) src(%dma_wait3A_55 : memref<640xf32, #tpu.memory_space<vmem_shared>>) dst(%dma_wait3A_54 : memref<640xf32, #tpu.memory_space<hbm>>)
      tpu.yield
    }) : () -> ()
    return
  }
}

#map = affine_map<(d0, d1) -> (0, 0, 0)>
#map1 = affine_map<(d0, d1) -> (0)>
#map2 = affine_map<(d0, d1) -> (0, 0, 0, 0)>
module attributes {stable_mosaic.version = 14 : i64} {
  func.func @prop(%arg0: i32, %arg1: i32, %arg2: memref<2x10240x64xf32, #tpu.memory_space<hbm>>, %arg3: memref<2560x2x128xi32, #tpu.memory_space<hbm>>, %arg4: memref<10240xf32, #tpu.memory_space<hbm>>, %arg5: memref<10240xf32, #tpu.memory_space<hbm>>, %arg6: memref<5x2x10240x64xf32, #tpu.memory_space<hbm>>, %arg7: memref<10240x64xf32, #tpu.memory_space<vmem_shared>>, %arg8: memref<10240x64xf32, #tpu.memory_space<vmem_shared>>, %arg9: memref<128x64xf32, #tpu.memory_space<vmem>>, %arg10: memref<128x64xf32, #tpu.memory_space<vmem>>, %arg11: memref<128x64xf32, #tpu.memory_space<vmem>>, %arg12: memref<128x64xf32, #tpu.memory_space<vmem>>, %arg13: memref<128x64xf32, #tpu.memory_space<vmem>>, %arg14: memref<2x128xi32, #tpu.memory_space<vmem>>, %arg15: memref<2x128xi32, #tpu.memory_space<vmem>>, %arg16: memref<2x128xi32, #tpu.memory_space<vmem>>, %arg17: memref<2x128xi32, #tpu.memory_space<vmem>>, %arg18: memref<640xf32, #tpu.memory_space<vmem>>, %arg19: memref<640xf32, #tpu.memory_space<vmem>>, %arg20: memref<!tpu.dma_semaphore, #tpu.memory_space<semaphore_mem>>, %arg21: memref<!tpu.dma_semaphore, #tpu.memory_space<semaphore_mem>>, %arg22: memref<!tpu.dma_semaphore, #tpu.memory_space<semaphore_mem>>, %arg23: memref<!tpu.dma_semaphore, #tpu.memory_space<semaphore_mem>>, %arg24: memref<!tpu.dma_semaphore, #tpu.memory_space<semaphore_mem>>, %arg25: memref<!tpu.dma_semaphore, #tpu.memory_space<semaphore_mem>>, %arg26: memref<!tpu.dma_semaphore, #tpu.memory_space<semaphore_mem>>, %arg27: memref<!tpu.dma_semaphore, #tpu.memory_space<semaphore_mem>>) attributes {dimension_semantics = [#tpu.dimension_semantics<core_parallel>, #tpu.dimension_semantics<subcore_parallel>], iteration_bounds = array<i64: 2, 16>, scalar_prefetch = 0 : i64, scratch_operands = 21 : i64, tpu.core_type = #tpu.core_type<sc_vector_subcore>, window_params = [{transform_indices = #map}, {transform_indices = #map}, {transform_indices = #map1}, {transform_indices = #map1}, {transform_indices = #map2}]} {
    %mul3A = arith.constant 640 : i32
    %mul3A_0 = arith.muli %arg1, %mul3A : i32
    %mul3A_1 = arith.constant 160 : i32
    %mul3A_2 = arith.muli %arg1, %mul3A_1 : i32
    "tpu.region"() ({
      %run_scoped3A = tpu.sem_alloc : memref<!tpu.dma_semaphore, #tpu.memory_space<semaphore_mem>>
      %dma_start3A_327 = tpu.memref_slice %arg4[%mul3A_0] : memref<10240xf32, #tpu.memory_space<hbm>> -> memref<640xf32, #tpu.memory_space<hbm>>
      %dma_start3A_328 = tpu.memref_slice %arg4[%mul3A_0] : memref<10240xf32, #tpu.memory_space<hbm>> -> memref<640xf32, #tpu.memory_space<hbm>>
      tpu.enqueue_dma source(%dma_start3A_328 : memref<640xf32, #tpu.memory_space<hbm>>) target(%arg18 : memref<640xf32, #tpu.memory_space<vmem>>) target_semaphore(%run_scoped3A : memref<!tpu.dma_semaphore, #tpu.memory_space<semaphore_mem>>)
      %dma_wait3A_329 = tpu.memref_slice %arg4[%mul3A_0] : memref<10240xf32, #tpu.memory_space<hbm>> -> memref<640xf32, #tpu.memory_space<hbm>>
      %dma_wait3A_330 = tpu.memref_slice %arg4[%mul3A_0] : memref<10240xf32, #tpu.memory_space<hbm>> -> memref<640xf32, #tpu.memory_space<hbm>>
      tpu.wait_dma2 semaphore(%run_scoped3A : memref<!tpu.dma_semaphore, #tpu.memory_space<semaphore_mem>>) src(%dma_wait3A_330 : memref<640xf32, #tpu.memory_space<hbm>>) dst(%arg18 : memref<640xf32, #tpu.memory_space<vmem>>)
      tpu.yield
    }) : () -> ()
    "tpu.region"() ({
      %run_scoped3A = tpu.sem_alloc : memref<!tpu.dma_semaphore, #tpu.memory_space<semaphore_mem>>
      %dma_start3A_327 = tpu.memref_slice %arg5[%mul3A_0] : memref<10240xf32, #tpu.memory_space<hbm>> -> memref<640xf32, #tpu.memory_space<hbm>>
      %dma_start3A_328 = tpu.memref_slice %arg5[%mul3A_0] : memref<10240xf32, #tpu.memory_space<hbm>> -> memref<640xf32, #tpu.memory_space<hbm>>
      tpu.enqueue_dma source(%dma_start3A_328 : memref<640xf32, #tpu.memory_space<hbm>>) target(%arg19 : memref<640xf32, #tpu.memory_space<vmem>>) target_semaphore(%run_scoped3A : memref<!tpu.dma_semaphore, #tpu.memory_space<semaphore_mem>>)
      %dma_wait3A_329 = tpu.memref_slice %arg5[%mul3A_0] : memref<10240xf32, #tpu.memory_space<hbm>> -> memref<640xf32, #tpu.memory_space<hbm>>
      %dma_wait3A_330 = tpu.memref_slice %arg5[%mul3A_0] : memref<10240xf32, #tpu.memory_space<hbm>> -> memref<640xf32, #tpu.memory_space<hbm>>
      tpu.wait_dma2 semaphore(%run_scoped3A : memref<!tpu.dma_semaphore, #tpu.memory_space<semaphore_mem>>) src(%dma_wait3A_330 : memref<640xf32, #tpu.memory_space<hbm>>) dst(%arg19 : memref<640xf32, #tpu.memory_space<vmem>>)
      tpu.yield
    }) : () -> ()
    %scan3A = arith.constant 0 : i32
    %scan3A_3 = arith.constant 0 : i32
    %scan3A_4 = arith.constant 5 : i32
    %scan3A_5 = arith.addi %scan3A_3, %scan3A_4 : i32
    %scan3A_6 = arith.constant 1 : i32
    scf.for %scan3A_327 = %scan3A_3 to %scan3A_5 step %scan3A_6  : i32 {
      %mul3A_328 = arith.constant 128 : i32
      %mul3A_329 = arith.muli %scan3A_327, %mul3A_328 : i32
      %add3A_330 = arith.addi %mul3A_0, %mul3A_329 : i32
      "tpu.region"() ({
        %run_scoped3A = tpu.sem_alloc : memref<!tpu.dma_semaphore, #tpu.memory_space<semaphore_mem>>
        %dma_start3A_337 = arith.constant 0 : i32
        %dma_start3A_338 = tpu.memref_slice %arg2[%arg0, %add3A_330, %dma_start3A_337] : memref<2x10240x64xf32, #tpu.memory_space<hbm>> -> memref<1x128x64xf32, #tpu.memory_space<hbm>>
        %dma_start3A_339 = tpu.memref_squeeze %dma_start3A_338 : memref<1x128x64xf32, #tpu.memory_space<hbm>> -> memref<128x64xf32, #tpu.memory_space<hbm>>
        %dma_start3A_340 = arith.constant 0 : i32
        %dma_start3A_341 = tpu.memref_slice %arg2[%arg0, %add3A_330, %dma_start3A_340] : memref<2x10240x64xf32, #tpu.memory_space<hbm>> -> memref<1x128x64xf32, #tpu.memory_space<hbm>>
        %dma_start3A_342 = tpu.memref_squeeze %dma_start3A_341 : memref<1x128x64xf32, #tpu.memory_space<hbm>> -> memref<128x64xf32, #tpu.memory_space<hbm>>
        tpu.enqueue_dma source(%dma_start3A_342 : memref<128x64xf32, #tpu.memory_space<hbm>>) target(%arg9 : memref<128x64xf32, #tpu.memory_space<vmem>>) target_semaphore(%run_scoped3A : memref<!tpu.dma_semaphore, #tpu.memory_space<semaphore_mem>>)
        %dma_wait3A_343 = arith.constant 0 : i32
        %dma_wait3A_344 = tpu.memref_slice %arg2[%arg0, %add3A_330, %dma_wait3A_343] : memref<2x10240x64xf32, #tpu.memory_space<hbm>> -> memref<1x128x64xf32, #tpu.memory_space<hbm>>
        %dma_wait3A_345 = tpu.memref_squeeze %dma_wait3A_344 : memref<1x128x64xf32, #tpu.memory_space<hbm>> -> memref<128x64xf32, #tpu.memory_space<hbm>>
        %dma_wait3A_346 = arith.constant 0 : i32
        %dma_wait3A_347 = tpu.memref_slice %arg2[%arg0, %add3A_330, %dma_wait3A_346] : memref<2x10240x64xf32, #tpu.memory_space<hbm>> -> memref<1x128x64xf32, #tpu.memory_space<hbm>>
        %dma_wait3A_348 = tpu.memref_squeeze %dma_wait3A_347 : memref<1x128x64xf32, #tpu.memory_space<hbm>> -> memref<128x64xf32, #tpu.memory_space<hbm>>
        tpu.wait_dma2 semaphore(%run_scoped3A : memref<!tpu.dma_semaphore, #tpu.memory_space<semaphore_mem>>) src(%dma_wait3A_348 : memref<128x64xf32, #tpu.memory_space<hbm>>) dst(%arg9 : memref<128x64xf32, #tpu.memory_space<vmem>>)
        tpu.yield
      }) : () -> ()
      %scan3A_331 = arith.constant 0 : i32
      %scan3A_332 = arith.constant 0 : i32
      %scan3A_333 = arith.constant 128 : i32
      %scan3A_334 = arith.addi %scan3A_332, %scan3A_333 : i32
      %scan3A_335 = arith.constant 1 : i32
      scf.for %scan3A_337 = %scan3A_332 to %scan3A_334 step %scan3A_335  : i32 {
        %mul3A_338 = arith.constant 128 : i32
        %mul3A_339 = arith.muli %scan3A_327, %mul3A_338 : i32
        %add3A_340 = arith.addi %mul3A_339, %scan3A_337 : i32
        %broadcast_in_dim3A = vector.broadcast %add3A_340 : i32 to vector<16xi32>
        %gather3A = tpu.vector_load_idx %arg18[%broadcast_in_dim3A] : memref<640xf32, #tpu.memory_space<vmem>>[vector<16xi32>], vector<16xf32>,
        %get3A = arith.index_cast %scan3A_337 : i32 to index
        %get3A_341 = arith.constant 0 : index
        %get3A_342 = tpu.vector_load %arg9[%get3A, %get3A_341] {strides = array<i32>} : memref<128x64xf32, #tpu.memory_space<vmem>>, vector<16xf32>,
        %mul3A_343 = arith.mulf %get3A_342, %gather3A : vector<16xf32>
        %swap3A = arith.index_cast %scan3A_337 : i32 to index
        %swap3A_344 = arith.constant 0 : index
        %swap3A_345 = tpu.vector_load %arg9[%swap3A, %swap3A_344] {strides = array<i32>} : memref<128x64xf32, #tpu.memory_space<vmem>>, vector<16xf32>,
        tpu.vector_store %arg9[%swap3A, %swap3A_344], %mul3A_343 {strides = array<i32>} : memref<128x64xf32, #tpu.memory_space<vmem>>, vector<16xf32>,
        %get3A_346 = arith.index_cast %scan3A_337 : i32 to index
        %get3A_347 = arith.constant 16 : index
        %get3A_348 = tpu.vector_load %arg9[%get3A_346, %get3A_347] {strides = array<i32>} : memref<128x64xf32, #tpu.memory_space<vmem>>, vector<16xf32>,
        %mul3A_349 = arith.mulf %get3A_348, %gather3A : vector<16xf32>
        %swap3A_350 = arith.index_cast %scan3A_337 : i32 to index
        %swap3A_351 = arith.constant 16 : index
        %swap3A_352 = tpu.vector_load %arg9[%swap3A_350, %swap3A_351] {strides = array<i32>} : memref<128x64xf32, #tpu.memory_space<vmem>>, vector<16xf32>,
        tpu.vector_store %arg9[%swap3A_350, %swap3A_351], %mul3A_349 {strides = array<i32>} : memref<128x64xf32, #tpu.memory_space<vmem>>, vector<16xf32>,
        %get3A_353 = arith.index_cast %scan3A_337 : i32 to index
        %get3A_354 = arith.constant 32 : index
        %get3A_355 = tpu.vector_load %arg9[%get3A_353, %get3A_354] {strides = array<i32>} : memref<128x64xf32, #tpu.memory_space<vmem>>, vector<16xf32>,
        %mul3A_356 = arith.mulf %get3A_355, %gather3A : vector<16xf32>
        %swap3A_357 = arith.index_cast %scan3A_337 : i32 to index
        %swap3A_358 = arith.constant 32 : index
        %swap3A_359 = tpu.vector_load %arg9[%swap3A_357, %swap3A_358] {strides = array<i32>} : memref<128x64xf32, #tpu.memory_space<vmem>>, vector<16xf32>,
        tpu.vector_store %arg9[%swap3A_357, %swap3A_358], %mul3A_356 {strides = array<i32>} : memref<128x64xf32, #tpu.memory_space<vmem>>, vector<16xf32>,
        %get3A_360 = arith.index_cast %scan3A_337 : i32 to index
        %get3A_361 = arith.constant 48 : index
        %get3A_362 = tpu.vector_load %arg9[%get3A_360, %get3A_361] {strides = array<i32>} : memref<128x64xf32, #tpu.memory_space<vmem>>, vector<16xf32>,
        %mul3A_363 = arith.mulf %get3A_362, %gather3A : vector<16xf32>
        %swap3A_364 = arith.index_cast %scan3A_337 : i32 to index
        %swap3A_365 = arith.constant 48 : index
        %swap3A_366 = tpu.vector_load %arg9[%swap3A_364, %swap3A_365] {strides = array<i32>} : memref<128x64xf32, #tpu.memory_space<vmem>>, vector<16xf32>,
        tpu.vector_store %arg9[%swap3A_364, %swap3A_365], %mul3A_363 {strides = array<i32>} : memref<128x64xf32, #tpu.memory_space<vmem>>, vector<16xf32>,
      }
      %scan3A_336 = arith.constant 128 : i32
      "tpu.region"() ({
        %run_scoped3A = tpu.sem_alloc : memref<!tpu.dma_semaphore, #tpu.memory_space<semaphore_mem>>
        %dma_start3A_337 = arith.constant 0 : i32
        %dma_start3A_338 = tpu.memref_slice %arg7[%add3A_330, %dma_start3A_337] : memref<10240x64xf32, #tpu.memory_space<vmem_shared>> -> memref<128x64xf32, #tpu.memory_space<vmem_shared>>
        %dma_start3A_339 = arith.constant 0 : i32
        %dma_start3A_340 = tpu.memref_slice %arg7[%add3A_330, %dma_start3A_339] : memref<10240x64xf32, #tpu.memory_space<vmem_shared>> -> memref<128x64xf32, #tpu.memory_space<vmem_shared>>
        tpu.enqueue_dma source(%arg9 : memref<128x64xf32, #tpu.memory_space<vmem>>) target(%dma_start3A_340 : memref<128x64xf32, #tpu.memory_space<vmem_shared>>) target_semaphore(%run_scoped3A : memref<!tpu.dma_semaphore, #tpu.memory_space<semaphore_mem>>)
        %dma_wait3A_341 = arith.constant 0 : i32
        %dma_wait3A_342 = tpu.memref_slice %arg7[%add3A_330, %dma_wait3A_341] : memref<10240x64xf32, #tpu.memory_space<vmem_shared>> -> memref<128x64xf32, #tpu.memory_space<vmem_shared>>
        %dma_wait3A_343 = arith.constant 0 : i32
        %dma_wait3A_344 = tpu.memref_slice %arg7[%add3A_330, %dma_wait3A_343] : memref<10240x64xf32, #tpu.memory_space<vmem_shared>> -> memref<128x64xf32, #tpu.memory_space<vmem_shared>>
        tpu.wait_dma2 semaphore(%run_scoped3A : memref<!tpu.dma_semaphore, #tpu.memory_space<semaphore_mem>>) src(%arg9 : memref<128x64xf32, #tpu.memory_space<vmem>>) dst(%dma_wait3A_344 : memref<128x64xf32, #tpu.memory_space<vmem_shared>>)
        tpu.yield
      }) : () -> ()
      "tpu.region"() ({
        %run_scoped3A = tpu.sem_alloc : memref<!tpu.dma_semaphore, #tpu.memory_space<semaphore_mem>>
        %dma_start3A_337 = arith.constant 0 : i32
        %dma_start3A_338 = tpu.memref_slice %arg8[%add3A_330, %dma_start3A_337] : memref<10240x64xf32, #tpu.memory_space<vmem_shared>> -> memref<128x64xf32, #tpu.memory_space<vmem_shared>>
        %dma_start3A_339 = arith.constant 0 : i32
        %dma_start3A_340 = tpu.memref_slice %arg8[%add3A_330, %dma_start3A_339] : memref<10240x64xf32, #tpu.memory_space<vmem_shared>> -> memref<128x64xf32, #tpu.memory_space<vmem_shared>>
        tpu.enqueue_dma source(%arg9 : memref<128x64xf32, #tpu.memory_space<vmem>>) target(%dma_start3A_340 : memref<128x64xf32, #tpu.memory_space<vmem_shared>>) target_semaphore(%run_scoped3A : memref<!tpu.dma_semaphore, #tpu.memory_space<semaphore_mem>>)
        %dma_wait3A_341 = arith.constant 0 : i32
        %dma_wait3A_342 = tpu.memref_slice %arg8[%add3A_330, %dma_wait3A_341] : memref<10240x64xf32, #tpu.memory_space<vmem_shared>> -> memref<128x64xf32, #tpu.memory_space<vmem_shared>>
        %dma_wait3A_343 = arith.constant 0 : i32
        %dma_wait3A_344 = tpu.memref_slice %arg8[%add3A_330, %dma_wait3A_343] : memref<10240x64xf32, #tpu.memory_space<vmem_shared>> -> memref<128x64xf32, #tpu.memory_space<vmem_shared>>
        tpu.wait_dma2 semaphore(%run_scoped3A : memref<!tpu.dma_semaphore, #tpu.memory_space<semaphore_mem>>) src(%arg9 : memref<128x64xf32, #tpu.memory_space<vmem>>) dst(%dma_wait3A_344 : memref<128x64xf32, #tpu.memory_space<vmem_shared>>)
        tpu.yield
      }) : () -> ()
    }
    %scan3A_7 = arith.constant 5 : i32
    %barrier3A = arith.constant 0 : index
    tpu.barrier barrier_id(%barrier3A)
    %add3A = arith.constant 160 : i32
    %add3A_8 = arith.addi %mul3A_2, %add3A : i32
    %sub3A = arith.constant 1 : i32
    %sub3A_9 = arith.subi %add3A_8, %sub3A : i32
    "tpu.region"() ({
      %run_scoped3A = tpu.sem_alloc : memref<!tpu.dma_semaphore, #tpu.memory_space<semaphore_mem>>
      %dma_start3A_327 = arith.constant 0 : i32
      %dma_start3A_328 = arith.constant 0 : i32
      %dma_start3A_329 = tpu.memref_slice %arg3[%mul3A_2, %dma_start3A_327, %dma_start3A_328] : memref<2560x2x128xi32, #tpu.memory_space<hbm>> -> memref<1x2x128xi32, #tpu.memory_space<hbm>>
      %dma_start3A_330 = tpu.memref_squeeze %dma_start3A_329 : memref<1x2x128xi32, #tpu.memory_space<hbm>> -> memref<2x128xi32, #tpu.memory_space<hbm>>
      %dma_start3A_331 = arith.constant 0 : i32
      %dma_start3A_332 = arith.constant 0 : i32
      %dma_start3A_333 = tpu.memref_slice %arg3[%mul3A_2, %dma_start3A_331, %dma_start3A_332] : memref<2560x2x128xi32, #tpu.memory_space<hbm>> -> memref<1x2x128xi32, #tpu.memory_space<hbm>>
      %dma_start3A_334 = tpu.memref_squeeze %dma_start3A_333 : memref<1x2x128xi32, #tpu.memory_space<hbm>> -> memref<2x128xi32, #tpu.memory_space<hbm>>
      tpu.enqueue_dma source(%dma_start3A_334 : memref<2x128xi32, #tpu.memory_space<hbm>>) target(%arg14 : memref<2x128xi32, #tpu.memory_space<vmem>>) target_semaphore(%run_scoped3A : memref<!tpu.dma_semaphore, #tpu.memory_space<semaphore_mem>>)
      %dma_wait3A_335 = arith.constant 0 : i32
      %dma_wait3A_336 = arith.constant 0 : i32
      %dma_wait3A_337 = tpu.memref_slice %arg3[%mul3A_2, %dma_wait3A_335, %dma_wait3A_336] : memref<2560x2x128xi32, #tpu.memory_space<hbm>> -> memref<1x2x128xi32, #tpu.memory_space<hbm>>
      %dma_wait3A_338 = tpu.memref_squeeze %dma_wait3A_337 : memref<1x2x128xi32, #tpu.memory_space<hbm>> -> memref<2x128xi32, #tpu.memory_space<hbm>>
      %dma_wait3A_339 = arith.constant 0 : i32
      %dma_wait3A_340 = arith.constant 0 : i32
      %dma_wait3A_341 = tpu.memref_slice %arg3[%mul3A_2, %dma_wait3A_339, %dma_wait3A_340] : memref<2560x2x128xi32, #tpu.memory_space<hbm>> -> memref<1x2x128xi32, #tpu.memory_space<hbm>>
      %dma_wait3A_342 = tpu.memref_squeeze %dma_wait3A_341 : memref<1x2x128xi32, #tpu.memory_space<hbm>> -> memref<2x128xi32, #tpu.memory_space<hbm>>
      tpu.wait_dma2 semaphore(%run_scoped3A : memref<!tpu.dma_semaphore, #tpu.memory_space<semaphore_mem>>) src(%dma_wait3A_342 : memref<2x128xi32, #tpu.memory_space<hbm>>) dst(%arg14 : memref<2x128xi32, #tpu.memory_space<vmem>>)
      tpu.yield
    }) : () -> ()
    %dma_start3A = arith.constant 0 : i32
    %dma_start3A_10 = arith.constant 0 : i32
    %dma_start3A_11 = tpu.memref_slice %arg14[%dma_start3A, %dma_start3A_10] : memref<2x128xi32, #tpu.memory_space<vmem>> -> memref<1x128xi32, #tpu.memory_space<vmem>>
    %dma_start3A_12 = tpu.memref_squeeze %dma_start3A_11 : memref<1x128xi32, #tpu.memory_space<vmem>> -> memref<128xi32, #tpu.memory_space<vmem>>
    %dma_start3A_13 = arith.constant 0 : i32
    %dma_start3A_14 = arith.constant 0 : i32
    %dma_start3A_15 = tpu.memref_slice %arg7[%dma_start3A_13, %dma_start3A_14] : memref<10240x64xf32, #tpu.memory_space<vmem_shared>> -> memref<10240x64xf32, #tpu.memory_space<vmem_shared>>
    tpu.enqueue_indirect_dma source(%dma_start3A_15 : memref<10240x64xf32, #tpu.memory_space<vmem_shared>>) target(%arg10 : memref<128x64xf32, #tpu.memory_space<vmem>>) offsets(%dma_start3A_12 : memref<128xi32, #tpu.memory_space<vmem>>) semaphore(%arg20 : memref<!tpu.dma_semaphore, #tpu.memory_space<semaphore_mem>>)
    %add3A_16 = arith.constant 1 : i32
    %add3A_17 = arith.addi %mul3A_2, %add3A_16 : i32
    "tpu.region"() ({
      %run_scoped3A = tpu.sem_alloc : memref<!tpu.dma_semaphore, #tpu.memory_space<semaphore_mem>>
      %dma_start3A_327 = arith.constant 0 : i32
      %dma_start3A_328 = arith.constant 0 : i32
      %dma_start3A_329 = tpu.memref_slice %arg3[%add3A_17, %dma_start3A_327, %dma_start3A_328] : memref<2560x2x128xi32, #tpu.memory_space<hbm>> -> memref<1x2x128xi32, #tpu.memory_space<hbm>>
      %dma_start3A_330 = tpu.memref_squeeze %dma_start3A_329 : memref<1x2x128xi32, #tpu.memory_space<hbm>> -> memref<2x128xi32, #tpu.memory_space<hbm>>
      %dma_start3A_331 = arith.constant 0 : i32
      %dma_start3A_332 = arith.constant 0 : i32
      %dma_start3A_333 = tpu.memref_slice %arg3[%add3A_17, %dma_start3A_331, %dma_start3A_332] : memref<2560x2x128xi32, #tpu.memory_space<hbm>> -> memref<1x2x128xi32, #tpu.memory_space<hbm>>
      %dma_start3A_334 = tpu.memref_squeeze %dma_start3A_333 : memref<1x2x128xi32, #tpu.memory_space<hbm>> -> memref<2x128xi32, #tpu.memory_space<hbm>>
      tpu.enqueue_dma source(%dma_start3A_334 : memref<2x128xi32, #tpu.memory_space<hbm>>) target(%arg15 : memref<2x128xi32, #tpu.memory_space<vmem>>) target_semaphore(%run_scoped3A : memref<!tpu.dma_semaphore, #tpu.memory_space<semaphore_mem>>)
      %dma_wait3A_335 = arith.constant 0 : i32
      %dma_wait3A_336 = arith.constant 0 : i32
      %dma_wait3A_337 = tpu.memref_slice %arg3[%add3A_17, %dma_wait3A_335, %dma_wait3A_336] : memref<2560x2x128xi32, #tpu.memory_space<hbm>> -> memref<1x2x128xi32, #tpu.memory_space<hbm>>
      %dma_wait3A_338 = tpu.memref_squeeze %dma_wait3A_337 : memref<1x2x128xi32, #tpu.memory_space<hbm>> -> memref<2x128xi32, #tpu.memory_space<hbm>>
      %dma_wait3A_339 = arith.constant 0 : i32
      %dma_wait3A_340 = arith.constant 0 : i32
      %dma_wait3A_341 = tpu.memref_slice %arg3[%add3A_17, %dma_wait3A_339, %dma_wait3A_340] : memref<2560x2x128xi32, #tpu.memory_space<hbm>> -> memref<1x2x128xi32, #tpu.memory_space<hbm>>
      %dma_wait3A_342 = tpu.memref_squeeze %dma_wait3A_341 : memref<1x2x128xi32, #tpu.memory_space<hbm>> -> memref<2x128xi32, #tpu.memory_space<hbm>>
      tpu.wait_dma2 semaphore(%run_scoped3A : memref<!tpu.dma_semaphore, #tpu.memory_space<semaphore_mem>>) src(%dma_wait3A_342 : memref<2x128xi32, #tpu.memory_space<hbm>>) dst(%arg15 : memref<2x128xi32, #tpu.memory_space<vmem>>)
      tpu.yield
    }) : () -> ()
    %dma_start3A_18 = arith.constant 0 : i32
    %dma_start3A_19 = arith.constant 0 : i32
    %dma_start3A_20 = tpu.memref_slice %arg15[%dma_start3A_18, %dma_start3A_19] : memref<2x128xi32, #tpu.memory_space<vmem>> -> memref<1x128xi32, #tpu.memory_space<vmem>>
    %dma_start3A_21 = tpu.memref_squeeze %dma_start3A_20 : memref<1x128xi32, #tpu.memory_space<vmem>> -> memref<128xi32, #tpu.memory_space<vmem>>
    %dma_start3A_22 = arith.constant 0 : i32
    %dma_start3A_23 = arith.constant 0 : i32
    %dma_start3A_24 = tpu.memref_slice %arg7[%dma_start3A_22, %dma_start3A_23] : memref<10240x64xf32, #tpu.memory_space<vmem_shared>> -> memref<10240x64xf32, #tpu.memory_space<vmem_shared>>
    tpu.enqueue_indirect_dma source(%dma_start3A_24 : memref<10240x64xf32, #tpu.memory_space<vmem_shared>>) target(%arg11 : memref<128x64xf32, #tpu.memory_space<vmem>>) offsets(%dma_start3A_21 : memref<128xi32, #tpu.memory_space<vmem>>) semaphore(%arg21 : memref<!tpu.dma_semaphore, #tpu.memory_space<semaphore_mem>>)
    %add3A_25 = arith.constant 2 : i32
    %add3A_26 = arith.addi %mul3A_2, %add3A_25 : i32
    "tpu.region"() ({
      %run_scoped3A = tpu.sem_alloc : memref<!tpu.dma_semaphore, #tpu.memory_space<semaphore_mem>>
      %dma_start3A_327 = arith.constant 0 : i32
      %dma_start3A_328 = arith.constant 0 : i32
      %dma_start3A_329 = tpu.memref_slice %arg3[%add3A_26, %dma_start3A_327, %dma_start3A_328] : memref<2560x2x128xi32, #tpu.memory_space<hbm>> -> memref<1x2x128xi32, #tpu.memory_space<hbm>>
      %dma_start3A_330 = tpu.memref_squeeze %dma_start3A_329 : memref<1x2x128xi32, #tpu.memory_space<hbm>> -> memref<2x128xi32, #tpu.memory_space<hbm>>
      %dma_start3A_331 = arith.constant 0 : i32
      %dma_start3A_332 = arith.constant 0 : i32
      %dma_start3A_333 = tpu.memref_slice %arg3[%add3A_26, %dma_start3A_331, %dma_start3A_332] : memref<2560x2x128xi32, #tpu.memory_space<hbm>> -> memref<1x2x128xi32, #tpu.memory_space<hbm>>
      %dma_start3A_334 = tpu.memref_squeeze %dma_start3A_333 : memref<1x2x128xi32, #tpu.memory_space<hbm>> -> memref<2x128xi32, #tpu.memory_space<hbm>>
      tpu.enqueue_dma source(%dma_start3A_334 : memref<2x128xi32, #tpu.memory_space<hbm>>) target(%arg16 : memref<2x128xi32, #tpu.memory_space<vmem>>) target_semaphore(%run_scoped3A : memref<!tpu.dma_semaphore, #tpu.memory_space<semaphore_mem>>)
      %dma_wait3A_335 = arith.constant 0 : i32
      %dma_wait3A_336 = arith.constant 0 : i32
      %dma_wait3A_337 = tpu.memref_slice %arg3[%add3A_26, %dma_wait3A_335, %dma_wait3A_336] : memref<2560x2x128xi32, #tpu.memory_space<hbm>> -> memref<1x2x128xi32, #tpu.memory_space<hbm>>
      %dma_wait3A_338 = tpu.memref_squeeze %dma_wait3A_337 : memref<1x2x128xi32, #tpu.memory_space<hbm>> -> memref<2x128xi32, #tpu.memory_space<hbm>>
      %dma_wait3A_339 = arith.constant 0 : i32
      %dma_wait3A_340 = arith.constant 0 : i32
      %dma_wait3A_341 = tpu.memref_slice %arg3[%add3A_26, %dma_wait3A_339, %dma_wait3A_340] : memref<2560x2x128xi32, #tpu.memory_space<hbm>> -> memref<1x2x128xi32, #tpu.memory_space<hbm>>
      %dma_wait3A_342 = tpu.memref_squeeze %dma_wait3A_341 : memref<1x2x128xi32, #tpu.memory_space<hbm>> -> memref<2x128xi32, #tpu.memory_space<hbm>>
      tpu.wait_dma2 semaphore(%run_scoped3A : memref<!tpu.dma_semaphore, #tpu.memory_space<semaphore_mem>>) src(%dma_wait3A_342 : memref<2x128xi32, #tpu.memory_space<hbm>>) dst(%arg16 : memref<2x128xi32, #tpu.memory_space<vmem>>)
      tpu.yield
    }) : () -> ()
    %dma_start3A_27 = arith.constant 0 : i32
    %dma_start3A_28 = arith.constant 0 : i32
    %dma_start3A_29 = tpu.memref_slice %arg16[%dma_start3A_27, %dma_start3A_28] : memref<2x128xi32, #tpu.memory_space<vmem>> -> memref<1x128xi32, #tpu.memory_space<vmem>>
    %dma_start3A_30 = tpu.memref_squeeze %dma_start3A_29 : memref<1x128xi32, #tpu.memory_space<vmem>> -> memref<128xi32, #tpu.memory_space<vmem>>
    %dma_start3A_31 = arith.constant 0 : i32
    %dma_start3A_32 = arith.constant 0 : i32
    %dma_start3A_33 = tpu.memref_slice %arg7[%dma_start3A_31, %dma_start3A_32] : memref<10240x64xf32, #tpu.memory_space<vmem_shared>> -> memref<10240x64xf32, #tpu.memory_space<vmem_shared>>
    tpu.enqueue_indirect_dma source(%dma_start3A_33 : memref<10240x64xf32, #tpu.memory_space<vmem_shared>>) target(%arg12 : memref<128x64xf32, #tpu.memory_space<vmem>>) offsets(%dma_start3A_30 : memref<128xi32, #tpu.memory_space<vmem>>) semaphore(%arg22 : memref<!tpu.dma_semaphore, #tpu.memory_space<semaphore_mem>>)
    %scan3A_34 = arith.constant 0 : i32
    %scan3A_35 = arith.constant 0 : i32
    %scan3A_36 = arith.constant 0 : i32
    %scan3A_37 = arith.constant 0 : i32
    %scan3A_38 = arith.constant 0 : i32
    %scan3A_39 = arith.constant 0 : i32
    %scan3A_40 = arith.constant 40 : i32
    %scan3A_41 = arith.addi %scan3A_39, %scan3A_40 : i32
    %scan3A_42 = arith.constant 1 : i32
    scf.for %scan3A_327 = %scan3A_39 to %scan3A_41 step %scan3A_42  : i32 {
      %mul3A_328 = arith.constant 4 : i32
      %mul3A_329 = arith.muli %mul3A_328, %scan3A_327 : i32
      %add3A_330 = arith.addi %mul3A_2, %mul3A_329 : i32
      %dma_wait3A_331 = arith.constant 0 : i32
      %dma_wait3A_332 = tpu.memref_slice %arg14[%scan3A_35, %dma_wait3A_331] : memref<2x128xi32, #tpu.memory_space<vmem>> -> memref<1x128xi32, #tpu.memory_space<vmem>>
      %dma_wait3A_333 = tpu.memref_squeeze %dma_wait3A_332 : memref<1x128xi32, #tpu.memory_space<vmem>> -> memref<128xi32, #tpu.memory_space<vmem>>
      %dma_wait3A_334 = arith.constant 0 : i32
      %dma_wait3A_335 = arith.constant 0 : i32
      %dma_wait3A_336 = tpu.memref_slice %arg7[%dma_wait3A_334, %dma_wait3A_335] : memref<10240x64xf32, #tpu.memory_space<vmem_shared>> -> memref<10240x64xf32, #tpu.memory_space<vmem_shared>>
      tpu.wait_indirect_dma semaphore(%arg20 : memref<!tpu.dma_semaphore, #tpu.memory_space<semaphore_mem>>) src(%dma_wait3A_336 : memref<10240x64xf32, #tpu.memory_space<vmem_shared>>) dst(%arg10 : memref<128x64xf32, #tpu.memory_space<vmem>>)
      %dma_start3A_337 = arith.constant 1 : i32
      %dma_start3A_338 = arith.constant 0 : i32
      %dma_start3A_339 = tpu.memref_slice %arg14[%dma_start3A_337, %dma_start3A_338] : memref<2x128xi32, #tpu.memory_space<vmem>> -> memref<1x128xi32, #tpu.memory_space<vmem>>
      %dma_start3A_340 = tpu.memref_squeeze %dma_start3A_339 : memref<1x128xi32, #tpu.memory_space<vmem>> -> memref<128xi32, #tpu.memory_space<vmem>>
      %dma_start3A_341 = arith.constant 0 : i32
      %dma_start3A_342 = arith.constant 0 : i32
      %dma_start3A_343 = tpu.memref_slice %arg8[%dma_start3A_341, %dma_start3A_342] : memref<10240x64xf32, #tpu.memory_space<vmem_shared>> -> memref<10240x64xf32, #tpu.memory_space<vmem_shared>>
      tpu.enqueue_indirect_dma source(%arg10 : memref<128x64xf32, #tpu.memory_space<vmem>>) target(%dma_start3A_343 : memref<10240x64xf32, #tpu.memory_space<vmem_shared>>) offsets(%dma_start3A_340 : memref<128xi32, #tpu.memory_space<vmem>>) semaphore(%arg24 : memref<!tpu.dma_semaphore, #tpu.memory_space<semaphore_mem>>) {add = true}
      %add3A_344 = arith.constant 3 : i32
      %add3A_345 = arith.addi %add3A_330, %add3A_344 : i32
      %add3A_346 = arith.constant 0 : i32
      %add3A_347 = arith.addi %add3A_345, %add3A_346 : i32
      %min3A = arith.minsi %add3A_347, %sub3A_9 : i32
      "tpu.region"() ({
        %run_scoped3A = tpu.sem_alloc : memref<!tpu.dma_semaphore, #tpu.memory_space<semaphore_mem>>
        %dma_start3A_454 = arith.constant 0 : i32
        %dma_start3A_455 = arith.constant 0 : i32
        %dma_start3A_456 = tpu.memref_slice %arg3[%min3A, %dma_start3A_454, %dma_start3A_455] : memref<2560x2x128xi32, #tpu.memory_space<hbm>> -> memref<1x2x128xi32, #tpu.memory_space<hbm>>
        %dma_start3A_457 = tpu.memref_squeeze %dma_start3A_456 : memref<1x2x128xi32, #tpu.memory_space<hbm>> -> memref<2x128xi32, #tpu.memory_space<hbm>>
        %dma_start3A_458 = arith.constant 0 : i32
        %dma_start3A_459 = arith.constant 0 : i32
        %dma_start3A_460 = tpu.memref_slice %arg3[%min3A, %dma_start3A_458, %dma_start3A_459] : memref<2560x2x128xi32, #tpu.memory_space<hbm>> -> memref<1x2x128xi32, #tpu.memory_space<hbm>>
        %dma_start3A_461 = tpu.memref_squeeze %dma_start3A_460 : memref<1x2x128xi32, #tpu.memory_space<hbm>> -> memref<2x128xi32, #tpu.memory_space<hbm>>
        tpu.enqueue_dma source(%dma_start3A_461 : memref<2x128xi32, #tpu.memory_space<hbm>>) target(%arg17 : memref<2x128xi32, #tpu.memory_space<vmem>>) target_semaphore(%run_scoped3A : memref<!tpu.dma_semaphore, #tpu.memory_space<semaphore_mem>>)
        %dma_wait3A_462 = arith.constant 0 : i32
        %dma_wait3A_463 = arith.constant 0 : i32
        %dma_wait3A_464 = tpu.memref_slice %arg3[%min3A, %dma_wait3A_462, %dma_wait3A_463] : memref<2560x2x128xi32, #tpu.memory_space<hbm>> -> memref<1x2x128xi32, #tpu.memory_space<hbm>>
        %dma_wait3A_465 = tpu.memref_squeeze %dma_wait3A_464 : memref<1x2x128xi32, #tpu.memory_space<hbm>> -> memref<2x128xi32, #tpu.memory_space<hbm>>
        %dma_wait3A_466 = arith.constant 0 : i32
        %dma_wait3A_467 = arith.constant 0 : i32
        %dma_wait3A_468 = tpu.memref_slice %arg3[%min3A, %dma_wait3A_466, %dma_wait3A_467] : memref<2560x2x128xi32, #tpu.memory_space<hbm>> -> memref<1x2x128xi32, #tpu.memory_space<hbm>>
        %dma_wait3A_469 = tpu.memref_squeeze %dma_wait3A_468 : memref<1x2x128xi32, #tpu.memory_space<hbm>> -> memref<2x128xi32, #tpu.memory_space<hbm>>
        tpu.wait_dma2 semaphore(%run_scoped3A : memref<!tpu.dma_semaphore, #tpu.memory_space<semaphore_mem>>) src(%dma_wait3A_469 : memref<2x128xi32, #tpu.memory_space<hbm>>) dst(%arg17 : memref<2x128xi32, #tpu.memory_space<vmem>>)
        tpu.yield
      }) : () -> ()
      %dma_start3A_348 = arith.constant 0 : i32
      %dma_start3A_349 = tpu.memref_slice %arg17[%scan3A_36, %dma_start3A_348] : memref<2x128xi32, #tpu.memory_space<vmem>> -> memref<1x128xi32, #tpu.memory_space<vmem>>
      %dma_start3A_350 = tpu.memref_squeeze %dma_start3A_349 : memref<1x128xi32, #tpu.memory_space<vmem>> -> memref<128xi32, #tpu.memory_space<vmem>>
      %dma_start3A_351 = arith.constant 0 : i32
      %dma_start3A_352 = arith.constant 0 : i32
      %dma_start3A_353 = tpu.memref_slice %arg7[%dma_start3A_351, %dma_start3A_352] : memref<10240x64xf32, #tpu.memory_space<vmem_shared>> -> memref<10240x64xf32, #tpu.memory_space<vmem_shared>>
      tpu.enqueue_indirect_dma source(%dma_start3A_353 : memref<10240x64xf32, #tpu.memory_space<vmem_shared>>) target(%arg13 : memref<128x64xf32, #tpu.memory_space<vmem>>) offsets(%dma_start3A_350 : memref<128xi32, #tpu.memory_space<vmem>>) semaphore(%arg23 : memref<!tpu.dma_semaphore, #tpu.memory_space<semaphore_mem>>)
      %dma_wait3A_354 = arith.constant 0 : i32
      %dma_wait3A_355 = tpu.memref_slice %arg15[%scan3A_37, %dma_wait3A_354] : memref<2x128xi32, #tpu.memory_space<vmem>> -> memref<1x128xi32, #tpu.memory_space<vmem>>
      %dma_wait3A_356 = tpu.memref_squeeze %dma_wait3A_355 : memref<1x128xi32, #tpu.memory_space<vmem>> -> memref<128xi32, #tpu.memory_space<vmem>>
      %dma_wait3A_357 = arith.constant 0 : i32
      %dma_wait3A_358 = arith.constant 0 : i32
      %dma_wait3A_359 = tpu.memref_slice %arg7[%dma_wait3A_357, %dma_wait3A_358] : memref<10240x64xf32, #tpu.memory_space<vmem_shared>> -> memref<10240x64xf32, #tpu.memory_space<vmem_shared>>
      tpu.wait_indirect_dma semaphore(%arg21 : memref<!tpu.dma_semaphore, #tpu.memory_space<semaphore_mem>>) src(%dma_wait3A_359 : memref<10240x64xf32, #tpu.memory_space<vmem_shared>>) dst(%arg11 : memref<128x64xf32, #tpu.memory_space<vmem>>)
      %dma_start3A_360 = arith.constant 1 : i32
      %dma_start3A_361 = arith.constant 0 : i32
      %dma_start3A_362 = tpu.memref_slice %arg15[%dma_start3A_360, %dma_start3A_361] : memref<2x128xi32, #tpu.memory_space<vmem>> -> memref<1x128xi32, #tpu.memory_space<vmem>>
      %dma_start3A_363 = tpu.memref_squeeze %dma_start3A_362 : memref<1x128xi32, #tpu.memory_space<vmem>> -> memref<128xi32, #tpu.memory_space<vmem>>
      %dma_start3A_364 = arith.constant 0 : i32
      %dma_start3A_365 = arith.constant 0 : i32
      %dma_start3A_366 = tpu.memref_slice %arg8[%dma_start3A_364, %dma_start3A_365] : memref<10240x64xf32, #tpu.memory_space<vmem_shared>> -> memref<10240x64xf32, #tpu.memory_space<vmem_shared>>
      tpu.enqueue_indirect_dma source(%arg11 : memref<128x64xf32, #tpu.memory_space<vmem>>) target(%dma_start3A_366 : memref<10240x64xf32, #tpu.memory_space<vmem_shared>>) offsets(%dma_start3A_363 : memref<128xi32, #tpu.memory_space<vmem>>) semaphore(%arg25 : memref<!tpu.dma_semaphore, #tpu.memory_space<semaphore_mem>>) {add = true}
      %dma_wait3A_367 = arith.constant 1 : i32
      %dma_wait3A_368 = arith.constant 0 : i32
      %dma_wait3A_369 = tpu.memref_slice %arg14[%dma_wait3A_367, %dma_wait3A_368] : memref<2x128xi32, #tpu.memory_space<vmem>> -> memref<1x128xi32, #tpu.memory_space<vmem>>
      %dma_wait3A_370 = tpu.memref_squeeze %dma_wait3A_369 : memref<1x128xi32, #tpu.memory_space<vmem>> -> memref<128xi32, #tpu.memory_space<vmem>>
      %dma_wait3A_371 = arith.constant 0 : i32
      %dma_wait3A_372 = arith.constant 0 : i32
      %dma_wait3A_373 = tpu.memref_slice %arg8[%dma_wait3A_371, %dma_wait3A_372] : memref<10240x64xf32, #tpu.memory_space<vmem_shared>> -> memref<10240x64xf32, #tpu.memory_space<vmem_shared>>
      tpu.wait_indirect_dma semaphore(%arg24 : memref<!tpu.dma_semaphore, #tpu.memory_space<semaphore_mem>>) src(%arg10 : memref<128x64xf32, #tpu.memory_space<vmem>>) dst(%dma_wait3A_373 : memref<10240x64xf32, #tpu.memory_space<vmem_shared>>)
      %add3A_374 = arith.constant 3 : i32
      %add3A_375 = arith.addi %add3A_330, %add3A_374 : i32
      %add3A_376 = arith.constant 1 : i32
      %add3A_377 = arith.addi %add3A_375, %add3A_376 : i32
      %min3A_378 = arith.minsi %add3A_377, %sub3A_9 : i32
      "tpu.region"() ({
        %run_scoped3A = tpu.sem_alloc : memref<!tpu.dma_semaphore, #tpu.memory_space<semaphore_mem>>
        %dma_start3A_454 = arith.constant 0 : i32
        %dma_start3A_455 = arith.constant 0 : i32
        %dma_start3A_456 = tpu.memref_slice %arg3[%min3A_378, %dma_start3A_454, %dma_start3A_455] : memref<2560x2x128xi32, #tpu.memory_space<hbm>> -> memref<1x2x128xi32, #tpu.memory_space<hbm>>
        %dma_start3A_457 = tpu.memref_squeeze %dma_start3A_456 : memref<1x2x128xi32, #tpu.memory_space<hbm>> -> memref<2x128xi32, #tpu.memory_space<hbm>>
        %dma_start3A_458 = arith.constant 0 : i32
        %dma_start3A_459 = arith.constant 0 : i32
        %dma_start3A_460 = tpu.memref_slice %arg3[%min3A_378, %dma_start3A_458, %dma_start3A_459] : memref<2560x2x128xi32, #tpu.memory_space<hbm>> -> memref<1x2x128xi32, #tpu.memory_space<hbm>>
        %dma_start3A_461 = tpu.memref_squeeze %dma_start3A_460 : memref<1x2x128xi32, #tpu.memory_space<hbm>> -> memref<2x128xi32, #tpu.memory_space<hbm>>
        tpu.enqueue_dma source(%dma_start3A_461 : memref<2x128xi32, #tpu.memory_space<hbm>>) target(%arg14 : memref<2x128xi32, #tpu.memory_space<vmem>>) target_semaphore(%run_scoped3A : memref<!tpu.dma_semaphore, #tpu.memory_space<semaphore_mem>>)
        %dma_wait3A_462 = arith.constant 0 : i32
        %dma_wait3A_463 = arith.constant 0 : i32
        %dma_wait3A_464 = tpu.memref_slice %arg3[%min3A_378, %dma_wait3A_462, %dma_wait3A_463] : memref<2560x2x128xi32, #tpu.memory_space<hbm>> -> memref<1x2x128xi32, #tpu.memory_space<hbm>>
        %dma_wait3A_465 = tpu.memref_squeeze %dma_wait3A_464 : memref<1x2x128xi32, #tpu.memory_space<hbm>> -> memref<2x128xi32, #tpu.memory_space<hbm>>
        %dma_wait3A_466 = arith.constant 0 : i32
        %dma_wait3A_467 = arith.constant 0 : i32
        %dma_wait3A_468 = tpu.memref_slice %arg3[%min3A_378, %dma_wait3A_466, %dma_wait3A_467] : memref<2560x2x128xi32, #tpu.memory_space<hbm>> -> memref<1x2x128xi32, #tpu.memory_space<hbm>>
        %dma_wait3A_469 = tpu.memref_squeeze %dma_wait3A_468 : memref<1x2x128xi32, #tpu.memory_space<hbm>> -> memref<2x128xi32, #tpu.memory_space<hbm>>
        tpu.wait_dma2 semaphore(%run_scoped3A : memref<!tpu.dma_semaphore, #tpu.memory_space<semaphore_mem>>) src(%dma_wait3A_469 : memref<2x128xi32, #tpu.memory_space<hbm>>) dst(%arg14 : memref<2x128xi32, #tpu.memory_space<vmem>>)
        tpu.yield
      }) : () -> ()
      %dma_start3A_379 = arith.constant 0 : i32
      %dma_start3A_380 = tpu.memref_slice %arg14[%scan3A_35, %dma_start3A_379] : memref<2x128xi32, #tpu.memory_space<vmem>> -> memref<1x128xi32, #tpu.memory_space<vmem>>
      %dma_start3A_381 = tpu.memref_squeeze %dma_start3A_380 : memref<1x128xi32, #tpu.memory_space<vmem>> -> memref<128xi32, #tpu.memory_space<vmem>>
      %dma_start3A_382 = arith.constant 0 : i32
      %dma_start3A_383 = arith.constant 0 : i32
      %dma_start3A_384 = tpu.memref_slice %arg7[%dma_start3A_382, %dma_start3A_383] : memref<10240x64xf32, #tpu.memory_space<vmem_shared>> -> memref<10240x64xf32, #tpu.memory_space<vmem_shared>>
      tpu.enqueue_indirect_dma source(%dma_start3A_384 : memref<10240x64xf32, #tpu.memory_space<vmem_shared>>) target(%arg10 : memref<128x64xf32, #tpu.memory_space<vmem>>) offsets(%dma_start3A_381 : memref<128xi32, #tpu.memory_space<vmem>>) semaphore(%arg20 : memref<!tpu.dma_semaphore, #tpu.memory_space<semaphore_mem>>)
      %dma_wait3A_385 = arith.constant 0 : i32
      %dma_wait3A_386 = tpu.memref_slice %arg16[%scan3A_38, %dma_wait3A_385] : memref<2x128xi32, #tpu.memory_space<vmem>> -> memref<1x128xi32, #tpu.memory_space<vmem>>
      %dma_wait3A_387 = tpu.memref_squeeze %dma_wait3A_386 : memref<1x128xi32, #tpu.memory_space<vmem>> -> memref<128xi32, #tpu.memory_space<vmem>>
      %dma_wait3A_388 = arith.constant 0 : i32
      %dma_wait3A_389 = arith.constant 0 : i32
      %dma_wait3A_390 = tpu.memref_slice %arg7[%dma_wait3A_388, %dma_wait3A_389] : memref<10240x64xf32, #tpu.memory_space<vmem_shared>> -> memref<10240x64xf32, #tpu.memory_space<vmem_shared>>
      tpu.wait_indirect_dma semaphore(%arg22 : memref<!tpu.dma_semaphore, #tpu.memory_space<semaphore_mem>>) src(%dma_wait3A_390 : memref<10240x64xf32, #tpu.memory_space<vmem_shared>>) dst(%arg12 : memref<128x64xf32, #tpu.memory_space<vmem>>)
      %dma_start3A_391 = arith.constant 1 : i32
      %dma_start3A_392 = arith.constant 0 : i32
      %dma_start3A_393 = tpu.memref_slice %arg16[%dma_start3A_391, %dma_start3A_392] : memref<2x128xi32, #tpu.memory_space<vmem>> -> memref<1x128xi32, #tpu.memory_space<vmem>>
      %dma_start3A_394 = tpu.memref_squeeze %dma_start3A_393 : memref<1x128xi32, #tpu.memory_space<vmem>> -> memref<128xi32, #tpu.memory_space<vmem>>
      %dma_start3A_395 = arith.constant 0 : i32
      %dma_start3A_396 = arith.constant 0 : i32
      %dma_start3A_397 = tpu.memref_slice %arg8[%dma_start3A_395, %dma_start3A_396] : memref<10240x64xf32, #tpu.memory_space<vmem_shared>> -> memref<10240x64xf32, #tpu.memory_space<vmem_shared>>
      tpu.enqueue_indirect_dma source(%arg12 : memref<128x64xf32, #tpu.memory_space<vmem>>) target(%dma_start3A_397 : memref<10240x64xf32, #tpu.memory_space<vmem_shared>>) offsets(%dma_start3A_394 : memref<128xi32, #tpu.memory_space<vmem>>) semaphore(%arg26 : memref<!tpu.dma_semaphore, #tpu.memory_space<semaphore_mem>>) {add = true}
      %dma_wait3A_398 = arith.constant 1 : i32
      %dma_wait3A_399 = arith.constant 0 : i32
      %dma_wait3A_400 = tpu.memref_slice %arg15[%dma_wait3A_398, %dma_wait3A_399] : memref<2x128xi32, #tpu.memory_space<vmem>> -> memref<1x128xi32, #tpu.memory_space<vmem>>
      %dma_wait3A_401 = tpu.memref_squeeze %dma_wait3A_400 : memref<1x128xi32, #tpu.memory_space<vmem>> -> memref<128xi32, #tpu.memory_space<vmem>>
      %dma_wait3A_402 = arith.constant 0 : i32
      %dma_wait3A_403 = arith.constant 0 : i32
      %dma_wait3A_404 = tpu.memref_slice %arg8[%dma_wait3A_402, %dma_wait3A_403] : memref<10240x64xf32, #tpu.memory_space<vmem_shared>> -> memref<10240x64xf32, #tpu.memory_space<vmem_shared>>
      tpu.wait_indirect_dma semaphore(%arg25 : memref<!tpu.dma_semaphore, #tpu.memory_space<semaphore_mem>>) src(%arg11 : memref<128x64xf32, #tpu.memory_space<vmem>>) dst(%dma_wait3A_404 : memref<10240x64xf32, #tpu.memory_space<vmem_shared>>)
      %add3A_405 = arith.constant 3 : i32
      %add3A_406 = arith.addi %add3A_330, %add3A_405 : i32
      %add3A_407 = arith.constant 2 : i32
      %add3A_408 = arith.addi %add3A_406, %add3A_407 : i32
      %min3A_409 = arith.minsi %add3A_408, %sub3A_9 : i32
      "tpu.region"() ({
        %run_scoped3A = tpu.sem_alloc : memref<!tpu.dma_semaphore, #tpu.memory_space<semaphore_mem>>
        %dma_start3A_454 = arith.constant 0 : i32
        %dma_start3A_455 = arith.constant 0 : i32
        %dma_start3A_456 = tpu.memref_slice %arg3[%min3A_409, %dma_start3A_454, %dma_start3A_455] : memref<2560x2x128xi32, #tpu.memory_space<hbm>> -> memref<1x2x128xi32, #tpu.memory_space<hbm>>
        %dma_start3A_457 = tpu.memref_squeeze %dma_start3A_456 : memref<1x2x128xi32, #tpu.memory_space<hbm>> -> memref<2x128xi32, #tpu.memory_space<hbm>>
        %dma_start3A_458 = arith.constant 0 : i32
        %dma_start3A_459 = arith.constant 0 : i32
        %dma_start3A_460 = tpu.memref_slice %arg3[%min3A_409, %dma_start3A_458, %dma_start3A_459] : memref<2560x2x128xi32, #tpu.memory_space<hbm>> -> memref<1x2x128xi32, #tpu.memory_space<hbm>>
        %dma_start3A_461 = tpu.memref_squeeze %dma_start3A_460 : memref<1x2x128xi32, #tpu.memory_space<hbm>> -> memref<2x128xi32, #tpu.memory_space<hbm>>
        tpu.enqueue_dma source(%dma_start3A_461 : memref<2x128xi32, #tpu.memory_space<hbm>>) target(%arg15 : memref<2x128xi32, #tpu.memory_space<vmem>>) target_semaphore(%run_scoped3A : memref<!tpu.dma_semaphore, #tpu.memory_space<semaphore_mem>>)
        %dma_wait3A_462 = arith.constant 0 : i32
        %dma_wait3A_463 = arith.constant 0 : i32
        %dma_wait3A_464 = tpu.memref_slice %arg3[%min3A_409, %dma_wait3A_462, %dma_wait3A_463] : memref<2560x2x128xi32, #tpu.memory_space<hbm>> -> memref<1x2x128xi32, #tpu.memory_space<hbm>>
        %dma_wait3A_465 = tpu.memref_squeeze %dma_wait3A_464 : memref<1x2x128xi32, #tpu.memory_space<hbm>> -> memref<2x128xi32, #tpu.memory_space<hbm>>
        %dma_wait3A_466 = arith.constant 0 : i32
        %dma_wait3A_467 = arith.constant 0 : i32
        %dma_wait3A_468 = tpu.memref_slice %arg3[%min3A_409, %dma_wait3A_466, %dma_wait3A_467] : memref<2560x2x128xi32, #tpu.memory_space<hbm>> -> memref<1x2x128xi32, #tpu.memory_space<hbm>>
        %dma_wait3A_469 = tpu.memref_squeeze %dma_wait3A_468 : memref<1x2x128xi32, #tpu.memory_space<hbm>> -> memref<2x128xi32, #tpu.memory_space<hbm>>
        tpu.wait_dma2 semaphore(%run_scoped3A : memref<!tpu.dma_semaphore, #tpu.memory_space<semaphore_mem>>) src(%dma_wait3A_469 : memref<2x128xi32, #tpu.memory_space<hbm>>) dst(%arg15 : memref<2x128xi32, #tpu.memory_space<vmem>>)
        tpu.yield
      }) : () -> ()
      %dma_start3A_410 = arith.constant 0 : i32
      %dma_start3A_411 = tpu.memref_slice %arg15[%scan3A_37, %dma_start3A_410] : memref<2x128xi32, #tpu.memory_space<vmem>> -> memref<1x128xi32, #tpu.memory_space<vmem>>
      %dma_start3A_412 = tpu.memref_squeeze %dma_start3A_411 : memref<1x128xi32, #tpu.memory_space<vmem>> -> memref<128xi32, #tpu.memory_space<vmem>>
      %dma_start3A_413 = arith.constant 0 : i32
      %dma_start3A_414 = arith.constant 0 : i32
      %dma_start3A_415 = tpu.memref_slice %arg7[%dma_start3A_413, %dma_start3A_414] : memref<10240x64xf32, #tpu.memory_space<vmem_shared>> -> memref<10240x64xf32, #tpu.memory_space<vmem_shared>>
      tpu.enqueue_indirect_dma source(%dma_start3A_415 : memref<10240x64xf32, #tpu.memory_space<vmem_shared>>) target(%arg11 : memref<128x64xf32, #tpu.memory_space<vmem>>) offsets(%dma_start3A_412 : memref<128xi32, #tpu.memory_space<vmem>>) semaphore(%arg21 : memref<!tpu.dma_semaphore, #tpu.memory_space<semaphore_mem>>)
      %dma_wait3A_416 = arith.constant 0 : i32
      %dma_wait3A_417 = tpu.memref_slice %arg17[%scan3A_36, %dma_wait3A_416] : memref<2x128xi32, #tpu.memory_space<vmem>> -> memref<1x128xi32, #tpu.memory_space<vmem>>
      %dma_wait3A_418 = tpu.memref_squeeze %dma_wait3A_417 : memref<1x128xi32, #tpu.memory_space<vmem>> -> memref<128xi32, #tpu.memory_space<vmem>>
      %dma_wait3A_419 = arith.constant 0 : i32
      %dma_wait3A_420 = arith.constant 0 : i32
      %dma_wait3A_421 = tpu.memref_slice %arg7[%dma_wait3A_419, %dma_wait3A_420] : memref<10240x64xf32, #tpu.memory_space<vmem_shared>> -> memref<10240x64xf32, #tpu.memory_space<vmem_shared>>
      tpu.wait_indirect_dma semaphore(%arg23 : memref<!tpu.dma_semaphore, #tpu.memory_space<semaphore_mem>>) src(%dma_wait3A_421 : memref<10240x64xf32, #tpu.memory_space<vmem_shared>>) dst(%arg13 : memref<128x64xf32, #tpu.memory_space<vmem>>)
      %dma_start3A_422 = arith.constant 1 : i32
      %dma_start3A_423 = arith.constant 0 : i32
      %dma_start3A_424 = tpu.memref_slice %arg17[%dma_start3A_422, %dma_start3A_423] : memref<2x128xi32, #tpu.memory_space<vmem>> -> memref<1x128xi32, #tpu.memory_space<vmem>>
      %dma_start3A_425 = tpu.memref_squeeze %dma_start3A_424 : memref<1x128xi32, #tpu.memory_space<vmem>> -> memref<128xi32, #tpu.memory_space<vmem>>
      %dma_start3A_426 = arith.constant 0 : i32
      %dma_start3A_427 = arith.constant 0 : i32
      %dma_start3A_428 = tpu.memref_slice %arg8[%dma_start3A_426, %dma_start3A_427] : memref<10240x64xf32, #tpu.memory_space<vmem_shared>> -> memref<10240x64xf32, #tpu.memory_space<vmem_shared>>
      tpu.enqueue_indirect_dma source(%arg13 : memref<128x64xf32, #tpu.memory_space<vmem>>) target(%dma_start3A_428 : memref<10240x64xf32, #tpu.memory_space<vmem_shared>>) offsets(%dma_start3A_425 : memref<128xi32, #tpu.memory_space<vmem>>) semaphore(%arg27 : memref<!tpu.dma_semaphore, #tpu.memory_space<semaphore_mem>>) {add = true}
      %dma_wait3A_429 = arith.constant 1 : i32
      %dma_wait3A_430 = arith.constant 0 : i32
      %dma_wait3A_431 = tpu.memref_slice %arg16[%dma_wait3A_429, %dma_wait3A_430] : memref<2x128xi32, #tpu.memory_space<vmem>> -> memref<1x128xi32, #tpu.memory_space<vmem>>
      %dma_wait3A_432 = tpu.memref_squeeze %dma_wait3A_431 : memref<1x128xi32, #tpu.memory_space<vmem>> -> memref<128xi32, #tpu.memory_space<vmem>>
      %dma_wait3A_433 = arith.constant 0 : i32
      %dma_wait3A_434 = arith.constant 0 : i32
      %dma_wait3A_435 = tpu.memref_slice %arg8[%dma_wait3A_433, %dma_wait3A_434] : memref<10240x64xf32, #tpu.memory_space<vmem_shared>> -> memref<10240x64xf32, #tpu.memory_space<vmem_shared>>
      tpu.wait_indirect_dma semaphore(%arg26 : memref<!tpu.dma_semaphore, #tpu.memory_space<semaphore_mem>>) src(%arg12 : memref<128x64xf32, #tpu.memory_space<vmem>>) dst(%dma_wait3A_435 : memref<10240x64xf32, #tpu.memory_space<vmem_shared>>)
      %add3A_436 = arith.constant 3 : i32
      %add3A_437 = arith.addi %add3A_330, %add3A_436 : i32
      %add3A_438 = arith.constant 3 : i32
      %add3A_439 = arith.addi %add3A_437, %add3A_438 : i32
      %min3A_440 = arith.minsi %add3A_439, %sub3A_9 : i32
      "tpu.region"() ({
        %run_scoped3A = tpu.sem_alloc : memref<!tpu.dma_semaphore, #tpu.memory_space<semaphore_mem>>
        %dma_start3A_454 = arith.constant 0 : i32
        %dma_start3A_455 = arith.constant 0 : i32
        %dma_start3A_456 = tpu.memref_slice %arg3[%min3A_440, %dma_start3A_454, %dma_start3A_455] : memref<2560x2x128xi32, #tpu.memory_space<hbm>> -> memref<1x2x128xi32, #tpu.memory_space<hbm>>
        %dma_start3A_457 = tpu.memref_squeeze %dma_start3A_456 : memref<1x2x128xi32, #tpu.memory_space<hbm>> -> memref<2x128xi32, #tpu.memory_space<hbm>>
        %dma_start3A_458 = arith.constant 0 : i32
        %dma_start3A_459 = arith.constant 0 : i32
        %dma_start3A_460 = tpu.memref_slice %arg3[%min3A_440, %dma_start3A_458, %dma_start3A_459] : memref<2560x2x128xi32, #tpu.memory_space<hbm>> -> memref<1x2x128xi32, #tpu.memory_space<hbm>>
        %dma_start3A_461 = tpu.memref_squeeze %dma_start3A_460 : memref<1x2x128xi32, #tpu.memory_space<hbm>> -> memref<2x128xi32, #tpu.memory_space<hbm>>
        tpu.enqueue_dma source(%dma_start3A_461 : memref<2x128xi32, #tpu.memory_space<hbm>>) target(%arg16 : memref<2x128xi32, #tpu.memory_space<vmem>>) target_semaphore(%run_scoped3A : memref<!tpu.dma_semaphore, #tpu.memory_space<semaphore_mem>>)
        %dma_wait3A_462 = arith.constant 0 : i32
        %dma_wait3A_463 = arith.constant 0 : i32
        %dma_wait3A_464 = tpu.memref_slice %arg3[%min3A_440, %dma_wait3A_462, %dma_wait3A_463] : memref<2560x2x128xi32, #tpu.memory_space<hbm>> -> memref<1x2x128xi32, #tpu.memory_space<hbm>>
        %dma_wait3A_465 = tpu.memref_squeeze %dma_wait3A_464 : memref<1x2x128xi32, #tpu.memory_space<hbm>> -> memref<2x128xi32, #tpu.memory_space<hbm>>
        %dma_wait3A_466 = arith.constant 0 : i32
        %dma_wait3A_467 = arith.constant 0 : i32
        %dma_wait3A_468 = tpu.memref_slice %arg3[%min3A_440, %dma_wait3A_466, %dma_wait3A_467] : memref<2560x2x128xi32, #tpu.memory_space<hbm>> -> memref<1x2x128xi32, #tpu.memory_space<hbm>>
        %dma_wait3A_469 = tpu.memref_squeeze %dma_wait3A_468 : memref<1x2x128xi32, #tpu.memory_space<hbm>> -> memref<2x128xi32, #tpu.memory_space<hbm>>
        tpu.wait_dma2 semaphore(%run_scoped3A : memref<!tpu.dma_semaphore, #tpu.memory_space<semaphore_mem>>) src(%dma_wait3A_469 : memref<2x128xi32, #tpu.memory_space<hbm>>) dst(%arg16 : memref<2x128xi32, #tpu.memory_space<vmem>>)
        tpu.yield
      }) : () -> ()
      %dma_start3A_441 = arith.constant 0 : i32
      %dma_start3A_442 = tpu.memref_slice %arg16[%scan3A_38, %dma_start3A_441] : memref<2x128xi32, #tpu.memory_space<vmem>> -> memref<1x128xi32, #tpu.memory_space<vmem>>
      %dma_start3A_443 = tpu.memref_squeeze %dma_start3A_442 : memref<1x128xi32, #tpu.memory_space<vmem>> -> memref<128xi32, #tpu.memory_space<vmem>>
      %dma_start3A_444 = arith.constant 0 : i32
      %dma_start3A_445 = arith.constant 0 : i32
      %dma_start3A_446 = tpu.memref_slice %arg7[%dma_start3A_444, %dma_start3A_445] : memref<10240x64xf32, #tpu.memory_space<vmem_shared>> -> memref<10240x64xf32, #tpu.memory_space<vmem_shared>>
      tpu.enqueue_indirect_dma source(%dma_start3A_446 : memref<10240x64xf32, #tpu.memory_space<vmem_shared>>) target(%arg12 : memref<128x64xf32, #tpu.memory_space<vmem>>) offsets(%dma_start3A_443 : memref<128xi32, #tpu.memory_space<vmem>>) semaphore(%arg22 : memref<!tpu.dma_semaphore, #tpu.memory_space<semaphore_mem>>)
      %dma_wait3A_447 = arith.constant 1 : i32
      %dma_wait3A_448 = arith.constant 0 : i32
      %dma_wait3A_449 = tpu.memref_slice %arg17[%dma_wait3A_447, %dma_wait3A_448] : memref<2x128xi32, #tpu.memory_space<vmem>> -> memref<1x128xi32, #tpu.memory_space<vmem>>
      %dma_wait3A_450 = tpu.memref_squeeze %dma_wait3A_449 : memref<1x128xi32, #tpu.memory_space<vmem>> -> memref<128xi32, #tpu.memory_space<vmem>>
      %dma_wait3A_451 = arith.constant 0 : i32
      %dma_wait3A_452 = arith.constant 0 : i32
      %dma_wait3A_453 = tpu.memref_slice %arg8[%dma_wait3A_451, %dma_wait3A_452] : memref<10240x64xf32, #tpu.memory_space<vmem_shared>> -> memref<10240x64xf32, #tpu.memory_space<vmem_shared>>
      tpu.wait_indirect_dma semaphore(%arg27 : memref<!tpu.dma_semaphore, #tpu.memory_space<semaphore_mem>>) src(%arg13 : memref<128x64xf32, #tpu.memory_space<vmem>>) dst(%dma_wait3A_453 : memref<10240x64xf32, #tpu.memory_space<vmem_shared>>)
    }
    %scan3A_43 = arith.constant 40 : i32
    %dma_wait3A = arith.constant 0 : i32
    %dma_wait3A_44 = arith.constant 0 : i32
    %dma_wait3A_45 = tpu.memref_slice %arg14[%dma_wait3A, %dma_wait3A_44] : memref<2x128xi32, #tpu.memory_space<vmem>> -> memref<1x128xi32, #tpu.memory_space<vmem>>
    %dma_wait3A_46 = tpu.memref_squeeze %dma_wait3A_45 : memref<1x128xi32, #tpu.memory_space<vmem>> -> memref<128xi32, #tpu.memory_space<vmem>>
    %dma_wait3A_47 = arith.constant 0 : i32
    %dma_wait3A_48 = arith.constant 0 : i32
    %dma_wait3A_49 = tpu.memref_slice %arg7[%dma_wait3A_47, %dma_wait3A_48] : memref<10240x64xf32, #tpu.memory_space<vmem_shared>> -> memref<10240x64xf32, #tpu.memory_space<vmem_shared>>
    tpu.wait_indirect_dma semaphore(%arg20 : memref<!tpu.dma_semaphore, #tpu.memory_space<semaphore_mem>>) src(%dma_wait3A_49 : memref<10240x64xf32, #tpu.memory_space<vmem_shared>>) dst(%arg10 : memref<128x64xf32, #tpu.memory_space<vmem>>)
    %dma_wait3A_50 = arith.constant 0 : i32
    %dma_wait3A_51 = arith.constant 0 : i32
    %dma_wait3A_52 = tpu.memref_slice %arg15[%dma_wait3A_50, %dma_wait3A_51] : memref<2x128xi32, #tpu.memory_space<vmem>> -> memref<1x128xi32, #tpu.memory_space<vmem>>
    %dma_wait3A_53 = tpu.memref_squeeze %dma_wait3A_52 : memref<1x128xi32, #tpu.memory_space<vmem>> -> memref<128xi32, #tpu.memory_space<vmem>>
    %dma_wait3A_54 = arith.constant 0 : i32
    %dma_wait3A_55 = arith.constant 0 : i32
    %dma_wait3A_56 = tpu.memref_slice %arg7[%dma_wait3A_54, %dma_wait3A_55] : memref<10240x64xf32, #tpu.memory_space<vmem_shared>> -> memref<10240x64xf32, #tpu.memory_space<vmem_shared>>
    tpu.wait_indirect_dma semaphore(%arg21 : memref<!tpu.dma_semaphore, #tpu.memory_space<semaphore_mem>>) src(%dma_wait3A_56 : memref<10240x64xf32, #tpu.memory_space<vmem_shared>>) dst(%arg11 : memref<128x64xf32, #tpu.memory_space<vmem>>)
    %dma_wait3A_57 = arith.constant 0 : i32
    %dma_wait3A_58 = arith.constant 0 : i32
    %dma_wait3A_59 = tpu.memref_slice %arg16[%dma_wait3A_57, %dma_wait3A_58] : memref<2x128xi32, #tpu.memory_space<vmem>> -> memref<1x128xi32, #tpu.memory_space<vmem>>
    %dma_wait3A_60 = tpu.memref_squeeze %dma_wait3A_59 : memref<1x128xi32, #tpu.memory_space<vmem>> -> memref<128xi32, #tpu.memory_space<vmem>>
    %dma_wait3A_61 = arith.constant 0 : i32
    %dma_wait3A_62 = arith.constant 0 : i32
    %dma_wait3A_63 = tpu.memref_slice %arg7[%dma_wait3A_61, %dma_wait3A_62] : memref<10240x64xf32, #tpu.memory_space<vmem_shared>> -> memref<10240x64xf32, #tpu.memory_space<vmem_shared>>
    tpu.wait_indirect_dma semaphore(%arg22 : memref<!tpu.dma_semaphore, #tpu.memory_space<semaphore_mem>>) src(%dma_wait3A_63 : memref<10240x64xf32, #tpu.memory_space<vmem_shared>>) dst(%arg12 : memref<128x64xf32, #tpu.memory_space<vmem>>)
    %barrier3A_64 = arith.constant 0 : index
    tpu.barrier barrier_id(%barrier3A_64)
    %scan3A_65 = arith.constant 0 : i32
    %scan3A_66 = arith.constant 0 : i32
    %scan3A_67 = arith.constant 5 : i32
    %scan3A_68 = arith.addi %scan3A_66, %scan3A_67 : i32
    %scan3A_69 = arith.constant 1 : i32
    scf.for %scan3A_327 = %scan3A_66 to %scan3A_68 step %scan3A_69  : i32 {
      %mul3A_328 = arith.constant 128 : i32
      %mul3A_329 = arith.muli %scan3A_327, %mul3A_328 : i32
      %add3A_330 = arith.addi %mul3A_0, %mul3A_329 : i32
      "tpu.region"() ({
        %run_scoped3A_337 = tpu.sem_alloc : memref<!tpu.dma_semaphore, #tpu.memory_space<semaphore_mem>>
        %dma_start3A_338 = arith.constant 0 : i32
        %dma_start3A_339 = tpu.memref_slice %arg8[%add3A_330, %dma_start3A_338] : memref<10240x64xf32, #tpu.memory_space<vmem_shared>> -> memref<128x64xf32, #tpu.memory_space<vmem_shared>>
        %dma_start3A_340 = arith.constant 0 : i32
        %dma_start3A_341 = tpu.memref_slice %arg8[%add3A_330, %dma_start3A_340] : memref<10240x64xf32, #tpu.memory_space<vmem_shared>> -> memref<128x64xf32, #tpu.memory_space<vmem_shared>>
        tpu.enqueue_dma source(%dma_start3A_341 : memref<128x64xf32, #tpu.memory_space<vmem_shared>>) target(%arg9 : memref<128x64xf32, #tpu.memory_space<vmem>>) target_semaphore(%run_scoped3A_337 : memref<!tpu.dma_semaphore, #tpu.memory_space<semaphore_mem>>)
        %dma_wait3A_342 = arith.constant 0 : i32
        %dma_wait3A_343 = tpu.memref_slice %arg8[%add3A_330, %dma_wait3A_342] : memref<10240x64xf32, #tpu.memory_space<vmem_shared>> -> memref<128x64xf32, #tpu.memory_space<vmem_shared>>
        %dma_wait3A_344 = arith.constant 0 : i32
        %dma_wait3A_345 = tpu.memref_slice %arg8[%add3A_330, %dma_wait3A_344] : memref<10240x64xf32, #tpu.memory_space<vmem_shared>> -> memref<128x64xf32, #tpu.memory_space<vmem_shared>>
        tpu.wait_dma2 semaphore(%run_scoped3A_337 : memref<!tpu.dma_semaphore, #tpu.memory_space<semaphore_mem>>) src(%dma_wait3A_345 : memref<128x64xf32, #tpu.memory_space<vmem_shared>>) dst(%arg9 : memref<128x64xf32, #tpu.memory_space<vmem>>)
        tpu.yield
      }) : () -> ()
      %scan3A_331 = arith.constant 0 : i32
      %scan3A_332 = arith.constant 0 : i32
      %scan3A_333 = arith.constant 128 : i32
      %scan3A_334 = arith.addi %scan3A_332, %scan3A_333 : i32
      %scan3A_335 = arith.constant 1 : i32
      scf.for %scan3A_337 = %scan3A_332 to %scan3A_334 step %scan3A_335  : i32 {
        %mul3A_338 = arith.constant 128 : i32
        %mul3A_339 = arith.muli %scan3A_327, %mul3A_338 : i32
        %add3A_340 = arith.addi %mul3A_339, %scan3A_337 : i32
        %broadcast_in_dim3A = vector.broadcast %add3A_340 : i32 to vector<16xi32>
        %gather3A = tpu.vector_load_idx %arg19[%broadcast_in_dim3A] : memref<640xf32, #tpu.memory_space<vmem>>[vector<16xi32>], vector<16xf32>,
        %get3A = arith.index_cast %scan3A_337 : i32 to index
        %get3A_341 = arith.constant 0 : index
        %get3A_342 = tpu.vector_load %arg9[%get3A, %get3A_341] {strides = array<i32>} : memref<128x64xf32, #tpu.memory_space<vmem>>, vector<16xf32>,
        %mul3A_343 = arith.mulf %get3A_342, %gather3A : vector<16xf32>
        %swap3A = arith.index_cast %scan3A_337 : i32 to index
        %swap3A_344 = arith.constant 0 : index
        %swap3A_345 = tpu.vector_load %arg9[%swap3A, %swap3A_344] {strides = array<i32>} : memref<128x64xf32, #tpu.memory_space<vmem>>, vector<16xf32>,
        tpu.vector_store %arg9[%swap3A, %swap3A_344], %mul3A_343 {strides = array<i32>} : memref<128x64xf32, #tpu.memory_space<vmem>>, vector<16xf32>,
        %get3A_346 = arith.index_cast %scan3A_337 : i32 to index
        %get3A_347 = arith.constant 16 : index
        %get3A_348 = tpu.vector_load %arg9[%get3A_346, %get3A_347] {strides = array<i32>} : memref<128x64xf32, #tpu.memory_space<vmem>>, vector<16xf32>,
        %mul3A_349 = arith.mulf %get3A_348, %gather3A : vector<16xf32>
        %swap3A_350 = arith.index_cast %scan3A_337 : i32 to index
        %swap3A_351 = arith.constant 16 : index
        %swap3A_352 = tpu.vector_load %arg9[%swap3A_350, %swap3A_351] {strides = array<i32>} : memref<128x64xf32, #tpu.memory_space<vmem>>, vector<16xf32>,
        tpu.vector_store %arg9[%swap3A_350, %swap3A_351], %mul3A_349 {strides = array<i32>} : memref<128x64xf32, #tpu.memory_space<vmem>>, vector<16xf32>,
        %get3A_353 = arith.index_cast %scan3A_337 : i32 to index
        %get3A_354 = arith.constant 32 : index
        %get3A_355 = tpu.vector_load %arg9[%get3A_353, %get3A_354] {strides = array<i32>} : memref<128x64xf32, #tpu.memory_space<vmem>>, vector<16xf32>,
        %mul3A_356 = arith.mulf %get3A_355, %gather3A : vector<16xf32>
        %swap3A_357 = arith.index_cast %scan3A_337 : i32 to index
        %swap3A_358 = arith.constant 32 : index
        %swap3A_359 = tpu.vector_load %arg9[%swap3A_357, %swap3A_358] {strides = array<i32>} : memref<128x64xf32, #tpu.memory_space<vmem>>, vector<16xf32>,
        tpu.vector_store %arg9[%swap3A_357, %swap3A_358], %mul3A_356 {strides = array<i32>} : memref<128x64xf32, #tpu.memory_space<vmem>>, vector<16xf32>,
        %get3A_360 = arith.index_cast %scan3A_337 : i32 to index
        %get3A_361 = arith.constant 48 : index
        %get3A_362 = tpu.vector_load %arg9[%get3A_360, %get3A_361] {strides = array<i32>} : memref<128x64xf32, #tpu.memory_space<vmem>>, vector<16xf32>,
        %mul3A_363 = arith.mulf %get3A_362, %gather3A : vector<16xf32>
        %swap3A_364 = arith.index_cast %scan3A_337 : i32 to index
        %swap3A_365 = arith.constant 48 : index
        %swap3A_366 = tpu.vector_load %arg9[%swap3A_364, %swap3A_365] {strides = array<i32>} : memref<128x64xf32, #tpu.memory_space<vmem>>, vector<16xf32>,
        tpu.vector_store %arg9[%swap3A_364, %swap3A_365], %mul3A_363 {strides = array<i32>} : memref<128x64xf32, #tpu.memory_space<vmem>>, vector<16xf32>,
      }
      %scan3A_336 = arith.constant 128 : i32
      %run_scoped3A = arith.constant 0 : i32
      "tpu.region"() ({
        %run_scoped3A_337 = tpu.sem_alloc : memref<!tpu.dma_semaphore, #tpu.memory_space<semaphore_mem>>
        %dma_start3A_338 = arith.constant 0 : i32
        %dma_start3A_339 = tpu.memref_slice %arg6[%run_scoped3A, %arg0, %add3A_330, %dma_start3A_338] : memref<5x2x10240x64xf32, #tpu.memory_space<hbm>> -> memref<1x1x128x64xf32, #tpu.memory_space<hbm>>
        %dma_start3A_340 = tpu.memref_squeeze %dma_start3A_339 : memref<1x1x128x64xf32, #tpu.memory_space<hbm>> -> memref<128x64xf32, #tpu.memory_space<hbm>>
        %dma_start3A_341 = arith.constant 0 : i32
        %dma_start3A_342 = tpu.memref_slice %arg6[%run_scoped3A, %arg0, %add3A_330, %dma_start3A_341] : memref<5x2x10240x64xf32, #tpu.memory_space<hbm>> -> memref<1x1x128x64xf32, #tpu.memory_space<hbm>>
        %dma_start3A_343 = tpu.memref_squeeze %dma_start3A_342 : memref<1x1x128x64xf32, #tpu.memory_space<hbm>> -> memref<128x64xf32, #tpu.memory_space<hbm>>
        tpu.enqueue_dma source(%arg9 : memref<128x64xf32, #tpu.memory_space<vmem>>) target(%dma_start3A_343 : memref<128x64xf32, #tpu.memory_space<hbm>>) target_semaphore(%run_scoped3A_337 : memref<!tpu.dma_semaphore, #tpu.memory_space<semaphore_mem>>)
        %dma_wait3A_344 = arith.constant 0 : i32
        %dma_wait3A_345 = tpu.memref_slice %arg6[%run_scoped3A, %arg0, %add3A_330, %dma_wait3A_344] : memref<5x2x10240x64xf32, #tpu.memory_space<hbm>> -> memref<1x1x128x64xf32, #tpu.memory_space<hbm>>
        %dma_wait3A_346 = tpu.memref_squeeze %dma_wait3A_345 : memref<1x1x128x64xf32, #tpu.memory_space<hbm>> -> memref<128x64xf32, #tpu.memory_space<hbm>>
        %dma_wait3A_347 = arith.constant 0 : i32
        %dma_wait3A_348 = tpu.memref_slice %arg6[%run_scoped3A, %arg0, %add3A_330, %dma_wait3A_347] : memref<5x2x10240x64xf32, #tpu.memory_space<hbm>> -> memref<1x1x128x64xf32, #tpu.memory_space<hbm>>
        %dma_wait3A_349 = tpu.memref_squeeze %dma_wait3A_348 : memref<1x1x128x64xf32, #tpu.memory_space<hbm>> -> memref<128x64xf32, #tpu.memory_space<hbm>>
        tpu.wait_dma2 semaphore(%run_scoped3A_337 : memref<!tpu.dma_semaphore, #tpu.memory_space<semaphore_mem>>) src(%arg9 : memref<128x64xf32, #tpu.memory_space<vmem>>) dst(%dma_wait3A_349 : memref<128x64xf32, #tpu.memory_space<hbm>>)
        tpu.yield
      }) : () -> ()
      "tpu.region"() ({
        %run_scoped3A_337 = tpu.sem_alloc : memref<!tpu.dma_semaphore, #tpu.memory_space<semaphore_mem>>
        %dma_start3A_338 = arith.constant 0 : i32
        %dma_start3A_339 = tpu.memref_slice %arg7[%add3A_330, %dma_start3A_338] : memref<10240x64xf32, #tpu.memory_space<vmem_shared>> -> memref<128x64xf32, #tpu.memory_space<vmem_shared>>
        %dma_start3A_340 = arith.constant 0 : i32
        %dma_start3A_341 = tpu.memref_slice %arg7[%add3A_330, %dma_start3A_340] : memref<10240x64xf32, #tpu.memory_space<vmem_shared>> -> memref<128x64xf32, #tpu.memory_space<vmem_shared>>
        tpu.enqueue_dma source(%arg9 : memref<128x64xf32, #tpu.memory_space<vmem>>) target(%dma_start3A_341 : memref<128x64xf32, #tpu.memory_space<vmem_shared>>) target_semaphore(%run_scoped3A_337 : memref<!tpu.dma_semaphore, #tpu.memory_space<semaphore_mem>>)
        %dma_wait3A_342 = arith.constant 0 : i32
        %dma_wait3A_343 = tpu.memref_slice %arg7[%add3A_330, %dma_wait3A_342] : memref<10240x64xf32, #tpu.memory_space<vmem_shared>> -> memref<128x64xf32, #tpu.memory_space<vmem_shared>>
        %dma_wait3A_344 = arith.constant 0 : i32
        %dma_wait3A_345 = tpu.memref_slice %arg7[%add3A_330, %dma_wait3A_344] : memref<10240x64xf32, #tpu.memory_space<vmem_shared>> -> memref<128x64xf32, #tpu.memory_space<vmem_shared>>
        tpu.wait_dma2 semaphore(%run_scoped3A_337 : memref<!tpu.dma_semaphore, #tpu.memory_space<semaphore_mem>>) src(%arg9 : memref<128x64xf32, #tpu.memory_space<vmem>>) dst(%dma_wait3A_345 : memref<128x64xf32, #tpu.memory_space<vmem_shared>>)
        tpu.yield
      }) : () -> ()
      "tpu.region"() ({
        %run_scoped3A_337 = tpu.sem_alloc : memref<!tpu.dma_semaphore, #tpu.memory_space<semaphore_mem>>
        %dma_start3A_338 = arith.constant 0 : i32
        %dma_start3A_339 = tpu.memref_slice %arg8[%add3A_330, %dma_start3A_338] : memref<10240x64xf32, #tpu.memory_space<vmem_shared>> -> memref<128x64xf32, #tpu.memory_space<vmem_shared>>
        %dma_start3A_340 = arith.constant 0 : i32
        %dma_start3A_341 = tpu.memref_slice %arg8[%add3A_330, %dma_start3A_340] : memref<10240x64xf32, #tpu.memory_space<vmem_shared>> -> memref<128x64xf32, #tpu.memory_space<vmem_shared>>
        tpu.enqueue_dma source(%arg9 : memref<128x64xf32, #tpu.memory_space<vmem>>) target(%dma_start3A_341 : memref<128x64xf32, #tpu.memory_space<vmem_shared>>) target_semaphore(%run_scoped3A_337 : memref<!tpu.dma_semaphore, #tpu.memory_space<semaphore_mem>>)
        %dma_wait3A_342 = arith.constant 0 : i32
        %dma_wait3A_343 = tpu.memref_slice %arg8[%add3A_330, %dma_wait3A_342] : memref<10240x64xf32, #tpu.memory_space<vmem_shared>> -> memref<128x64xf32, #tpu.memory_space<vmem_shared>>
        %dma_wait3A_344 = arith.constant 0 : i32
        %dma_wait3A_345 = tpu.memref_slice %arg8[%add3A_330, %dma_wait3A_344] : memref<10240x64xf32, #tpu.memory_space<vmem_shared>> -> memref<128x64xf32, #tpu.memory_space<vmem_shared>>
        tpu.wait_dma2 semaphore(%run_scoped3A_337 : memref<!tpu.dma_semaphore, #tpu.memory_space<semaphore_mem>>) src(%arg9 : memref<128x64xf32, #tpu.memory_space<vmem>>) dst(%dma_wait3A_345 : memref<128x64xf32, #tpu.memory_space<vmem_shared>>)
        tpu.yield
      }) : () -> ()
    }
    %scan3A_70 = arith.constant 5 : i32
    %barrier3A_71 = arith.constant 0 : index
    tpu.barrier barrier_id(%barrier3A_71)
    "tpu.region"() ({
      %run_scoped3A = tpu.sem_alloc : memref<!tpu.dma_semaphore, #tpu.memory_space<semaphore_mem>>
      %dma_start3A_327 = arith.constant 0 : i32
      %dma_start3A_328 = arith.constant 0 : i32
      %dma_start3A_329 = tpu.memref_slice %arg3[%mul3A_2, %dma_start3A_327, %dma_start3A_328] : memref<2560x2x128xi32, #tpu.memory_space<hbm>> -> memref<1x2x128xi32, #tpu.memory_space<hbm>>
      %dma_start3A_330 = tpu.memref_squeeze %dma_start3A_329 : memref<1x2x128xi32, #tpu.memory_space<hbm>> -> memref<2x128xi32, #tpu.memory_space<hbm>>
      %dma_start3A_331 = arith.constant 0 : i32
      %dma_start3A_332 = arith.constant 0 : i32
      %dma_start3A_333 = tpu.memref_slice %arg3[%mul3A_2, %dma_start3A_331, %dma_start3A_332] : memref<2560x2x128xi32, #tpu.memory_space<hbm>> -> memref<1x2x128xi32, #tpu.memory_space<hbm>>
      %dma_start3A_334 = tpu.memref_squeeze %dma_start3A_333 : memref<1x2x128xi32, #tpu.memory_space<hbm>> -> memref<2x128xi32, #tpu.memory_space<hbm>>
      tpu.enqueue_dma source(%dma_start3A_334 : memref<2x128xi32, #tpu.memory_space<hbm>>) target(%arg14 : memref<2x128xi32, #tpu.memory_space<vmem>>) target_semaphore(%run_scoped3A : memref<!tpu.dma_semaphore, #tpu.memory_space<semaphore_mem>>)
      %dma_wait3A_335 = arith.constant 0 : i32
      %dma_wait3A_336 = arith.constant 0 : i32
      %dma_wait3A_337 = tpu.memref_slice %arg3[%mul3A_2, %dma_wait3A_335, %dma_wait3A_336] : memref<2560x2x128xi32, #tpu.memory_space<hbm>> -> memref<1x2x128xi32, #tpu.memory_space<hbm>>
      %dma_wait3A_338 = tpu.memref_squeeze %dma_wait3A_337 : memref<1x2x128xi32, #tpu.memory_space<hbm>> -> memref<2x128xi32, #tpu.memory_space<hbm>>
      %dma_wait3A_339 = arith.constant 0 : i32
      %dma_wait3A_340 = arith.constant 0 : i32
      %dma_wait3A_341 = tpu.memref_slice %arg3[%mul3A_2, %dma_wait3A_339, %dma_wait3A_340] : memref<2560x2x128xi32, #tpu.memory_space<hbm>> -> memref<1x2x128xi32, #tpu.memory_space<hbm>>
      %dma_wait3A_342 = tpu.memref_squeeze %dma_wait3A_341 : memref<1x2x128xi32, #tpu.memory_space<hbm>> -> memref<2x128xi32, #tpu.memory_space<hbm>>
      tpu.wait_dma2 semaphore(%run_scoped3A : memref<!tpu.dma_semaphore, #tpu.memory_space<semaphore_mem>>) src(%dma_wait3A_342 : memref<2x128xi32, #tpu.memory_space<hbm>>) dst(%arg14 : memref<2x128xi32, #tpu.memory_space<vmem>>)
      tpu.yield
    }) : () -> ()
    %dma_start3A_72 = arith.constant 0 : i32
    %dma_start3A_73 = arith.constant 0 : i32
    %dma_start3A_74 = tpu.memref_slice %arg14[%dma_start3A_72, %dma_start3A_73] : memref<2x128xi32, #tpu.memory_space<vmem>> -> memref<1x128xi32, #tpu.memory_space<vmem>>
    %dma_start3A_75 = tpu.memref_squeeze %dma_start3A_74 : memref<1x128xi32, #tpu.memory_space<vmem>> -> memref<128xi32, #tpu.memory_space<vmem>>
    %dma_start3A_76 = arith.constant 0 : i32
    %dma_start3A_77 = arith.constant 0 : i32
    %dma_start3A_78 = tpu.memref_slice %arg7[%dma_start3A_76, %dma_start3A_77] : memref<10240x64xf32, #tpu.memory_space<vmem_shared>> -> memref<10240x64xf32, #tpu.memory_space<vmem_shared>>
    tpu.enqueue_indirect_dma source(%dma_start3A_78 : memref<10240x64xf32, #tpu.memory_space<vmem_shared>>) target(%arg10 : memref<128x64xf32, #tpu.memory_space<vmem>>) offsets(%dma_start3A_75 : memref<128xi32, #tpu.memory_space<vmem>>) semaphore(%arg20 : memref<!tpu.dma_semaphore, #tpu.memory_space<semaphore_mem>>)
    %add3A_79 = arith.constant 1 : i32
    %add3A_80 = arith.addi %mul3A_2, %add3A_79 : i32
    "tpu.region"() ({
      %run_scoped3A = tpu.sem_alloc : memref<!tpu.dma_semaphore, #tpu.memory_space<semaphore_mem>>
      %dma_start3A_327 = arith.constant 0 : i32
      %dma_start3A_328 = arith.constant 0 : i32
      %dma_start3A_329 = tpu.memref_slice %arg3[%add3A_80, %dma_start3A_327, %dma_start3A_328] : memref<2560x2x128xi32, #tpu.memory_space<hbm>> -> memref<1x2x128xi32, #tpu.memory_space<hbm>>
      %dma_start3A_330 = tpu.memref_squeeze %dma_start3A_329 : memref<1x2x128xi32, #tpu.memory_space<hbm>> -> memref<2x128xi32, #tpu.memory_space<hbm>>
      %dma_start3A_331 = arith.constant 0 : i32
      %dma_start3A_332 = arith.constant 0 : i32
      %dma_start3A_333 = tpu.memref_slice %arg3[%add3A_80, %dma_start3A_331, %dma_start3A_332] : memref<2560x2x128xi32, #tpu.memory_space<hbm>> -> memref<1x2x128xi32, #tpu.memory_space<hbm>>
      %dma_start3A_334 = tpu.memref_squeeze %dma_start3A_333 : memref<1x2x128xi32, #tpu.memory_space<hbm>> -> memref<2x128xi32, #tpu.memory_space<hbm>>
      tpu.enqueue_dma source(%dma_start3A_334 : memref<2x128xi32, #tpu.memory_space<hbm>>) target(%arg15 : memref<2x128xi32, #tpu.memory_space<vmem>>) target_semaphore(%run_scoped3A : memref<!tpu.dma_semaphore, #tpu.memory_space<semaphore_mem>>)
      %dma_wait3A_335 = arith.constant 0 : i32
      %dma_wait3A_336 = arith.constant 0 : i32
      %dma_wait3A_337 = tpu.memref_slice %arg3[%add3A_80, %dma_wait3A_335, %dma_wait3A_336] : memref<2560x2x128xi32, #tpu.memory_space<hbm>> -> memref<1x2x128xi32, #tpu.memory_space<hbm>>
      %dma_wait3A_338 = tpu.memref_squeeze %dma_wait3A_337 : memref<1x2x128xi32, #tpu.memory_space<hbm>> -> memref<2x128xi32, #tpu.memory_space<hbm>>
      %dma_wait3A_339 = arith.constant 0 : i32
      %dma_wait3A_340 = arith.constant 0 : i32
      %dma_wait3A_341 = tpu.memref_slice %arg3[%add3A_80, %dma_wait3A_339, %dma_wait3A_340] : memref<2560x2x128xi32, #tpu.memory_space<hbm>> -> memref<1x2x128xi32, #tpu.memory_space<hbm>>
      %dma_wait3A_342 = tpu.memref_squeeze %dma_wait3A_341 : memref<1x2x128xi32, #tpu.memory_space<hbm>> -> memref<2x128xi32, #tpu.memory_space<hbm>>
      tpu.wait_dma2 semaphore(%run_scoped3A : memref<!tpu.dma_semaphore, #tpu.memory_space<semaphore_mem>>) src(%dma_wait3A_342 : memref<2x128xi32, #tpu.memory_space<hbm>>) dst(%arg15 : memref<2x128xi32, #tpu.memory_space<vmem>>)
      tpu.yield
    }) : () -> ()
    %dma_start3A_81 = arith.constant 0 : i32
    %dma_start3A_82 = arith.constant 0 : i32
    %dma_start3A_83 = tpu.memref_slice %arg15[%dma_start3A_81, %dma_start3A_82] : memref<2x128xi32, #tpu.memory_space<vmem>> -> memref<1x128xi32, #tpu.memory_space<vmem>>
    %dma_start3A_84 = tpu.memref_squeeze %dma_start3A_83 : memref<1x128xi32, #tpu.memory_space<vmem>> -> memref<128xi32, #tpu.memory_space<vmem>>
    %dma_start3A_85 = arith.constant 0 : i32
    %dma_start3A_86 = arith.constant 0 : i32
    %dma_start3A_87 = tpu.memref_slice %arg7[%dma_start3A_85, %dma_start3A_86] : memref<10240x64xf32, #tpu.memory_space<vmem_shared>> -> memref<10240x64xf32, #tpu.memory_space<vmem_shared>>
    tpu.enqueue_indirect_dma source(%dma_start3A_87 : memref<10240x64xf32, #tpu.memory_space<vmem_shared>>) target(%arg11 : memref<128x64xf32, #tpu.memory_space<vmem>>) offsets(%dma_start3A_84 : memref<128xi32, #tpu.memory_space<vmem>>) semaphore(%arg21 : memref<!tpu.dma_semaphore, #tpu.memory_space<semaphore_mem>>)
    %add3A_88 = arith.constant 2 : i32
    %add3A_89 = arith.addi %mul3A_2, %add3A_88 : i32
    "tpu.region"() ({
      %run_scoped3A = tpu.sem_alloc : memref<!tpu.dma_semaphore, #tpu.memory_space<semaphore_mem>>
      %dma_start3A_327 = arith.constant 0 : i32
      %dma_start3A_328 = arith.constant 0 : i32
      %dma_start3A_329 = tpu.memref_slice %arg3[%add3A_89, %dma_start3A_327, %dma_start3A_328] : memref<2560x2x128xi32, #tpu.memory_space<hbm>> -> memref<1x2x128xi32, #tpu.memory_space<hbm>>
      %dma_start3A_330 = tpu.memref_squeeze %dma_start3A_329 : memref<1x2x128xi32, #tpu.memory_space<hbm>> -> memref<2x128xi32, #tpu.memory_space<hbm>>
      %dma_start3A_331 = arith.constant 0 : i32
      %dma_start3A_332 = arith.constant 0 : i32
      %dma_start3A_333 = tpu.memref_slice %arg3[%add3A_89, %dma_start3A_331, %dma_start3A_332] : memref<2560x2x128xi32, #tpu.memory_space<hbm>> -> memref<1x2x128xi32, #tpu.memory_space<hbm>>
      %dma_start3A_334 = tpu.memref_squeeze %dma_start3A_333 : memref<1x2x128xi32, #tpu.memory_space<hbm>> -> memref<2x128xi32, #tpu.memory_space<hbm>>
      tpu.enqueue_dma source(%dma_start3A_334 : memref<2x128xi32, #tpu.memory_space<hbm>>) target(%arg16 : memref<2x128xi32, #tpu.memory_space<vmem>>) target_semaphore(%run_scoped3A : memref<!tpu.dma_semaphore, #tpu.memory_space<semaphore_mem>>)
      %dma_wait3A_335 = arith.constant 0 : i32
      %dma_wait3A_336 = arith.constant 0 : i32
      %dma_wait3A_337 = tpu.memref_slice %arg3[%add3A_89, %dma_wait3A_335, %dma_wait3A_336] : memref<2560x2x128xi32, #tpu.memory_space<hbm>> -> memref<1x2x128xi32, #tpu.memory_space<hbm>>
      %dma_wait3A_338 = tpu.memref_squeeze %dma_wait3A_337 : memref<1x2x128xi32, #tpu.memory_space<hbm>> -> memref<2x128xi32, #tpu.memory_space<hbm>>
      %dma_wait3A_339 = arith.constant 0 : i32
      %dma_wait3A_340 = arith.constant 0 : i32
      %dma_wait3A_341 = tpu.memref_slice %arg3[%add3A_89, %dma_wait3A_339, %dma_wait3A_340] : memref<2560x2x128xi32, #tpu.memory_space<hbm>> -> memref<1x2x128xi32, #tpu.memory_space<hbm>>
      %dma_wait3A_342 = tpu.memref_squeeze %dma_wait3A_341 : memref<1x2x128xi32, #tpu.memory_space<hbm>> -> memref<2x128xi32, #tpu.memory_space<hbm>>
      tpu.wait_dma2 semaphore(%run_scoped3A : memref<!tpu.dma_semaphore, #tpu.memory_space<semaphore_mem>>) src(%dma_wait3A_342 : memref<2x128xi32, #tpu.memory_space<hbm>>) dst(%arg16 : memref<2x128xi32, #tpu.memory_space<vmem>>)
      tpu.yield
    }) : () -> ()
    %dma_start3A_90 = arith.constant 0 : i32
    %dma_start3A_91 = arith.constant 0 : i32
    %dma_start3A_92 = tpu.memref_slice %arg16[%dma_start3A_90, %dma_start3A_91] : memref<2x128xi32, #tpu.memory_space<vmem>> -> memref<1x128xi32, #tpu.memory_space<vmem>>
    %dma_start3A_93 = tpu.memref_squeeze %dma_start3A_92 : memref<1x128xi32, #tpu.memory_space<vmem>> -> memref<128xi32, #tpu.memory_space<vmem>>
    %dma_start3A_94 = arith.constant 0 : i32
    %dma_start3A_95 = arith.constant 0 : i32
    %dma_start3A_96 = tpu.memref_slice %arg7[%dma_start3A_94, %dma_start3A_95] : memref<10240x64xf32, #tpu.memory_space<vmem_shared>> -> memref<10240x64xf32, #tpu.memory_space<vmem_shared>>
    tpu.enqueue_indirect_dma source(%dma_start3A_96 : memref<10240x64xf32, #tpu.memory_space<vmem_shared>>) target(%arg12 : memref<128x64xf32, #tpu.memory_space<vmem>>) offsets(%dma_start3A_93 : memref<128xi32, #tpu.memory_space<vmem>>) semaphore(%arg22 : memref<!tpu.dma_semaphore, #tpu.memory_space<semaphore_mem>>)
    %scan3A_97 = arith.constant 0 : i32
    %scan3A_98 = arith.constant 0 : i32
    %scan3A_99 = arith.constant 0 : i32
    %scan3A_100 = arith.constant 0 : i32
    %scan3A_101 = arith.constant 0 : i32
    %scan3A_102 = arith.constant 0 : i32
    %scan3A_103 = arith.constant 40 : i32
    %scan3A_104 = arith.addi %scan3A_102, %scan3A_103 : i32
    %scan3A_105 = arith.constant 1 : i32
    scf.for %scan3A_327 = %scan3A_102 to %scan3A_104 step %scan3A_105  : i32 {
      %mul3A_328 = arith.constant 4 : i32
      %mul3A_329 = arith.muli %mul3A_328, %scan3A_327 : i32
      %add3A_330 = arith.addi %mul3A_2, %mul3A_329 : i32
      %dma_wait3A_331 = arith.constant 0 : i32
      %dma_wait3A_332 = tpu.memref_slice %arg14[%scan3A_98, %dma_wait3A_331] : memref<2x128xi32, #tpu.memory_space<vmem>> -> memref<1x128xi32, #tpu.memory_space<vmem>>
      %dma_wait3A_333 = tpu.memref_squeeze %dma_wait3A_332 : memref<1x128xi32, #tpu.memory_space<vmem>> -> memref<128xi32, #tpu.memory_space<vmem>>
      %dma_wait3A_334 = arith.constant 0 : i32
      %dma_wait3A_335 = arith.constant 0 : i32
      %dma_wait3A_336 = tpu.memref_slice %arg7[%dma_wait3A_334, %dma_wait3A_335] : memref<10240x64xf32, #tpu.memory_space<vmem_shared>> -> memref<10240x64xf32, #tpu.memory_space<vmem_shared>>
      tpu.wait_indirect_dma semaphore(%arg20 : memref<!tpu.dma_semaphore, #tpu.memory_space<semaphore_mem>>) src(%dma_wait3A_336 : memref<10240x64xf32, #tpu.memory_space<vmem_shared>>) dst(%arg10 : memref<128x64xf32, #tpu.memory_space<vmem>>)
      %dma_start3A_337 = arith.constant 1 : i32
      %dma_start3A_338 = arith.constant 0 : i32
      %dma_start3A_339 = tpu.memref_slice %arg14[%dma_start3A_337, %dma_start3A_338] : memref<2x128xi32, #tpu.memory_space<vmem>> -> memref<1x128xi32, #tpu.memory_space<vmem>>
      %dma_start3A_340 = tpu.memref_squeeze %dma_start3A_339 : memref<1x128xi32, #tpu.memory_space<vmem>> -> memref<128xi32, #tpu.memory_space<vmem>>
      %dma_start3A_341 = arith.constant 0 : i32
      %dma_start3A_342 = arith.constant 0 : i32
      %dma_start3A_343 = tpu.memref_slice %arg8[%dma_start3A_341, %dma_start3A_342] : memref<10240x64xf32, #tpu.memory_space<vmem_shared>> -> memref<10240x64xf32, #tpu.memory_space<vmem_shared>>
      tpu.enqueue_indirect_dma source(%arg10 : memref<128x64xf32, #tpu.memory_space<vmem>>) target(%dma_start3A_343 : memref<10240x64xf32, #tpu.memory_space<vmem_shared>>) offsets(%dma_start3A_340 : memref<128xi32, #tpu.memory_space<vmem>>) semaphore(%arg24 : memref<!tpu.dma_semaphore, #tpu.memory_space<semaphore_mem>>) {add = true}
      %add3A_344 = arith.constant 3 : i32
      %add3A_345 = arith.addi %add3A_330, %add3A_344 : i32
      %add3A_346 = arith.constant 0 : i32
      %add3A_347 = arith.addi %add3A_345, %add3A_346 : i32
      %min3A = arith.minsi %add3A_347, %sub3A_9 : i32
      "tpu.region"() ({
        %run_scoped3A = tpu.sem_alloc : memref<!tpu.dma_semaphore, #tpu.memory_space<semaphore_mem>>
        %dma_start3A_454 = arith.constant 0 : i32
        %dma_start3A_455 = arith.constant 0 : i32
        %dma_start3A_456 = tpu.memref_slice %arg3[%min3A, %dma_start3A_454, %dma_start3A_455] : memref<2560x2x128xi32, #tpu.memory_space<hbm>> -> memref<1x2x128xi32, #tpu.memory_space<hbm>>
        %dma_start3A_457 = tpu.memref_squeeze %dma_start3A_456 : memref<1x2x128xi32, #tpu.memory_space<hbm>> -> memref<2x128xi32, #tpu.memory_space<hbm>>
        %dma_start3A_458 = arith.constant 0 : i32
        %dma_start3A_459 = arith.constant 0 : i32
        %dma_start3A_460 = tpu.memref_slice %arg3[%min3A, %dma_start3A_458, %dma_start3A_459] : memref<2560x2x128xi32, #tpu.memory_space<hbm>> -> memref<1x2x128xi32, #tpu.memory_space<hbm>>
        %dma_start3A_461 = tpu.memref_squeeze %dma_start3A_460 : memref<1x2x128xi32, #tpu.memory_space<hbm>> -> memref<2x128xi32, #tpu.memory_space<hbm>>
        tpu.enqueue_dma source(%dma_start3A_461 : memref<2x128xi32, #tpu.memory_space<hbm>>) target(%arg17 : memref<2x128xi32, #tpu.memory_space<vmem>>) target_semaphore(%run_scoped3A : memref<!tpu.dma_semaphore, #tpu.memory_space<semaphore_mem>>)
        %dma_wait3A_462 = arith.constant 0 : i32
        %dma_wait3A_463 = arith.constant 0 : i32
        %dma_wait3A_464 = tpu.memref_slice %arg3[%min3A, %dma_wait3A_462, %dma_wait3A_463] : memref<2560x2x128xi32, #tpu.memory_space<hbm>> -> memref<1x2x128xi32, #tpu.memory_space<hbm>>
        %dma_wait3A_465 = tpu.memref_squeeze %dma_wait3A_464 : memref<1x2x128xi32, #tpu.memory_space<hbm>> -> memref<2x128xi32, #tpu.memory_space<hbm>>
        %dma_wait3A_466 = arith.constant 0 : i32
        %dma_wait3A_467 = arith.constant 0 : i32
        %dma_wait3A_468 = tpu.memref_slice %arg3[%min3A, %dma_wait3A_466, %dma_wait3A_467] : memref<2560x2x128xi32, #tpu.memory_space<hbm>> -> memref<1x2x128xi32, #tpu.memory_space<hbm>>
        %dma_wait3A_469 = tpu.memref_squeeze %dma_wait3A_468 : memref<1x2x128xi32, #tpu.memory_space<hbm>> -> memref<2x128xi32, #tpu.memory_space<hbm>>
        tpu.wait_dma2 semaphore(%run_scoped3A : memref<!tpu.dma_semaphore, #tpu.memory_space<semaphore_mem>>) src(%dma_wait3A_469 : memref<2x128xi32, #tpu.memory_space<hbm>>) dst(%arg17 : memref<2x128xi32, #tpu.memory_space<vmem>>)
        tpu.yield
      }) : () -> ()
      %dma_start3A_348 = arith.constant 0 : i32
      %dma_start3A_349 = tpu.memref_slice %arg17[%scan3A_99, %dma_start3A_348] : memref<2x128xi32, #tpu.memory_space<vmem>> -> memref<1x128xi32, #tpu.memory_space<vmem>>
      %dma_start3A_350 = tpu.memref_squeeze %dma_start3A_349 : memref<1x128xi32, #tpu.memory_space<vmem>> -> memref<128xi32, #tpu.memory_space<vmem>>
      %dma_start3A_351 = arith.constant 0 : i32
      %dma_start3A_352 = arith.constant 0 : i32
      %dma_start3A_353 = tpu.memref_slice %arg7[%dma_start3A_351, %dma_start3A_352] : memref<10240x64xf32, #tpu.memory_space<vmem_shared>> -> memref<10240x64xf32, #tpu.memory_space<vmem_shared>>
      tpu.enqueue_indirect_dma source(%dma_start3A_353 : memref<10240x64xf32, #tpu.memory_space<vmem_shared>>) target(%arg13 : memref<128x64xf32, #tpu.memory_space<vmem>>) offsets(%dma_start3A_350 : memref<128xi32, #tpu.memory_space<vmem>>) semaphore(%arg23 : memref<!tpu.dma_semaphore, #tpu.memory_space<semaphore_mem>>)
      %dma_wait3A_354 = arith.constant 0 : i32
      %dma_wait3A_355 = tpu.memref_slice %arg15[%scan3A_100, %dma_wait3A_354] : memref<2x128xi32, #tpu.memory_space<vmem>> -> memref<1x128xi32, #tpu.memory_space<vmem>>
      %dma_wait3A_356 = tpu.memref_squeeze %dma_wait3A_355 : memref<1x128xi32, #tpu.memory_space<vmem>> -> memref<128xi32, #tpu.memory_space<vmem>>
      %dma_wait3A_357 = arith.constant 0 : i32
      %dma_wait3A_358 = arith.constant 0 : i32
      %dma_wait3A_359 = tpu.memref_slice %arg7[%dma_wait3A_357, %dma_wait3A_358] : memref<10240x64xf32, #tpu.memory_space<vmem_shared>> -> memref<10240x64xf32, #tpu.memory_space<vmem_shared>>
      tpu.wait_indirect_dma semaphore(%arg21 : memref<!tpu.dma_semaphore, #tpu.memory_space<semaphore_mem>>) src(%dma_wait3A_359 : memref<10240x64xf32, #tpu.memory_space<vmem_shared>>) dst(%arg11 : memref<128x64xf32, #tpu.memory_space<vmem>>)
      %dma_start3A_360 = arith.constant 1 : i32
      %dma_start3A_361 = arith.constant 0 : i32
      %dma_start3A_362 = tpu.memref_slice %arg15[%dma_start3A_360, %dma_start3A_361] : memref<2x128xi32, #tpu.memory_space<vmem>> -> memref<1x128xi32, #tpu.memory_space<vmem>>
      %dma_start3A_363 = tpu.memref_squeeze %dma_start3A_362 : memref<1x128xi32, #tpu.memory_space<vmem>> -> memref<128xi32, #tpu.memory_space<vmem>>
      %dma_start3A_364 = arith.constant 0 : i32
      %dma_start3A_365 = arith.constant 0 : i32
      %dma_start3A_366 = tpu.memref_slice %arg8[%dma_start3A_364, %dma_start3A_365] : memref<10240x64xf32, #tpu.memory_space<vmem_shared>> -> memref<10240x64xf32, #tpu.memory_space<vmem_shared>>
      tpu.enqueue_indirect_dma source(%arg11 : memref<128x64xf32, #tpu.memory_space<vmem>>) target(%dma_start3A_366 : memref<10240x64xf32, #tpu.memory_space<vmem_shared>>) offsets(%dma_start3A_363 : memref<128xi32, #tpu.memory_space<vmem>>) semaphore(%arg25 : memref<!tpu.dma_semaphore, #tpu.memory_space<semaphore_mem>>) {add = true}
      %dma_wait3A_367 = arith.constant 1 : i32
      %dma_wait3A_368 = arith.constant 0 : i32
      %dma_wait3A_369 = tpu.memref_slice %arg14[%dma_wait3A_367, %dma_wait3A_368] : memref<2x128xi32, #tpu.memory_space<vmem>> -> memref<1x128xi32, #tpu.memory_space<vmem>>
      %dma_wait3A_370 = tpu.memref_squeeze %dma_wait3A_369 : memref<1x128xi32, #tpu.memory_space<vmem>> -> memref<128xi32, #tpu.memory_space<vmem>>
      %dma_wait3A_371 = arith.constant 0 : i32
      %dma_wait3A_372 = arith.constant 0 : i32
      %dma_wait3A_373 = tpu.memref_slice %arg8[%dma_wait3A_371, %dma_wait3A_372] : memref<10240x64xf32, #tpu.memory_space<vmem_shared>> -> memref<10240x64xf32, #tpu.memory_space<vmem_shared>>
      tpu.wait_indirect_dma semaphore(%arg24 : memref<!tpu.dma_semaphore, #tpu.memory_space<semaphore_mem>>) src(%arg10 : memref<128x64xf32, #tpu.memory_space<vmem>>) dst(%dma_wait3A_373 : memref<10240x64xf32, #tpu.memory_space<vmem_shared>>)
      %add3A_374 = arith.constant 3 : i32
      %add3A_375 = arith.addi %add3A_330, %add3A_374 : i32
      %add3A_376 = arith.constant 1 : i32
      %add3A_377 = arith.addi %add3A_375, %add3A_376 : i32
      %min3A_378 = arith.minsi %add3A_377, %sub3A_9 : i32
      "tpu.region"() ({
        %run_scoped3A = tpu.sem_alloc : memref<!tpu.dma_semaphore, #tpu.memory_space<semaphore_mem>>
        %dma_start3A_454 = arith.constant 0 : i32
        %dma_start3A_455 = arith.constant 0 : i32
        %dma_start3A_456 = tpu.memref_slice %arg3[%min3A_378, %dma_start3A_454, %dma_start3A_455] : memref<2560x2x128xi32, #tpu.memory_space<hbm>> -> memref<1x2x128xi32, #tpu.memory_space<hbm>>
        %dma_start3A_457 = tpu.memref_squeeze %dma_start3A_456 : memref<1x2x128xi32, #tpu.memory_space<hbm>> -> memref<2x128xi32, #tpu.memory_space<hbm>>
        %dma_start3A_458 = arith.constant 0 : i32
        %dma_start3A_459 = arith.constant 0 : i32
        %dma_start3A_460 = tpu.memref_slice %arg3[%min3A_378, %dma_start3A_458, %dma_start3A_459] : memref<2560x2x128xi32, #tpu.memory_space<hbm>> -> memref<1x2x128xi32, #tpu.memory_space<hbm>>
        %dma_start3A_461 = tpu.memref_squeeze %dma_start3A_460 : memref<1x2x128xi32, #tpu.memory_space<hbm>> -> memref<2x128xi32, #tpu.memory_space<hbm>>
        tpu.enqueue_dma source(%dma_start3A_461 : memref<2x128xi32, #tpu.memory_space<hbm>>) target(%arg14 : memref<2x128xi32, #tpu.memory_space<vmem>>) target_semaphore(%run_scoped3A : memref<!tpu.dma_semaphore, #tpu.memory_space<semaphore_mem>>)
        %dma_wait3A_462 = arith.constant 0 : i32
        %dma_wait3A_463 = arith.constant 0 : i32
        %dma_wait3A_464 = tpu.memref_slice %arg3[%min3A_378, %dma_wait3A_462, %dma_wait3A_463] : memref<2560x2x128xi32, #tpu.memory_space<hbm>> -> memref<1x2x128xi32, #tpu.memory_space<hbm>>
        %dma_wait3A_465 = tpu.memref_squeeze %dma_wait3A_464 : memref<1x2x128xi32, #tpu.memory_space<hbm>> -> memref<2x128xi32, #tpu.memory_space<hbm>>
        %dma_wait3A_466 = arith.constant 0 : i32
        %dma_wait3A_467 = arith.constant 0 : i32
        %dma_wait3A_468 = tpu.memref_slice %arg3[%min3A_378, %dma_wait3A_466, %dma_wait3A_467] : memref<2560x2x128xi32, #tpu.memory_space<hbm>> -> memref<1x2x128xi32, #tpu.memory_space<hbm>>
        %dma_wait3A_469 = tpu.memref_squeeze %dma_wait3A_468 : memref<1x2x128xi32, #tpu.memory_space<hbm>> -> memref<2x128xi32, #tpu.memory_space<hbm>>
        tpu.wait_dma2 semaphore(%run_scoped3A : memref<!tpu.dma_semaphore, #tpu.memory_space<semaphore_mem>>) src(%dma_wait3A_469 : memref<2x128xi32, #tpu.memory_space<hbm>>) dst(%arg14 : memref<2x128xi32, #tpu.memory_space<vmem>>)
        tpu.yield
      }) : () -> ()
      %dma_start3A_379 = arith.constant 0 : i32
      %dma_start3A_380 = tpu.memref_slice %arg14[%scan3A_98, %dma_start3A_379] : memref<2x128xi32, #tpu.memory_space<vmem>> -> memref<1x128xi32, #tpu.memory_space<vmem>>
      %dma_start3A_381 = tpu.memref_squeeze %dma_start3A_380 : memref<1x128xi32, #tpu.memory_space<vmem>> -> memref<128xi32, #tpu.memory_space<vmem>>
      %dma_start3A_382 = arith.constant 0 : i32
      %dma_start3A_383 = arith.constant 0 : i32
      %dma_start3A_384 = tpu.memref_slice %arg7[%dma_start3A_382, %dma_start3A_383] : memref<10240x64xf32, #tpu.memory_space<vmem_shared>> -> memref<10240x64xf32, #tpu.memory_space<vmem_shared>>
      tpu.enqueue_indirect_dma source(%dma_start3A_384 : memref<10240x64xf32, #tpu.memory_space<vmem_shared>>) target(%arg10 : memref<128x64xf32, #tpu.memory_space<vmem>>) offsets(%dma_start3A_381 : memref<128xi32, #tpu.memory_space<vmem>>) semaphore(%arg20 : memref<!tpu.dma_semaphore, #tpu.memory_space<semaphore_mem>>)
      %dma_wait3A_385 = arith.constant 0 : i32
      %dma_wait3A_386 = tpu.memref_slice %arg16[%scan3A_101, %dma_wait3A_385] : memref<2x128xi32, #tpu.memory_space<vmem>> -> memref<1x128xi32, #tpu.memory_space<vmem>>
      %dma_wait3A_387 = tpu.memref_squeeze %dma_wait3A_386 : memref<1x128xi32, #tpu.memory_space<vmem>> -> memref<128xi32, #tpu.memory_space<vmem>>
      %dma_wait3A_388 = arith.constant 0 : i32
      %dma_wait3A_389 = arith.constant 0 : i32
      %dma_wait3A_390 = tpu.memref_slice %arg7[%dma_wait3A_388, %dma_wait3A_389] : memref<10240x64xf32, #tpu.memory_space<vmem_shared>> -> memref<10240x64xf32, #tpu.memory_space<vmem_shared>>
      tpu.wait_indirect_dma semaphore(%arg22 : memref<!tpu.dma_semaphore, #tpu.memory_space<semaphore_mem>>) src(%dma_wait3A_390 : memref<10240x64xf32, #tpu.memory_space<vmem_shared>>) dst(%arg12 : memref<128x64xf32, #tpu.memory_space<vmem>>)
      %dma_start3A_391 = arith.constant 1 : i32
      %dma_start3A_392 = arith.constant 0 : i32
      %dma_start3A_393 = tpu.memref_slice %arg16[%dma_start3A_391, %dma_start3A_392] : memref<2x128xi32, #tpu.memory_space<vmem>> -> memref<1x128xi32, #tpu.memory_space<vmem>>
      %dma_start3A_394 = tpu.memref_squeeze %dma_start3A_393 : memref<1x128xi32, #tpu.memory_space<vmem>> -> memref<128xi32, #tpu.memory_space<vmem>>
      %dma_start3A_395 = arith.constant 0 : i32
      %dma_start3A_396 = arith.constant 0 : i32
      %dma_start3A_397 = tpu.memref_slice %arg8[%dma_start3A_395, %dma_start3A_396] : memref<10240x64xf32, #tpu.memory_space<vmem_shared>> -> memref<10240x64xf32, #tpu.memory_space<vmem_shared>>
      tpu.enqueue_indirect_dma source(%arg12 : memref<128x64xf32, #tpu.memory_space<vmem>>) target(%dma_start3A_397 : memref<10240x64xf32, #tpu.memory_space<vmem_shared>>) offsets(%dma_start3A_394 : memref<128xi32, #tpu.memory_space<vmem>>) semaphore(%arg26 : memref<!tpu.dma_semaphore, #tpu.memory_space<semaphore_mem>>) {add = true}
      %dma_wait3A_398 = arith.constant 1 : i32
      %dma_wait3A_399 = arith.constant 0 : i32
      %dma_wait3A_400 = tpu.memref_slice %arg15[%dma_wait3A_398, %dma_wait3A_399] : memref<2x128xi32, #tpu.memory_space<vmem>> -> memref<1x128xi32, #tpu.memory_space<vmem>>
      %dma_wait3A_401 = tpu.memref_squeeze %dma_wait3A_400 : memref<1x128xi32, #tpu.memory_space<vmem>> -> memref<128xi32, #tpu.memory_space<vmem>>
      %dma_wait3A_402 = arith.constant 0 : i32
      %dma_wait3A_403 = arith.constant 0 : i32
      %dma_wait3A_404 = tpu.memref_slice %arg8[%dma_wait3A_402, %dma_wait3A_403] : memref<10240x64xf32, #tpu.memory_space<vmem_shared>> -> memref<10240x64xf32, #tpu.memory_space<vmem_shared>>
      tpu.wait_indirect_dma semaphore(%arg25 : memref<!tpu.dma_semaphore, #tpu.memory_space<semaphore_mem>>) src(%arg11 : memref<128x64xf32, #tpu.memory_space<vmem>>) dst(%dma_wait3A_404 : memref<10240x64xf32, #tpu.memory_space<vmem_shared>>)
      %add3A_405 = arith.constant 3 : i32
      %add3A_406 = arith.addi %add3A_330, %add3A_405 : i32
      %add3A_407 = arith.constant 2 : i32
      %add3A_408 = arith.addi %add3A_406, %add3A_407 : i32
      %min3A_409 = arith.minsi %add3A_408, %sub3A_9 : i32
      "tpu.region"() ({
        %run_scoped3A = tpu.sem_alloc : memref<!tpu.dma_semaphore, #tpu.memory_space<semaphore_mem>>
        %dma_start3A_454 = arith.constant 0 : i32
        %dma_start3A_455 = arith.constant 0 : i32
        %dma_start3A_456 = tpu.memref_slice %arg3[%min3A_409, %dma_start3A_454, %dma_start3A_455] : memref<2560x2x128xi32, #tpu.memory_space<hbm>> -> memref<1x2x128xi32, #tpu.memory_space<hbm>>
        %dma_start3A_457 = tpu.memref_squeeze %dma_start3A_456 : memref<1x2x128xi32, #tpu.memory_space<hbm>> -> memref<2x128xi32, #tpu.memory_space<hbm>>
        %dma_start3A_458 = arith.constant 0 : i32
        %dma_start3A_459 = arith.constant 0 : i32
        %dma_start3A_460 = tpu.memref_slice %arg3[%min3A_409, %dma_start3A_458, %dma_start3A_459] : memref<2560x2x128xi32, #tpu.memory_space<hbm>> -> memref<1x2x128xi32, #tpu.memory_space<hbm>>
        %dma_start3A_461 = tpu.memref_squeeze %dma_start3A_460 : memref<1x2x128xi32, #tpu.memory_space<hbm>> -> memref<2x128xi32, #tpu.memory_space<hbm>>
        tpu.enqueue_dma source(%dma_start3A_461 : memref<2x128xi32, #tpu.memory_space<hbm>>) target(%arg15 : memref<2x128xi32, #tpu.memory_space<vmem>>) target_semaphore(%run_scoped3A : memref<!tpu.dma_semaphore, #tpu.memory_space<semaphore_mem>>)
        %dma_wait3A_462 = arith.constant 0 : i32
        %dma_wait3A_463 = arith.constant 0 : i32
        %dma_wait3A_464 = tpu.memref_slice %arg3[%min3A_409, %dma_wait3A_462, %dma_wait3A_463] : memref<2560x2x128xi32, #tpu.memory_space<hbm>> -> memref<1x2x128xi32, #tpu.memory_space<hbm>>
        %dma_wait3A_465 = tpu.memref_squeeze %dma_wait3A_464 : memref<1x2x128xi32, #tpu.memory_space<hbm>> -> memref<2x128xi32, #tpu.memory_space<hbm>>
        %dma_wait3A_466 = arith.constant 0 : i32
        %dma_wait3A_467 = arith.constant 0 : i32
        %dma_wait3A_468 = tpu.memref_slice %arg3[%min3A_409, %dma_wait3A_466, %dma_wait3A_467] : memref<2560x2x128xi32, #tpu.memory_space<hbm>> -> memref<1x2x128xi32, #tpu.memory_space<hbm>>
        %dma_wait3A_469 = tpu.memref_squeeze %dma_wait3A_468 : memref<1x2x128xi32, #tpu.memory_space<hbm>> -> memref<2x128xi32, #tpu.memory_space<hbm>>
        tpu.wait_dma2 semaphore(%run_scoped3A : memref<!tpu.dma_semaphore, #tpu.memory_space<semaphore_mem>>) src(%dma_wait3A_469 : memref<2x128xi32, #tpu.memory_space<hbm>>) dst(%arg15 : memref<2x128xi32, #tpu.memory_space<vmem>>)
        tpu.yield
      }) : () -> ()
      %dma_start3A_410 = arith.constant 0 : i32
      %dma_start3A_411 = tpu.memref_slice %arg15[%scan3A_100, %dma_start3A_410] : memref<2x128xi32, #tpu.memory_space<vmem>> -> memref<1x128xi32, #tpu.memory_space<vmem>>
      %dma_start3A_412 = tpu.memref_squeeze %dma_start3A_411 : memref<1x128xi32, #tpu.memory_space<vmem>> -> memref<128xi32, #tpu.memory_space<vmem>>
      %dma_start3A_413 = arith.constant 0 : i32
      %dma_start3A_414 = arith.constant 0 : i32
      %dma_start3A_415 = tpu.memref_slice %arg7[%dma_start3A_413, %dma_start3A_414] : memref<10240x64xf32, #tpu.memory_space<vmem_shared>> -> memref<10240x64xf32, #tpu.memory_space<vmem_shared>>
      tpu.enqueue_indirect_dma source(%dma_start3A_415 : memref<10240x64xf32, #tpu.memory_space<vmem_shared>>) target(%arg11 : memref<128x64xf32, #tpu.memory_space<vmem>>) offsets(%dma_start3A_412 : memref<128xi32, #tpu.memory_space<vmem>>) semaphore(%arg21 : memref<!tpu.dma_semaphore, #tpu.memory_space<semaphore_mem>>)
      %dma_wait3A_416 = arith.constant 0 : i32
      %dma_wait3A_417 = tpu.memref_slice %arg17[%scan3A_99, %dma_wait3A_416] : memref<2x128xi32, #tpu.memory_space<vmem>> -> memref<1x128xi32, #tpu.memory_space<vmem>>
      %dma_wait3A_418 = tpu.memref_squeeze %dma_wait3A_417 : memref<1x128xi32, #tpu.memory_space<vmem>> -> memref<128xi32, #tpu.memory_space<vmem>>
      %dma_wait3A_419 = arith.constant 0 : i32
      %dma_wait3A_420 = arith.constant 0 : i32
      %dma_wait3A_421 = tpu.memref_slice %arg7[%dma_wait3A_419, %dma_wait3A_420] : memref<10240x64xf32, #tpu.memory_space<vmem_shared>> -> memref<10240x64xf32, #tpu.memory_space<vmem_shared>>
      tpu.wait_indirect_dma semaphore(%arg23 : memref<!tpu.dma_semaphore, #tpu.memory_space<semaphore_mem>>) src(%dma_wait3A_421 : memref<10240x64xf32, #tpu.memory_space<vmem_shared>>) dst(%arg13 : memref<128x64xf32, #tpu.memory_space<vmem>>)
      %dma_start3A_422 = arith.constant 1 : i32
      %dma_start3A_423 = arith.constant 0 : i32
      %dma_start3A_424 = tpu.memref_slice %arg17[%dma_start3A_422, %dma_start3A_423] : memref<2x128xi32, #tpu.memory_space<vmem>> -> memref<1x128xi32, #tpu.memory_space<vmem>>
      %dma_start3A_425 = tpu.memref_squeeze %dma_start3A_424 : memref<1x128xi32, #tpu.memory_space<vmem>> -> memref<128xi32, #tpu.memory_space<vmem>>
      %dma_start3A_426 = arith.constant 0 : i32
      %dma_start3A_427 = arith.constant 0 : i32
      %dma_start3A_428 = tpu.memref_slice %arg8[%dma_start3A_426, %dma_start3A_427] : memref<10240x64xf32, #tpu.memory_space<vmem_shared>> -> memref<10240x64xf32, #tpu.memory_space<vmem_shared>>
      tpu.enqueue_indirect_dma source(%arg13 : memref<128x64xf32, #tpu.memory_space<vmem>>) target(%dma_start3A_428 : memref<10240x64xf32, #tpu.memory_space<vmem_shared>>) offsets(%dma_start3A_425 : memref<128xi32, #tpu.memory_space<vmem>>) semaphore(%arg27 : memref<!tpu.dma_semaphore, #tpu.memory_space<semaphore_mem>>) {add = true}
      %dma_wait3A_429 = arith.constant 1 : i32
      %dma_wait3A_430 = arith.constant 0 : i32
      %dma_wait3A_431 = tpu.memref_slice %arg16[%dma_wait3A_429, %dma_wait3A_430] : memref<2x128xi32, #tpu.memory_space<vmem>> -> memref<1x128xi32, #tpu.memory_space<vmem>>
      %dma_wait3A_432 = tpu.memref_squeeze %dma_wait3A_431 : memref<1x128xi32, #tpu.memory_space<vmem>> -> memref<128xi32, #tpu.memory_space<vmem>>
      %dma_wait3A_433 = arith.constant 0 : i32
      %dma_wait3A_434 = arith.constant 0 : i32
      %dma_wait3A_435 = tpu.memref_slice %arg8[%dma_wait3A_433, %dma_wait3A_434] : memref<10240x64xf32, #tpu.memory_space<vmem_shared>> -> memref<10240x64xf32, #tpu.memory_space<vmem_shared>>
      tpu.wait_indirect_dma semaphore(%arg26 : memref<!tpu.dma_semaphore, #tpu.memory_space<semaphore_mem>>) src(%arg12 : memref<128x64xf32, #tpu.memory_space<vmem>>) dst(%dma_wait3A_435 : memref<10240x64xf32, #tpu.memory_space<vmem_shared>>)
      %add3A_436 = arith.constant 3 : i32
      %add3A_437 = arith.addi %add3A_330, %add3A_436 : i32
      %add3A_438 = arith.constant 3 : i32
      %add3A_439 = arith.addi %add3A_437, %add3A_438 : i32
      %min3A_440 = arith.minsi %add3A_439, %sub3A_9 : i32
      "tpu.region"() ({
        %run_scoped3A = tpu.sem_alloc : memref<!tpu.dma_semaphore, #tpu.memory_space<semaphore_mem>>
        %dma_start3A_454 = arith.constant 0 : i32
        %dma_start3A_455 = arith.constant 0 : i32
        %dma_start3A_456 = tpu.memref_slice %arg3[%min3A_440, %dma_start3A_454, %dma_start3A_455] : memref<2560x2x128xi32, #tpu.memory_space<hbm>> -> memref<1x2x128xi32, #tpu.memory_space<hbm>>
        %dma_start3A_457 = tpu.memref_squeeze %dma_start3A_456 : memref<1x2x128xi32, #tpu.memory_space<hbm>> -> memref<2x128xi32, #tpu.memory_space<hbm>>
        %dma_start3A_458 = arith.constant 0 : i32
        %dma_start3A_459 = arith.constant 0 : i32
        %dma_start3A_460 = tpu.memref_slice %arg3[%min3A_440, %dma_start3A_458, %dma_start3A_459] : memref<2560x2x128xi32, #tpu.memory_space<hbm>> -> memref<1x2x128xi32, #tpu.memory_space<hbm>>
        %dma_start3A_461 = tpu.memref_squeeze %dma_start3A_460 : memref<1x2x128xi32, #tpu.memory_space<hbm>> -> memref<2x128xi32, #tpu.memory_space<hbm>>
        tpu.enqueue_dma source(%dma_start3A_461 : memref<2x128xi32, #tpu.memory_space<hbm>>) target(%arg16 : memref<2x128xi32, #tpu.memory_space<vmem>>) target_semaphore(%run_scoped3A : memref<!tpu.dma_semaphore, #tpu.memory_space<semaphore_mem>>)
        %dma_wait3A_462 = arith.constant 0 : i32
        %dma_wait3A_463 = arith.constant 0 : i32
        %dma_wait3A_464 = tpu.memref_slice %arg3[%min3A_440, %dma_wait3A_462, %dma_wait3A_463] : memref<2560x2x128xi32, #tpu.memory_space<hbm>> -> memref<1x2x128xi32, #tpu.memory_space<hbm>>
        %dma_wait3A_465 = tpu.memref_squeeze %dma_wait3A_464 : memref<1x2x128xi32, #tpu.memory_space<hbm>> -> memref<2x128xi32, #tpu.memory_space<hbm>>
        %dma_wait3A_466 = arith.constant 0 : i32
        %dma_wait3A_467 = arith.constant 0 : i32
        %dma_wait3A_468 = tpu.memref_slice %arg3[%min3A_440, %dma_wait3A_466, %dma_wait3A_467] : memref<2560x2x128xi32, #tpu.memory_space<hbm>> -> memref<1x2x128xi32, #tpu.memory_space<hbm>>
        %dma_wait3A_469 = tpu.memref_squeeze %dma_wait3A_468 : memref<1x2x128xi32, #tpu.memory_space<hbm>> -> memref<2x128xi32, #tpu.memory_space<hbm>>
        tpu.wait_dma2 semaphore(%run_scoped3A : memref<!tpu.dma_semaphore, #tpu.memory_space<semaphore_mem>>) src(%dma_wait3A_469 : memref<2x128xi32, #tpu.memory_space<hbm>>) dst(%arg16 : memref<2x128xi32, #tpu.memory_space<vmem>>)
        tpu.yield
      }) : () -> ()
      %dma_start3A_441 = arith.constant 0 : i32
      %dma_start3A_442 = tpu.memref_slice %arg16[%scan3A_101, %dma_start3A_441] : memref<2x128xi32, #tpu.memory_space<vmem>> -> memref<1x128xi32, #tpu.memory_space<vmem>>
      %dma_start3A_443 = tpu.memref_squeeze %dma_start3A_442 : memref<1x128xi32, #tpu.memory_space<vmem>> -> memref<128xi32, #tpu.memory_space<vmem>>
      %dma_start3A_444 = arith.constant 0 : i32
      %dma_start3A_445 = arith.constant 0 : i32
      %dma_start3A_446 = tpu.memref_slice %arg7[%dma_start3A_444, %dma_start3A_445] : memref<10240x64xf32, #tpu.memory_space<vmem_shared>> -> memref<10240x64xf32, #tpu.memory_space<vmem_shared>>
      tpu.enqueue_indirect_dma source(%dma_start3A_446 : memref<10240x64xf32, #tpu.memory_space<vmem_shared>>) target(%arg12 : memref<128x64xf32, #tpu.memory_space<vmem>>) offsets(%dma_start3A_443 : memref<128xi32, #tpu.memory_space<vmem>>) semaphore(%arg22 : memref<!tpu.dma_semaphore, #tpu.memory_space<semaphore_mem>>)
      %dma_wait3A_447 = arith.constant 1 : i32
      %dma_wait3A_448 = arith.constant 0 : i32
      %dma_wait3A_449 = tpu.memref_slice %arg17[%dma_wait3A_447, %dma_wait3A_448] : memref<2x128xi32, #tpu.memory_space<vmem>> -> memref<1x128xi32, #tpu.memory_space<vmem>>
      %dma_wait3A_450 = tpu.memref_squeeze %dma_wait3A_449 : memref<1x128xi32, #tpu.memory_space<vmem>> -> memref<128xi32, #tpu.memory_space<vmem>>
      %dma_wait3A_451 = arith.constant 0 : i32
      %dma_wait3A_452 = arith.constant 0 : i32
      %dma_wait3A_453 = tpu.memref_slice %arg8[%dma_wait3A_451, %dma_wait3A_452] : memref<10240x64xf32, #tpu.memory_space<vmem_shared>> -> memref<10240x64xf32, #tpu.memory_space<vmem_shared>>
      tpu.wait_indirect_dma semaphore(%arg27 : memref<!tpu.dma_semaphore, #tpu.memory_space<semaphore_mem>>) src(%arg13 : memref<128x64xf32, #tpu.memory_space<vmem>>) dst(%dma_wait3A_453 : memref<10240x64xf32, #tpu.memory_space<vmem_shared>>)
    }
    %scan3A_106 = arith.constant 40 : i32
    %dma_wait3A_107 = arith.constant 0 : i32
    %dma_wait3A_108 = arith.constant 0 : i32
    %dma_wait3A_109 = tpu.memref_slice %arg14[%dma_wait3A_107, %dma_wait3A_108] : memref<2x128xi32, #tpu.memory_space<vmem>> -> memref<1x128xi32, #tpu.memory_space<vmem>>
    %dma_wait3A_110 = tpu.memref_squeeze %dma_wait3A_109 : memref<1x128xi32, #tpu.memory_space<vmem>> -> memref<128xi32, #tpu.memory_space<vmem>>
    %dma_wait3A_111 = arith.constant 0 : i32
    %dma_wait3A_112 = arith.constant 0 : i32
    %dma_wait3A_113 = tpu.memref_slice %arg7[%dma_wait3A_111, %dma_wait3A_112] : memref<10240x64xf32, #tpu.memory_space<vmem_shared>> -> memref<10240x64xf32, #tpu.memory_space<vmem_shared>>
    tpu.wait_indirect_dma semaphore(%arg20 : memref<!tpu.dma_semaphore, #tpu.memory_space<semaphore_mem>>) src(%dma_wait3A_113 : memref<10240x64xf32, #tpu.memory_space<vmem_shared>>) dst(%arg10 : memref<128x64xf32, #tpu.memory_space<vmem>>)
    %dma_wait3A_114 = arith.constant 0 : i32
    %dma_wait3A_115 = arith.constant 0 : i32
    %dma_wait3A_116 = tpu.memref_slice %arg15[%dma_wait3A_114, %dma_wait3A_115] : memref<2x128xi32, #tpu.memory_space<vmem>> -> memref<1x128xi32, #tpu.memory_space<vmem>>
    %dma_wait3A_117 = tpu.memref_squeeze %dma_wait3A_116 : memref<1x128xi32, #tpu.memory_space<vmem>> -> memref<128xi32, #tpu.memory_space<vmem>>
    %dma_wait3A_118 = arith.constant 0 : i32
    %dma_wait3A_119 = arith.constant 0 : i32
    %dma_wait3A_120 = tpu.memref_slice %arg7[%dma_wait3A_118, %dma_wait3A_119] : memref<10240x64xf32, #tpu.memory_space<vmem_shared>> -> memref<10240x64xf32, #tpu.memory_space<vmem_shared>>
    tpu.wait_indirect_dma semaphore(%arg21 : memref<!tpu.dma_semaphore, #tpu.memory_space<semaphore_mem>>) src(%dma_wait3A_120 : memref<10240x64xf32, #tpu.memory_space<vmem_shared>>) dst(%arg11 : memref<128x64xf32, #tpu.memory_space<vmem>>)
    %dma_wait3A_121 = arith.constant 0 : i32
    %dma_wait3A_122 = arith.constant 0 : i32
    %dma_wait3A_123 = tpu.memref_slice %arg16[%dma_wait3A_121, %dma_wait3A_122] : memref<2x128xi32, #tpu.memory_space<vmem>> -> memref<1x128xi32, #tpu.memory_space<vmem>>
    %dma_wait3A_124 = tpu.memref_squeeze %dma_wait3A_123 : memref<1x128xi32, #tpu.memory_space<vmem>> -> memref<128xi32, #tpu.memory_space<vmem>>
    %dma_wait3A_125 = arith.constant 0 : i32
    %dma_wait3A_126 = arith.constant 0 : i32
    %dma_wait3A_127 = tpu.memref_slice %arg7[%dma_wait3A_125, %dma_wait3A_126] : memref<10240x64xf32, #tpu.memory_space<vmem_shared>> -> memref<10240x64xf32, #tpu.memory_space<vmem_shared>>
    tpu.wait_indirect_dma semaphore(%arg22 : memref<!tpu.dma_semaphore, #tpu.memory_space<semaphore_mem>>) src(%dma_wait3A_127 : memref<10240x64xf32, #tpu.memory_space<vmem_shared>>) dst(%arg12 : memref<128x64xf32, #tpu.memory_space<vmem>>)
    %barrier3A_128 = arith.constant 0 : index
    tpu.barrier barrier_id(%barrier3A_128)
    %scan3A_129 = arith.constant 0 : i32
    %scan3A_130 = arith.constant 0 : i32
    %scan3A_131 = arith.constant 5 : i32
    %scan3A_132 = arith.addi %scan3A_130, %scan3A_131 : i32
    %scan3A_133 = arith.constant 1 : i32
    scf.for %scan3A_327 = %scan3A_130 to %scan3A_132 step %scan3A_133  : i32 {
      %mul3A_328 = arith.constant 128 : i32
      %mul3A_329 = arith.muli %scan3A_327, %mul3A_328 : i32
      %add3A_330 = arith.addi %mul3A_0, %mul3A_329 : i32
      "tpu.region"() ({
        %run_scoped3A_337 = tpu.sem_alloc : memref<!tpu.dma_semaphore, #tpu.memory_space<semaphore_mem>>
        %dma_start3A_338 = arith.constant 0 : i32
        %dma_start3A_339 = tpu.memref_slice %arg8[%add3A_330, %dma_start3A_338] : memref<10240x64xf32, #tpu.memory_space<vmem_shared>> -> memref<128x64xf32, #tpu.memory_space<vmem_shared>>
        %dma_start3A_340 = arith.constant 0 : i32
        %dma_start3A_341 = tpu.memref_slice %arg8[%add3A_330, %dma_start3A_340] : memref<10240x64xf32, #tpu.memory_space<vmem_shared>> -> memref<128x64xf32, #tpu.memory_space<vmem_shared>>
        tpu.enqueue_dma source(%dma_start3A_341 : memref<128x64xf32, #tpu.memory_space<vmem_shared>>) target(%arg9 : memref<128x64xf32, #tpu.memory_space<vmem>>) target_semaphore(%run_scoped3A_337 : memref<!tpu.dma_semaphore, #tpu.memory_space<semaphore_mem>>)
        %dma_wait3A_342 = arith.constant 0 : i32
        %dma_wait3A_343 = tpu.memref_slice %arg8[%add3A_330, %dma_wait3A_342] : memref<10240x64xf32, #tpu.memory_space<vmem_shared>> -> memref<128x64xf32, #tpu.memory_space<vmem_shared>>
        %dma_wait3A_344 = arith.constant 0 : i32
        %dma_wait3A_345 = tpu.memref_slice %arg8[%add3A_330, %dma_wait3A_344] : memref<10240x64xf32, #tpu.memory_space<vmem_shared>> -> memref<128x64xf32, #tpu.memory_space<vmem_shared>>
        tpu.wait_dma2 semaphore(%run_scoped3A_337 : memref<!tpu.dma_semaphore, #tpu.memory_space<semaphore_mem>>) src(%dma_wait3A_345 : memref<128x64xf32, #tpu.memory_space<vmem_shared>>) dst(%arg9 : memref<128x64xf32, #tpu.memory_space<vmem>>)
        tpu.yield
      }) : () -> ()
      %scan3A_331 = arith.constant 0 : i32
      %scan3A_332 = arith.constant 0 : i32
      %scan3A_333 = arith.constant 128 : i32
      %scan3A_334 = arith.addi %scan3A_332, %scan3A_333 : i32
      %scan3A_335 = arith.constant 1 : i32
      scf.for %scan3A_337 = %scan3A_332 to %scan3A_334 step %scan3A_335  : i32 {
        %mul3A_338 = arith.constant 128 : i32
        %mul3A_339 = arith.muli %scan3A_327, %mul3A_338 : i32
        %add3A_340 = arith.addi %mul3A_339, %scan3A_337 : i32
        %broadcast_in_dim3A = vector.broadcast %add3A_340 : i32 to vector<16xi32>
        %gather3A = tpu.vector_load_idx %arg19[%broadcast_in_dim3A] : memref<640xf32, #tpu.memory_space<vmem>>[vector<16xi32>], vector<16xf32>,
        %get3A = arith.index_cast %scan3A_337 : i32 to index
        %get3A_341 = arith.constant 0 : index
        %get3A_342 = tpu.vector_load %arg9[%get3A, %get3A_341] {strides = array<i32>} : memref<128x64xf32, #tpu.memory_space<vmem>>, vector<16xf32>,
        %mul3A_343 = arith.mulf %get3A_342, %gather3A : vector<16xf32>
        %swap3A = arith.index_cast %scan3A_337 : i32 to index
        %swap3A_344 = arith.constant 0 : index
        %swap3A_345 = tpu.vector_load %arg9[%swap3A, %swap3A_344] {strides = array<i32>} : memref<128x64xf32, #tpu.memory_space<vmem>>, vector<16xf32>,
        tpu.vector_store %arg9[%swap3A, %swap3A_344], %mul3A_343 {strides = array<i32>} : memref<128x64xf32, #tpu.memory_space<vmem>>, vector<16xf32>,
        %get3A_346 = arith.index_cast %scan3A_337 : i32 to index
        %get3A_347 = arith.constant 16 : index
        %get3A_348 = tpu.vector_load %arg9[%get3A_346, %get3A_347] {strides = array<i32>} : memref<128x64xf32, #tpu.memory_space<vmem>>, vector<16xf32>,
        %mul3A_349 = arith.mulf %get3A_348, %gather3A : vector<16xf32>
        %swap3A_350 = arith.index_cast %scan3A_337 : i32 to index
        %swap3A_351 = arith.constant 16 : index
        %swap3A_352 = tpu.vector_load %arg9[%swap3A_350, %swap3A_351] {strides = array<i32>} : memref<128x64xf32, #tpu.memory_space<vmem>>, vector<16xf32>,
        tpu.vector_store %arg9[%swap3A_350, %swap3A_351], %mul3A_349 {strides = array<i32>} : memref<128x64xf32, #tpu.memory_space<vmem>>, vector<16xf32>,
        %get3A_353 = arith.index_cast %scan3A_337 : i32 to index
        %get3A_354 = arith.constant 32 : index
        %get3A_355 = tpu.vector_load %arg9[%get3A_353, %get3A_354] {strides = array<i32>} : memref<128x64xf32, #tpu.memory_space<vmem>>, vector<16xf32>,
        %mul3A_356 = arith.mulf %get3A_355, %gather3A : vector<16xf32>
        %swap3A_357 = arith.index_cast %scan3A_337 : i32 to index
        %swap3A_358 = arith.constant 32 : index
        %swap3A_359 = tpu.vector_load %arg9[%swap3A_357, %swap3A_358] {strides = array<i32>} : memref<128x64xf32, #tpu.memory_space<vmem>>, vector<16xf32>,
        tpu.vector_store %arg9[%swap3A_357, %swap3A_358], %mul3A_356 {strides = array<i32>} : memref<128x64xf32, #tpu.memory_space<vmem>>, vector<16xf32>,
        %get3A_360 = arith.index_cast %scan3A_337 : i32 to index
        %get3A_361 = arith.constant 48 : index
        %get3A_362 = tpu.vector_load %arg9[%get3A_360, %get3A_361] {strides = array<i32>} : memref<128x64xf32, #tpu.memory_space<vmem>>, vector<16xf32>,
        %mul3A_363 = arith.mulf %get3A_362, %gather3A : vector<16xf32>
        %swap3A_364 = arith.index_cast %scan3A_337 : i32 to index
        %swap3A_365 = arith.constant 48 : index
        %swap3A_366 = tpu.vector_load %arg9[%swap3A_364, %swap3A_365] {strides = array<i32>} : memref<128x64xf32, #tpu.memory_space<vmem>>, vector<16xf32>,
        tpu.vector_store %arg9[%swap3A_364, %swap3A_365], %mul3A_363 {strides = array<i32>} : memref<128x64xf32, #tpu.memory_space<vmem>>, vector<16xf32>,
      }
      %scan3A_336 = arith.constant 128 : i32
      %run_scoped3A = arith.constant 1 : i32
      "tpu.region"() ({
        %run_scoped3A_337 = tpu.sem_alloc : memref<!tpu.dma_semaphore, #tpu.memory_space<semaphore_mem>>
        %dma_start3A_338 = arith.constant 0 : i32
        %dma_start3A_339 = tpu.memref_slice %arg6[%run_scoped3A, %arg0, %add3A_330, %dma_start3A_338] : memref<5x2x10240x64xf32, #tpu.memory_space<hbm>> -> memref<1x1x128x64xf32, #tpu.memory_space<hbm>>
        %dma_start3A_340 = tpu.memref_squeeze %dma_start3A_339 : memref<1x1x128x64xf32, #tpu.memory_space<hbm>> -> memref<128x64xf32, #tpu.memory_space<hbm>>
        %dma_start3A_341 = arith.constant 0 : i32
        %dma_start3A_342 = tpu.memref_slice %arg6[%run_scoped3A, %arg0, %add3A_330, %dma_start3A_341] : memref<5x2x10240x64xf32, #tpu.memory_space<hbm>> -> memref<1x1x128x64xf32, #tpu.memory_space<hbm>>
        %dma_start3A_343 = tpu.memref_squeeze %dma_start3A_342 : memref<1x1x128x64xf32, #tpu.memory_space<hbm>> -> memref<128x64xf32, #tpu.memory_space<hbm>>
        tpu.enqueue_dma source(%arg9 : memref<128x64xf32, #tpu.memory_space<vmem>>) target(%dma_start3A_343 : memref<128x64xf32, #tpu.memory_space<hbm>>) target_semaphore(%run_scoped3A_337 : memref<!tpu.dma_semaphore, #tpu.memory_space<semaphore_mem>>)
        %dma_wait3A_344 = arith.constant 0 : i32
        %dma_wait3A_345 = tpu.memref_slice %arg6[%run_scoped3A, %arg0, %add3A_330, %dma_wait3A_344] : memref<5x2x10240x64xf32, #tpu.memory_space<hbm>> -> memref<1x1x128x64xf32, #tpu.memory_space<hbm>>
        %dma_wait3A_346 = tpu.memref_squeeze %dma_wait3A_345 : memref<1x1x128x64xf32, #tpu.memory_space<hbm>> -> memref<128x64xf32, #tpu.memory_space<hbm>>
        %dma_wait3A_347 = arith.constant 0 : i32
        %dma_wait3A_348 = tpu.memref_slice %arg6[%run_scoped3A, %arg0, %add3A_330, %dma_wait3A_347] : memref<5x2x10240x64xf32, #tpu.memory_space<hbm>> -> memref<1x1x128x64xf32, #tpu.memory_space<hbm>>
        %dma_wait3A_349 = tpu.memref_squeeze %dma_wait3A_348 : memref<1x1x128x64xf32, #tpu.memory_space<hbm>> -> memref<128x64xf32, #tpu.memory_space<hbm>>
        tpu.wait_dma2 semaphore(%run_scoped3A_337 : memref<!tpu.dma_semaphore, #tpu.memory_space<semaphore_mem>>) src(%arg9 : memref<128x64xf32, #tpu.memory_space<vmem>>) dst(%dma_wait3A_349 : memref<128x64xf32, #tpu.memory_space<hbm>>)
        tpu.yield
      }) : () -> ()
      "tpu.region"() ({
        %run_scoped3A_337 = tpu.sem_alloc : memref<!tpu.dma_semaphore, #tpu.memory_space<semaphore_mem>>
        %dma_start3A_338 = arith.constant 0 : i32
        %dma_start3A_339 = tpu.memref_slice %arg7[%add3A_330, %dma_start3A_338] : memref<10240x64xf32, #tpu.memory_space<vmem_shared>> -> memref<128x64xf32, #tpu.memory_space<vmem_shared>>
        %dma_start3A_340 = arith.constant 0 : i32
        %dma_start3A_341 = tpu.memref_slice %arg7[%add3A_330, %dma_start3A_340] : memref<10240x64xf32, #tpu.memory_space<vmem_shared>> -> memref<128x64xf32, #tpu.memory_space<vmem_shared>>
        tpu.enqueue_dma source(%arg9 : memref<128x64xf32, #tpu.memory_space<vmem>>) target(%dma_start3A_341 : memref<128x64xf32, #tpu.memory_space<vmem_shared>>) target_semaphore(%run_scoped3A_337 : memref<!tpu.dma_semaphore, #tpu.memory_space<semaphore_mem>>)
        %dma_wait3A_342 = arith.constant 0 : i32
        %dma_wait3A_343 = tpu.memref_slice %arg7[%add3A_330, %dma_wait3A_342] : memref<10240x64xf32, #tpu.memory_space<vmem_shared>> -> memref<128x64xf32, #tpu.memory_space<vmem_shared>>
        %dma_wait3A_344 = arith.constant 0 : i32
        %dma_wait3A_345 = tpu.memref_slice %arg7[%add3A_330, %dma_wait3A_344] : memref<10240x64xf32, #tpu.memory_space<vmem_shared>> -> memref<128x64xf32, #tpu.memory_space<vmem_shared>>
        tpu.wait_dma2 semaphore(%run_scoped3A_337 : memref<!tpu.dma_semaphore, #tpu.memory_space<semaphore_mem>>) src(%arg9 : memref<128x64xf32, #tpu.memory_space<vmem>>) dst(%dma_wait3A_345 : memref<128x64xf32, #tpu.memory_space<vmem_shared>>)
        tpu.yield
      }) : () -> ()
      "tpu.region"() ({
        %run_scoped3A_337 = tpu.sem_alloc : memref<!tpu.dma_semaphore, #tpu.memory_space<semaphore_mem>>
        %dma_start3A_338 = arith.constant 0 : i32
        %dma_start3A_339 = tpu.memref_slice %arg8[%add3A_330, %dma_start3A_338] : memref<10240x64xf32, #tpu.memory_space<vmem_shared>> -> memref<128x64xf32, #tpu.memory_space<vmem_shared>>
        %dma_start3A_340 = arith.constant 0 : i32
        %dma_start3A_341 = tpu.memref_slice %arg8[%add3A_330, %dma_start3A_340] : memref<10240x64xf32, #tpu.memory_space<vmem_shared>> -> memref<128x64xf32, #tpu.memory_space<vmem_shared>>
        tpu.enqueue_dma source(%arg9 : memref<128x64xf32, #tpu.memory_space<vmem>>) target(%dma_start3A_341 : memref<128x64xf32, #tpu.memory_space<vmem_shared>>) target_semaphore(%run_scoped3A_337 : memref<!tpu.dma_semaphore, #tpu.memory_space<semaphore_mem>>)
        %dma_wait3A_342 = arith.constant 0 : i32
        %dma_wait3A_343 = tpu.memref_slice %arg8[%add3A_330, %dma_wait3A_342] : memref<10240x64xf32, #tpu.memory_space<vmem_shared>> -> memref<128x64xf32, #tpu.memory_space<vmem_shared>>
        %dma_wait3A_344 = arith.constant 0 : i32
        %dma_wait3A_345 = tpu.memref_slice %arg8[%add3A_330, %dma_wait3A_344] : memref<10240x64xf32, #tpu.memory_space<vmem_shared>> -> memref<128x64xf32, #tpu.memory_space<vmem_shared>>
        tpu.wait_dma2 semaphore(%run_scoped3A_337 : memref<!tpu.dma_semaphore, #tpu.memory_space<semaphore_mem>>) src(%arg9 : memref<128x64xf32, #tpu.memory_space<vmem>>) dst(%dma_wait3A_345 : memref<128x64xf32, #tpu.memory_space<vmem_shared>>)
        tpu.yield
      }) : () -> ()
    }
    %scan3A_134 = arith.constant 5 : i32
    %barrier3A_135 = arith.constant 0 : index
    tpu.barrier barrier_id(%barrier3A_135)
    "tpu.region"() ({
      %run_scoped3A = tpu.sem_alloc : memref<!tpu.dma_semaphore, #tpu.memory_space<semaphore_mem>>
      %dma_start3A_327 = arith.constant 0 : i32
      %dma_start3A_328 = arith.constant 0 : i32
      %dma_start3A_329 = tpu.memref_slice %arg3[%mul3A_2, %dma_start3A_327, %dma_start3A_328] : memref<2560x2x128xi32, #tpu.memory_space<hbm>> -> memref<1x2x128xi32, #tpu.memory_space<hbm>>
      %dma_start3A_330 = tpu.memref_squeeze %dma_start3A_329 : memref<1x2x128xi32, #tpu.memory_space<hbm>> -> memref<2x128xi32, #tpu.memory_space<hbm>>
      %dma_start3A_331 = arith.constant 0 : i32
      %dma_start3A_332 = arith.constant 0 : i32
      %dma_start3A_333 = tpu.memref_slice %arg3[%mul3A_2, %dma_start3A_331, %dma_start3A_332] : memref<2560x2x128xi32, #tpu.memory_space<hbm>> -> memref<1x2x128xi32, #tpu.memory_space<hbm>>
      %dma_start3A_334 = tpu.memref_squeeze %dma_start3A_333 : memref<1x2x128xi32, #tpu.memory_space<hbm>> -> memref<2x128xi32, #tpu.memory_space<hbm>>
      tpu.enqueue_dma source(%dma_start3A_334 : memref<2x128xi32, #tpu.memory_space<hbm>>) target(%arg14 : memref<2x128xi32, #tpu.memory_space<vmem>>) target_semaphore(%run_scoped3A : memref<!tpu.dma_semaphore, #tpu.memory_space<semaphore_mem>>)
      %dma_wait3A_335 = arith.constant 0 : i32
      %dma_wait3A_336 = arith.constant 0 : i32
      %dma_wait3A_337 = tpu.memref_slice %arg3[%mul3A_2, %dma_wait3A_335, %dma_wait3A_336] : memref<2560x2x128xi32, #tpu.memory_space<hbm>> -> memref<1x2x128xi32, #tpu.memory_space<hbm>>
      %dma_wait3A_338 = tpu.memref_squeeze %dma_wait3A_337 : memref<1x2x128xi32, #tpu.memory_space<hbm>> -> memref<2x128xi32, #tpu.memory_space<hbm>>
      %dma_wait3A_339 = arith.constant 0 : i32
      %dma_wait3A_340 = arith.constant 0 : i32
      %dma_wait3A_341 = tpu.memref_slice %arg3[%mul3A_2, %dma_wait3A_339, %dma_wait3A_340] : memref<2560x2x128xi32, #tpu.memory_space<hbm>> -> memref<1x2x128xi32, #tpu.memory_space<hbm>>
      %dma_wait3A_342 = tpu.memref_squeeze %dma_wait3A_341 : memref<1x2x128xi32, #tpu.memory_space<hbm>> -> memref<2x128xi32, #tpu.memory_space<hbm>>
      tpu.wait_dma2 semaphore(%run_scoped3A : memref<!tpu.dma_semaphore, #tpu.memory_space<semaphore_mem>>) src(%dma_wait3A_342 : memref<2x128xi32, #tpu.memory_space<hbm>>) dst(%arg14 : memref<2x128xi32, #tpu.memory_space<vmem>>)
      tpu.yield
    }) : () -> ()
    %dma_start3A_136 = arith.constant 0 : i32
    %dma_start3A_137 = arith.constant 0 : i32
    %dma_start3A_138 = tpu.memref_slice %arg14[%dma_start3A_136, %dma_start3A_137] : memref<2x128xi32, #tpu.memory_space<vmem>> -> memref<1x128xi32, #tpu.memory_space<vmem>>
    %dma_start3A_139 = tpu.memref_squeeze %dma_start3A_138 : memref<1x128xi32, #tpu.memory_space<vmem>> -> memref<128xi32, #tpu.memory_space<vmem>>
    %dma_start3A_140 = arith.constant 0 : i32
    %dma_start3A_141 = arith.constant 0 : i32
    %dma_start3A_142 = tpu.memref_slice %arg7[%dma_start3A_140, %dma_start3A_141] : memref<10240x64xf32, #tpu.memory_space<vmem_shared>> -> memref<10240x64xf32, #tpu.memory_space<vmem_shared>>
    tpu.enqueue_indirect_dma source(%dma_start3A_142 : memref<10240x64xf32, #tpu.memory_space<vmem_shared>>) target(%arg10 : memref<128x64xf32, #tpu.memory_space<vmem>>) offsets(%dma_start3A_139 : memref<128xi32, #tpu.memory_space<vmem>>) semaphore(%arg20 : memref<!tpu.dma_semaphore, #tpu.memory_space<semaphore_mem>>)
    %add3A_143 = arith.constant 1 : i32
    %add3A_144 = arith.addi %mul3A_2, %add3A_143 : i32
    "tpu.region"() ({
      %run_scoped3A = tpu.sem_alloc : memref<!tpu.dma_semaphore, #tpu.memory_space<semaphore_mem>>
      %dma_start3A_327 = arith.constant 0 : i32
      %dma_start3A_328 = arith.constant 0 : i32
      %dma_start3A_329 = tpu.memref_slice %arg3[%add3A_144, %dma_start3A_327, %dma_start3A_328] : memref<2560x2x128xi32, #tpu.memory_space<hbm>> -> memref<1x2x128xi32, #tpu.memory_space<hbm>>
      %dma_start3A_330 = tpu.memref_squeeze %dma_start3A_329 : memref<1x2x128xi32, #tpu.memory_space<hbm>> -> memref<2x128xi32, #tpu.memory_space<hbm>>
      %dma_start3A_331 = arith.constant 0 : i32
      %dma_start3A_332 = arith.constant 0 : i32
      %dma_start3A_333 = tpu.memref_slice %arg3[%add3A_144, %dma_start3A_331, %dma_start3A_332] : memref<2560x2x128xi32, #tpu.memory_space<hbm>> -> memref<1x2x128xi32, #tpu.memory_space<hbm>>
      %dma_start3A_334 = tpu.memref_squeeze %dma_start3A_333 : memref<1x2x128xi32, #tpu.memory_space<hbm>> -> memref<2x128xi32, #tpu.memory_space<hbm>>
      tpu.enqueue_dma source(%dma_start3A_334 : memref<2x128xi32, #tpu.memory_space<hbm>>) target(%arg15 : memref<2x128xi32, #tpu.memory_space<vmem>>) target_semaphore(%run_scoped3A : memref<!tpu.dma_semaphore, #tpu.memory_space<semaphore_mem>>)
      %dma_wait3A_335 = arith.constant 0 : i32
      %dma_wait3A_336 = arith.constant 0 : i32
      %dma_wait3A_337 = tpu.memref_slice %arg3[%add3A_144, %dma_wait3A_335, %dma_wait3A_336] : memref<2560x2x128xi32, #tpu.memory_space<hbm>> -> memref<1x2x128xi32, #tpu.memory_space<hbm>>
      %dma_wait3A_338 = tpu.memref_squeeze %dma_wait3A_337 : memref<1x2x128xi32, #tpu.memory_space<hbm>> -> memref<2x128xi32, #tpu.memory_space<hbm>>
      %dma_wait3A_339 = arith.constant 0 : i32
      %dma_wait3A_340 = arith.constant 0 : i32
      %dma_wait3A_341 = tpu.memref_slice %arg3[%add3A_144, %dma_wait3A_339, %dma_wait3A_340] : memref<2560x2x128xi32, #tpu.memory_space<hbm>> -> memref<1x2x128xi32, #tpu.memory_space<hbm>>
      %dma_wait3A_342 = tpu.memref_squeeze %dma_wait3A_341 : memref<1x2x128xi32, #tpu.memory_space<hbm>> -> memref<2x128xi32, #tpu.memory_space<hbm>>
      tpu.wait_dma2 semaphore(%run_scoped3A : memref<!tpu.dma_semaphore, #tpu.memory_space<semaphore_mem>>) src(%dma_wait3A_342 : memref<2x128xi32, #tpu.memory_space<hbm>>) dst(%arg15 : memref<2x128xi32, #tpu.memory_space<vmem>>)
      tpu.yield
    }) : () -> ()
    %dma_start3A_145 = arith.constant 0 : i32
    %dma_start3A_146 = arith.constant 0 : i32
    %dma_start3A_147 = tpu.memref_slice %arg15[%dma_start3A_145, %dma_start3A_146] : memref<2x128xi32, #tpu.memory_space<vmem>> -> memref<1x128xi32, #tpu.memory_space<vmem>>
    %dma_start3A_148 = tpu.memref_squeeze %dma_start3A_147 : memref<1x128xi32, #tpu.memory_space<vmem>> -> memref<128xi32, #tpu.memory_space<vmem>>
    %dma_start3A_149 = arith.constant 0 : i32
    %dma_start3A_150 = arith.constant 0 : i32
    %dma_start3A_151 = tpu.memref_slice %arg7[%dma_start3A_149, %dma_start3A_150] : memref<10240x64xf32, #tpu.memory_space<vmem_shared>> -> memref<10240x64xf32, #tpu.memory_space<vmem_shared>>
    tpu.enqueue_indirect_dma source(%dma_start3A_151 : memref<10240x64xf32, #tpu.memory_space<vmem_shared>>) target(%arg11 : memref<128x64xf32, #tpu.memory_space<vmem>>) offsets(%dma_start3A_148 : memref<128xi32, #tpu.memory_space<vmem>>) semaphore(%arg21 : memref<!tpu.dma_semaphore, #tpu.memory_space<semaphore_mem>>)
    %add3A_152 = arith.constant 2 : i32
    %add3A_153 = arith.addi %mul3A_2, %add3A_152 : i32
    "tpu.region"() ({
      %run_scoped3A = tpu.sem_alloc : memref<!tpu.dma_semaphore, #tpu.memory_space<semaphore_mem>>
      %dma_start3A_327 = arith.constant 0 : i32
      %dma_start3A_328 = arith.constant 0 : i32
      %dma_start3A_329 = tpu.memref_slice %arg3[%add3A_153, %dma_start3A_327, %dma_start3A_328] : memref<2560x2x128xi32, #tpu.memory_space<hbm>> -> memref<1x2x128xi32, #tpu.memory_space<hbm>>
      %dma_start3A_330 = tpu.memref_squeeze %dma_start3A_329 : memref<1x2x128xi32, #tpu.memory_space<hbm>> -> memref<2x128xi32, #tpu.memory_space<hbm>>
      %dma_start3A_331 = arith.constant 0 : i32
      %dma_start3A_332 = arith.constant 0 : i32
      %dma_start3A_333 = tpu.memref_slice %arg3[%add3A_153, %dma_start3A_331, %dma_start3A_332] : memref<2560x2x128xi32, #tpu.memory_space<hbm>> -> memref<1x2x128xi32, #tpu.memory_space<hbm>>
      %dma_start3A_334 = tpu.memref_squeeze %dma_start3A_333 : memref<1x2x128xi32, #tpu.memory_space<hbm>> -> memref<2x128xi32, #tpu.memory_space<hbm>>
      tpu.enqueue_dma source(%dma_start3A_334 : memref<2x128xi32, #tpu.memory_space<hbm>>) target(%arg16 : memref<2x128xi32, #tpu.memory_space<vmem>>) target_semaphore(%run_scoped3A : memref<!tpu.dma_semaphore, #tpu.memory_space<semaphore_mem>>)
      %dma_wait3A_335 = arith.constant 0 : i32
      %dma_wait3A_336 = arith.constant 0 : i32
      %dma_wait3A_337 = tpu.memref_slice %arg3[%add3A_153, %dma_wait3A_335, %dma_wait3A_336] : memref<2560x2x128xi32, #tpu.memory_space<hbm>> -> memref<1x2x128xi32, #tpu.memory_space<hbm>>
      %dma_wait3A_338 = tpu.memref_squeeze %dma_wait3A_337 : memref<1x2x128xi32, #tpu.memory_space<hbm>> -> memref<2x128xi32, #tpu.memory_space<hbm>>
      %dma_wait3A_339 = arith.constant 0 : i32
      %dma_wait3A_340 = arith.constant 0 : i32
      %dma_wait3A_341 = tpu.memref_slice %arg3[%add3A_153, %dma_wait3A_339, %dma_wait3A_340] : memref<2560x2x128xi32, #tpu.memory_space<hbm>> -> memref<1x2x128xi32, #tpu.memory_space<hbm>>
      %dma_wait3A_342 = tpu.memref_squeeze %dma_wait3A_341 : memref<1x2x128xi32, #tpu.memory_space<hbm>> -> memref<2x128xi32, #tpu.memory_space<hbm>>
      tpu.wait_dma2 semaphore(%run_scoped3A : memref<!tpu.dma_semaphore, #tpu.memory_space<semaphore_mem>>) src(%dma_wait3A_342 : memref<2x128xi32, #tpu.memory_space<hbm>>) dst(%arg16 : memref<2x128xi32, #tpu.memory_space<vmem>>)
      tpu.yield
    }) : () -> ()
    %dma_start3A_154 = arith.constant 0 : i32
    %dma_start3A_155 = arith.constant 0 : i32
    %dma_start3A_156 = tpu.memref_slice %arg16[%dma_start3A_154, %dma_start3A_155] : memref<2x128xi32, #tpu.memory_space<vmem>> -> memref<1x128xi32, #tpu.memory_space<vmem>>
    %dma_start3A_157 = tpu.memref_squeeze %dma_start3A_156 : memref<1x128xi32, #tpu.memory_space<vmem>> -> memref<128xi32, #tpu.memory_space<vmem>>
    %dma_start3A_158 = arith.constant 0 : i32
    %dma_start3A_159 = arith.constant 0 : i32
    %dma_start3A_160 = tpu.memref_slice %arg7[%dma_start3A_158, %dma_start3A_159] : memref<10240x64xf32, #tpu.memory_space<vmem_shared>> -> memref<10240x64xf32, #tpu.memory_space<vmem_shared>>
    tpu.enqueue_indirect_dma source(%dma_start3A_160 : memref<10240x64xf32, #tpu.memory_space<vmem_shared>>) target(%arg12 : memref<128x64xf32, #tpu.memory_space<vmem>>) offsets(%dma_start3A_157 : memref<128xi32, #tpu.memory_space<vmem>>) semaphore(%arg22 : memref<!tpu.dma_semaphore, #tpu.memory_space<semaphore_mem>>)
    %scan3A_161 = arith.constant 0 : i32
    %scan3A_162 = arith.constant 0 : i32
    %scan3A_163 = arith.constant 0 : i32
    %scan3A_164 = arith.constant 0 : i32
    %scan3A_165 = arith.constant 0 : i32
    %scan3A_166 = arith.constant 0 : i32
    %scan3A_167 = arith.constant 40 : i32
    %scan3A_168 = arith.addi %scan3A_166, %scan3A_167 : i32
    %scan3A_169 = arith.constant 1 : i32
    scf.for %scan3A_327 = %scan3A_166 to %scan3A_168 step %scan3A_169  : i32 {
      %mul3A_328 = arith.constant 4 : i32
      %mul3A_329 = arith.muli %mul3A_328, %scan3A_327 : i32
      %add3A_330 = arith.addi %mul3A_2, %mul3A_329 : i32
      %dma_wait3A_331 = arith.constant 0 : i32
      %dma_wait3A_332 = tpu.memref_slice %arg14[%scan3A_162, %dma_wait3A_331] : memref<2x128xi32, #tpu.memory_space<vmem>> -> memref<1x128xi32, #tpu.memory_space<vmem>>
      %dma_wait3A_333 = tpu.memref_squeeze %dma_wait3A_332 : memref<1x128xi32, #tpu.memory_space<vmem>> -> memref<128xi32, #tpu.memory_space<vmem>>
      %dma_wait3A_334 = arith.constant 0 : i32
      %dma_wait3A_335 = arith.constant 0 : i32
      %dma_wait3A_336 = tpu.memref_slice %arg7[%dma_wait3A_334, %dma_wait3A_335] : memref<10240x64xf32, #tpu.memory_space<vmem_shared>> -> memref<10240x64xf32, #tpu.memory_space<vmem_shared>>
      tpu.wait_indirect_dma semaphore(%arg20 : memref<!tpu.dma_semaphore, #tpu.memory_space<semaphore_mem>>) src(%dma_wait3A_336 : memref<10240x64xf32, #tpu.memory_space<vmem_shared>>) dst(%arg10 : memref<128x64xf32, #tpu.memory_space<vmem>>)
      %dma_start3A_337 = arith.constant 1 : i32
      %dma_start3A_338 = arith.constant 0 : i32
      %dma_start3A_339 = tpu.memref_slice %arg14[%dma_start3A_337, %dma_start3A_338] : memref<2x128xi32, #tpu.memory_space<vmem>> -> memref<1x128xi32, #tpu.memory_space<vmem>>
      %dma_start3A_340 = tpu.memref_squeeze %dma_start3A_339 : memref<1x128xi32, #tpu.memory_space<vmem>> -> memref<128xi32, #tpu.memory_space<vmem>>
      %dma_start3A_341 = arith.constant 0 : i32
      %dma_start3A_342 = arith.constant 0 : i32
      %dma_start3A_343 = tpu.memref_slice %arg8[%dma_start3A_341, %dma_start3A_342] : memref<10240x64xf32, #tpu.memory_space<vmem_shared>> -> memref<10240x64xf32, #tpu.memory_space<vmem_shared>>
      tpu.enqueue_indirect_dma source(%arg10 : memref<128x64xf32, #tpu.memory_space<vmem>>) target(%dma_start3A_343 : memref<10240x64xf32, #tpu.memory_space<vmem_shared>>) offsets(%dma_start3A_340 : memref<128xi32, #tpu.memory_space<vmem>>) semaphore(%arg24 : memref<!tpu.dma_semaphore, #tpu.memory_space<semaphore_mem>>) {add = true}
      %add3A_344 = arith.constant 3 : i32
      %add3A_345 = arith.addi %add3A_330, %add3A_344 : i32
      %add3A_346 = arith.constant 0 : i32
      %add3A_347 = arith.addi %add3A_345, %add3A_346 : i32
      %min3A = arith.minsi %add3A_347, %sub3A_9 : i32
      "tpu.region"() ({
        %run_scoped3A = tpu.sem_alloc : memref<!tpu.dma_semaphore, #tpu.memory_space<semaphore_mem>>
        %dma_start3A_454 = arith.constant 0 : i32
        %dma_start3A_455 = arith.constant 0 : i32
        %dma_start3A_456 = tpu.memref_slice %arg3[%min3A, %dma_start3A_454, %dma_start3A_455] : memref<2560x2x128xi32, #tpu.memory_space<hbm>> -> memref<1x2x128xi32, #tpu.memory_space<hbm>>
        %dma_start3A_457 = tpu.memref_squeeze %dma_start3A_456 : memref<1x2x128xi32, #tpu.memory_space<hbm>> -> memref<2x128xi32, #tpu.memory_space<hbm>>
        %dma_start3A_458 = arith.constant 0 : i32
        %dma_start3A_459 = arith.constant 0 : i32
        %dma_start3A_460 = tpu.memref_slice %arg3[%min3A, %dma_start3A_458, %dma_start3A_459] : memref<2560x2x128xi32, #tpu.memory_space<hbm>> -> memref<1x2x128xi32, #tpu.memory_space<hbm>>
        %dma_start3A_461 = tpu.memref_squeeze %dma_start3A_460 : memref<1x2x128xi32, #tpu.memory_space<hbm>> -> memref<2x128xi32, #tpu.memory_space<hbm>>
        tpu.enqueue_dma source(%dma_start3A_461 : memref<2x128xi32, #tpu.memory_space<hbm>>) target(%arg17 : memref<2x128xi32, #tpu.memory_space<vmem>>) target_semaphore(%run_scoped3A : memref<!tpu.dma_semaphore, #tpu.memory_space<semaphore_mem>>)
        %dma_wait3A_462 = arith.constant 0 : i32
        %dma_wait3A_463 = arith.constant 0 : i32
        %dma_wait3A_464 = tpu.memref_slice %arg3[%min3A, %dma_wait3A_462, %dma_wait3A_463] : memref<2560x2x128xi32, #tpu.memory_space<hbm>> -> memref<1x2x128xi32, #tpu.memory_space<hbm>>
        %dma_wait3A_465 = tpu.memref_squeeze %dma_wait3A_464 : memref<1x2x128xi32, #tpu.memory_space<hbm>> -> memref<2x128xi32, #tpu.memory_space<hbm>>
        %dma_wait3A_466 = arith.constant 0 : i32
        %dma_wait3A_467 = arith.constant 0 : i32
        %dma_wait3A_468 = tpu.memref_slice %arg3[%min3A, %dma_wait3A_466, %dma_wait3A_467] : memref<2560x2x128xi32, #tpu.memory_space<hbm>> -> memref<1x2x128xi32, #tpu.memory_space<hbm>>
        %dma_wait3A_469 = tpu.memref_squeeze %dma_wait3A_468 : memref<1x2x128xi32, #tpu.memory_space<hbm>> -> memref<2x128xi32, #tpu.memory_space<hbm>>
        tpu.wait_dma2 semaphore(%run_scoped3A : memref<!tpu.dma_semaphore, #tpu.memory_space<semaphore_mem>>) src(%dma_wait3A_469 : memref<2x128xi32, #tpu.memory_space<hbm>>) dst(%arg17 : memref<2x128xi32, #tpu.memory_space<vmem>>)
        tpu.yield
      }) : () -> ()
      %dma_start3A_348 = arith.constant 0 : i32
      %dma_start3A_349 = tpu.memref_slice %arg17[%scan3A_163, %dma_start3A_348] : memref<2x128xi32, #tpu.memory_space<vmem>> -> memref<1x128xi32, #tpu.memory_space<vmem>>
      %dma_start3A_350 = tpu.memref_squeeze %dma_start3A_349 : memref<1x128xi32, #tpu.memory_space<vmem>> -> memref<128xi32, #tpu.memory_space<vmem>>
      %dma_start3A_351 = arith.constant 0 : i32
      %dma_start3A_352 = arith.constant 0 : i32
      %dma_start3A_353 = tpu.memref_slice %arg7[%dma_start3A_351, %dma_start3A_352] : memref<10240x64xf32, #tpu.memory_space<vmem_shared>> -> memref<10240x64xf32, #tpu.memory_space<vmem_shared>>
      tpu.enqueue_indirect_dma source(%dma_start3A_353 : memref<10240x64xf32, #tpu.memory_space<vmem_shared>>) target(%arg13 : memref<128x64xf32, #tpu.memory_space<vmem>>) offsets(%dma_start3A_350 : memref<128xi32, #tpu.memory_space<vmem>>) semaphore(%arg23 : memref<!tpu.dma_semaphore, #tpu.memory_space<semaphore_mem>>)
      %dma_wait3A_354 = arith.constant 0 : i32
      %dma_wait3A_355 = tpu.memref_slice %arg15[%scan3A_164, %dma_wait3A_354] : memref<2x128xi32, #tpu.memory_space<vmem>> -> memref<1x128xi32, #tpu.memory_space<vmem>>
      %dma_wait3A_356 = tpu.memref_squeeze %dma_wait3A_355 : memref<1x128xi32, #tpu.memory_space<vmem>> -> memref<128xi32, #tpu.memory_space<vmem>>
      %dma_wait3A_357 = arith.constant 0 : i32
      %dma_wait3A_358 = arith.constant 0 : i32
      %dma_wait3A_359 = tpu.memref_slice %arg7[%dma_wait3A_357, %dma_wait3A_358] : memref<10240x64xf32, #tpu.memory_space<vmem_shared>> -> memref<10240x64xf32, #tpu.memory_space<vmem_shared>>
      tpu.wait_indirect_dma semaphore(%arg21 : memref<!tpu.dma_semaphore, #tpu.memory_space<semaphore_mem>>) src(%dma_wait3A_359 : memref<10240x64xf32, #tpu.memory_space<vmem_shared>>) dst(%arg11 : memref<128x64xf32, #tpu.memory_space<vmem>>)
      %dma_start3A_360 = arith.constant 1 : i32
      %dma_start3A_361 = arith.constant 0 : i32
      %dma_start3A_362 = tpu.memref_slice %arg15[%dma_start3A_360, %dma_start3A_361] : memref<2x128xi32, #tpu.memory_space<vmem>> -> memref<1x128xi32, #tpu.memory_space<vmem>>
      %dma_start3A_363 = tpu.memref_squeeze %dma_start3A_362 : memref<1x128xi32, #tpu.memory_space<vmem>> -> memref<128xi32, #tpu.memory_space<vmem>>
      %dma_start3A_364 = arith.constant 0 : i32
      %dma_start3A_365 = arith.constant 0 : i32
      %dma_start3A_366 = tpu.memref_slice %arg8[%dma_start3A_364, %dma_start3A_365] : memref<10240x64xf32, #tpu.memory_space<vmem_shared>> -> memref<10240x64xf32, #tpu.memory_space<vmem_shared>>
      tpu.enqueue_indirect_dma source(%arg11 : memref<128x64xf32, #tpu.memory_space<vmem>>) target(%dma_start3A_366 : memref<10240x64xf32, #tpu.memory_space<vmem_shared>>) offsets(%dma_start3A_363 : memref<128xi32, #tpu.memory_space<vmem>>) semaphore(%arg25 : memref<!tpu.dma_semaphore, #tpu.memory_space<semaphore_mem>>) {add = true}
      %dma_wait3A_367 = arith.constant 1 : i32
      %dma_wait3A_368 = arith.constant 0 : i32
      %dma_wait3A_369 = tpu.memref_slice %arg14[%dma_wait3A_367, %dma_wait3A_368] : memref<2x128xi32, #tpu.memory_space<vmem>> -> memref<1x128xi32, #tpu.memory_space<vmem>>
      %dma_wait3A_370 = tpu.memref_squeeze %dma_wait3A_369 : memref<1x128xi32, #tpu.memory_space<vmem>> -> memref<128xi32, #tpu.memory_space<vmem>>
      %dma_wait3A_371 = arith.constant 0 : i32
      %dma_wait3A_372 = arith.constant 0 : i32
      %dma_wait3A_373 = tpu.memref_slice %arg8[%dma_wait3A_371, %dma_wait3A_372] : memref<10240x64xf32, #tpu.memory_space<vmem_shared>> -> memref<10240x64xf32, #tpu.memory_space<vmem_shared>>
      tpu.wait_indirect_dma semaphore(%arg24 : memref<!tpu.dma_semaphore, #tpu.memory_space<semaphore_mem>>) src(%arg10 : memref<128x64xf32, #tpu.memory_space<vmem>>) dst(%dma_wait3A_373 : memref<10240x64xf32, #tpu.memory_space<vmem_shared>>)
      %add3A_374 = arith.constant 3 : i32
      %add3A_375 = arith.addi %add3A_330, %add3A_374 : i32
      %add3A_376 = arith.constant 1 : i32
      %add3A_377 = arith.addi %add3A_375, %add3A_376 : i32
      %min3A_378 = arith.minsi %add3A_377, %sub3A_9 : i32
      "tpu.region"() ({
        %run_scoped3A = tpu.sem_alloc : memref<!tpu.dma_semaphore, #tpu.memory_space<semaphore_mem>>
        %dma_start3A_454 = arith.constant 0 : i32
        %dma_start3A_455 = arith.constant 0 : i32
        %dma_start3A_456 = tpu.memref_slice %arg3[%min3A_378, %dma_start3A_454, %dma_start3A_455] : memref<2560x2x128xi32, #tpu.memory_space<hbm>> -> memref<1x2x128xi32, #tpu.memory_space<hbm>>
        %dma_start3A_457 = tpu.memref_squeeze %dma_start3A_456 : memref<1x2x128xi32, #tpu.memory_space<hbm>> -> memref<2x128xi32, #tpu.memory_space<hbm>>
        %dma_start3A_458 = arith.constant 0 : i32
        %dma_start3A_459 = arith.constant 0 : i32
        %dma_start3A_460 = tpu.memref_slice %arg3[%min3A_378, %dma_start3A_458, %dma_start3A_459] : memref<2560x2x128xi32, #tpu.memory_space<hbm>> -> memref<1x2x128xi32, #tpu.memory_space<hbm>>
        %dma_start3A_461 = tpu.memref_squeeze %dma_start3A_460 : memref<1x2x128xi32, #tpu.memory_space<hbm>> -> memref<2x128xi32, #tpu.memory_space<hbm>>
        tpu.enqueue_dma source(%dma_start3A_461 : memref<2x128xi32, #tpu.memory_space<hbm>>) target(%arg14 : memref<2x128xi32, #tpu.memory_space<vmem>>) target_semaphore(%run_scoped3A : memref<!tpu.dma_semaphore, #tpu.memory_space<semaphore_mem>>)
        %dma_wait3A_462 = arith.constant 0 : i32
        %dma_wait3A_463 = arith.constant 0 : i32
        %dma_wait3A_464 = tpu.memref_slice %arg3[%min3A_378, %dma_wait3A_462, %dma_wait3A_463] : memref<2560x2x128xi32, #tpu.memory_space<hbm>> -> memref<1x2x128xi32, #tpu.memory_space<hbm>>
        %dma_wait3A_465 = tpu.memref_squeeze %dma_wait3A_464 : memref<1x2x128xi32, #tpu.memory_space<hbm>> -> memref<2x128xi32, #tpu.memory_space<hbm>>
        %dma_wait3A_466 = arith.constant 0 : i32
        %dma_wait3A_467 = arith.constant 0 : i32
        %dma_wait3A_468 = tpu.memref_slice %arg3[%min3A_378, %dma_wait3A_466, %dma_wait3A_467] : memref<2560x2x128xi32, #tpu.memory_space<hbm>> -> memref<1x2x128xi32, #tpu.memory_space<hbm>>
        %dma_wait3A_469 = tpu.memref_squeeze %dma_wait3A_468 : memref<1x2x128xi32, #tpu.memory_space<hbm>> -> memref<2x128xi32, #tpu.memory_space<hbm>>
        tpu.wait_dma2 semaphore(%run_scoped3A : memref<!tpu.dma_semaphore, #tpu.memory_space<semaphore_mem>>) src(%dma_wait3A_469 : memref<2x128xi32, #tpu.memory_space<hbm>>) dst(%arg14 : memref<2x128xi32, #tpu.memory_space<vmem>>)
        tpu.yield
      }) : () -> ()
      %dma_start3A_379 = arith.constant 0 : i32
      %dma_start3A_380 = tpu.memref_slice %arg14[%scan3A_162, %dma_start3A_379] : memref<2x128xi32, #tpu.memory_space<vmem>> -> memref<1x128xi32, #tpu.memory_space<vmem>>
      %dma_start3A_381 = tpu.memref_squeeze %dma_start3A_380 : memref<1x128xi32, #tpu.memory_space<vmem>> -> memref<128xi32, #tpu.memory_space<vmem>>
      %dma_start3A_382 = arith.constant 0 : i32
      %dma_start3A_383 = arith.constant 0 : i32
      %dma_start3A_384 = tpu.memref_slice %arg7[%dma_start3A_382, %dma_start3A_383] : memref<10240x64xf32, #tpu.memory_space<vmem_shared>> -> memref<10240x64xf32, #tpu.memory_space<vmem_shared>>
      tpu.enqueue_indirect_dma source(%dma_start3A_384 : memref<10240x64xf32, #tpu.memory_space<vmem_shared>>) target(%arg10 : memref<128x64xf32, #tpu.memory_space<vmem>>) offsets(%dma_start3A_381 : memref<128xi32, #tpu.memory_space<vmem>>) semaphore(%arg20 : memref<!tpu.dma_semaphore, #tpu.memory_space<semaphore_mem>>)
      %dma_wait3A_385 = arith.constant 0 : i32
      %dma_wait3A_386 = tpu.memref_slice %arg16[%scan3A_165, %dma_wait3A_385] : memref<2x128xi32, #tpu.memory_space<vmem>> -> memref<1x128xi32, #tpu.memory_space<vmem>>
      %dma_wait3A_387 = tpu.memref_squeeze %dma_wait3A_386 : memref<1x128xi32, #tpu.memory_space<vmem>> -> memref<128xi32, #tpu.memory_space<vmem>>
      %dma_wait3A_388 = arith.constant 0 : i32
      %dma_wait3A_389 = arith.constant 0 : i32
      %dma_wait3A_390 = tpu.memref_slice %arg7[%dma_wait3A_388, %dma_wait3A_389] : memref<10240x64xf32, #tpu.memory_space<vmem_shared>> -> memref<10240x64xf32, #tpu.memory_space<vmem_shared>>
      tpu.wait_indirect_dma semaphore(%arg22 : memref<!tpu.dma_semaphore, #tpu.memory_space<semaphore_mem>>) src(%dma_wait3A_390 : memref<10240x64xf32, #tpu.memory_space<vmem_shared>>) dst(%arg12 : memref<128x64xf32, #tpu.memory_space<vmem>>)
      %dma_start3A_391 = arith.constant 1 : i32
      %dma_start3A_392 = arith.constant 0 : i32
      %dma_start3A_393 = tpu.memref_slice %arg16[%dma_start3A_391, %dma_start3A_392] : memref<2x128xi32, #tpu.memory_space<vmem>> -> memref<1x128xi32, #tpu.memory_space<vmem>>
      %dma_start3A_394 = tpu.memref_squeeze %dma_start3A_393 : memref<1x128xi32, #tpu.memory_space<vmem>> -> memref<128xi32, #tpu.memory_space<vmem>>
      %dma_start3A_395 = arith.constant 0 : i32
      %dma_start3A_396 = arith.constant 0 : i32
      %dma_start3A_397 = tpu.memref_slice %arg8[%dma_start3A_395, %dma_start3A_396] : memref<10240x64xf32, #tpu.memory_space<vmem_shared>> -> memref<10240x64xf32, #tpu.memory_space<vmem_shared>>
      tpu.enqueue_indirect_dma source(%arg12 : memref<128x64xf32, #tpu.memory_space<vmem>>) target(%dma_start3A_397 : memref<10240x64xf32, #tpu.memory_space<vmem_shared>>) offsets(%dma_start3A_394 : memref<128xi32, #tpu.memory_space<vmem>>) semaphore(%arg26 : memref<!tpu.dma_semaphore, #tpu.memory_space<semaphore_mem>>) {add = true}
      %dma_wait3A_398 = arith.constant 1 : i32
      %dma_wait3A_399 = arith.constant 0 : i32
      %dma_wait3A_400 = tpu.memref_slice %arg15[%dma_wait3A_398, %dma_wait3A_399] : memref<2x128xi32, #tpu.memory_space<vmem>> -> memref<1x128xi32, #tpu.memory_space<vmem>>
      %dma_wait3A_401 = tpu.memref_squeeze %dma_wait3A_400 : memref<1x128xi32, #tpu.memory_space<vmem>> -> memref<128xi32, #tpu.memory_space<vmem>>
      %dma_wait3A_402 = arith.constant 0 : i32
      %dma_wait3A_403 = arith.constant 0 : i32
      %dma_wait3A_404 = tpu.memref_slice %arg8[%dma_wait3A_402, %dma_wait3A_403] : memref<10240x64xf32, #tpu.memory_space<vmem_shared>> -> memref<10240x64xf32, #tpu.memory_space<vmem_shared>>
      tpu.wait_indirect_dma semaphore(%arg25 : memref<!tpu.dma_semaphore, #tpu.memory_space<semaphore_mem>>) src(%arg11 : memref<128x64xf32, #tpu.memory_space<vmem>>) dst(%dma_wait3A_404 : memref<10240x64xf32, #tpu.memory_space<vmem_shared>>)
      %add3A_405 = arith.constant 3 : i32
      %add3A_406 = arith.addi %add3A_330, %add3A_405 : i32
      %add3A_407 = arith.constant 2 : i32
      %add3A_408 = arith.addi %add3A_406, %add3A_407 : i32
      %min3A_409 = arith.minsi %add3A_408, %sub3A_9 : i32
      "tpu.region"() ({
        %run_scoped3A = tpu.sem_alloc : memref<!tpu.dma_semaphore, #tpu.memory_space<semaphore_mem>>
        %dma_start3A_454 = arith.constant 0 : i32
        %dma_start3A_455 = arith.constant 0 : i32
        %dma_start3A_456 = tpu.memref_slice %arg3[%min3A_409, %dma_start3A_454, %dma_start3A_455] : memref<2560x2x128xi32, #tpu.memory_space<hbm>> -> memref<1x2x128xi32, #tpu.memory_space<hbm>>
        %dma_start3A_457 = tpu.memref_squeeze %dma_start3A_456 : memref<1x2x128xi32, #tpu.memory_space<hbm>> -> memref<2x128xi32, #tpu.memory_space<hbm>>
        %dma_start3A_458 = arith.constant 0 : i32
        %dma_start3A_459 = arith.constant 0 : i32
        %dma_start3A_460 = tpu.memref_slice %arg3[%min3A_409, %dma_start3A_458, %dma_start3A_459] : memref<2560x2x128xi32, #tpu.memory_space<hbm>> -> memref<1x2x128xi32, #tpu.memory_space<hbm>>
        %dma_start3A_461 = tpu.memref_squeeze %dma_start3A_460 : memref<1x2x128xi32, #tpu.memory_space<hbm>> -> memref<2x128xi32, #tpu.memory_space<hbm>>
        tpu.enqueue_dma source(%dma_start3A_461 : memref<2x128xi32, #tpu.memory_space<hbm>>) target(%arg15 : memref<2x128xi32, #tpu.memory_space<vmem>>) target_semaphore(%run_scoped3A : memref<!tpu.dma_semaphore, #tpu.memory_space<semaphore_mem>>)
        %dma_wait3A_462 = arith.constant 0 : i32
        %dma_wait3A_463 = arith.constant 0 : i32
        %dma_wait3A_464 = tpu.memref_slice %arg3[%min3A_409, %dma_wait3A_462, %dma_wait3A_463] : memref<2560x2x128xi32, #tpu.memory_space<hbm>> -> memref<1x2x128xi32, #tpu.memory_space<hbm>>
        %dma_wait3A_465 = tpu.memref_squeeze %dma_wait3A_464 : memref<1x2x128xi32, #tpu.memory_space<hbm>> -> memref<2x128xi32, #tpu.memory_space<hbm>>
        %dma_wait3A_466 = arith.constant 0 : i32
        %dma_wait3A_467 = arith.constant 0 : i32
        %dma_wait3A_468 = tpu.memref_slice %arg3[%min3A_409, %dma_wait3A_466, %dma_wait3A_467] : memref<2560x2x128xi32, #tpu.memory_space<hbm>> -> memref<1x2x128xi32, #tpu.memory_space<hbm>>
        %dma_wait3A_469 = tpu.memref_squeeze %dma_wait3A_468 : memref<1x2x128xi32, #tpu.memory_space<hbm>> -> memref<2x128xi32, #tpu.memory_space<hbm>>
        tpu.wait_dma2 semaphore(%run_scoped3A : memref<!tpu.dma_semaphore, #tpu.memory_space<semaphore_mem>>) src(%dma_wait3A_469 : memref<2x128xi32, #tpu.memory_space<hbm>>) dst(%arg15 : memref<2x128xi32, #tpu.memory_space<vmem>>)
        tpu.yield
      }) : () -> ()
      %dma_start3A_410 = arith.constant 0 : i32
      %dma_start3A_411 = tpu.memref_slice %arg15[%scan3A_164, %dma_start3A_410] : memref<2x128xi32, #tpu.memory_space<vmem>> -> memref<1x128xi32, #tpu.memory_space<vmem>>
      %dma_start3A_412 = tpu.memref_squeeze %dma_start3A_411 : memref<1x128xi32, #tpu.memory_space<vmem>> -> memref<128xi32, #tpu.memory_space<vmem>>
      %dma_start3A_413 = arith.constant 0 : i32
      %dma_start3A_414 = arith.constant 0 : i32
      %dma_start3A_415 = tpu.memref_slice %arg7[%dma_start3A_413, %dma_start3A_414] : memref<10240x64xf32, #tpu.memory_space<vmem_shared>> -> memref<10240x64xf32, #tpu.memory_space<vmem_shared>>
      tpu.enqueue_indirect_dma source(%dma_start3A_415 : memref<10240x64xf32, #tpu.memory_space<vmem_shared>>) target(%arg11 : memref<128x64xf32, #tpu.memory_space<vmem>>) offsets(%dma_start3A_412 : memref<128xi32, #tpu.memory_space<vmem>>) semaphore(%arg21 : memref<!tpu.dma_semaphore, #tpu.memory_space<semaphore_mem>>)
      %dma_wait3A_416 = arith.constant 0 : i32
      %dma_wait3A_417 = tpu.memref_slice %arg17[%scan3A_163, %dma_wait3A_416] : memref<2x128xi32, #tpu.memory_space<vmem>> -> memref<1x128xi32, #tpu.memory_space<vmem>>
      %dma_wait3A_418 = tpu.memref_squeeze %dma_wait3A_417 : memref<1x128xi32, #tpu.memory_space<vmem>> -> memref<128xi32, #tpu.memory_space<vmem>>
      %dma_wait3A_419 = arith.constant 0 : i32
      %dma_wait3A_420 = arith.constant 0 : i32
      %dma_wait3A_421 = tpu.memref_slice %arg7[%dma_wait3A_419, %dma_wait3A_420] : memref<10240x64xf32, #tpu.memory_space<vmem_shared>> -> memref<10240x64xf32, #tpu.memory_space<vmem_shared>>
      tpu.wait_indirect_dma semaphore(%arg23 : memref<!tpu.dma_semaphore, #tpu.memory_space<semaphore_mem>>) src(%dma_wait3A_421 : memref<10240x64xf32, #tpu.memory_space<vmem_shared>>) dst(%arg13 : memref<128x64xf32, #tpu.memory_space<vmem>>)
      %dma_start3A_422 = arith.constant 1 : i32
      %dma_start3A_423 = arith.constant 0 : i32
      %dma_start3A_424 = tpu.memref_slice %arg17[%dma_start3A_422, %dma_start3A_423] : memref<2x128xi32, #tpu.memory_space<vmem>> -> memref<1x128xi32, #tpu.memory_space<vmem>>
      %dma_start3A_425 = tpu.memref_squeeze %dma_start3A_424 : memref<1x128xi32, #tpu.memory_space<vmem>> -> memref<128xi32, #tpu.memory_space<vmem>>
      %dma_start3A_426 = arith.constant 0 : i32
      %dma_start3A_427 = arith.constant 0 : i32
      %dma_start3A_428 = tpu.memref_slice %arg8[%dma_start3A_426, %dma_start3A_427] : memref<10240x64xf32, #tpu.memory_space<vmem_shared>> -> memref<10240x64xf32, #tpu.memory_space<vmem_shared>>
      tpu.enqueue_indirect_dma source(%arg13 : memref<128x64xf32, #tpu.memory_space<vmem>>) target(%dma_start3A_428 : memref<10240x64xf32, #tpu.memory_space<vmem_shared>>) offsets(%dma_start3A_425 : memref<128xi32, #tpu.memory_space<vmem>>) semaphore(%arg27 : memref<!tpu.dma_semaphore, #tpu.memory_space<semaphore_mem>>) {add = true}
      %dma_wait3A_429 = arith.constant 1 : i32
      %dma_wait3A_430 = arith.constant 0 : i32
      %dma_wait3A_431 = tpu.memref_slice %arg16[%dma_wait3A_429, %dma_wait3A_430] : memref<2x128xi32, #tpu.memory_space<vmem>> -> memref<1x128xi32, #tpu.memory_space<vmem>>
      %dma_wait3A_432 = tpu.memref_squeeze %dma_wait3A_431 : memref<1x128xi32, #tpu.memory_space<vmem>> -> memref<128xi32, #tpu.memory_space<vmem>>
      %dma_wait3A_433 = arith.constant 0 : i32
      %dma_wait3A_434 = arith.constant 0 : i32
      %dma_wait3A_435 = tpu.memref_slice %arg8[%dma_wait3A_433, %dma_wait3A_434] : memref<10240x64xf32, #tpu.memory_space<vmem_shared>> -> memref<10240x64xf32, #tpu.memory_space<vmem_shared>>
      tpu.wait_indirect_dma semaphore(%arg26 : memref<!tpu.dma_semaphore, #tpu.memory_space<semaphore_mem>>) src(%arg12 : memref<128x64xf32, #tpu.memory_space<vmem>>) dst(%dma_wait3A_435 : memref<10240x64xf32, #tpu.memory_space<vmem_shared>>)
      %add3A_436 = arith.constant 3 : i32
      %add3A_437 = arith.addi %add3A_330, %add3A_436 : i32
      %add3A_438 = arith.constant 3 : i32
      %add3A_439 = arith.addi %add3A_437, %add3A_438 : i32
      %min3A_440 = arith.minsi %add3A_439, %sub3A_9 : i32
      "tpu.region"() ({
        %run_scoped3A = tpu.sem_alloc : memref<!tpu.dma_semaphore, #tpu.memory_space<semaphore_mem>>
        %dma_start3A_454 = arith.constant 0 : i32
        %dma_start3A_455 = arith.constant 0 : i32
        %dma_start3A_456 = tpu.memref_slice %arg3[%min3A_440, %dma_start3A_454, %dma_start3A_455] : memref<2560x2x128xi32, #tpu.memory_space<hbm>> -> memref<1x2x128xi32, #tpu.memory_space<hbm>>
        %dma_start3A_457 = tpu.memref_squeeze %dma_start3A_456 : memref<1x2x128xi32, #tpu.memory_space<hbm>> -> memref<2x128xi32, #tpu.memory_space<hbm>>
        %dma_start3A_458 = arith.constant 0 : i32
        %dma_start3A_459 = arith.constant 0 : i32
        %dma_start3A_460 = tpu.memref_slice %arg3[%min3A_440, %dma_start3A_458, %dma_start3A_459] : memref<2560x2x128xi32, #tpu.memory_space<hbm>> -> memref<1x2x128xi32, #tpu.memory_space<hbm>>
        %dma_start3A_461 = tpu.memref_squeeze %dma_start3A_460 : memref<1x2x128xi32, #tpu.memory_space<hbm>> -> memref<2x128xi32, #tpu.memory_space<hbm>>
        tpu.enqueue_dma source(%dma_start3A_461 : memref<2x128xi32, #tpu.memory_space<hbm>>) target(%arg16 : memref<2x128xi32, #tpu.memory_space<vmem>>) target_semaphore(%run_scoped3A : memref<!tpu.dma_semaphore, #tpu.memory_space<semaphore_mem>>)
        %dma_wait3A_462 = arith.constant 0 : i32
        %dma_wait3A_463 = arith.constant 0 : i32
        %dma_wait3A_464 = tpu.memref_slice %arg3[%min3A_440, %dma_wait3A_462, %dma_wait3A_463] : memref<2560x2x128xi32, #tpu.memory_space<hbm>> -> memref<1x2x128xi32, #tpu.memory_space<hbm>>
        %dma_wait3A_465 = tpu.memref_squeeze %dma_wait3A_464 : memref<1x2x128xi32, #tpu.memory_space<hbm>> -> memref<2x128xi32, #tpu.memory_space<hbm>>
        %dma_wait3A_466 = arith.constant 0 : i32
        %dma_wait3A_467 = arith.constant 0 : i32
        %dma_wait3A_468 = tpu.memref_slice %arg3[%min3A_440, %dma_wait3A_466, %dma_wait3A_467] : memref<2560x2x128xi32, #tpu.memory_space<hbm>> -> memref<1x2x128xi32, #tpu.memory_space<hbm>>
        %dma_wait3A_469 = tpu.memref_squeeze %dma_wait3A_468 : memref<1x2x128xi32, #tpu.memory_space<hbm>> -> memref<2x128xi32, #tpu.memory_space<hbm>>
        tpu.wait_dma2 semaphore(%run_scoped3A : memref<!tpu.dma_semaphore, #tpu.memory_space<semaphore_mem>>) src(%dma_wait3A_469 : memref<2x128xi32, #tpu.memory_space<hbm>>) dst(%arg16 : memref<2x128xi32, #tpu.memory_space<vmem>>)
        tpu.yield
      }) : () -> ()
      %dma_start3A_441 = arith.constant 0 : i32
      %dma_start3A_442 = tpu.memref_slice %arg16[%scan3A_165, %dma_start3A_441] : memref<2x128xi32, #tpu.memory_space<vmem>> -> memref<1x128xi32, #tpu.memory_space<vmem>>
      %dma_start3A_443 = tpu.memref_squeeze %dma_start3A_442 : memref<1x128xi32, #tpu.memory_space<vmem>> -> memref<128xi32, #tpu.memory_space<vmem>>
      %dma_start3A_444 = arith.constant 0 : i32
      %dma_start3A_445 = arith.constant 0 : i32
      %dma_start3A_446 = tpu.memref_slice %arg7[%dma_start3A_444, %dma_start3A_445] : memref<10240x64xf32, #tpu.memory_space<vmem_shared>> -> memref<10240x64xf32, #tpu.memory_space<vmem_shared>>
      tpu.enqueue_indirect_dma source(%dma_start3A_446 : memref<10240x64xf32, #tpu.memory_space<vmem_shared>>) target(%arg12 : memref<128x64xf32, #tpu.memory_space<vmem>>) offsets(%dma_start3A_443 : memref<128xi32, #tpu.memory_space<vmem>>) semaphore(%arg22 : memref<!tpu.dma_semaphore, #tpu.memory_space<semaphore_mem>>)
      %dma_wait3A_447 = arith.constant 1 : i32
      %dma_wait3A_448 = arith.constant 0 : i32
      %dma_wait3A_449 = tpu.memref_slice %arg17[%dma_wait3A_447, %dma_wait3A_448] : memref<2x128xi32, #tpu.memory_space<vmem>> -> memref<1x128xi32, #tpu.memory_space<vmem>>
      %dma_wait3A_450 = tpu.memref_squeeze %dma_wait3A_449 : memref<1x128xi32, #tpu.memory_space<vmem>> -> memref<128xi32, #tpu.memory_space<vmem>>
      %dma_wait3A_451 = arith.constant 0 : i32
      %dma_wait3A_452 = arith.constant 0 : i32
      %dma_wait3A_453 = tpu.memref_slice %arg8[%dma_wait3A_451, %dma_wait3A_452] : memref<10240x64xf32, #tpu.memory_space<vmem_shared>> -> memref<10240x64xf32, #tpu.memory_space<vmem_shared>>
      tpu.wait_indirect_dma semaphore(%arg27 : memref<!tpu.dma_semaphore, #tpu.memory_space<semaphore_mem>>) src(%arg13 : memref<128x64xf32, #tpu.memory_space<vmem>>) dst(%dma_wait3A_453 : memref<10240x64xf32, #tpu.memory_space<vmem_shared>>)
    }
    %scan3A_170 = arith.constant 40 : i32
    %dma_wait3A_171 = arith.constant 0 : i32
    %dma_wait3A_172 = arith.constant 0 : i32
    %dma_wait3A_173 = tpu.memref_slice %arg14[%dma_wait3A_171, %dma_wait3A_172] : memref<2x128xi32, #tpu.memory_space<vmem>> -> memref<1x128xi32, #tpu.memory_space<vmem>>
    %dma_wait3A_174 = tpu.memref_squeeze %dma_wait3A_173 : memref<1x128xi32, #tpu.memory_space<vmem>> -> memref<128xi32, #tpu.memory_space<vmem>>
    %dma_wait3A_175 = arith.constant 0 : i32
    %dma_wait3A_176 = arith.constant 0 : i32
    %dma_wait3A_177 = tpu.memref_slice %arg7[%dma_wait3A_175, %dma_wait3A_176] : memref<10240x64xf32, #tpu.memory_space<vmem_shared>> -> memref<10240x64xf32, #tpu.memory_space<vmem_shared>>
    tpu.wait_indirect_dma semaphore(%arg20 : memref<!tpu.dma_semaphore, #tpu.memory_space<semaphore_mem>>) src(%dma_wait3A_177 : memref<10240x64xf32, #tpu.memory_space<vmem_shared>>) dst(%arg10 : memref<128x64xf32, #tpu.memory_space<vmem>>)
    %dma_wait3A_178 = arith.constant 0 : i32
    %dma_wait3A_179 = arith.constant 0 : i32
    %dma_wait3A_180 = tpu.memref_slice %arg15[%dma_wait3A_178, %dma_wait3A_179] : memref<2x128xi32, #tpu.memory_space<vmem>> -> memref<1x128xi32, #tpu.memory_space<vmem>>
    %dma_wait3A_181 = tpu.memref_squeeze %dma_wait3A_180 : memref<1x128xi32, #tpu.memory_space<vmem>> -> memref<128xi32, #tpu.memory_space<vmem>>
    %dma_wait3A_182 = arith.constant 0 : i32
    %dma_wait3A_183 = arith.constant 0 : i32
    %dma_wait3A_184 = tpu.memref_slice %arg7[%dma_wait3A_182, %dma_wait3A_183] : memref<10240x64xf32, #tpu.memory_space<vmem_shared>> -> memref<10240x64xf32, #tpu.memory_space<vmem_shared>>
    tpu.wait_indirect_dma semaphore(%arg21 : memref<!tpu.dma_semaphore, #tpu.memory_space<semaphore_mem>>) src(%dma_wait3A_184 : memref<10240x64xf32, #tpu.memory_space<vmem_shared>>) dst(%arg11 : memref<128x64xf32, #tpu.memory_space<vmem>>)
    %dma_wait3A_185 = arith.constant 0 : i32
    %dma_wait3A_186 = arith.constant 0 : i32
    %dma_wait3A_187 = tpu.memref_slice %arg16[%dma_wait3A_185, %dma_wait3A_186] : memref<2x128xi32, #tpu.memory_space<vmem>> -> memref<1x128xi32, #tpu.memory_space<vmem>>
    %dma_wait3A_188 = tpu.memref_squeeze %dma_wait3A_187 : memref<1x128xi32, #tpu.memory_space<vmem>> -> memref<128xi32, #tpu.memory_space<vmem>>
    %dma_wait3A_189 = arith.constant 0 : i32
    %dma_wait3A_190 = arith.constant 0 : i32
    %dma_wait3A_191 = tpu.memref_slice %arg7[%dma_wait3A_189, %dma_wait3A_190] : memref<10240x64xf32, #tpu.memory_space<vmem_shared>> -> memref<10240x64xf32, #tpu.memory_space<vmem_shared>>
    tpu.wait_indirect_dma semaphore(%arg22 : memref<!tpu.dma_semaphore, #tpu.memory_space<semaphore_mem>>) src(%dma_wait3A_191 : memref<10240x64xf32, #tpu.memory_space<vmem_shared>>) dst(%arg12 : memref<128x64xf32, #tpu.memory_space<vmem>>)
    %barrier3A_192 = arith.constant 0 : index
    tpu.barrier barrier_id(%barrier3A_192)
    %scan3A_193 = arith.constant 0 : i32
    %scan3A_194 = arith.constant 0 : i32
    %scan3A_195 = arith.constant 5 : i32
    %scan3A_196 = arith.addi %scan3A_194, %scan3A_195 : i32
    %scan3A_197 = arith.constant 1 : i32
    scf.for %scan3A_327 = %scan3A_194 to %scan3A_196 step %scan3A_197  : i32 {
      %mul3A_328 = arith.constant 128 : i32
      %mul3A_329 = arith.muli %scan3A_327, %mul3A_328 : i32
      %add3A_330 = arith.addi %mul3A_0, %mul3A_329 : i32
      "tpu.region"() ({
        %run_scoped3A_337 = tpu.sem_alloc : memref<!tpu.dma_semaphore, #tpu.memory_space<semaphore_mem>>
        %dma_start3A_338 = arith.constant 0 : i32
        %dma_start3A_339 = tpu.memref_slice %arg8[%add3A_330, %dma_start3A_338] : memref<10240x64xf32, #tpu.memory_space<vmem_shared>> -> memref<128x64xf32, #tpu.memory_space<vmem_shared>>
        %dma_start3A_340 = arith.constant 0 : i32
        %dma_start3A_341 = tpu.memref_slice %arg8[%add3A_330, %dma_start3A_340] : memref<10240x64xf32, #tpu.memory_space<vmem_shared>> -> memref<128x64xf32, #tpu.memory_space<vmem_shared>>
        tpu.enqueue_dma source(%dma_start3A_341 : memref<128x64xf32, #tpu.memory_space<vmem_shared>>) target(%arg9 : memref<128x64xf32, #tpu.memory_space<vmem>>) target_semaphore(%run_scoped3A_337 : memref<!tpu.dma_semaphore, #tpu.memory_space<semaphore_mem>>)
        %dma_wait3A_342 = arith.constant 0 : i32
        %dma_wait3A_343 = tpu.memref_slice %arg8[%add3A_330, %dma_wait3A_342] : memref<10240x64xf32, #tpu.memory_space<vmem_shared>> -> memref<128x64xf32, #tpu.memory_space<vmem_shared>>
        %dma_wait3A_344 = arith.constant 0 : i32
        %dma_wait3A_345 = tpu.memref_slice %arg8[%add3A_330, %dma_wait3A_344] : memref<10240x64xf32, #tpu.memory_space<vmem_shared>> -> memref<128x64xf32, #tpu.memory_space<vmem_shared>>
        tpu.wait_dma2 semaphore(%run_scoped3A_337 : memref<!tpu.dma_semaphore, #tpu.memory_space<semaphore_mem>>) src(%dma_wait3A_345 : memref<128x64xf32, #tpu.memory_space<vmem_shared>>) dst(%arg9 : memref<128x64xf32, #tpu.memory_space<vmem>>)
        tpu.yield
      }) : () -> ()
      %scan3A_331 = arith.constant 0 : i32
      %scan3A_332 = arith.constant 0 : i32
      %scan3A_333 = arith.constant 128 : i32
      %scan3A_334 = arith.addi %scan3A_332, %scan3A_333 : i32
      %scan3A_335 = arith.constant 1 : i32
      scf.for %scan3A_337 = %scan3A_332 to %scan3A_334 step %scan3A_335  : i32 {
        %mul3A_338 = arith.constant 128 : i32
        %mul3A_339 = arith.muli %scan3A_327, %mul3A_338 : i32
        %add3A_340 = arith.addi %mul3A_339, %scan3A_337 : i32
        %broadcast_in_dim3A = vector.broadcast %add3A_340 : i32 to vector<16xi32>
        %gather3A = tpu.vector_load_idx %arg19[%broadcast_in_dim3A] : memref<640xf32, #tpu.memory_space<vmem>>[vector<16xi32>], vector<16xf32>,
        %get3A = arith.index_cast %scan3A_337 : i32 to index
        %get3A_341 = arith.constant 0 : index
        %get3A_342 = tpu.vector_load %arg9[%get3A, %get3A_341] {strides = array<i32>} : memref<128x64xf32, #tpu.memory_space<vmem>>, vector<16xf32>,
        %mul3A_343 = arith.mulf %get3A_342, %gather3A : vector<16xf32>
        %swap3A = arith.index_cast %scan3A_337 : i32 to index
        %swap3A_344 = arith.constant 0 : index
        %swap3A_345 = tpu.vector_load %arg9[%swap3A, %swap3A_344] {strides = array<i32>} : memref<128x64xf32, #tpu.memory_space<vmem>>, vector<16xf32>,
        tpu.vector_store %arg9[%swap3A, %swap3A_344], %mul3A_343 {strides = array<i32>} : memref<128x64xf32, #tpu.memory_space<vmem>>, vector<16xf32>,
        %get3A_346 = arith.index_cast %scan3A_337 : i32 to index
        %get3A_347 = arith.constant 16 : index
        %get3A_348 = tpu.vector_load %arg9[%get3A_346, %get3A_347] {strides = array<i32>} : memref<128x64xf32, #tpu.memory_space<vmem>>, vector<16xf32>,
        %mul3A_349 = arith.mulf %get3A_348, %gather3A : vector<16xf32>
        %swap3A_350 = arith.index_cast %scan3A_337 : i32 to index
        %swap3A_351 = arith.constant 16 : index
        %swap3A_352 = tpu.vector_load %arg9[%swap3A_350, %swap3A_351] {strides = array<i32>} : memref<128x64xf32, #tpu.memory_space<vmem>>, vector<16xf32>,
        tpu.vector_store %arg9[%swap3A_350, %swap3A_351], %mul3A_349 {strides = array<i32>} : memref<128x64xf32, #tpu.memory_space<vmem>>, vector<16xf32>,
        %get3A_353 = arith.index_cast %scan3A_337 : i32 to index
        %get3A_354 = arith.constant 32 : index
        %get3A_355 = tpu.vector_load %arg9[%get3A_353, %get3A_354] {strides = array<i32>} : memref<128x64xf32, #tpu.memory_space<vmem>>, vector<16xf32>,
        %mul3A_356 = arith.mulf %get3A_355, %gather3A : vector<16xf32>
        %swap3A_357 = arith.index_cast %scan3A_337 : i32 to index
        %swap3A_358 = arith.constant 32 : index
        %swap3A_359 = tpu.vector_load %arg9[%swap3A_357, %swap3A_358] {strides = array<i32>} : memref<128x64xf32, #tpu.memory_space<vmem>>, vector<16xf32>,
        tpu.vector_store %arg9[%swap3A_357, %swap3A_358], %mul3A_356 {strides = array<i32>} : memref<128x64xf32, #tpu.memory_space<vmem>>, vector<16xf32>,
        %get3A_360 = arith.index_cast %scan3A_337 : i32 to index
        %get3A_361 = arith.constant 48 : index
        %get3A_362 = tpu.vector_load %arg9[%get3A_360, %get3A_361] {strides = array<i32>} : memref<128x64xf32, #tpu.memory_space<vmem>>, vector<16xf32>,
        %mul3A_363 = arith.mulf %get3A_362, %gather3A : vector<16xf32>
        %swap3A_364 = arith.index_cast %scan3A_337 : i32 to index
        %swap3A_365 = arith.constant 48 : index
        %swap3A_366 = tpu.vector_load %arg9[%swap3A_364, %swap3A_365] {strides = array<i32>} : memref<128x64xf32, #tpu.memory_space<vmem>>, vector<16xf32>,
        tpu.vector_store %arg9[%swap3A_364, %swap3A_365], %mul3A_363 {strides = array<i32>} : memref<128x64xf32, #tpu.memory_space<vmem>>, vector<16xf32>,
      }
      %scan3A_336 = arith.constant 128 : i32
      %run_scoped3A = arith.constant 2 : i32
      "tpu.region"() ({
        %run_scoped3A_337 = tpu.sem_alloc : memref<!tpu.dma_semaphore, #tpu.memory_space<semaphore_mem>>
        %dma_start3A_338 = arith.constant 0 : i32
        %dma_start3A_339 = tpu.memref_slice %arg6[%run_scoped3A, %arg0, %add3A_330, %dma_start3A_338] : memref<5x2x10240x64xf32, #tpu.memory_space<hbm>> -> memref<1x1x128x64xf32, #tpu.memory_space<hbm>>
        %dma_start3A_340 = tpu.memref_squeeze %dma_start3A_339 : memref<1x1x128x64xf32, #tpu.memory_space<hbm>> -> memref<128x64xf32, #tpu.memory_space<hbm>>
        %dma_start3A_341 = arith.constant 0 : i32
        %dma_start3A_342 = tpu.memref_slice %arg6[%run_scoped3A, %arg0, %add3A_330, %dma_start3A_341] : memref<5x2x10240x64xf32, #tpu.memory_space<hbm>> -> memref<1x1x128x64xf32, #tpu.memory_space<hbm>>
        %dma_start3A_343 = tpu.memref_squeeze %dma_start3A_342 : memref<1x1x128x64xf32, #tpu.memory_space<hbm>> -> memref<128x64xf32, #tpu.memory_space<hbm>>
        tpu.enqueue_dma source(%arg9 : memref<128x64xf32, #tpu.memory_space<vmem>>) target(%dma_start3A_343 : memref<128x64xf32, #tpu.memory_space<hbm>>) target_semaphore(%run_scoped3A_337 : memref<!tpu.dma_semaphore, #tpu.memory_space<semaphore_mem>>)
        %dma_wait3A_344 = arith.constant 0 : i32
        %dma_wait3A_345 = tpu.memref_slice %arg6[%run_scoped3A, %arg0, %add3A_330, %dma_wait3A_344] : memref<5x2x10240x64xf32, #tpu.memory_space<hbm>> -> memref<1x1x128x64xf32, #tpu.memory_space<hbm>>
        %dma_wait3A_346 = tpu.memref_squeeze %dma_wait3A_345 : memref<1x1x128x64xf32, #tpu.memory_space<hbm>> -> memref<128x64xf32, #tpu.memory_space<hbm>>
        %dma_wait3A_347 = arith.constant 0 : i32
        %dma_wait3A_348 = tpu.memref_slice %arg6[%run_scoped3A, %arg0, %add3A_330, %dma_wait3A_347] : memref<5x2x10240x64xf32, #tpu.memory_space<hbm>> -> memref<1x1x128x64xf32, #tpu.memory_space<hbm>>
        %dma_wait3A_349 = tpu.memref_squeeze %dma_wait3A_348 : memref<1x1x128x64xf32, #tpu.memory_space<hbm>> -> memref<128x64xf32, #tpu.memory_space<hbm>>
        tpu.wait_dma2 semaphore(%run_scoped3A_337 : memref<!tpu.dma_semaphore, #tpu.memory_space<semaphore_mem>>) src(%arg9 : memref<128x64xf32, #tpu.memory_space<vmem>>) dst(%dma_wait3A_349 : memref<128x64xf32, #tpu.memory_space<hbm>>)
        tpu.yield
      }) : () -> ()
      "tpu.region"() ({
        %run_scoped3A_337 = tpu.sem_alloc : memref<!tpu.dma_semaphore, #tpu.memory_space<semaphore_mem>>
        %dma_start3A_338 = arith.constant 0 : i32
        %dma_start3A_339 = tpu.memref_slice %arg7[%add3A_330, %dma_start3A_338] : memref<10240x64xf32, #tpu.memory_space<vmem_shared>> -> memref<128x64xf32, #tpu.memory_space<vmem_shared>>
        %dma_start3A_340 = arith.constant 0 : i32
        %dma_start3A_341 = tpu.memref_slice %arg7[%add3A_330, %dma_start3A_340] : memref<10240x64xf32, #tpu.memory_space<vmem_shared>> -> memref<128x64xf32, #tpu.memory_space<vmem_shared>>
        tpu.enqueue_dma source(%arg9 : memref<128x64xf32, #tpu.memory_space<vmem>>) target(%dma_start3A_341 : memref<128x64xf32, #tpu.memory_space<vmem_shared>>) target_semaphore(%run_scoped3A_337 : memref<!tpu.dma_semaphore, #tpu.memory_space<semaphore_mem>>)
        %dma_wait3A_342 = arith.constant 0 : i32
        %dma_wait3A_343 = tpu.memref_slice %arg7[%add3A_330, %dma_wait3A_342] : memref<10240x64xf32, #tpu.memory_space<vmem_shared>> -> memref<128x64xf32, #tpu.memory_space<vmem_shared>>
        %dma_wait3A_344 = arith.constant 0 : i32
        %dma_wait3A_345 = tpu.memref_slice %arg7[%add3A_330, %dma_wait3A_344] : memref<10240x64xf32, #tpu.memory_space<vmem_shared>> -> memref<128x64xf32, #tpu.memory_space<vmem_shared>>
        tpu.wait_dma2 semaphore(%run_scoped3A_337 : memref<!tpu.dma_semaphore, #tpu.memory_space<semaphore_mem>>) src(%arg9 : memref<128x64xf32, #tpu.memory_space<vmem>>) dst(%dma_wait3A_345 : memref<128x64xf32, #tpu.memory_space<vmem_shared>>)
        tpu.yield
      }) : () -> ()
      "tpu.region"() ({
        %run_scoped3A_337 = tpu.sem_alloc : memref<!tpu.dma_semaphore, #tpu.memory_space<semaphore_mem>>
        %dma_start3A_338 = arith.constant 0 : i32
        %dma_start3A_339 = tpu.memref_slice %arg8[%add3A_330, %dma_start3A_338] : memref<10240x64xf32, #tpu.memory_space<vmem_shared>> -> memref<128x64xf32, #tpu.memory_space<vmem_shared>>
        %dma_start3A_340 = arith.constant 0 : i32
        %dma_start3A_341 = tpu.memref_slice %arg8[%add3A_330, %dma_start3A_340] : memref<10240x64xf32, #tpu.memory_space<vmem_shared>> -> memref<128x64xf32, #tpu.memory_space<vmem_shared>>
        tpu.enqueue_dma source(%arg9 : memref<128x64xf32, #tpu.memory_space<vmem>>) target(%dma_start3A_341 : memref<128x64xf32, #tpu.memory_space<vmem_shared>>) target_semaphore(%run_scoped3A_337 : memref<!tpu.dma_semaphore, #tpu.memory_space<semaphore_mem>>)
        %dma_wait3A_342 = arith.constant 0 : i32
        %dma_wait3A_343 = tpu.memref_slice %arg8[%add3A_330, %dma_wait3A_342] : memref<10240x64xf32, #tpu.memory_space<vmem_shared>> -> memref<128x64xf32, #tpu.memory_space<vmem_shared>>
        %dma_wait3A_344 = arith.constant 0 : i32
        %dma_wait3A_345 = tpu.memref_slice %arg8[%add3A_330, %dma_wait3A_344] : memref<10240x64xf32, #tpu.memory_space<vmem_shared>> -> memref<128x64xf32, #tpu.memory_space<vmem_shared>>
        tpu.wait_dma2 semaphore(%run_scoped3A_337 : memref<!tpu.dma_semaphore, #tpu.memory_space<semaphore_mem>>) src(%arg9 : memref<128x64xf32, #tpu.memory_space<vmem>>) dst(%dma_wait3A_345 : memref<128x64xf32, #tpu.memory_space<vmem_shared>>)
        tpu.yield
      }) : () -> ()
    }
    %scan3A_198 = arith.constant 5 : i32
    %barrier3A_199 = arith.constant 0 : index
    tpu.barrier barrier_id(%barrier3A_199)
    "tpu.region"() ({
      %run_scoped3A = tpu.sem_alloc : memref<!tpu.dma_semaphore, #tpu.memory_space<semaphore_mem>>
      %dma_start3A_327 = arith.constant 0 : i32
      %dma_start3A_328 = arith.constant 0 : i32
      %dma_start3A_329 = tpu.memref_slice %arg3[%mul3A_2, %dma_start3A_327, %dma_start3A_328] : memref<2560x2x128xi32, #tpu.memory_space<hbm>> -> memref<1x2x128xi32, #tpu.memory_space<hbm>>
      %dma_start3A_330 = tpu.memref_squeeze %dma_start3A_329 : memref<1x2x128xi32, #tpu.memory_space<hbm>> -> memref<2x128xi32, #tpu.memory_space<hbm>>
      %dma_start3A_331 = arith.constant 0 : i32
      %dma_start3A_332 = arith.constant 0 : i32
      %dma_start3A_333 = tpu.memref_slice %arg3[%mul3A_2, %dma_start3A_331, %dma_start3A_332] : memref<2560x2x128xi32, #tpu.memory_space<hbm>> -> memref<1x2x128xi32, #tpu.memory_space<hbm>>
      %dma_start3A_334 = tpu.memref_squeeze %dma_start3A_333 : memref<1x2x128xi32, #tpu.memory_space<hbm>> -> memref<2x128xi32, #tpu.memory_space<hbm>>
      tpu.enqueue_dma source(%dma_start3A_334 : memref<2x128xi32, #tpu.memory_space<hbm>>) target(%arg14 : memref<2x128xi32, #tpu.memory_space<vmem>>) target_semaphore(%run_scoped3A : memref<!tpu.dma_semaphore, #tpu.memory_space<semaphore_mem>>)
      %dma_wait3A_335 = arith.constant 0 : i32
      %dma_wait3A_336 = arith.constant 0 : i32
      %dma_wait3A_337 = tpu.memref_slice %arg3[%mul3A_2, %dma_wait3A_335, %dma_wait3A_336] : memref<2560x2x128xi32, #tpu.memory_space<hbm>> -> memref<1x2x128xi32, #tpu.memory_space<hbm>>
      %dma_wait3A_338 = tpu.memref_squeeze %dma_wait3A_337 : memref<1x2x128xi32, #tpu.memory_space<hbm>> -> memref<2x128xi32, #tpu.memory_space<hbm>>
      %dma_wait3A_339 = arith.constant 0 : i32
      %dma_wait3A_340 = arith.constant 0 : i32
      %dma_wait3A_341 = tpu.memref_slice %arg3[%mul3A_2, %dma_wait3A_339, %dma_wait3A_340] : memref<2560x2x128xi32, #tpu.memory_space<hbm>> -> memref<1x2x128xi32, #tpu.memory_space<hbm>>
      %dma_wait3A_342 = tpu.memref_squeeze %dma_wait3A_341 : memref<1x2x128xi32, #tpu.memory_space<hbm>> -> memref<2x128xi32, #tpu.memory_space<hbm>>
      tpu.wait_dma2 semaphore(%run_scoped3A : memref<!tpu.dma_semaphore, #tpu.memory_space<semaphore_mem>>) src(%dma_wait3A_342 : memref<2x128xi32, #tpu.memory_space<hbm>>) dst(%arg14 : memref<2x128xi32, #tpu.memory_space<vmem>>)
      tpu.yield
    }) : () -> ()
    %dma_start3A_200 = arith.constant 0 : i32
    %dma_start3A_201 = arith.constant 0 : i32
    %dma_start3A_202 = tpu.memref_slice %arg14[%dma_start3A_200, %dma_start3A_201] : memref<2x128xi32, #tpu.memory_space<vmem>> -> memref<1x128xi32, #tpu.memory_space<vmem>>
    %dma_start3A_203 = tpu.memref_squeeze %dma_start3A_202 : memref<1x128xi32, #tpu.memory_space<vmem>> -> memref<128xi32, #tpu.memory_space<vmem>>
    %dma_start3A_204 = arith.constant 0 : i32
    %dma_start3A_205 = arith.constant 0 : i32
    %dma_start3A_206 = tpu.memref_slice %arg7[%dma_start3A_204, %dma_start3A_205] : memref<10240x64xf32, #tpu.memory_space<vmem_shared>> -> memref<10240x64xf32, #tpu.memory_space<vmem_shared>>
    tpu.enqueue_indirect_dma source(%dma_start3A_206 : memref<10240x64xf32, #tpu.memory_space<vmem_shared>>) target(%arg10 : memref<128x64xf32, #tpu.memory_space<vmem>>) offsets(%dma_start3A_203 : memref<128xi32, #tpu.memory_space<vmem>>) semaphore(%arg20 : memref<!tpu.dma_semaphore, #tpu.memory_space<semaphore_mem>>)
    %add3A_207 = arith.constant 1 : i32
    %add3A_208 = arith.addi %mul3A_2, %add3A_207 : i32
    "tpu.region"() ({
      %run_scoped3A = tpu.sem_alloc : memref<!tpu.dma_semaphore, #tpu.memory_space<semaphore_mem>>
      %dma_start3A_327 = arith.constant 0 : i32
      %dma_start3A_328 = arith.constant 0 : i32
      %dma_start3A_329 = tpu.memref_slice %arg3[%add3A_208, %dma_start3A_327, %dma_start3A_328] : memref<2560x2x128xi32, #tpu.memory_space<hbm>> -> memref<1x2x128xi32, #tpu.memory_space<hbm>>
      %dma_start3A_330 = tpu.memref_squeeze %dma_start3A_329 : memref<1x2x128xi32, #tpu.memory_space<hbm>> -> memref<2x128xi32, #tpu.memory_space<hbm>>
      %dma_start3A_331 = arith.constant 0 : i32
      %dma_start3A_332 = arith.constant 0 : i32
      %dma_start3A_333 = tpu.memref_slice %arg3[%add3A_208, %dma_start3A_331, %dma_start3A_332] : memref<2560x2x128xi32, #tpu.memory_space<hbm>> -> memref<1x2x128xi32, #tpu.memory_space<hbm>>
      %dma_start3A_334 = tpu.memref_squeeze %dma_start3A_333 : memref<1x2x128xi32, #tpu.memory_space<hbm>> -> memref<2x128xi32, #tpu.memory_space<hbm>>
      tpu.enqueue_dma source(%dma_start3A_334 : memref<2x128xi32, #tpu.memory_space<hbm>>) target(%arg15 : memref<2x128xi32, #tpu.memory_space<vmem>>) target_semaphore(%run_scoped3A : memref<!tpu.dma_semaphore, #tpu.memory_space<semaphore_mem>>)
      %dma_wait3A_335 = arith.constant 0 : i32
      %dma_wait3A_336 = arith.constant 0 : i32
      %dma_wait3A_337 = tpu.memref_slice %arg3[%add3A_208, %dma_wait3A_335, %dma_wait3A_336] : memref<2560x2x128xi32, #tpu.memory_space<hbm>> -> memref<1x2x128xi32, #tpu.memory_space<hbm>>
      %dma_wait3A_338 = tpu.memref_squeeze %dma_wait3A_337 : memref<1x2x128xi32, #tpu.memory_space<hbm>> -> memref<2x128xi32, #tpu.memory_space<hbm>>
      %dma_wait3A_339 = arith.constant 0 : i32
      %dma_wait3A_340 = arith.constant 0 : i32
      %dma_wait3A_341 = tpu.memref_slice %arg3[%add3A_208, %dma_wait3A_339, %dma_wait3A_340] : memref<2560x2x128xi32, #tpu.memory_space<hbm>> -> memref<1x2x128xi32, #tpu.memory_space<hbm>>
      %dma_wait3A_342 = tpu.memref_squeeze %dma_wait3A_341 : memref<1x2x128xi32, #tpu.memory_space<hbm>> -> memref<2x128xi32, #tpu.memory_space<hbm>>
      tpu.wait_dma2 semaphore(%run_scoped3A : memref<!tpu.dma_semaphore, #tpu.memory_space<semaphore_mem>>) src(%dma_wait3A_342 : memref<2x128xi32, #tpu.memory_space<hbm>>) dst(%arg15 : memref<2x128xi32, #tpu.memory_space<vmem>>)
      tpu.yield
    }) : () -> ()
    %dma_start3A_209 = arith.constant 0 : i32
    %dma_start3A_210 = arith.constant 0 : i32
    %dma_start3A_211 = tpu.memref_slice %arg15[%dma_start3A_209, %dma_start3A_210] : memref<2x128xi32, #tpu.memory_space<vmem>> -> memref<1x128xi32, #tpu.memory_space<vmem>>
    %dma_start3A_212 = tpu.memref_squeeze %dma_start3A_211 : memref<1x128xi32, #tpu.memory_space<vmem>> -> memref<128xi32, #tpu.memory_space<vmem>>
    %dma_start3A_213 = arith.constant 0 : i32
    %dma_start3A_214 = arith.constant 0 : i32
    %dma_start3A_215 = tpu.memref_slice %arg7[%dma_start3A_213, %dma_start3A_214] : memref<10240x64xf32, #tpu.memory_space<vmem_shared>> -> memref<10240x64xf32, #tpu.memory_space<vmem_shared>>
    tpu.enqueue_indirect_dma source(%dma_start3A_215 : memref<10240x64xf32, #tpu.memory_space<vmem_shared>>) target(%arg11 : memref<128x64xf32, #tpu.memory_space<vmem>>) offsets(%dma_start3A_212 : memref<128xi32, #tpu.memory_space<vmem>>) semaphore(%arg21 : memref<!tpu.dma_semaphore, #tpu.memory_space<semaphore_mem>>)
    %add3A_216 = arith.constant 2 : i32
    %add3A_217 = arith.addi %mul3A_2, %add3A_216 : i32
    "tpu.region"() ({
      %run_scoped3A = tpu.sem_alloc : memref<!tpu.dma_semaphore, #tpu.memory_space<semaphore_mem>>
      %dma_start3A_327 = arith.constant 0 : i32
      %dma_start3A_328 = arith.constant 0 : i32
      %dma_start3A_329 = tpu.memref_slice %arg3[%add3A_217, %dma_start3A_327, %dma_start3A_328] : memref<2560x2x128xi32, #tpu.memory_space<hbm>> -> memref<1x2x128xi32, #tpu.memory_space<hbm>>
      %dma_start3A_330 = tpu.memref_squeeze %dma_start3A_329 : memref<1x2x128xi32, #tpu.memory_space<hbm>> -> memref<2x128xi32, #tpu.memory_space<hbm>>
      %dma_start3A_331 = arith.constant 0 : i32
      %dma_start3A_332 = arith.constant 0 : i32
      %dma_start3A_333 = tpu.memref_slice %arg3[%add3A_217, %dma_start3A_331, %dma_start3A_332] : memref<2560x2x128xi32, #tpu.memory_space<hbm>> -> memref<1x2x128xi32, #tpu.memory_space<hbm>>
      %dma_start3A_334 = tpu.memref_squeeze %dma_start3A_333 : memref<1x2x128xi32, #tpu.memory_space<hbm>> -> memref<2x128xi32, #tpu.memory_space<hbm>>
      tpu.enqueue_dma source(%dma_start3A_334 : memref<2x128xi32, #tpu.memory_space<hbm>>) target(%arg16 : memref<2x128xi32, #tpu.memory_space<vmem>>) target_semaphore(%run_scoped3A : memref<!tpu.dma_semaphore, #tpu.memory_space<semaphore_mem>>)
      %dma_wait3A_335 = arith.constant 0 : i32
      %dma_wait3A_336 = arith.constant 0 : i32
      %dma_wait3A_337 = tpu.memref_slice %arg3[%add3A_217, %dma_wait3A_335, %dma_wait3A_336] : memref<2560x2x128xi32, #tpu.memory_space<hbm>> -> memref<1x2x128xi32, #tpu.memory_space<hbm>>
      %dma_wait3A_338 = tpu.memref_squeeze %dma_wait3A_337 : memref<1x2x128xi32, #tpu.memory_space<hbm>> -> memref<2x128xi32, #tpu.memory_space<hbm>>
      %dma_wait3A_339 = arith.constant 0 : i32
      %dma_wait3A_340 = arith.constant 0 : i32
      %dma_wait3A_341 = tpu.memref_slice %arg3[%add3A_217, %dma_wait3A_339, %dma_wait3A_340] : memref<2560x2x128xi32, #tpu.memory_space<hbm>> -> memref<1x2x128xi32, #tpu.memory_space<hbm>>
      %dma_wait3A_342 = tpu.memref_squeeze %dma_wait3A_341 : memref<1x2x128xi32, #tpu.memory_space<hbm>> -> memref<2x128xi32, #tpu.memory_space<hbm>>
      tpu.wait_dma2 semaphore(%run_scoped3A : memref<!tpu.dma_semaphore, #tpu.memory_space<semaphore_mem>>) src(%dma_wait3A_342 : memref<2x128xi32, #tpu.memory_space<hbm>>) dst(%arg16 : memref<2x128xi32, #tpu.memory_space<vmem>>)
      tpu.yield
    }) : () -> ()
    %dma_start3A_218 = arith.constant 0 : i32
    %dma_start3A_219 = arith.constant 0 : i32
    %dma_start3A_220 = tpu.memref_slice %arg16[%dma_start3A_218, %dma_start3A_219] : memref<2x128xi32, #tpu.memory_space<vmem>> -> memref<1x128xi32, #tpu.memory_space<vmem>>
    %dma_start3A_221 = tpu.memref_squeeze %dma_start3A_220 : memref<1x128xi32, #tpu.memory_space<vmem>> -> memref<128xi32, #tpu.memory_space<vmem>>
    %dma_start3A_222 = arith.constant 0 : i32
    %dma_start3A_223 = arith.constant 0 : i32
    %dma_start3A_224 = tpu.memref_slice %arg7[%dma_start3A_222, %dma_start3A_223] : memref<10240x64xf32, #tpu.memory_space<vmem_shared>> -> memref<10240x64xf32, #tpu.memory_space<vmem_shared>>
    tpu.enqueue_indirect_dma source(%dma_start3A_224 : memref<10240x64xf32, #tpu.memory_space<vmem_shared>>) target(%arg12 : memref<128x64xf32, #tpu.memory_space<vmem>>) offsets(%dma_start3A_221 : memref<128xi32, #tpu.memory_space<vmem>>) semaphore(%arg22 : memref<!tpu.dma_semaphore, #tpu.memory_space<semaphore_mem>>)
    %scan3A_225 = arith.constant 0 : i32
    %scan3A_226 = arith.constant 0 : i32
    %scan3A_227 = arith.constant 0 : i32
    %scan3A_228 = arith.constant 0 : i32
    %scan3A_229 = arith.constant 0 : i32
    %scan3A_230 = arith.constant 0 : i32
    %scan3A_231 = arith.constant 40 : i32
    %scan3A_232 = arith.addi %scan3A_230, %scan3A_231 : i32
    %scan3A_233 = arith.constant 1 : i32
    scf.for %scan3A_327 = %scan3A_230 to %scan3A_232 step %scan3A_233  : i32 {
      %mul3A_328 = arith.constant 4 : i32
      %mul3A_329 = arith.muli %mul3A_328, %scan3A_327 : i32
      %add3A_330 = arith.addi %mul3A_2, %mul3A_329 : i32
      %dma_wait3A_331 = arith.constant 0 : i32
      %dma_wait3A_332 = tpu.memref_slice %arg14[%scan3A_226, %dma_wait3A_331] : memref<2x128xi32, #tpu.memory_space<vmem>> -> memref<1x128xi32, #tpu.memory_space<vmem>>
      %dma_wait3A_333 = tpu.memref_squeeze %dma_wait3A_332 : memref<1x128xi32, #tpu.memory_space<vmem>> -> memref<128xi32, #tpu.memory_space<vmem>>
      %dma_wait3A_334 = arith.constant 0 : i32
      %dma_wait3A_335 = arith.constant 0 : i32
      %dma_wait3A_336 = tpu.memref_slice %arg7[%dma_wait3A_334, %dma_wait3A_335] : memref<10240x64xf32, #tpu.memory_space<vmem_shared>> -> memref<10240x64xf32, #tpu.memory_space<vmem_shared>>
      tpu.wait_indirect_dma semaphore(%arg20 : memref<!tpu.dma_semaphore, #tpu.memory_space<semaphore_mem>>) src(%dma_wait3A_336 : memref<10240x64xf32, #tpu.memory_space<vmem_shared>>) dst(%arg10 : memref<128x64xf32, #tpu.memory_space<vmem>>)
      %dma_start3A_337 = arith.constant 1 : i32
      %dma_start3A_338 = arith.constant 0 : i32
      %dma_start3A_339 = tpu.memref_slice %arg14[%dma_start3A_337, %dma_start3A_338] : memref<2x128xi32, #tpu.memory_space<vmem>> -> memref<1x128xi32, #tpu.memory_space<vmem>>
      %dma_start3A_340 = tpu.memref_squeeze %dma_start3A_339 : memref<1x128xi32, #tpu.memory_space<vmem>> -> memref<128xi32, #tpu.memory_space<vmem>>
      %dma_start3A_341 = arith.constant 0 : i32
      %dma_start3A_342 = arith.constant 0 : i32
      %dma_start3A_343 = tpu.memref_slice %arg8[%dma_start3A_341, %dma_start3A_342] : memref<10240x64xf32, #tpu.memory_space<vmem_shared>> -> memref<10240x64xf32, #tpu.memory_space<vmem_shared>>
      tpu.enqueue_indirect_dma source(%arg10 : memref<128x64xf32, #tpu.memory_space<vmem>>) target(%dma_start3A_343 : memref<10240x64xf32, #tpu.memory_space<vmem_shared>>) offsets(%dma_start3A_340 : memref<128xi32, #tpu.memory_space<vmem>>) semaphore(%arg24 : memref<!tpu.dma_semaphore, #tpu.memory_space<semaphore_mem>>) {add = true}
      %add3A_344 = arith.constant 3 : i32
      %add3A_345 = arith.addi %add3A_330, %add3A_344 : i32
      %add3A_346 = arith.constant 0 : i32
      %add3A_347 = arith.addi %add3A_345, %add3A_346 : i32
      %min3A = arith.minsi %add3A_347, %sub3A_9 : i32
      "tpu.region"() ({
        %run_scoped3A = tpu.sem_alloc : memref<!tpu.dma_semaphore, #tpu.memory_space<semaphore_mem>>
        %dma_start3A_454 = arith.constant 0 : i32
        %dma_start3A_455 = arith.constant 0 : i32
        %dma_start3A_456 = tpu.memref_slice %arg3[%min3A, %dma_start3A_454, %dma_start3A_455] : memref<2560x2x128xi32, #tpu.memory_space<hbm>> -> memref<1x2x128xi32, #tpu.memory_space<hbm>>
        %dma_start3A_457 = tpu.memref_squeeze %dma_start3A_456 : memref<1x2x128xi32, #tpu.memory_space<hbm>> -> memref<2x128xi32, #tpu.memory_space<hbm>>
        %dma_start3A_458 = arith.constant 0 : i32
        %dma_start3A_459 = arith.constant 0 : i32
        %dma_start3A_460 = tpu.memref_slice %arg3[%min3A, %dma_start3A_458, %dma_start3A_459] : memref<2560x2x128xi32, #tpu.memory_space<hbm>> -> memref<1x2x128xi32, #tpu.memory_space<hbm>>
        %dma_start3A_461 = tpu.memref_squeeze %dma_start3A_460 : memref<1x2x128xi32, #tpu.memory_space<hbm>> -> memref<2x128xi32, #tpu.memory_space<hbm>>
        tpu.enqueue_dma source(%dma_start3A_461 : memref<2x128xi32, #tpu.memory_space<hbm>>) target(%arg17 : memref<2x128xi32, #tpu.memory_space<vmem>>) target_semaphore(%run_scoped3A : memref<!tpu.dma_semaphore, #tpu.memory_space<semaphore_mem>>)
        %dma_wait3A_462 = arith.constant 0 : i32
        %dma_wait3A_463 = arith.constant 0 : i32
        %dma_wait3A_464 = tpu.memref_slice %arg3[%min3A, %dma_wait3A_462, %dma_wait3A_463] : memref<2560x2x128xi32, #tpu.memory_space<hbm>> -> memref<1x2x128xi32, #tpu.memory_space<hbm>>
        %dma_wait3A_465 = tpu.memref_squeeze %dma_wait3A_464 : memref<1x2x128xi32, #tpu.memory_space<hbm>> -> memref<2x128xi32, #tpu.memory_space<hbm>>
        %dma_wait3A_466 = arith.constant 0 : i32
        %dma_wait3A_467 = arith.constant 0 : i32
        %dma_wait3A_468 = tpu.memref_slice %arg3[%min3A, %dma_wait3A_466, %dma_wait3A_467] : memref<2560x2x128xi32, #tpu.memory_space<hbm>> -> memref<1x2x128xi32, #tpu.memory_space<hbm>>
        %dma_wait3A_469 = tpu.memref_squeeze %dma_wait3A_468 : memref<1x2x128xi32, #tpu.memory_space<hbm>> -> memref<2x128xi32, #tpu.memory_space<hbm>>
        tpu.wait_dma2 semaphore(%run_scoped3A : memref<!tpu.dma_semaphore, #tpu.memory_space<semaphore_mem>>) src(%dma_wait3A_469 : memref<2x128xi32, #tpu.memory_space<hbm>>) dst(%arg17 : memref<2x128xi32, #tpu.memory_space<vmem>>)
        tpu.yield
      }) : () -> ()
      %dma_start3A_348 = arith.constant 0 : i32
      %dma_start3A_349 = tpu.memref_slice %arg17[%scan3A_227, %dma_start3A_348] : memref<2x128xi32, #tpu.memory_space<vmem>> -> memref<1x128xi32, #tpu.memory_space<vmem>>
      %dma_start3A_350 = tpu.memref_squeeze %dma_start3A_349 : memref<1x128xi32, #tpu.memory_space<vmem>> -> memref<128xi32, #tpu.memory_space<vmem>>
      %dma_start3A_351 = arith.constant 0 : i32
      %dma_start3A_352 = arith.constant 0 : i32
      %dma_start3A_353 = tpu.memref_slice %arg7[%dma_start3A_351, %dma_start3A_352] : memref<10240x64xf32, #tpu.memory_space<vmem_shared>> -> memref<10240x64xf32, #tpu.memory_space<vmem_shared>>
      tpu.enqueue_indirect_dma source(%dma_start3A_353 : memref<10240x64xf32, #tpu.memory_space<vmem_shared>>) target(%arg13 : memref<128x64xf32, #tpu.memory_space<vmem>>) offsets(%dma_start3A_350 : memref<128xi32, #tpu.memory_space<vmem>>) semaphore(%arg23 : memref<!tpu.dma_semaphore, #tpu.memory_space<semaphore_mem>>)
      %dma_wait3A_354 = arith.constant 0 : i32
      %dma_wait3A_355 = tpu.memref_slice %arg15[%scan3A_228, %dma_wait3A_354] : memref<2x128xi32, #tpu.memory_space<vmem>> -> memref<1x128xi32, #tpu.memory_space<vmem>>
      %dma_wait3A_356 = tpu.memref_squeeze %dma_wait3A_355 : memref<1x128xi32, #tpu.memory_space<vmem>> -> memref<128xi32, #tpu.memory_space<vmem>>
      %dma_wait3A_357 = arith.constant 0 : i32
      %dma_wait3A_358 = arith.constant 0 : i32
      %dma_wait3A_359 = tpu.memref_slice %arg7[%dma_wait3A_357, %dma_wait3A_358] : memref<10240x64xf32, #tpu.memory_space<vmem_shared>> -> memref<10240x64xf32, #tpu.memory_space<vmem_shared>>
      tpu.wait_indirect_dma semaphore(%arg21 : memref<!tpu.dma_semaphore, #tpu.memory_space<semaphore_mem>>) src(%dma_wait3A_359 : memref<10240x64xf32, #tpu.memory_space<vmem_shared>>) dst(%arg11 : memref<128x64xf32, #tpu.memory_space<vmem>>)
      %dma_start3A_360 = arith.constant 1 : i32
      %dma_start3A_361 = arith.constant 0 : i32
      %dma_start3A_362 = tpu.memref_slice %arg15[%dma_start3A_360, %dma_start3A_361] : memref<2x128xi32, #tpu.memory_space<vmem>> -> memref<1x128xi32, #tpu.memory_space<vmem>>
      %dma_start3A_363 = tpu.memref_squeeze %dma_start3A_362 : memref<1x128xi32, #tpu.memory_space<vmem>> -> memref<128xi32, #tpu.memory_space<vmem>>
      %dma_start3A_364 = arith.constant 0 : i32
      %dma_start3A_365 = arith.constant 0 : i32
      %dma_start3A_366 = tpu.memref_slice %arg8[%dma_start3A_364, %dma_start3A_365] : memref<10240x64xf32, #tpu.memory_space<vmem_shared>> -> memref<10240x64xf32, #tpu.memory_space<vmem_shared>>
      tpu.enqueue_indirect_dma source(%arg11 : memref<128x64xf32, #tpu.memory_space<vmem>>) target(%dma_start3A_366 : memref<10240x64xf32, #tpu.memory_space<vmem_shared>>) offsets(%dma_start3A_363 : memref<128xi32, #tpu.memory_space<vmem>>) semaphore(%arg25 : memref<!tpu.dma_semaphore, #tpu.memory_space<semaphore_mem>>) {add = true}
      %dma_wait3A_367 = arith.constant 1 : i32
      %dma_wait3A_368 = arith.constant 0 : i32
      %dma_wait3A_369 = tpu.memref_slice %arg14[%dma_wait3A_367, %dma_wait3A_368] : memref<2x128xi32, #tpu.memory_space<vmem>> -> memref<1x128xi32, #tpu.memory_space<vmem>>
      %dma_wait3A_370 = tpu.memref_squeeze %dma_wait3A_369 : memref<1x128xi32, #tpu.memory_space<vmem>> -> memref<128xi32, #tpu.memory_space<vmem>>
      %dma_wait3A_371 = arith.constant 0 : i32
      %dma_wait3A_372 = arith.constant 0 : i32
      %dma_wait3A_373 = tpu.memref_slice %arg8[%dma_wait3A_371, %dma_wait3A_372] : memref<10240x64xf32, #tpu.memory_space<vmem_shared>> -> memref<10240x64xf32, #tpu.memory_space<vmem_shared>>
      tpu.wait_indirect_dma semaphore(%arg24 : memref<!tpu.dma_semaphore, #tpu.memory_space<semaphore_mem>>) src(%arg10 : memref<128x64xf32, #tpu.memory_space<vmem>>) dst(%dma_wait3A_373 : memref<10240x64xf32, #tpu.memory_space<vmem_shared>>)
      %add3A_374 = arith.constant 3 : i32
      %add3A_375 = arith.addi %add3A_330, %add3A_374 : i32
      %add3A_376 = arith.constant 1 : i32
      %add3A_377 = arith.addi %add3A_375, %add3A_376 : i32
      %min3A_378 = arith.minsi %add3A_377, %sub3A_9 : i32
      "tpu.region"() ({
        %run_scoped3A = tpu.sem_alloc : memref<!tpu.dma_semaphore, #tpu.memory_space<semaphore_mem>>
        %dma_start3A_454 = arith.constant 0 : i32
        %dma_start3A_455 = arith.constant 0 : i32
        %dma_start3A_456 = tpu.memref_slice %arg3[%min3A_378, %dma_start3A_454, %dma_start3A_455] : memref<2560x2x128xi32, #tpu.memory_space<hbm>> -> memref<1x2x128xi32, #tpu.memory_space<hbm>>
        %dma_start3A_457 = tpu.memref_squeeze %dma_start3A_456 : memref<1x2x128xi32, #tpu.memory_space<hbm>> -> memref<2x128xi32, #tpu.memory_space<hbm>>
        %dma_start3A_458 = arith.constant 0 : i32
        %dma_start3A_459 = arith.constant 0 : i32
        %dma_start3A_460 = tpu.memref_slice %arg3[%min3A_378, %dma_start3A_458, %dma_start3A_459] : memref<2560x2x128xi32, #tpu.memory_space<hbm>> -> memref<1x2x128xi32, #tpu.memory_space<hbm>>
        %dma_start3A_461 = tpu.memref_squeeze %dma_start3A_460 : memref<1x2x128xi32, #tpu.memory_space<hbm>> -> memref<2x128xi32, #tpu.memory_space<hbm>>
        tpu.enqueue_dma source(%dma_start3A_461 : memref<2x128xi32, #tpu.memory_space<hbm>>) target(%arg14 : memref<2x128xi32, #tpu.memory_space<vmem>>) target_semaphore(%run_scoped3A : memref<!tpu.dma_semaphore, #tpu.memory_space<semaphore_mem>>)
        %dma_wait3A_462 = arith.constant 0 : i32
        %dma_wait3A_463 = arith.constant 0 : i32
        %dma_wait3A_464 = tpu.memref_slice %arg3[%min3A_378, %dma_wait3A_462, %dma_wait3A_463] : memref<2560x2x128xi32, #tpu.memory_space<hbm>> -> memref<1x2x128xi32, #tpu.memory_space<hbm>>
        %dma_wait3A_465 = tpu.memref_squeeze %dma_wait3A_464 : memref<1x2x128xi32, #tpu.memory_space<hbm>> -> memref<2x128xi32, #tpu.memory_space<hbm>>
        %dma_wait3A_466 = arith.constant 0 : i32
        %dma_wait3A_467 = arith.constant 0 : i32
        %dma_wait3A_468 = tpu.memref_slice %arg3[%min3A_378, %dma_wait3A_466, %dma_wait3A_467] : memref<2560x2x128xi32, #tpu.memory_space<hbm>> -> memref<1x2x128xi32, #tpu.memory_space<hbm>>
        %dma_wait3A_469 = tpu.memref_squeeze %dma_wait3A_468 : memref<1x2x128xi32, #tpu.memory_space<hbm>> -> memref<2x128xi32, #tpu.memory_space<hbm>>
        tpu.wait_dma2 semaphore(%run_scoped3A : memref<!tpu.dma_semaphore, #tpu.memory_space<semaphore_mem>>) src(%dma_wait3A_469 : memref<2x128xi32, #tpu.memory_space<hbm>>) dst(%arg14 : memref<2x128xi32, #tpu.memory_space<vmem>>)
        tpu.yield
      }) : () -> ()
      %dma_start3A_379 = arith.constant 0 : i32
      %dma_start3A_380 = tpu.memref_slice %arg14[%scan3A_226, %dma_start3A_379] : memref<2x128xi32, #tpu.memory_space<vmem>> -> memref<1x128xi32, #tpu.memory_space<vmem>>
      %dma_start3A_381 = tpu.memref_squeeze %dma_start3A_380 : memref<1x128xi32, #tpu.memory_space<vmem>> -> memref<128xi32, #tpu.memory_space<vmem>>
      %dma_start3A_382 = arith.constant 0 : i32
      %dma_start3A_383 = arith.constant 0 : i32
      %dma_start3A_384 = tpu.memref_slice %arg7[%dma_start3A_382, %dma_start3A_383] : memref<10240x64xf32, #tpu.memory_space<vmem_shared>> -> memref<10240x64xf32, #tpu.memory_space<vmem_shared>>
      tpu.enqueue_indirect_dma source(%dma_start3A_384 : memref<10240x64xf32, #tpu.memory_space<vmem_shared>>) target(%arg10 : memref<128x64xf32, #tpu.memory_space<vmem>>) offsets(%dma_start3A_381 : memref<128xi32, #tpu.memory_space<vmem>>) semaphore(%arg20 : memref<!tpu.dma_semaphore, #tpu.memory_space<semaphore_mem>>)
      %dma_wait3A_385 = arith.constant 0 : i32
      %dma_wait3A_386 = tpu.memref_slice %arg16[%scan3A_229, %dma_wait3A_385] : memref<2x128xi32, #tpu.memory_space<vmem>> -> memref<1x128xi32, #tpu.memory_space<vmem>>
      %dma_wait3A_387 = tpu.memref_squeeze %dma_wait3A_386 : memref<1x128xi32, #tpu.memory_space<vmem>> -> memref<128xi32, #tpu.memory_space<vmem>>
      %dma_wait3A_388 = arith.constant 0 : i32
      %dma_wait3A_389 = arith.constant 0 : i32
      %dma_wait3A_390 = tpu.memref_slice %arg7[%dma_wait3A_388, %dma_wait3A_389] : memref<10240x64xf32, #tpu.memory_space<vmem_shared>> -> memref<10240x64xf32, #tpu.memory_space<vmem_shared>>
      tpu.wait_indirect_dma semaphore(%arg22 : memref<!tpu.dma_semaphore, #tpu.memory_space<semaphore_mem>>) src(%dma_wait3A_390 : memref<10240x64xf32, #tpu.memory_space<vmem_shared>>) dst(%arg12 : memref<128x64xf32, #tpu.memory_space<vmem>>)
      %dma_start3A_391 = arith.constant 1 : i32
      %dma_start3A_392 = arith.constant 0 : i32
      %dma_start3A_393 = tpu.memref_slice %arg16[%dma_start3A_391, %dma_start3A_392] : memref<2x128xi32, #tpu.memory_space<vmem>> -> memref<1x128xi32, #tpu.memory_space<vmem>>
      %dma_start3A_394 = tpu.memref_squeeze %dma_start3A_393 : memref<1x128xi32, #tpu.memory_space<vmem>> -> memref<128xi32, #tpu.memory_space<vmem>>
      %dma_start3A_395 = arith.constant 0 : i32
      %dma_start3A_396 = arith.constant 0 : i32
      %dma_start3A_397 = tpu.memref_slice %arg8[%dma_start3A_395, %dma_start3A_396] : memref<10240x64xf32, #tpu.memory_space<vmem_shared>> -> memref<10240x64xf32, #tpu.memory_space<vmem_shared>>
      tpu.enqueue_indirect_dma source(%arg12 : memref<128x64xf32, #tpu.memory_space<vmem>>) target(%dma_start3A_397 : memref<10240x64xf32, #tpu.memory_space<vmem_shared>>) offsets(%dma_start3A_394 : memref<128xi32, #tpu.memory_space<vmem>>) semaphore(%arg26 : memref<!tpu.dma_semaphore, #tpu.memory_space<semaphore_mem>>) {add = true}
      %dma_wait3A_398 = arith.constant 1 : i32
      %dma_wait3A_399 = arith.constant 0 : i32
      %dma_wait3A_400 = tpu.memref_slice %arg15[%dma_wait3A_398, %dma_wait3A_399] : memref<2x128xi32, #tpu.memory_space<vmem>> -> memref<1x128xi32, #tpu.memory_space<vmem>>
      %dma_wait3A_401 = tpu.memref_squeeze %dma_wait3A_400 : memref<1x128xi32, #tpu.memory_space<vmem>> -> memref<128xi32, #tpu.memory_space<vmem>>
      %dma_wait3A_402 = arith.constant 0 : i32
      %dma_wait3A_403 = arith.constant 0 : i32
      %dma_wait3A_404 = tpu.memref_slice %arg8[%dma_wait3A_402, %dma_wait3A_403] : memref<10240x64xf32, #tpu.memory_space<vmem_shared>> -> memref<10240x64xf32, #tpu.memory_space<vmem_shared>>
      tpu.wait_indirect_dma semaphore(%arg25 : memref<!tpu.dma_semaphore, #tpu.memory_space<semaphore_mem>>) src(%arg11 : memref<128x64xf32, #tpu.memory_space<vmem>>) dst(%dma_wait3A_404 : memref<10240x64xf32, #tpu.memory_space<vmem_shared>>)
      %add3A_405 = arith.constant 3 : i32
      %add3A_406 = arith.addi %add3A_330, %add3A_405 : i32
      %add3A_407 = arith.constant 2 : i32
      %add3A_408 = arith.addi %add3A_406, %add3A_407 : i32
      %min3A_409 = arith.minsi %add3A_408, %sub3A_9 : i32
      "tpu.region"() ({
        %run_scoped3A = tpu.sem_alloc : memref<!tpu.dma_semaphore, #tpu.memory_space<semaphore_mem>>
        %dma_start3A_454 = arith.constant 0 : i32
        %dma_start3A_455 = arith.constant 0 : i32
        %dma_start3A_456 = tpu.memref_slice %arg3[%min3A_409, %dma_start3A_454, %dma_start3A_455] : memref<2560x2x128xi32, #tpu.memory_space<hbm>> -> memref<1x2x128xi32, #tpu.memory_space<hbm>>
        %dma_start3A_457 = tpu.memref_squeeze %dma_start3A_456 : memref<1x2x128xi32, #tpu.memory_space<hbm>> -> memref<2x128xi32, #tpu.memory_space<hbm>>
        %dma_start3A_458 = arith.constant 0 : i32
        %dma_start3A_459 = arith.constant 0 : i32
        %dma_start3A_460 = tpu.memref_slice %arg3[%min3A_409, %dma_start3A_458, %dma_start3A_459] : memref<2560x2x128xi32, #tpu.memory_space<hbm>> -> memref<1x2x128xi32, #tpu.memory_space<hbm>>
        %dma_start3A_461 = tpu.memref_squeeze %dma_start3A_460 : memref<1x2x128xi32, #tpu.memory_space<hbm>> -> memref<2x128xi32, #tpu.memory_space<hbm>>
        tpu.enqueue_dma source(%dma_start3A_461 : memref<2x128xi32, #tpu.memory_space<hbm>>) target(%arg15 : memref<2x128xi32, #tpu.memory_space<vmem>>) target_semaphore(%run_scoped3A : memref<!tpu.dma_semaphore, #tpu.memory_space<semaphore_mem>>)
        %dma_wait3A_462 = arith.constant 0 : i32
        %dma_wait3A_463 = arith.constant 0 : i32
        %dma_wait3A_464 = tpu.memref_slice %arg3[%min3A_409, %dma_wait3A_462, %dma_wait3A_463] : memref<2560x2x128xi32, #tpu.memory_space<hbm>> -> memref<1x2x128xi32, #tpu.memory_space<hbm>>
        %dma_wait3A_465 = tpu.memref_squeeze %dma_wait3A_464 : memref<1x2x128xi32, #tpu.memory_space<hbm>> -> memref<2x128xi32, #tpu.memory_space<hbm>>
        %dma_wait3A_466 = arith.constant 0 : i32
        %dma_wait3A_467 = arith.constant 0 : i32
        %dma_wait3A_468 = tpu.memref_slice %arg3[%min3A_409, %dma_wait3A_466, %dma_wait3A_467] : memref<2560x2x128xi32, #tpu.memory_space<hbm>> -> memref<1x2x128xi32, #tpu.memory_space<hbm>>
        %dma_wait3A_469 = tpu.memref_squeeze %dma_wait3A_468 : memref<1x2x128xi32, #tpu.memory_space<hbm>> -> memref<2x128xi32, #tpu.memory_space<hbm>>
        tpu.wait_dma2 semaphore(%run_scoped3A : memref<!tpu.dma_semaphore, #tpu.memory_space<semaphore_mem>>) src(%dma_wait3A_469 : memref<2x128xi32, #tpu.memory_space<hbm>>) dst(%arg15 : memref<2x128xi32, #tpu.memory_space<vmem>>)
        tpu.yield
      }) : () -> ()
      %dma_start3A_410 = arith.constant 0 : i32
      %dma_start3A_411 = tpu.memref_slice %arg15[%scan3A_228, %dma_start3A_410] : memref<2x128xi32, #tpu.memory_space<vmem>> -> memref<1x128xi32, #tpu.memory_space<vmem>>
      %dma_start3A_412 = tpu.memref_squeeze %dma_start3A_411 : memref<1x128xi32, #tpu.memory_space<vmem>> -> memref<128xi32, #tpu.memory_space<vmem>>
      %dma_start3A_413 = arith.constant 0 : i32
      %dma_start3A_414 = arith.constant 0 : i32
      %dma_start3A_415 = tpu.memref_slice %arg7[%dma_start3A_413, %dma_start3A_414] : memref<10240x64xf32, #tpu.memory_space<vmem_shared>> -> memref<10240x64xf32, #tpu.memory_space<vmem_shared>>
      tpu.enqueue_indirect_dma source(%dma_start3A_415 : memref<10240x64xf32, #tpu.memory_space<vmem_shared>>) target(%arg11 : memref<128x64xf32, #tpu.memory_space<vmem>>) offsets(%dma_start3A_412 : memref<128xi32, #tpu.memory_space<vmem>>) semaphore(%arg21 : memref<!tpu.dma_semaphore, #tpu.memory_space<semaphore_mem>>)
      %dma_wait3A_416 = arith.constant 0 : i32
      %dma_wait3A_417 = tpu.memref_slice %arg17[%scan3A_227, %dma_wait3A_416] : memref<2x128xi32, #tpu.memory_space<vmem>> -> memref<1x128xi32, #tpu.memory_space<vmem>>
      %dma_wait3A_418 = tpu.memref_squeeze %dma_wait3A_417 : memref<1x128xi32, #tpu.memory_space<vmem>> -> memref<128xi32, #tpu.memory_space<vmem>>
      %dma_wait3A_419 = arith.constant 0 : i32
      %dma_wait3A_420 = arith.constant 0 : i32
      %dma_wait3A_421 = tpu.memref_slice %arg7[%dma_wait3A_419, %dma_wait3A_420] : memref<10240x64xf32, #tpu.memory_space<vmem_shared>> -> memref<10240x64xf32, #tpu.memory_space<vmem_shared>>
      tpu.wait_indirect_dma semaphore(%arg23 : memref<!tpu.dma_semaphore, #tpu.memory_space<semaphore_mem>>) src(%dma_wait3A_421 : memref<10240x64xf32, #tpu.memory_space<vmem_shared>>) dst(%arg13 : memref<128x64xf32, #tpu.memory_space<vmem>>)
      %dma_start3A_422 = arith.constant 1 : i32
      %dma_start3A_423 = arith.constant 0 : i32
      %dma_start3A_424 = tpu.memref_slice %arg17[%dma_start3A_422, %dma_start3A_423] : memref<2x128xi32, #tpu.memory_space<vmem>> -> memref<1x128xi32, #tpu.memory_space<vmem>>
      %dma_start3A_425 = tpu.memref_squeeze %dma_start3A_424 : memref<1x128xi32, #tpu.memory_space<vmem>> -> memref<128xi32, #tpu.memory_space<vmem>>
      %dma_start3A_426 = arith.constant 0 : i32
      %dma_start3A_427 = arith.constant 0 : i32
      %dma_start3A_428 = tpu.memref_slice %arg8[%dma_start3A_426, %dma_start3A_427] : memref<10240x64xf32, #tpu.memory_space<vmem_shared>> -> memref<10240x64xf32, #tpu.memory_space<vmem_shared>>
      tpu.enqueue_indirect_dma source(%arg13 : memref<128x64xf32, #tpu.memory_space<vmem>>) target(%dma_start3A_428 : memref<10240x64xf32, #tpu.memory_space<vmem_shared>>) offsets(%dma_start3A_425 : memref<128xi32, #tpu.memory_space<vmem>>) semaphore(%arg27 : memref<!tpu.dma_semaphore, #tpu.memory_space<semaphore_mem>>) {add = true}
      %dma_wait3A_429 = arith.constant 1 : i32
      %dma_wait3A_430 = arith.constant 0 : i32
      %dma_wait3A_431 = tpu.memref_slice %arg16[%dma_wait3A_429, %dma_wait3A_430] : memref<2x128xi32, #tpu.memory_space<vmem>> -> memref<1x128xi32, #tpu.memory_space<vmem>>
      %dma_wait3A_432 = tpu.memref_squeeze %dma_wait3A_431 : memref<1x128xi32, #tpu.memory_space<vmem>> -> memref<128xi32, #tpu.memory_space<vmem>>
      %dma_wait3A_433 = arith.constant 0 : i32
      %dma_wait3A_434 = arith.constant 0 : i32
      %dma_wait3A_435 = tpu.memref_slice %arg8[%dma_wait3A_433, %dma_wait3A_434] : memref<10240x64xf32, #tpu.memory_space<vmem_shared>> -> memref<10240x64xf32, #tpu.memory_space<vmem_shared>>
      tpu.wait_indirect_dma semaphore(%arg26 : memref<!tpu.dma_semaphore, #tpu.memory_space<semaphore_mem>>) src(%arg12 : memref<128x64xf32, #tpu.memory_space<vmem>>) dst(%dma_wait3A_435 : memref<10240x64xf32, #tpu.memory_space<vmem_shared>>)
      %add3A_436 = arith.constant 3 : i32
      %add3A_437 = arith.addi %add3A_330, %add3A_436 : i32
      %add3A_438 = arith.constant 3 : i32
      %add3A_439 = arith.addi %add3A_437, %add3A_438 : i32
      %min3A_440 = arith.minsi %add3A_439, %sub3A_9 : i32
      "tpu.region"() ({
        %run_scoped3A = tpu.sem_alloc : memref<!tpu.dma_semaphore, #tpu.memory_space<semaphore_mem>>
        %dma_start3A_454 = arith.constant 0 : i32
        %dma_start3A_455 = arith.constant 0 : i32
        %dma_start3A_456 = tpu.memref_slice %arg3[%min3A_440, %dma_start3A_454, %dma_start3A_455] : memref<2560x2x128xi32, #tpu.memory_space<hbm>> -> memref<1x2x128xi32, #tpu.memory_space<hbm>>
        %dma_start3A_457 = tpu.memref_squeeze %dma_start3A_456 : memref<1x2x128xi32, #tpu.memory_space<hbm>> -> memref<2x128xi32, #tpu.memory_space<hbm>>
        %dma_start3A_458 = arith.constant 0 : i32
        %dma_start3A_459 = arith.constant 0 : i32
        %dma_start3A_460 = tpu.memref_slice %arg3[%min3A_440, %dma_start3A_458, %dma_start3A_459] : memref<2560x2x128xi32, #tpu.memory_space<hbm>> -> memref<1x2x128xi32, #tpu.memory_space<hbm>>
        %dma_start3A_461 = tpu.memref_squeeze %dma_start3A_460 : memref<1x2x128xi32, #tpu.memory_space<hbm>> -> memref<2x128xi32, #tpu.memory_space<hbm>>
        tpu.enqueue_dma source(%dma_start3A_461 : memref<2x128xi32, #tpu.memory_space<hbm>>) target(%arg16 : memref<2x128xi32, #tpu.memory_space<vmem>>) target_semaphore(%run_scoped3A : memref<!tpu.dma_semaphore, #tpu.memory_space<semaphore_mem>>)
        %dma_wait3A_462 = arith.constant 0 : i32
        %dma_wait3A_463 = arith.constant 0 : i32
        %dma_wait3A_464 = tpu.memref_slice %arg3[%min3A_440, %dma_wait3A_462, %dma_wait3A_463] : memref<2560x2x128xi32, #tpu.memory_space<hbm>> -> memref<1x2x128xi32, #tpu.memory_space<hbm>>
        %dma_wait3A_465 = tpu.memref_squeeze %dma_wait3A_464 : memref<1x2x128xi32, #tpu.memory_space<hbm>> -> memref<2x128xi32, #tpu.memory_space<hbm>>
        %dma_wait3A_466 = arith.constant 0 : i32
        %dma_wait3A_467 = arith.constant 0 : i32
        %dma_wait3A_468 = tpu.memref_slice %arg3[%min3A_440, %dma_wait3A_466, %dma_wait3A_467] : memref<2560x2x128xi32, #tpu.memory_space<hbm>> -> memref<1x2x128xi32, #tpu.memory_space<hbm>>
        %dma_wait3A_469 = tpu.memref_squeeze %dma_wait3A_468 : memref<1x2x128xi32, #tpu.memory_space<hbm>> -> memref<2x128xi32, #tpu.memory_space<hbm>>
        tpu.wait_dma2 semaphore(%run_scoped3A : memref<!tpu.dma_semaphore, #tpu.memory_space<semaphore_mem>>) src(%dma_wait3A_469 : memref<2x128xi32, #tpu.memory_space<hbm>>) dst(%arg16 : memref<2x128xi32, #tpu.memory_space<vmem>>)
        tpu.yield
      }) : () -> ()
      %dma_start3A_441 = arith.constant 0 : i32
      %dma_start3A_442 = tpu.memref_slice %arg16[%scan3A_229, %dma_start3A_441] : memref<2x128xi32, #tpu.memory_space<vmem>> -> memref<1x128xi32, #tpu.memory_space<vmem>>
      %dma_start3A_443 = tpu.memref_squeeze %dma_start3A_442 : memref<1x128xi32, #tpu.memory_space<vmem>> -> memref<128xi32, #tpu.memory_space<vmem>>
      %dma_start3A_444 = arith.constant 0 : i32
      %dma_start3A_445 = arith.constant 0 : i32
      %dma_start3A_446 = tpu.memref_slice %arg7[%dma_start3A_444, %dma_start3A_445] : memref<10240x64xf32, #tpu.memory_space<vmem_shared>> -> memref<10240x64xf32, #tpu.memory_space<vmem_shared>>
      tpu.enqueue_indirect_dma source(%dma_start3A_446 : memref<10240x64xf32, #tpu.memory_space<vmem_shared>>) target(%arg12 : memref<128x64xf32, #tpu.memory_space<vmem>>) offsets(%dma_start3A_443 : memref<128xi32, #tpu.memory_space<vmem>>) semaphore(%arg22 : memref<!tpu.dma_semaphore, #tpu.memory_space<semaphore_mem>>)
      %dma_wait3A_447 = arith.constant 1 : i32
      %dma_wait3A_448 = arith.constant 0 : i32
      %dma_wait3A_449 = tpu.memref_slice %arg17[%dma_wait3A_447, %dma_wait3A_448] : memref<2x128xi32, #tpu.memory_space<vmem>> -> memref<1x128xi32, #tpu.memory_space<vmem>>
      %dma_wait3A_450 = tpu.memref_squeeze %dma_wait3A_449 : memref<1x128xi32, #tpu.memory_space<vmem>> -> memref<128xi32, #tpu.memory_space<vmem>>
      %dma_wait3A_451 = arith.constant 0 : i32
      %dma_wait3A_452 = arith.constant 0 : i32
      %dma_wait3A_453 = tpu.memref_slice %arg8[%dma_wait3A_451, %dma_wait3A_452] : memref<10240x64xf32, #tpu.memory_space<vmem_shared>> -> memref<10240x64xf32, #tpu.memory_space<vmem_shared>>
      tpu.wait_indirect_dma semaphore(%arg27 : memref<!tpu.dma_semaphore, #tpu.memory_space<semaphore_mem>>) src(%arg13 : memref<128x64xf32, #tpu.memory_space<vmem>>) dst(%dma_wait3A_453 : memref<10240x64xf32, #tpu.memory_space<vmem_shared>>)
    }
    %scan3A_234 = arith.constant 40 : i32
    %dma_wait3A_235 = arith.constant 0 : i32
    %dma_wait3A_236 = arith.constant 0 : i32
    %dma_wait3A_237 = tpu.memref_slice %arg14[%dma_wait3A_235, %dma_wait3A_236] : memref<2x128xi32, #tpu.memory_space<vmem>> -> memref<1x128xi32, #tpu.memory_space<vmem>>
    %dma_wait3A_238 = tpu.memref_squeeze %dma_wait3A_237 : memref<1x128xi32, #tpu.memory_space<vmem>> -> memref<128xi32, #tpu.memory_space<vmem>>
    %dma_wait3A_239 = arith.constant 0 : i32
    %dma_wait3A_240 = arith.constant 0 : i32
    %dma_wait3A_241 = tpu.memref_slice %arg7[%dma_wait3A_239, %dma_wait3A_240] : memref<10240x64xf32, #tpu.memory_space<vmem_shared>> -> memref<10240x64xf32, #tpu.memory_space<vmem_shared>>
    tpu.wait_indirect_dma semaphore(%arg20 : memref<!tpu.dma_semaphore, #tpu.memory_space<semaphore_mem>>) src(%dma_wait3A_241 : memref<10240x64xf32, #tpu.memory_space<vmem_shared>>) dst(%arg10 : memref<128x64xf32, #tpu.memory_space<vmem>>)
    %dma_wait3A_242 = arith.constant 0 : i32
    %dma_wait3A_243 = arith.constant 0 : i32
    %dma_wait3A_244 = tpu.memref_slice %arg15[%dma_wait3A_242, %dma_wait3A_243] : memref<2x128xi32, #tpu.memory_space<vmem>> -> memref<1x128xi32, #tpu.memory_space<vmem>>
    %dma_wait3A_245 = tpu.memref_squeeze %dma_wait3A_244 : memref<1x128xi32, #tpu.memory_space<vmem>> -> memref<128xi32, #tpu.memory_space<vmem>>
    %dma_wait3A_246 = arith.constant 0 : i32
    %dma_wait3A_247 = arith.constant 0 : i32
    %dma_wait3A_248 = tpu.memref_slice %arg7[%dma_wait3A_246, %dma_wait3A_247] : memref<10240x64xf32, #tpu.memory_space<vmem_shared>> -> memref<10240x64xf32, #tpu.memory_space<vmem_shared>>
    tpu.wait_indirect_dma semaphore(%arg21 : memref<!tpu.dma_semaphore, #tpu.memory_space<semaphore_mem>>) src(%dma_wait3A_248 : memref<10240x64xf32, #tpu.memory_space<vmem_shared>>) dst(%arg11 : memref<128x64xf32, #tpu.memory_space<vmem>>)
    %dma_wait3A_249 = arith.constant 0 : i32
    %dma_wait3A_250 = arith.constant 0 : i32
    %dma_wait3A_251 = tpu.memref_slice %arg16[%dma_wait3A_249, %dma_wait3A_250] : memref<2x128xi32, #tpu.memory_space<vmem>> -> memref<1x128xi32, #tpu.memory_space<vmem>>
    %dma_wait3A_252 = tpu.memref_squeeze %dma_wait3A_251 : memref<1x128xi32, #tpu.memory_space<vmem>> -> memref<128xi32, #tpu.memory_space<vmem>>
    %dma_wait3A_253 = arith.constant 0 : i32
    %dma_wait3A_254 = arith.constant 0 : i32
    %dma_wait3A_255 = tpu.memref_slice %arg7[%dma_wait3A_253, %dma_wait3A_254] : memref<10240x64xf32, #tpu.memory_space<vmem_shared>> -> memref<10240x64xf32, #tpu.memory_space<vmem_shared>>
    tpu.wait_indirect_dma semaphore(%arg22 : memref<!tpu.dma_semaphore, #tpu.memory_space<semaphore_mem>>) src(%dma_wait3A_255 : memref<10240x64xf32, #tpu.memory_space<vmem_shared>>) dst(%arg12 : memref<128x64xf32, #tpu.memory_space<vmem>>)
    %barrier3A_256 = arith.constant 0 : index
    tpu.barrier barrier_id(%barrier3A_256)
    %scan3A_257 = arith.constant 0 : i32
    %scan3A_258 = arith.constant 0 : i32
    %scan3A_259 = arith.constant 5 : i32
    %scan3A_260 = arith.addi %scan3A_258, %scan3A_259 : i32
    %scan3A_261 = arith.constant 1 : i32
    scf.for %scan3A_327 = %scan3A_258 to %scan3A_260 step %scan3A_261  : i32 {
      %mul3A_328 = arith.constant 128 : i32
      %mul3A_329 = arith.muli %scan3A_327, %mul3A_328 : i32
      %add3A_330 = arith.addi %mul3A_0, %mul3A_329 : i32
      "tpu.region"() ({
        %run_scoped3A_337 = tpu.sem_alloc : memref<!tpu.dma_semaphore, #tpu.memory_space<semaphore_mem>>
        %dma_start3A_338 = arith.constant 0 : i32
        %dma_start3A_339 = tpu.memref_slice %arg8[%add3A_330, %dma_start3A_338] : memref<10240x64xf32, #tpu.memory_space<vmem_shared>> -> memref<128x64xf32, #tpu.memory_space<vmem_shared>>
        %dma_start3A_340 = arith.constant 0 : i32
        %dma_start3A_341 = tpu.memref_slice %arg8[%add3A_330, %dma_start3A_340] : memref<10240x64xf32, #tpu.memory_space<vmem_shared>> -> memref<128x64xf32, #tpu.memory_space<vmem_shared>>
        tpu.enqueue_dma source(%dma_start3A_341 : memref<128x64xf32, #tpu.memory_space<vmem_shared>>) target(%arg9 : memref<128x64xf32, #tpu.memory_space<vmem>>) target_semaphore(%run_scoped3A_337 : memref<!tpu.dma_semaphore, #tpu.memory_space<semaphore_mem>>)
        %dma_wait3A_342 = arith.constant 0 : i32
        %dma_wait3A_343 = tpu.memref_slice %arg8[%add3A_330, %dma_wait3A_342] : memref<10240x64xf32, #tpu.memory_space<vmem_shared>> -> memref<128x64xf32, #tpu.memory_space<vmem_shared>>
        %dma_wait3A_344 = arith.constant 0 : i32
        %dma_wait3A_345 = tpu.memref_slice %arg8[%add3A_330, %dma_wait3A_344] : memref<10240x64xf32, #tpu.memory_space<vmem_shared>> -> memref<128x64xf32, #tpu.memory_space<vmem_shared>>
        tpu.wait_dma2 semaphore(%run_scoped3A_337 : memref<!tpu.dma_semaphore, #tpu.memory_space<semaphore_mem>>) src(%dma_wait3A_345 : memref<128x64xf32, #tpu.memory_space<vmem_shared>>) dst(%arg9 : memref<128x64xf32, #tpu.memory_space<vmem>>)
        tpu.yield
      }) : () -> ()
      %scan3A_331 = arith.constant 0 : i32
      %scan3A_332 = arith.constant 0 : i32
      %scan3A_333 = arith.constant 128 : i32
      %scan3A_334 = arith.addi %scan3A_332, %scan3A_333 : i32
      %scan3A_335 = arith.constant 1 : i32
      scf.for %scan3A_337 = %scan3A_332 to %scan3A_334 step %scan3A_335  : i32 {
        %mul3A_338 = arith.constant 128 : i32
        %mul3A_339 = arith.muli %scan3A_327, %mul3A_338 : i32
        %add3A_340 = arith.addi %mul3A_339, %scan3A_337 : i32
        %broadcast_in_dim3A = vector.broadcast %add3A_340 : i32 to vector<16xi32>
        %gather3A = tpu.vector_load_idx %arg19[%broadcast_in_dim3A] : memref<640xf32, #tpu.memory_space<vmem>>[vector<16xi32>], vector<16xf32>,
        %get3A = arith.index_cast %scan3A_337 : i32 to index
        %get3A_341 = arith.constant 0 : index
        %get3A_342 = tpu.vector_load %arg9[%get3A, %get3A_341] {strides = array<i32>} : memref<128x64xf32, #tpu.memory_space<vmem>>, vector<16xf32>,
        %mul3A_343 = arith.mulf %get3A_342, %gather3A : vector<16xf32>
        %swap3A = arith.index_cast %scan3A_337 : i32 to index
        %swap3A_344 = arith.constant 0 : index
        %swap3A_345 = tpu.vector_load %arg9[%swap3A, %swap3A_344] {strides = array<i32>} : memref<128x64xf32, #tpu.memory_space<vmem>>, vector<16xf32>,
        tpu.vector_store %arg9[%swap3A, %swap3A_344], %mul3A_343 {strides = array<i32>} : memref<128x64xf32, #tpu.memory_space<vmem>>, vector<16xf32>,
        %get3A_346 = arith.index_cast %scan3A_337 : i32 to index
        %get3A_347 = arith.constant 16 : index
        %get3A_348 = tpu.vector_load %arg9[%get3A_346, %get3A_347] {strides = array<i32>} : memref<128x64xf32, #tpu.memory_space<vmem>>, vector<16xf32>,
        %mul3A_349 = arith.mulf %get3A_348, %gather3A : vector<16xf32>
        %swap3A_350 = arith.index_cast %scan3A_337 : i32 to index
        %swap3A_351 = arith.constant 16 : index
        %swap3A_352 = tpu.vector_load %arg9[%swap3A_350, %swap3A_351] {strides = array<i32>} : memref<128x64xf32, #tpu.memory_space<vmem>>, vector<16xf32>,
        tpu.vector_store %arg9[%swap3A_350, %swap3A_351], %mul3A_349 {strides = array<i32>} : memref<128x64xf32, #tpu.memory_space<vmem>>, vector<16xf32>,
        %get3A_353 = arith.index_cast %scan3A_337 : i32 to index
        %get3A_354 = arith.constant 32 : index
        %get3A_355 = tpu.vector_load %arg9[%get3A_353, %get3A_354] {strides = array<i32>} : memref<128x64xf32, #tpu.memory_space<vmem>>, vector<16xf32>,
        %mul3A_356 = arith.mulf %get3A_355, %gather3A : vector<16xf32>
        %swap3A_357 = arith.index_cast %scan3A_337 : i32 to index
        %swap3A_358 = arith.constant 32 : index
        %swap3A_359 = tpu.vector_load %arg9[%swap3A_357, %swap3A_358] {strides = array<i32>} : memref<128x64xf32, #tpu.memory_space<vmem>>, vector<16xf32>,
        tpu.vector_store %arg9[%swap3A_357, %swap3A_358], %mul3A_356 {strides = array<i32>} : memref<128x64xf32, #tpu.memory_space<vmem>>, vector<16xf32>,
        %get3A_360 = arith.index_cast %scan3A_337 : i32 to index
        %get3A_361 = arith.constant 48 : index
        %get3A_362 = tpu.vector_load %arg9[%get3A_360, %get3A_361] {strides = array<i32>} : memref<128x64xf32, #tpu.memory_space<vmem>>, vector<16xf32>,
        %mul3A_363 = arith.mulf %get3A_362, %gather3A : vector<16xf32>
        %swap3A_364 = arith.index_cast %scan3A_337 : i32 to index
        %swap3A_365 = arith.constant 48 : index
        %swap3A_366 = tpu.vector_load %arg9[%swap3A_364, %swap3A_365] {strides = array<i32>} : memref<128x64xf32, #tpu.memory_space<vmem>>, vector<16xf32>,
        tpu.vector_store %arg9[%swap3A_364, %swap3A_365], %mul3A_363 {strides = array<i32>} : memref<128x64xf32, #tpu.memory_space<vmem>>, vector<16xf32>,
      }
      %scan3A_336 = arith.constant 128 : i32
      %run_scoped3A = arith.constant 3 : i32
      "tpu.region"() ({
        %run_scoped3A_337 = tpu.sem_alloc : memref<!tpu.dma_semaphore, #tpu.memory_space<semaphore_mem>>
        %dma_start3A_338 = arith.constant 0 : i32
        %dma_start3A_339 = tpu.memref_slice %arg6[%run_scoped3A, %arg0, %add3A_330, %dma_start3A_338] : memref<5x2x10240x64xf32, #tpu.memory_space<hbm>> -> memref<1x1x128x64xf32, #tpu.memory_space<hbm>>
        %dma_start3A_340 = tpu.memref_squeeze %dma_start3A_339 : memref<1x1x128x64xf32, #tpu.memory_space<hbm>> -> memref<128x64xf32, #tpu.memory_space<hbm>>
        %dma_start3A_341 = arith.constant 0 : i32
        %dma_start3A_342 = tpu.memref_slice %arg6[%run_scoped3A, %arg0, %add3A_330, %dma_start3A_341] : memref<5x2x10240x64xf32, #tpu.memory_space<hbm>> -> memref<1x1x128x64xf32, #tpu.memory_space<hbm>>
        %dma_start3A_343 = tpu.memref_squeeze %dma_start3A_342 : memref<1x1x128x64xf32, #tpu.memory_space<hbm>> -> memref<128x64xf32, #tpu.memory_space<hbm>>
        tpu.enqueue_dma source(%arg9 : memref<128x64xf32, #tpu.memory_space<vmem>>) target(%dma_start3A_343 : memref<128x64xf32, #tpu.memory_space<hbm>>) target_semaphore(%run_scoped3A_337 : memref<!tpu.dma_semaphore, #tpu.memory_space<semaphore_mem>>)
        %dma_wait3A_344 = arith.constant 0 : i32
        %dma_wait3A_345 = tpu.memref_slice %arg6[%run_scoped3A, %arg0, %add3A_330, %dma_wait3A_344] : memref<5x2x10240x64xf32, #tpu.memory_space<hbm>> -> memref<1x1x128x64xf32, #tpu.memory_space<hbm>>
        %dma_wait3A_346 = tpu.memref_squeeze %dma_wait3A_345 : memref<1x1x128x64xf32, #tpu.memory_space<hbm>> -> memref<128x64xf32, #tpu.memory_space<hbm>>
        %dma_wait3A_347 = arith.constant 0 : i32
        %dma_wait3A_348 = tpu.memref_slice %arg6[%run_scoped3A, %arg0, %add3A_330, %dma_wait3A_347] : memref<5x2x10240x64xf32, #tpu.memory_space<hbm>> -> memref<1x1x128x64xf32, #tpu.memory_space<hbm>>
        %dma_wait3A_349 = tpu.memref_squeeze %dma_wait3A_348 : memref<1x1x128x64xf32, #tpu.memory_space<hbm>> -> memref<128x64xf32, #tpu.memory_space<hbm>>
        tpu.wait_dma2 semaphore(%run_scoped3A_337 : memref<!tpu.dma_semaphore, #tpu.memory_space<semaphore_mem>>) src(%arg9 : memref<128x64xf32, #tpu.memory_space<vmem>>) dst(%dma_wait3A_349 : memref<128x64xf32, #tpu.memory_space<hbm>>)
        tpu.yield
      }) : () -> ()
      "tpu.region"() ({
        %run_scoped3A_337 = tpu.sem_alloc : memref<!tpu.dma_semaphore, #tpu.memory_space<semaphore_mem>>
        %dma_start3A_338 = arith.constant 0 : i32
        %dma_start3A_339 = tpu.memref_slice %arg7[%add3A_330, %dma_start3A_338] : memref<10240x64xf32, #tpu.memory_space<vmem_shared>> -> memref<128x64xf32, #tpu.memory_space<vmem_shared>>
        %dma_start3A_340 = arith.constant 0 : i32
        %dma_start3A_341 = tpu.memref_slice %arg7[%add3A_330, %dma_start3A_340] : memref<10240x64xf32, #tpu.memory_space<vmem_shared>> -> memref<128x64xf32, #tpu.memory_space<vmem_shared>>
        tpu.enqueue_dma source(%arg9 : memref<128x64xf32, #tpu.memory_space<vmem>>) target(%dma_start3A_341 : memref<128x64xf32, #tpu.memory_space<vmem_shared>>) target_semaphore(%run_scoped3A_337 : memref<!tpu.dma_semaphore, #tpu.memory_space<semaphore_mem>>)
        %dma_wait3A_342 = arith.constant 0 : i32
        %dma_wait3A_343 = tpu.memref_slice %arg7[%add3A_330, %dma_wait3A_342] : memref<10240x64xf32, #tpu.memory_space<vmem_shared>> -> memref<128x64xf32, #tpu.memory_space<vmem_shared>>
        %dma_wait3A_344 = arith.constant 0 : i32
        %dma_wait3A_345 = tpu.memref_slice %arg7[%add3A_330, %dma_wait3A_344] : memref<10240x64xf32, #tpu.memory_space<vmem_shared>> -> memref<128x64xf32, #tpu.memory_space<vmem_shared>>
        tpu.wait_dma2 semaphore(%run_scoped3A_337 : memref<!tpu.dma_semaphore, #tpu.memory_space<semaphore_mem>>) src(%arg9 : memref<128x64xf32, #tpu.memory_space<vmem>>) dst(%dma_wait3A_345 : memref<128x64xf32, #tpu.memory_space<vmem_shared>>)
        tpu.yield
      }) : () -> ()
      "tpu.region"() ({
        %run_scoped3A_337 = tpu.sem_alloc : memref<!tpu.dma_semaphore, #tpu.memory_space<semaphore_mem>>
        %dma_start3A_338 = arith.constant 0 : i32
        %dma_start3A_339 = tpu.memref_slice %arg8[%add3A_330, %dma_start3A_338] : memref<10240x64xf32, #tpu.memory_space<vmem_shared>> -> memref<128x64xf32, #tpu.memory_space<vmem_shared>>
        %dma_start3A_340 = arith.constant 0 : i32
        %dma_start3A_341 = tpu.memref_slice %arg8[%add3A_330, %dma_start3A_340] : memref<10240x64xf32, #tpu.memory_space<vmem_shared>> -> memref<128x64xf32, #tpu.memory_space<vmem_shared>>
        tpu.enqueue_dma source(%arg9 : memref<128x64xf32, #tpu.memory_space<vmem>>) target(%dma_start3A_341 : memref<128x64xf32, #tpu.memory_space<vmem_shared>>) target_semaphore(%run_scoped3A_337 : memref<!tpu.dma_semaphore, #tpu.memory_space<semaphore_mem>>)
        %dma_wait3A_342 = arith.constant 0 : i32
        %dma_wait3A_343 = tpu.memref_slice %arg8[%add3A_330, %dma_wait3A_342] : memref<10240x64xf32, #tpu.memory_space<vmem_shared>> -> memref<128x64xf32, #tpu.memory_space<vmem_shared>>
        %dma_wait3A_344 = arith.constant 0 : i32
        %dma_wait3A_345 = tpu.memref_slice %arg8[%add3A_330, %dma_wait3A_344] : memref<10240x64xf32, #tpu.memory_space<vmem_shared>> -> memref<128x64xf32, #tpu.memory_space<vmem_shared>>
        tpu.wait_dma2 semaphore(%run_scoped3A_337 : memref<!tpu.dma_semaphore, #tpu.memory_space<semaphore_mem>>) src(%arg9 : memref<128x64xf32, #tpu.memory_space<vmem>>) dst(%dma_wait3A_345 : memref<128x64xf32, #tpu.memory_space<vmem_shared>>)
        tpu.yield
      }) : () -> ()
    }
    %scan3A_262 = arith.constant 5 : i32
    %barrier3A_263 = arith.constant 0 : index
    tpu.barrier barrier_id(%barrier3A_263)
    "tpu.region"() ({
      %run_scoped3A = tpu.sem_alloc : memref<!tpu.dma_semaphore, #tpu.memory_space<semaphore_mem>>
      %dma_start3A_327 = arith.constant 0 : i32
      %dma_start3A_328 = arith.constant 0 : i32
      %dma_start3A_329 = tpu.memref_slice %arg3[%mul3A_2, %dma_start3A_327, %dma_start3A_328] : memref<2560x2x128xi32, #tpu.memory_space<hbm>> -> memref<1x2x128xi32, #tpu.memory_space<hbm>>
      %dma_start3A_330 = tpu.memref_squeeze %dma_start3A_329 : memref<1x2x128xi32, #tpu.memory_space<hbm>> -> memref<2x128xi32, #tpu.memory_space<hbm>>
      %dma_start3A_331 = arith.constant 0 : i32
      %dma_start3A_332 = arith.constant 0 : i32
      %dma_start3A_333 = tpu.memref_slice %arg3[%mul3A_2, %dma_start3A_331, %dma_start3A_332] : memref<2560x2x128xi32, #tpu.memory_space<hbm>> -> memref<1x2x128xi32, #tpu.memory_space<hbm>>
      %dma_start3A_334 = tpu.memref_squeeze %dma_start3A_333 : memref<1x2x128xi32, #tpu.memory_space<hbm>> -> memref<2x128xi32, #tpu.memory_space<hbm>>
      tpu.enqueue_dma source(%dma_start3A_334 : memref<2x128xi32, #tpu.memory_space<hbm>>) target(%arg14 : memref<2x128xi32, #tpu.memory_space<vmem>>) target_semaphore(%run_scoped3A : memref<!tpu.dma_semaphore, #tpu.memory_space<semaphore_mem>>)
      %dma_wait3A_335 = arith.constant 0 : i32
      %dma_wait3A_336 = arith.constant 0 : i32
      %dma_wait3A_337 = tpu.memref_slice %arg3[%mul3A_2, %dma_wait3A_335, %dma_wait3A_336] : memref<2560x2x128xi32, #tpu.memory_space<hbm>> -> memref<1x2x128xi32, #tpu.memory_space<hbm>>
      %dma_wait3A_338 = tpu.memref_squeeze %dma_wait3A_337 : memref<1x2x128xi32, #tpu.memory_space<hbm>> -> memref<2x128xi32, #tpu.memory_space<hbm>>
      %dma_wait3A_339 = arith.constant 0 : i32
      %dma_wait3A_340 = arith.constant 0 : i32
      %dma_wait3A_341 = tpu.memref_slice %arg3[%mul3A_2, %dma_wait3A_339, %dma_wait3A_340] : memref<2560x2x128xi32, #tpu.memory_space<hbm>> -> memref<1x2x128xi32, #tpu.memory_space<hbm>>
      %dma_wait3A_342 = tpu.memref_squeeze %dma_wait3A_341 : memref<1x2x128xi32, #tpu.memory_space<hbm>> -> memref<2x128xi32, #tpu.memory_space<hbm>>
      tpu.wait_dma2 semaphore(%run_scoped3A : memref<!tpu.dma_semaphore, #tpu.memory_space<semaphore_mem>>) src(%dma_wait3A_342 : memref<2x128xi32, #tpu.memory_space<hbm>>) dst(%arg14 : memref<2x128xi32, #tpu.memory_space<vmem>>)
      tpu.yield
    }) : () -> ()
    %dma_start3A_264 = arith.constant 0 : i32
    %dma_start3A_265 = arith.constant 0 : i32
    %dma_start3A_266 = tpu.memref_slice %arg14[%dma_start3A_264, %dma_start3A_265] : memref<2x128xi32, #tpu.memory_space<vmem>> -> memref<1x128xi32, #tpu.memory_space<vmem>>
    %dma_start3A_267 = tpu.memref_squeeze %dma_start3A_266 : memref<1x128xi32, #tpu.memory_space<vmem>> -> memref<128xi32, #tpu.memory_space<vmem>>
    %dma_start3A_268 = arith.constant 0 : i32
    %dma_start3A_269 = arith.constant 0 : i32
    %dma_start3A_270 = tpu.memref_slice %arg7[%dma_start3A_268, %dma_start3A_269] : memref<10240x64xf32, #tpu.memory_space<vmem_shared>> -> memref<10240x64xf32, #tpu.memory_space<vmem_shared>>
    tpu.enqueue_indirect_dma source(%dma_start3A_270 : memref<10240x64xf32, #tpu.memory_space<vmem_shared>>) target(%arg10 : memref<128x64xf32, #tpu.memory_space<vmem>>) offsets(%dma_start3A_267 : memref<128xi32, #tpu.memory_space<vmem>>) semaphore(%arg20 : memref<!tpu.dma_semaphore, #tpu.memory_space<semaphore_mem>>)
    %add3A_271 = arith.constant 1 : i32
    %add3A_272 = arith.addi %mul3A_2, %add3A_271 : i32
    "tpu.region"() ({
      %run_scoped3A = tpu.sem_alloc : memref<!tpu.dma_semaphore, #tpu.memory_space<semaphore_mem>>
      %dma_start3A_327 = arith.constant 0 : i32
      %dma_start3A_328 = arith.constant 0 : i32
      %dma_start3A_329 = tpu.memref_slice %arg3[%add3A_272, %dma_start3A_327, %dma_start3A_328] : memref<2560x2x128xi32, #tpu.memory_space<hbm>> -> memref<1x2x128xi32, #tpu.memory_space<hbm>>
      %dma_start3A_330 = tpu.memref_squeeze %dma_start3A_329 : memref<1x2x128xi32, #tpu.memory_space<hbm>> -> memref<2x128xi32, #tpu.memory_space<hbm>>
      %dma_start3A_331 = arith.constant 0 : i32
      %dma_start3A_332 = arith.constant 0 : i32
      %dma_start3A_333 = tpu.memref_slice %arg3[%add3A_272, %dma_start3A_331, %dma_start3A_332] : memref<2560x2x128xi32, #tpu.memory_space<hbm>> -> memref<1x2x128xi32, #tpu.memory_space<hbm>>
      %dma_start3A_334 = tpu.memref_squeeze %dma_start3A_333 : memref<1x2x128xi32, #tpu.memory_space<hbm>> -> memref<2x128xi32, #tpu.memory_space<hbm>>
      tpu.enqueue_dma source(%dma_start3A_334 : memref<2x128xi32, #tpu.memory_space<hbm>>) target(%arg15 : memref<2x128xi32, #tpu.memory_space<vmem>>) target_semaphore(%run_scoped3A : memref<!tpu.dma_semaphore, #tpu.memory_space<semaphore_mem>>)
      %dma_wait3A_335 = arith.constant 0 : i32
      %dma_wait3A_336 = arith.constant 0 : i32
      %dma_wait3A_337 = tpu.memref_slice %arg3[%add3A_272, %dma_wait3A_335, %dma_wait3A_336] : memref<2560x2x128xi32, #tpu.memory_space<hbm>> -> memref<1x2x128xi32, #tpu.memory_space<hbm>>
      %dma_wait3A_338 = tpu.memref_squeeze %dma_wait3A_337 : memref<1x2x128xi32, #tpu.memory_space<hbm>> -> memref<2x128xi32, #tpu.memory_space<hbm>>
      %dma_wait3A_339 = arith.constant 0 : i32
      %dma_wait3A_340 = arith.constant 0 : i32
      %dma_wait3A_341 = tpu.memref_slice %arg3[%add3A_272, %dma_wait3A_339, %dma_wait3A_340] : memref<2560x2x128xi32, #tpu.memory_space<hbm>> -> memref<1x2x128xi32, #tpu.memory_space<hbm>>
      %dma_wait3A_342 = tpu.memref_squeeze %dma_wait3A_341 : memref<1x2x128xi32, #tpu.memory_space<hbm>> -> memref<2x128xi32, #tpu.memory_space<hbm>>
      tpu.wait_dma2 semaphore(%run_scoped3A : memref<!tpu.dma_semaphore, #tpu.memory_space<semaphore_mem>>) src(%dma_wait3A_342 : memref<2x128xi32, #tpu.memory_space<hbm>>) dst(%arg15 : memref<2x128xi32, #tpu.memory_space<vmem>>)
      tpu.yield
    }) : () -> ()
    %dma_start3A_273 = arith.constant 0 : i32
    %dma_start3A_274 = arith.constant 0 : i32
    %dma_start3A_275 = tpu.memref_slice %arg15[%dma_start3A_273, %dma_start3A_274] : memref<2x128xi32, #tpu.memory_space<vmem>> -> memref<1x128xi32, #tpu.memory_space<vmem>>
    %dma_start3A_276 = tpu.memref_squeeze %dma_start3A_275 : memref<1x128xi32, #tpu.memory_space<vmem>> -> memref<128xi32, #tpu.memory_space<vmem>>
    %dma_start3A_277 = arith.constant 0 : i32
    %dma_start3A_278 = arith.constant 0 : i32
    %dma_start3A_279 = tpu.memref_slice %arg7[%dma_start3A_277, %dma_start3A_278] : memref<10240x64xf32, #tpu.memory_space<vmem_shared>> -> memref<10240x64xf32, #tpu.memory_space<vmem_shared>>
    tpu.enqueue_indirect_dma source(%dma_start3A_279 : memref<10240x64xf32, #tpu.memory_space<vmem_shared>>) target(%arg11 : memref<128x64xf32, #tpu.memory_space<vmem>>) offsets(%dma_start3A_276 : memref<128xi32, #tpu.memory_space<vmem>>) semaphore(%arg21 : memref<!tpu.dma_semaphore, #tpu.memory_space<semaphore_mem>>)
    %add3A_280 = arith.constant 2 : i32
    %add3A_281 = arith.addi %mul3A_2, %add3A_280 : i32
    "tpu.region"() ({
      %run_scoped3A = tpu.sem_alloc : memref<!tpu.dma_semaphore, #tpu.memory_space<semaphore_mem>>
      %dma_start3A_327 = arith.constant 0 : i32
      %dma_start3A_328 = arith.constant 0 : i32
      %dma_start3A_329 = tpu.memref_slice %arg3[%add3A_281, %dma_start3A_327, %dma_start3A_328] : memref<2560x2x128xi32, #tpu.memory_space<hbm>> -> memref<1x2x128xi32, #tpu.memory_space<hbm>>
      %dma_start3A_330 = tpu.memref_squeeze %dma_start3A_329 : memref<1x2x128xi32, #tpu.memory_space<hbm>> -> memref<2x128xi32, #tpu.memory_space<hbm>>
      %dma_start3A_331 = arith.constant 0 : i32
      %dma_start3A_332 = arith.constant 0 : i32
      %dma_start3A_333 = tpu.memref_slice %arg3[%add3A_281, %dma_start3A_331, %dma_start3A_332] : memref<2560x2x128xi32, #tpu.memory_space<hbm>> -> memref<1x2x128xi32, #tpu.memory_space<hbm>>
      %dma_start3A_334 = tpu.memref_squeeze %dma_start3A_333 : memref<1x2x128xi32, #tpu.memory_space<hbm>> -> memref<2x128xi32, #tpu.memory_space<hbm>>
      tpu.enqueue_dma source(%dma_start3A_334 : memref<2x128xi32, #tpu.memory_space<hbm>>) target(%arg16 : memref<2x128xi32, #tpu.memory_space<vmem>>) target_semaphore(%run_scoped3A : memref<!tpu.dma_semaphore, #tpu.memory_space<semaphore_mem>>)
      %dma_wait3A_335 = arith.constant 0 : i32
      %dma_wait3A_336 = arith.constant 0 : i32
      %dma_wait3A_337 = tpu.memref_slice %arg3[%add3A_281, %dma_wait3A_335, %dma_wait3A_336] : memref<2560x2x128xi32, #tpu.memory_space<hbm>> -> memref<1x2x128xi32, #tpu.memory_space<hbm>>
      %dma_wait3A_338 = tpu.memref_squeeze %dma_wait3A_337 : memref<1x2x128xi32, #tpu.memory_space<hbm>> -> memref<2x128xi32, #tpu.memory_space<hbm>>
      %dma_wait3A_339 = arith.constant 0 : i32
      %dma_wait3A_340 = arith.constant 0 : i32
      %dma_wait3A_341 = tpu.memref_slice %arg3[%add3A_281, %dma_wait3A_339, %dma_wait3A_340] : memref<2560x2x128xi32, #tpu.memory_space<hbm>> -> memref<1x2x128xi32, #tpu.memory_space<hbm>>
      %dma_wait3A_342 = tpu.memref_squeeze %dma_wait3A_341 : memref<1x2x128xi32, #tpu.memory_space<hbm>> -> memref<2x128xi32, #tpu.memory_space<hbm>>
      tpu.wait_dma2 semaphore(%run_scoped3A : memref<!tpu.dma_semaphore, #tpu.memory_space<semaphore_mem>>) src(%dma_wait3A_342 : memref<2x128xi32, #tpu.memory_space<hbm>>) dst(%arg16 : memref<2x128xi32, #tpu.memory_space<vmem>>)
      tpu.yield
    }) : () -> ()
    %dma_start3A_282 = arith.constant 0 : i32
    %dma_start3A_283 = arith.constant 0 : i32
    %dma_start3A_284 = tpu.memref_slice %arg16[%dma_start3A_282, %dma_start3A_283] : memref<2x128xi32, #tpu.memory_space<vmem>> -> memref<1x128xi32, #tpu.memory_space<vmem>>
    %dma_start3A_285 = tpu.memref_squeeze %dma_start3A_284 : memref<1x128xi32, #tpu.memory_space<vmem>> -> memref<128xi32, #tpu.memory_space<vmem>>
    %dma_start3A_286 = arith.constant 0 : i32
    %dma_start3A_287 = arith.constant 0 : i32
    %dma_start3A_288 = tpu.memref_slice %arg7[%dma_start3A_286, %dma_start3A_287] : memref<10240x64xf32, #tpu.memory_space<vmem_shared>> -> memref<10240x64xf32, #tpu.memory_space<vmem_shared>>
    tpu.enqueue_indirect_dma source(%dma_start3A_288 : memref<10240x64xf32, #tpu.memory_space<vmem_shared>>) target(%arg12 : memref<128x64xf32, #tpu.memory_space<vmem>>) offsets(%dma_start3A_285 : memref<128xi32, #tpu.memory_space<vmem>>) semaphore(%arg22 : memref<!tpu.dma_semaphore, #tpu.memory_space<semaphore_mem>>)
    %scan3A_289 = arith.constant 0 : i32
    %scan3A_290 = arith.constant 0 : i32
    %scan3A_291 = arith.constant 0 : i32
    %scan3A_292 = arith.constant 0 : i32
    %scan3A_293 = arith.constant 0 : i32
    %scan3A_294 = arith.constant 0 : i32
    %scan3A_295 = arith.constant 40 : i32
    %scan3A_296 = arith.addi %scan3A_294, %scan3A_295 : i32
    %scan3A_297 = arith.constant 1 : i32
    scf.for %scan3A_327 = %scan3A_294 to %scan3A_296 step %scan3A_297  : i32 {
      %mul3A_328 = arith.constant 4 : i32
      %mul3A_329 = arith.muli %mul3A_328, %scan3A_327 : i32
      %add3A_330 = arith.addi %mul3A_2, %mul3A_329 : i32
      %dma_wait3A_331 = arith.constant 0 : i32
      %dma_wait3A_332 = tpu.memref_slice %arg14[%scan3A_290, %dma_wait3A_331] : memref<2x128xi32, #tpu.memory_space<vmem>> -> memref<1x128xi32, #tpu.memory_space<vmem>>
      %dma_wait3A_333 = tpu.memref_squeeze %dma_wait3A_332 : memref<1x128xi32, #tpu.memory_space<vmem>> -> memref<128xi32, #tpu.memory_space<vmem>>
      %dma_wait3A_334 = arith.constant 0 : i32
      %dma_wait3A_335 = arith.constant 0 : i32
      %dma_wait3A_336 = tpu.memref_slice %arg7[%dma_wait3A_334, %dma_wait3A_335] : memref<10240x64xf32, #tpu.memory_space<vmem_shared>> -> memref<10240x64xf32, #tpu.memory_space<vmem_shared>>
      tpu.wait_indirect_dma semaphore(%arg20 : memref<!tpu.dma_semaphore, #tpu.memory_space<semaphore_mem>>) src(%dma_wait3A_336 : memref<10240x64xf32, #tpu.memory_space<vmem_shared>>) dst(%arg10 : memref<128x64xf32, #tpu.memory_space<vmem>>)
      %dma_start3A_337 = arith.constant 1 : i32
      %dma_start3A_338 = arith.constant 0 : i32
      %dma_start3A_339 = tpu.memref_slice %arg14[%dma_start3A_337, %dma_start3A_338] : memref<2x128xi32, #tpu.memory_space<vmem>> -> memref<1x128xi32, #tpu.memory_space<vmem>>
      %dma_start3A_340 = tpu.memref_squeeze %dma_start3A_339 : memref<1x128xi32, #tpu.memory_space<vmem>> -> memref<128xi32, #tpu.memory_space<vmem>>
      %dma_start3A_341 = arith.constant 0 : i32
      %dma_start3A_342 = arith.constant 0 : i32
      %dma_start3A_343 = tpu.memref_slice %arg8[%dma_start3A_341, %dma_start3A_342] : memref<10240x64xf32, #tpu.memory_space<vmem_shared>> -> memref<10240x64xf32, #tpu.memory_space<vmem_shared>>
      tpu.enqueue_indirect_dma source(%arg10 : memref<128x64xf32, #tpu.memory_space<vmem>>) target(%dma_start3A_343 : memref<10240x64xf32, #tpu.memory_space<vmem_shared>>) offsets(%dma_start3A_340 : memref<128xi32, #tpu.memory_space<vmem>>) semaphore(%arg24 : memref<!tpu.dma_semaphore, #tpu.memory_space<semaphore_mem>>) {add = true}
      %add3A_344 = arith.constant 3 : i32
      %add3A_345 = arith.addi %add3A_330, %add3A_344 : i32
      %add3A_346 = arith.constant 0 : i32
      %add3A_347 = arith.addi %add3A_345, %add3A_346 : i32
      %min3A = arith.minsi %add3A_347, %sub3A_9 : i32
      "tpu.region"() ({
        %run_scoped3A = tpu.sem_alloc : memref<!tpu.dma_semaphore, #tpu.memory_space<semaphore_mem>>
        %dma_start3A_454 = arith.constant 0 : i32
        %dma_start3A_455 = arith.constant 0 : i32
        %dma_start3A_456 = tpu.memref_slice %arg3[%min3A, %dma_start3A_454, %dma_start3A_455] : memref<2560x2x128xi32, #tpu.memory_space<hbm>> -> memref<1x2x128xi32, #tpu.memory_space<hbm>>
        %dma_start3A_457 = tpu.memref_squeeze %dma_start3A_456 : memref<1x2x128xi32, #tpu.memory_space<hbm>> -> memref<2x128xi32, #tpu.memory_space<hbm>>
        %dma_start3A_458 = arith.constant 0 : i32
        %dma_start3A_459 = arith.constant 0 : i32
        %dma_start3A_460 = tpu.memref_slice %arg3[%min3A, %dma_start3A_458, %dma_start3A_459] : memref<2560x2x128xi32, #tpu.memory_space<hbm>> -> memref<1x2x128xi32, #tpu.memory_space<hbm>>
        %dma_start3A_461 = tpu.memref_squeeze %dma_start3A_460 : memref<1x2x128xi32, #tpu.memory_space<hbm>> -> memref<2x128xi32, #tpu.memory_space<hbm>>
        tpu.enqueue_dma source(%dma_start3A_461 : memref<2x128xi32, #tpu.memory_space<hbm>>) target(%arg17 : memref<2x128xi32, #tpu.memory_space<vmem>>) target_semaphore(%run_scoped3A : memref<!tpu.dma_semaphore, #tpu.memory_space<semaphore_mem>>)
        %dma_wait3A_462 = arith.constant 0 : i32
        %dma_wait3A_463 = arith.constant 0 : i32
        %dma_wait3A_464 = tpu.memref_slice %arg3[%min3A, %dma_wait3A_462, %dma_wait3A_463] : memref<2560x2x128xi32, #tpu.memory_space<hbm>> -> memref<1x2x128xi32, #tpu.memory_space<hbm>>
        %dma_wait3A_465 = tpu.memref_squeeze %dma_wait3A_464 : memref<1x2x128xi32, #tpu.memory_space<hbm>> -> memref<2x128xi32, #tpu.memory_space<hbm>>
        %dma_wait3A_466 = arith.constant 0 : i32
        %dma_wait3A_467 = arith.constant 0 : i32
        %dma_wait3A_468 = tpu.memref_slice %arg3[%min3A, %dma_wait3A_466, %dma_wait3A_467] : memref<2560x2x128xi32, #tpu.memory_space<hbm>> -> memref<1x2x128xi32, #tpu.memory_space<hbm>>
        %dma_wait3A_469 = tpu.memref_squeeze %dma_wait3A_468 : memref<1x2x128xi32, #tpu.memory_space<hbm>> -> memref<2x128xi32, #tpu.memory_space<hbm>>
        tpu.wait_dma2 semaphore(%run_scoped3A : memref<!tpu.dma_semaphore, #tpu.memory_space<semaphore_mem>>) src(%dma_wait3A_469 : memref<2x128xi32, #tpu.memory_space<hbm>>) dst(%arg17 : memref<2x128xi32, #tpu.memory_space<vmem>>)
        tpu.yield
      }) : () -> ()
      %dma_start3A_348 = arith.constant 0 : i32
      %dma_start3A_349 = tpu.memref_slice %arg17[%scan3A_291, %dma_start3A_348] : memref<2x128xi32, #tpu.memory_space<vmem>> -> memref<1x128xi32, #tpu.memory_space<vmem>>
      %dma_start3A_350 = tpu.memref_squeeze %dma_start3A_349 : memref<1x128xi32, #tpu.memory_space<vmem>> -> memref<128xi32, #tpu.memory_space<vmem>>
      %dma_start3A_351 = arith.constant 0 : i32
      %dma_start3A_352 = arith.constant 0 : i32
      %dma_start3A_353 = tpu.memref_slice %arg7[%dma_start3A_351, %dma_start3A_352] : memref<10240x64xf32, #tpu.memory_space<vmem_shared>> -> memref<10240x64xf32, #tpu.memory_space<vmem_shared>>
      tpu.enqueue_indirect_dma source(%dma_start3A_353 : memref<10240x64xf32, #tpu.memory_space<vmem_shared>>) target(%arg13 : memref<128x64xf32, #tpu.memory_space<vmem>>) offsets(%dma_start3A_350 : memref<128xi32, #tpu.memory_space<vmem>>) semaphore(%arg23 : memref<!tpu.dma_semaphore, #tpu.memory_space<semaphore_mem>>)
      %dma_wait3A_354 = arith.constant 0 : i32
      %dma_wait3A_355 = tpu.memref_slice %arg15[%scan3A_292, %dma_wait3A_354] : memref<2x128xi32, #tpu.memory_space<vmem>> -> memref<1x128xi32, #tpu.memory_space<vmem>>
      %dma_wait3A_356 = tpu.memref_squeeze %dma_wait3A_355 : memref<1x128xi32, #tpu.memory_space<vmem>> -> memref<128xi32, #tpu.memory_space<vmem>>
      %dma_wait3A_357 = arith.constant 0 : i32
      %dma_wait3A_358 = arith.constant 0 : i32
      %dma_wait3A_359 = tpu.memref_slice %arg7[%dma_wait3A_357, %dma_wait3A_358] : memref<10240x64xf32, #tpu.memory_space<vmem_shared>> -> memref<10240x64xf32, #tpu.memory_space<vmem_shared>>
      tpu.wait_indirect_dma semaphore(%arg21 : memref<!tpu.dma_semaphore, #tpu.memory_space<semaphore_mem>>) src(%dma_wait3A_359 : memref<10240x64xf32, #tpu.memory_space<vmem_shared>>) dst(%arg11 : memref<128x64xf32, #tpu.memory_space<vmem>>)
      %dma_start3A_360 = arith.constant 1 : i32
      %dma_start3A_361 = arith.constant 0 : i32
      %dma_start3A_362 = tpu.memref_slice %arg15[%dma_start3A_360, %dma_start3A_361] : memref<2x128xi32, #tpu.memory_space<vmem>> -> memref<1x128xi32, #tpu.memory_space<vmem>>
      %dma_start3A_363 = tpu.memref_squeeze %dma_start3A_362 : memref<1x128xi32, #tpu.memory_space<vmem>> -> memref<128xi32, #tpu.memory_space<vmem>>
      %dma_start3A_364 = arith.constant 0 : i32
      %dma_start3A_365 = arith.constant 0 : i32
      %dma_start3A_366 = tpu.memref_slice %arg8[%dma_start3A_364, %dma_start3A_365] : memref<10240x64xf32, #tpu.memory_space<vmem_shared>> -> memref<10240x64xf32, #tpu.memory_space<vmem_shared>>
      tpu.enqueue_indirect_dma source(%arg11 : memref<128x64xf32, #tpu.memory_space<vmem>>) target(%dma_start3A_366 : memref<10240x64xf32, #tpu.memory_space<vmem_shared>>) offsets(%dma_start3A_363 : memref<128xi32, #tpu.memory_space<vmem>>) semaphore(%arg25 : memref<!tpu.dma_semaphore, #tpu.memory_space<semaphore_mem>>) {add = true}
      %dma_wait3A_367 = arith.constant 1 : i32
      %dma_wait3A_368 = arith.constant 0 : i32
      %dma_wait3A_369 = tpu.memref_slice %arg14[%dma_wait3A_367, %dma_wait3A_368] : memref<2x128xi32, #tpu.memory_space<vmem>> -> memref<1x128xi32, #tpu.memory_space<vmem>>
      %dma_wait3A_370 = tpu.memref_squeeze %dma_wait3A_369 : memref<1x128xi32, #tpu.memory_space<vmem>> -> memref<128xi32, #tpu.memory_space<vmem>>
      %dma_wait3A_371 = arith.constant 0 : i32
      %dma_wait3A_372 = arith.constant 0 : i32
      %dma_wait3A_373 = tpu.memref_slice %arg8[%dma_wait3A_371, %dma_wait3A_372] : memref<10240x64xf32, #tpu.memory_space<vmem_shared>> -> memref<10240x64xf32, #tpu.memory_space<vmem_shared>>
      tpu.wait_indirect_dma semaphore(%arg24 : memref<!tpu.dma_semaphore, #tpu.memory_space<semaphore_mem>>) src(%arg10 : memref<128x64xf32, #tpu.memory_space<vmem>>) dst(%dma_wait3A_373 : memref<10240x64xf32, #tpu.memory_space<vmem_shared>>)
      %add3A_374 = arith.constant 3 : i32
      %add3A_375 = arith.addi %add3A_330, %add3A_374 : i32
      %add3A_376 = arith.constant 1 : i32
      %add3A_377 = arith.addi %add3A_375, %add3A_376 : i32
      %min3A_378 = arith.minsi %add3A_377, %sub3A_9 : i32
      "tpu.region"() ({
        %run_scoped3A = tpu.sem_alloc : memref<!tpu.dma_semaphore, #tpu.memory_space<semaphore_mem>>
        %dma_start3A_454 = arith.constant 0 : i32
        %dma_start3A_455 = arith.constant 0 : i32
        %dma_start3A_456 = tpu.memref_slice %arg3[%min3A_378, %dma_start3A_454, %dma_start3A_455] : memref<2560x2x128xi32, #tpu.memory_space<hbm>> -> memref<1x2x128xi32, #tpu.memory_space<hbm>>
        %dma_start3A_457 = tpu.memref_squeeze %dma_start3A_456 : memref<1x2x128xi32, #tpu.memory_space<hbm>> -> memref<2x128xi32, #tpu.memory_space<hbm>>
        %dma_start3A_458 = arith.constant 0 : i32
        %dma_start3A_459 = arith.constant 0 : i32
        %dma_start3A_460 = tpu.memref_slice %arg3[%min3A_378, %dma_start3A_458, %dma_start3A_459] : memref<2560x2x128xi32, #tpu.memory_space<hbm>> -> memref<1x2x128xi32, #tpu.memory_space<hbm>>
        %dma_start3A_461 = tpu.memref_squeeze %dma_start3A_460 : memref<1x2x128xi32, #tpu.memory_space<hbm>> -> memref<2x128xi32, #tpu.memory_space<hbm>>
        tpu.enqueue_dma source(%dma_start3A_461 : memref<2x128xi32, #tpu.memory_space<hbm>>) target(%arg14 : memref<2x128xi32, #tpu.memory_space<vmem>>) target_semaphore(%run_scoped3A : memref<!tpu.dma_semaphore, #tpu.memory_space<semaphore_mem>>)
        %dma_wait3A_462 = arith.constant 0 : i32
        %dma_wait3A_463 = arith.constant 0 : i32
        %dma_wait3A_464 = tpu.memref_slice %arg3[%min3A_378, %dma_wait3A_462, %dma_wait3A_463] : memref<2560x2x128xi32, #tpu.memory_space<hbm>> -> memref<1x2x128xi32, #tpu.memory_space<hbm>>
        %dma_wait3A_465 = tpu.memref_squeeze %dma_wait3A_464 : memref<1x2x128xi32, #tpu.memory_space<hbm>> -> memref<2x128xi32, #tpu.memory_space<hbm>>
        %dma_wait3A_466 = arith.constant 0 : i32
        %dma_wait3A_467 = arith.constant 0 : i32
        %dma_wait3A_468 = tpu.memref_slice %arg3[%min3A_378, %dma_wait3A_466, %dma_wait3A_467] : memref<2560x2x128xi32, #tpu.memory_space<hbm>> -> memref<1x2x128xi32, #tpu.memory_space<hbm>>
        %dma_wait3A_469 = tpu.memref_squeeze %dma_wait3A_468 : memref<1x2x128xi32, #tpu.memory_space<hbm>> -> memref<2x128xi32, #tpu.memory_space<hbm>>
        tpu.wait_dma2 semaphore(%run_scoped3A : memref<!tpu.dma_semaphore, #tpu.memory_space<semaphore_mem>>) src(%dma_wait3A_469 : memref<2x128xi32, #tpu.memory_space<hbm>>) dst(%arg14 : memref<2x128xi32, #tpu.memory_space<vmem>>)
        tpu.yield
      }) : () -> ()
      %dma_start3A_379 = arith.constant 0 : i32
      %dma_start3A_380 = tpu.memref_slice %arg14[%scan3A_290, %dma_start3A_379] : memref<2x128xi32, #tpu.memory_space<vmem>> -> memref<1x128xi32, #tpu.memory_space<vmem>>
      %dma_start3A_381 = tpu.memref_squeeze %dma_start3A_380 : memref<1x128xi32, #tpu.memory_space<vmem>> -> memref<128xi32, #tpu.memory_space<vmem>>
      %dma_start3A_382 = arith.constant 0 : i32
      %dma_start3A_383 = arith.constant 0 : i32
      %dma_start3A_384 = tpu.memref_slice %arg7[%dma_start3A_382, %dma_start3A_383] : memref<10240x64xf32, #tpu.memory_space<vmem_shared>> -> memref<10240x64xf32, #tpu.memory_space<vmem_shared>>
      tpu.enqueue_indirect_dma source(%dma_start3A_384 : memref<10240x64xf32, #tpu.memory_space<vmem_shared>>) target(%arg10 : memref<128x64xf32, #tpu.memory_space<vmem>>) offsets(%dma_start3A_381 : memref<128xi32, #tpu.memory_space<vmem>>) semaphore(%arg20 : memref<!tpu.dma_semaphore, #tpu.memory_space<semaphore_mem>>)
      %dma_wait3A_385 = arith.constant 0 : i32
      %dma_wait3A_386 = tpu.memref_slice %arg16[%scan3A_293, %dma_wait3A_385] : memref<2x128xi32, #tpu.memory_space<vmem>> -> memref<1x128xi32, #tpu.memory_space<vmem>>
      %dma_wait3A_387 = tpu.memref_squeeze %dma_wait3A_386 : memref<1x128xi32, #tpu.memory_space<vmem>> -> memref<128xi32, #tpu.memory_space<vmem>>
      %dma_wait3A_388 = arith.constant 0 : i32
      %dma_wait3A_389 = arith.constant 0 : i32
      %dma_wait3A_390 = tpu.memref_slice %arg7[%dma_wait3A_388, %dma_wait3A_389] : memref<10240x64xf32, #tpu.memory_space<vmem_shared>> -> memref<10240x64xf32, #tpu.memory_space<vmem_shared>>
      tpu.wait_indirect_dma semaphore(%arg22 : memref<!tpu.dma_semaphore, #tpu.memory_space<semaphore_mem>>) src(%dma_wait3A_390 : memref<10240x64xf32, #tpu.memory_space<vmem_shared>>) dst(%arg12 : memref<128x64xf32, #tpu.memory_space<vmem>>)
      %dma_start3A_391 = arith.constant 1 : i32
      %dma_start3A_392 = arith.constant 0 : i32
      %dma_start3A_393 = tpu.memref_slice %arg16[%dma_start3A_391, %dma_start3A_392] : memref<2x128xi32, #tpu.memory_space<vmem>> -> memref<1x128xi32, #tpu.memory_space<vmem>>
      %dma_start3A_394 = tpu.memref_squeeze %dma_start3A_393 : memref<1x128xi32, #tpu.memory_space<vmem>> -> memref<128xi32, #tpu.memory_space<vmem>>
      %dma_start3A_395 = arith.constant 0 : i32
      %dma_start3A_396 = arith.constant 0 : i32
      %dma_start3A_397 = tpu.memref_slice %arg8[%dma_start3A_395, %dma_start3A_396] : memref<10240x64xf32, #tpu.memory_space<vmem_shared>> -> memref<10240x64xf32, #tpu.memory_space<vmem_shared>>
      tpu.enqueue_indirect_dma source(%arg12 : memref<128x64xf32, #tpu.memory_space<vmem>>) target(%dma_start3A_397 : memref<10240x64xf32, #tpu.memory_space<vmem_shared>>) offsets(%dma_start3A_394 : memref<128xi32, #tpu.memory_space<vmem>>) semaphore(%arg26 : memref<!tpu.dma_semaphore, #tpu.memory_space<semaphore_mem>>) {add = true}
      %dma_wait3A_398 = arith.constant 1 : i32
      %dma_wait3A_399 = arith.constant 0 : i32
      %dma_wait3A_400 = tpu.memref_slice %arg15[%dma_wait3A_398, %dma_wait3A_399] : memref<2x128xi32, #tpu.memory_space<vmem>> -> memref<1x128xi32, #tpu.memory_space<vmem>>
      %dma_wait3A_401 = tpu.memref_squeeze %dma_wait3A_400 : memref<1x128xi32, #tpu.memory_space<vmem>> -> memref<128xi32, #tpu.memory_space<vmem>>
      %dma_wait3A_402 = arith.constant 0 : i32
      %dma_wait3A_403 = arith.constant 0 : i32
      %dma_wait3A_404 = tpu.memref_slice %arg8[%dma_wait3A_402, %dma_wait3A_403] : memref<10240x64xf32, #tpu.memory_space<vmem_shared>> -> memref<10240x64xf32, #tpu.memory_space<vmem_shared>>
      tpu.wait_indirect_dma semaphore(%arg25 : memref<!tpu.dma_semaphore, #tpu.memory_space<semaphore_mem>>) src(%arg11 : memref<128x64xf32, #tpu.memory_space<vmem>>) dst(%dma_wait3A_404 : memref<10240x64xf32, #tpu.memory_space<vmem_shared>>)
      %add3A_405 = arith.constant 3 : i32
      %add3A_406 = arith.addi %add3A_330, %add3A_405 : i32
      %add3A_407 = arith.constant 2 : i32
      %add3A_408 = arith.addi %add3A_406, %add3A_407 : i32
      %min3A_409 = arith.minsi %add3A_408, %sub3A_9 : i32
      "tpu.region"() ({
        %run_scoped3A = tpu.sem_alloc : memref<!tpu.dma_semaphore, #tpu.memory_space<semaphore_mem>>
        %dma_start3A_454 = arith.constant 0 : i32
        %dma_start3A_455 = arith.constant 0 : i32
        %dma_start3A_456 = tpu.memref_slice %arg3[%min3A_409, %dma_start3A_454, %dma_start3A_455] : memref<2560x2x128xi32, #tpu.memory_space<hbm>> -> memref<1x2x128xi32, #tpu.memory_space<hbm>>
        %dma_start3A_457 = tpu.memref_squeeze %dma_start3A_456 : memref<1x2x128xi32, #tpu.memory_space<hbm>> -> memref<2x128xi32, #tpu.memory_space<hbm>>
        %dma_start3A_458 = arith.constant 0 : i32
        %dma_start3A_459 = arith.constant 0 : i32
        %dma_start3A_460 = tpu.memref_slice %arg3[%min3A_409, %dma_start3A_458, %dma_start3A_459] : memref<2560x2x128xi32, #tpu.memory_space<hbm>> -> memref<1x2x128xi32, #tpu.memory_space<hbm>>
        %dma_start3A_461 = tpu.memref_squeeze %dma_start3A_460 : memref<1x2x128xi32, #tpu.memory_space<hbm>> -> memref<2x128xi32, #tpu.memory_space<hbm>>
        tpu.enqueue_dma source(%dma_start3A_461 : memref<2x128xi32, #tpu.memory_space<hbm>>) target(%arg15 : memref<2x128xi32, #tpu.memory_space<vmem>>) target_semaphore(%run_scoped3A : memref<!tpu.dma_semaphore, #tpu.memory_space<semaphore_mem>>)
        %dma_wait3A_462 = arith.constant 0 : i32
        %dma_wait3A_463 = arith.constant 0 : i32
        %dma_wait3A_464 = tpu.memref_slice %arg3[%min3A_409, %dma_wait3A_462, %dma_wait3A_463] : memref<2560x2x128xi32, #tpu.memory_space<hbm>> -> memref<1x2x128xi32, #tpu.memory_space<hbm>>
        %dma_wait3A_465 = tpu.memref_squeeze %dma_wait3A_464 : memref<1x2x128xi32, #tpu.memory_space<hbm>> -> memref<2x128xi32, #tpu.memory_space<hbm>>
        %dma_wait3A_466 = arith.constant 0 : i32
        %dma_wait3A_467 = arith.constant 0 : i32
        %dma_wait3A_468 = tpu.memref_slice %arg3[%min3A_409, %dma_wait3A_466, %dma_wait3A_467] : memref<2560x2x128xi32, #tpu.memory_space<hbm>> -> memref<1x2x128xi32, #tpu.memory_space<hbm>>
        %dma_wait3A_469 = tpu.memref_squeeze %dma_wait3A_468 : memref<1x2x128xi32, #tpu.memory_space<hbm>> -> memref<2x128xi32, #tpu.memory_space<hbm>>
        tpu.wait_dma2 semaphore(%run_scoped3A : memref<!tpu.dma_semaphore, #tpu.memory_space<semaphore_mem>>) src(%dma_wait3A_469 : memref<2x128xi32, #tpu.memory_space<hbm>>) dst(%arg15 : memref<2x128xi32, #tpu.memory_space<vmem>>)
        tpu.yield
      }) : () -> ()
      %dma_start3A_410 = arith.constant 0 : i32
      %dma_start3A_411 = tpu.memref_slice %arg15[%scan3A_292, %dma_start3A_410] : memref<2x128xi32, #tpu.memory_space<vmem>> -> memref<1x128xi32, #tpu.memory_space<vmem>>
      %dma_start3A_412 = tpu.memref_squeeze %dma_start3A_411 : memref<1x128xi32, #tpu.memory_space<vmem>> -> memref<128xi32, #tpu.memory_space<vmem>>
      %dma_start3A_413 = arith.constant 0 : i32
      %dma_start3A_414 = arith.constant 0 : i32
      %dma_start3A_415 = tpu.memref_slice %arg7[%dma_start3A_413, %dma_start3A_414] : memref<10240x64xf32, #tpu.memory_space<vmem_shared>> -> memref<10240x64xf32, #tpu.memory_space<vmem_shared>>
      tpu.enqueue_indirect_dma source(%dma_start3A_415 : memref<10240x64xf32, #tpu.memory_space<vmem_shared>>) target(%arg11 : memref<128x64xf32, #tpu.memory_space<vmem>>) offsets(%dma_start3A_412 : memref<128xi32, #tpu.memory_space<vmem>>) semaphore(%arg21 : memref<!tpu.dma_semaphore, #tpu.memory_space<semaphore_mem>>)
      %dma_wait3A_416 = arith.constant 0 : i32
      %dma_wait3A_417 = tpu.memref_slice %arg17[%scan3A_291, %dma_wait3A_416] : memref<2x128xi32, #tpu.memory_space<vmem>> -> memref<1x128xi32, #tpu.memory_space<vmem>>
      %dma_wait3A_418 = tpu.memref_squeeze %dma_wait3A_417 : memref<1x128xi32, #tpu.memory_space<vmem>> -> memref<128xi32, #tpu.memory_space<vmem>>
      %dma_wait3A_419 = arith.constant 0 : i32
      %dma_wait3A_420 = arith.constant 0 : i32
      %dma_wait3A_421 = tpu.memref_slice %arg7[%dma_wait3A_419, %dma_wait3A_420] : memref<10240x64xf32, #tpu.memory_space<vmem_shared>> -> memref<10240x64xf32, #tpu.memory_space<vmem_shared>>
      tpu.wait_indirect_dma semaphore(%arg23 : memref<!tpu.dma_semaphore, #tpu.memory_space<semaphore_mem>>) src(%dma_wait3A_421 : memref<10240x64xf32, #tpu.memory_space<vmem_shared>>) dst(%arg13 : memref<128x64xf32, #tpu.memory_space<vmem>>)
      %dma_start3A_422 = arith.constant 1 : i32
      %dma_start3A_423 = arith.constant 0 : i32
      %dma_start3A_424 = tpu.memref_slice %arg17[%dma_start3A_422, %dma_start3A_423] : memref<2x128xi32, #tpu.memory_space<vmem>> -> memref<1x128xi32, #tpu.memory_space<vmem>>
      %dma_start3A_425 = tpu.memref_squeeze %dma_start3A_424 : memref<1x128xi32, #tpu.memory_space<vmem>> -> memref<128xi32, #tpu.memory_space<vmem>>
      %dma_start3A_426 = arith.constant 0 : i32
      %dma_start3A_427 = arith.constant 0 : i32
      %dma_start3A_428 = tpu.memref_slice %arg8[%dma_start3A_426, %dma_start3A_427] : memref<10240x64xf32, #tpu.memory_space<vmem_shared>> -> memref<10240x64xf32, #tpu.memory_space<vmem_shared>>
      tpu.enqueue_indirect_dma source(%arg13 : memref<128x64xf32, #tpu.memory_space<vmem>>) target(%dma_start3A_428 : memref<10240x64xf32, #tpu.memory_space<vmem_shared>>) offsets(%dma_start3A_425 : memref<128xi32, #tpu.memory_space<vmem>>) semaphore(%arg27 : memref<!tpu.dma_semaphore, #tpu.memory_space<semaphore_mem>>) {add = true}
      %dma_wait3A_429 = arith.constant 1 : i32
      %dma_wait3A_430 = arith.constant 0 : i32
      %dma_wait3A_431 = tpu.memref_slice %arg16[%dma_wait3A_429, %dma_wait3A_430] : memref<2x128xi32, #tpu.memory_space<vmem>> -> memref<1x128xi32, #tpu.memory_space<vmem>>
      %dma_wait3A_432 = tpu.memref_squeeze %dma_wait3A_431 : memref<1x128xi32, #tpu.memory_space<vmem>> -> memref<128xi32, #tpu.memory_space<vmem>>
      %dma_wait3A_433 = arith.constant 0 : i32
      %dma_wait3A_434 = arith.constant 0 : i32
      %dma_wait3A_435 = tpu.memref_slice %arg8[%dma_wait3A_433, %dma_wait3A_434] : memref<10240x64xf32, #tpu.memory_space<vmem_shared>> -> memref<10240x64xf32, #tpu.memory_space<vmem_shared>>
      tpu.wait_indirect_dma semaphore(%arg26 : memref<!tpu.dma_semaphore, #tpu.memory_space<semaphore_mem>>) src(%arg12 : memref<128x64xf32, #tpu.memory_space<vmem>>) dst(%dma_wait3A_435 : memref<10240x64xf32, #tpu.memory_space<vmem_shared>>)
      %add3A_436 = arith.constant 3 : i32
      %add3A_437 = arith.addi %add3A_330, %add3A_436 : i32
      %add3A_438 = arith.constant 3 : i32
      %add3A_439 = arith.addi %add3A_437, %add3A_438 : i32
      %min3A_440 = arith.minsi %add3A_439, %sub3A_9 : i32
      "tpu.region"() ({
        %run_scoped3A = tpu.sem_alloc : memref<!tpu.dma_semaphore, #tpu.memory_space<semaphore_mem>>
        %dma_start3A_454 = arith.constant 0 : i32
        %dma_start3A_455 = arith.constant 0 : i32
        %dma_start3A_456 = tpu.memref_slice %arg3[%min3A_440, %dma_start3A_454, %dma_start3A_455] : memref<2560x2x128xi32, #tpu.memory_space<hbm>> -> memref<1x2x128xi32, #tpu.memory_space<hbm>>
        %dma_start3A_457 = tpu.memref_squeeze %dma_start3A_456 : memref<1x2x128xi32, #tpu.memory_space<hbm>> -> memref<2x128xi32, #tpu.memory_space<hbm>>
        %dma_start3A_458 = arith.constant 0 : i32
        %dma_start3A_459 = arith.constant 0 : i32
        %dma_start3A_460 = tpu.memref_slice %arg3[%min3A_440, %dma_start3A_458, %dma_start3A_459] : memref<2560x2x128xi32, #tpu.memory_space<hbm>> -> memref<1x2x128xi32, #tpu.memory_space<hbm>>
        %dma_start3A_461 = tpu.memref_squeeze %dma_start3A_460 : memref<1x2x128xi32, #tpu.memory_space<hbm>> -> memref<2x128xi32, #tpu.memory_space<hbm>>
        tpu.enqueue_dma source(%dma_start3A_461 : memref<2x128xi32, #tpu.memory_space<hbm>>) target(%arg16 : memref<2x128xi32, #tpu.memory_space<vmem>>) target_semaphore(%run_scoped3A : memref<!tpu.dma_semaphore, #tpu.memory_space<semaphore_mem>>)
        %dma_wait3A_462 = arith.constant 0 : i32
        %dma_wait3A_463 = arith.constant 0 : i32
        %dma_wait3A_464 = tpu.memref_slice %arg3[%min3A_440, %dma_wait3A_462, %dma_wait3A_463] : memref<2560x2x128xi32, #tpu.memory_space<hbm>> -> memref<1x2x128xi32, #tpu.memory_space<hbm>>
        %dma_wait3A_465 = tpu.memref_squeeze %dma_wait3A_464 : memref<1x2x128xi32, #tpu.memory_space<hbm>> -> memref<2x128xi32, #tpu.memory_space<hbm>>
        %dma_wait3A_466 = arith.constant 0 : i32
        %dma_wait3A_467 = arith.constant 0 : i32
        %dma_wait3A_468 = tpu.memref_slice %arg3[%min3A_440, %dma_wait3A_466, %dma_wait3A_467] : memref<2560x2x128xi32, #tpu.memory_space<hbm>> -> memref<1x2x128xi32, #tpu.memory_space<hbm>>
        %dma_wait3A_469 = tpu.memref_squeeze %dma_wait3A_468 : memref<1x2x128xi32, #tpu.memory_space<hbm>> -> memref<2x128xi32, #tpu.memory_space<hbm>>
        tpu.wait_dma2 semaphore(%run_scoped3A : memref<!tpu.dma_semaphore, #tpu.memory_space<semaphore_mem>>) src(%dma_wait3A_469 : memref<2x128xi32, #tpu.memory_space<hbm>>) dst(%arg16 : memref<2x128xi32, #tpu.memory_space<vmem>>)
        tpu.yield
      }) : () -> ()
      %dma_start3A_441 = arith.constant 0 : i32
      %dma_start3A_442 = tpu.memref_slice %arg16[%scan3A_293, %dma_start3A_441] : memref<2x128xi32, #tpu.memory_space<vmem>> -> memref<1x128xi32, #tpu.memory_space<vmem>>
      %dma_start3A_443 = tpu.memref_squeeze %dma_start3A_442 : memref<1x128xi32, #tpu.memory_space<vmem>> -> memref<128xi32, #tpu.memory_space<vmem>>
      %dma_start3A_444 = arith.constant 0 : i32
      %dma_start3A_445 = arith.constant 0 : i32
      %dma_start3A_446 = tpu.memref_slice %arg7[%dma_start3A_444, %dma_start3A_445] : memref<10240x64xf32, #tpu.memory_space<vmem_shared>> -> memref<10240x64xf32, #tpu.memory_space<vmem_shared>>
      tpu.enqueue_indirect_dma source(%dma_start3A_446 : memref<10240x64xf32, #tpu.memory_space<vmem_shared>>) target(%arg12 : memref<128x64xf32, #tpu.memory_space<vmem>>) offsets(%dma_start3A_443 : memref<128xi32, #tpu.memory_space<vmem>>) semaphore(%arg22 : memref<!tpu.dma_semaphore, #tpu.memory_space<semaphore_mem>>)
      %dma_wait3A_447 = arith.constant 1 : i32
      %dma_wait3A_448 = arith.constant 0 : i32
      %dma_wait3A_449 = tpu.memref_slice %arg17[%dma_wait3A_447, %dma_wait3A_448] : memref<2x128xi32, #tpu.memory_space<vmem>> -> memref<1x128xi32, #tpu.memory_space<vmem>>
      %dma_wait3A_450 = tpu.memref_squeeze %dma_wait3A_449 : memref<1x128xi32, #tpu.memory_space<vmem>> -> memref<128xi32, #tpu.memory_space<vmem>>
      %dma_wait3A_451 = arith.constant 0 : i32
      %dma_wait3A_452 = arith.constant 0 : i32
      %dma_wait3A_453 = tpu.memref_slice %arg8[%dma_wait3A_451, %dma_wait3A_452] : memref<10240x64xf32, #tpu.memory_space<vmem_shared>> -> memref<10240x64xf32, #tpu.memory_space<vmem_shared>>
      tpu.wait_indirect_dma semaphore(%arg27 : memref<!tpu.dma_semaphore, #tpu.memory_space<semaphore_mem>>) src(%arg13 : memref<128x64xf32, #tpu.memory_space<vmem>>) dst(%dma_wait3A_453 : memref<10240x64xf32, #tpu.memory_space<vmem_shared>>)
    }
    %scan3A_298 = arith.constant 40 : i32
    %dma_wait3A_299 = arith.constant 0 : i32
    %dma_wait3A_300 = arith.constant 0 : i32
    %dma_wait3A_301 = tpu.memref_slice %arg14[%dma_wait3A_299, %dma_wait3A_300] : memref<2x128xi32, #tpu.memory_space<vmem>> -> memref<1x128xi32, #tpu.memory_space<vmem>>
    %dma_wait3A_302 = tpu.memref_squeeze %dma_wait3A_301 : memref<1x128xi32, #tpu.memory_space<vmem>> -> memref<128xi32, #tpu.memory_space<vmem>>
    %dma_wait3A_303 = arith.constant 0 : i32
    %dma_wait3A_304 = arith.constant 0 : i32
    %dma_wait3A_305 = tpu.memref_slice %arg7[%dma_wait3A_303, %dma_wait3A_304] : memref<10240x64xf32, #tpu.memory_space<vmem_shared>> -> memref<10240x64xf32, #tpu.memory_space<vmem_shared>>
    tpu.wait_indirect_dma semaphore(%arg20 : memref<!tpu.dma_semaphore, #tpu.memory_space<semaphore_mem>>) src(%dma_wait3A_305 : memref<10240x64xf32, #tpu.memory_space<vmem_shared>>) dst(%arg10 : memref<128x64xf32, #tpu.memory_space<vmem>>)
    %dma_wait3A_306 = arith.constant 0 : i32
    %dma_wait3A_307 = arith.constant 0 : i32
    %dma_wait3A_308 = tpu.memref_slice %arg15[%dma_wait3A_306, %dma_wait3A_307] : memref<2x128xi32, #tpu.memory_space<vmem>> -> memref<1x128xi32, #tpu.memory_space<vmem>>
    %dma_wait3A_309 = tpu.memref_squeeze %dma_wait3A_308 : memref<1x128xi32, #tpu.memory_space<vmem>> -> memref<128xi32, #tpu.memory_space<vmem>>
    %dma_wait3A_310 = arith.constant 0 : i32
    %dma_wait3A_311 = arith.constant 0 : i32
    %dma_wait3A_312 = tpu.memref_slice %arg7[%dma_wait3A_310, %dma_wait3A_311] : memref<10240x64xf32, #tpu.memory_space<vmem_shared>> -> memref<10240x64xf32, #tpu.memory_space<vmem_shared>>
    tpu.wait_indirect_dma semaphore(%arg21 : memref<!tpu.dma_semaphore, #tpu.memory_space<semaphore_mem>>) src(%dma_wait3A_312 : memref<10240x64xf32, #tpu.memory_space<vmem_shared>>) dst(%arg11 : memref<128x64xf32, #tpu.memory_space<vmem>>)
    %dma_wait3A_313 = arith.constant 0 : i32
    %dma_wait3A_314 = arith.constant 0 : i32
    %dma_wait3A_315 = tpu.memref_slice %arg16[%dma_wait3A_313, %dma_wait3A_314] : memref<2x128xi32, #tpu.memory_space<vmem>> -> memref<1x128xi32, #tpu.memory_space<vmem>>
    %dma_wait3A_316 = tpu.memref_squeeze %dma_wait3A_315 : memref<1x128xi32, #tpu.memory_space<vmem>> -> memref<128xi32, #tpu.memory_space<vmem>>
    %dma_wait3A_317 = arith.constant 0 : i32
    %dma_wait3A_318 = arith.constant 0 : i32
    %dma_wait3A_319 = tpu.memref_slice %arg7[%dma_wait3A_317, %dma_wait3A_318] : memref<10240x64xf32, #tpu.memory_space<vmem_shared>> -> memref<10240x64xf32, #tpu.memory_space<vmem_shared>>
    tpu.wait_indirect_dma semaphore(%arg22 : memref<!tpu.dma_semaphore, #tpu.memory_space<semaphore_mem>>) src(%dma_wait3A_319 : memref<10240x64xf32, #tpu.memory_space<vmem_shared>>) dst(%arg12 : memref<128x64xf32, #tpu.memory_space<vmem>>)
    %barrier3A_320 = arith.constant 0 : index
    tpu.barrier barrier_id(%barrier3A_320)
    %scan3A_321 = arith.constant 0 : i32
    %scan3A_322 = arith.constant 0 : i32
    %scan3A_323 = arith.constant 5 : i32
    %scan3A_324 = arith.addi %scan3A_322, %scan3A_323 : i32
    %scan3A_325 = arith.constant 1 : i32
    scf.for %scan3A_327 = %scan3A_322 to %scan3A_324 step %scan3A_325  : i32 {
      %mul3A_328 = arith.constant 128 : i32
      %mul3A_329 = arith.muli %scan3A_327, %mul3A_328 : i32
      %add3A_330 = arith.addi %mul3A_0, %mul3A_329 : i32
      "tpu.region"() ({
        %run_scoped3A_337 = tpu.sem_alloc : memref<!tpu.dma_semaphore, #tpu.memory_space<semaphore_mem>>
        %dma_start3A_338 = arith.constant 0 : i32
        %dma_start3A_339 = tpu.memref_slice %arg8[%add3A_330, %dma_start3A_338] : memref<10240x64xf32, #tpu.memory_space<vmem_shared>> -> memref<128x64xf32, #tpu.memory_space<vmem_shared>>
        %dma_start3A_340 = arith.constant 0 : i32
        %dma_start3A_341 = tpu.memref_slice %arg8[%add3A_330, %dma_start3A_340] : memref<10240x64xf32, #tpu.memory_space<vmem_shared>> -> memref<128x64xf32, #tpu.memory_space<vmem_shared>>
        tpu.enqueue_dma source(%dma_start3A_341 : memref<128x64xf32, #tpu.memory_space<vmem_shared>>) target(%arg9 : memref<128x64xf32, #tpu.memory_space<vmem>>) target_semaphore(%run_scoped3A_337 : memref<!tpu.dma_semaphore, #tpu.memory_space<semaphore_mem>>)
        %dma_wait3A_342 = arith.constant 0 : i32
        %dma_wait3A_343 = tpu.memref_slice %arg8[%add3A_330, %dma_wait3A_342] : memref<10240x64xf32, #tpu.memory_space<vmem_shared>> -> memref<128x64xf32, #tpu.memory_space<vmem_shared>>
        %dma_wait3A_344 = arith.constant 0 : i32
        %dma_wait3A_345 = tpu.memref_slice %arg8[%add3A_330, %dma_wait3A_344] : memref<10240x64xf32, #tpu.memory_space<vmem_shared>> -> memref<128x64xf32, #tpu.memory_space<vmem_shared>>
        tpu.wait_dma2 semaphore(%run_scoped3A_337 : memref<!tpu.dma_semaphore, #tpu.memory_space<semaphore_mem>>) src(%dma_wait3A_345 : memref<128x64xf32, #tpu.memory_space<vmem_shared>>) dst(%arg9 : memref<128x64xf32, #tpu.memory_space<vmem>>)
        tpu.yield
      }) : () -> ()
      %scan3A_331 = arith.constant 0 : i32
      %scan3A_332 = arith.constant 0 : i32
      %scan3A_333 = arith.constant 128 : i32
      %scan3A_334 = arith.addi %scan3A_332, %scan3A_333 : i32
      %scan3A_335 = arith.constant 1 : i32
      scf.for %scan3A_337 = %scan3A_332 to %scan3A_334 step %scan3A_335  : i32 {
        %mul3A_338 = arith.constant 128 : i32
        %mul3A_339 = arith.muli %scan3A_327, %mul3A_338 : i32
        %add3A_340 = arith.addi %mul3A_339, %scan3A_337 : i32
        %broadcast_in_dim3A = vector.broadcast %add3A_340 : i32 to vector<16xi32>
        %gather3A = tpu.vector_load_idx %arg19[%broadcast_in_dim3A] : memref<640xf32, #tpu.memory_space<vmem>>[vector<16xi32>], vector<16xf32>,
        %get3A = arith.index_cast %scan3A_337 : i32 to index
        %get3A_341 = arith.constant 0 : index
        %get3A_342 = tpu.vector_load %arg9[%get3A, %get3A_341] {strides = array<i32>} : memref<128x64xf32, #tpu.memory_space<vmem>>, vector<16xf32>,
        %mul3A_343 = arith.mulf %get3A_342, %gather3A : vector<16xf32>
        %swap3A = arith.index_cast %scan3A_337 : i32 to index
        %swap3A_344 = arith.constant 0 : index
        %swap3A_345 = tpu.vector_load %arg9[%swap3A, %swap3A_344] {strides = array<i32>} : memref<128x64xf32, #tpu.memory_space<vmem>>, vector<16xf32>,
        tpu.vector_store %arg9[%swap3A, %swap3A_344], %mul3A_343 {strides = array<i32>} : memref<128x64xf32, #tpu.memory_space<vmem>>, vector<16xf32>,
        %get3A_346 = arith.index_cast %scan3A_337 : i32 to index
        %get3A_347 = arith.constant 16 : index
        %get3A_348 = tpu.vector_load %arg9[%get3A_346, %get3A_347] {strides = array<i32>} : memref<128x64xf32, #tpu.memory_space<vmem>>, vector<16xf32>,
        %mul3A_349 = arith.mulf %get3A_348, %gather3A : vector<16xf32>
        %swap3A_350 = arith.index_cast %scan3A_337 : i32 to index
        %swap3A_351 = arith.constant 16 : index
        %swap3A_352 = tpu.vector_load %arg9[%swap3A_350, %swap3A_351] {strides = array<i32>} : memref<128x64xf32, #tpu.memory_space<vmem>>, vector<16xf32>,
        tpu.vector_store %arg9[%swap3A_350, %swap3A_351], %mul3A_349 {strides = array<i32>} : memref<128x64xf32, #tpu.memory_space<vmem>>, vector<16xf32>,
        %get3A_353 = arith.index_cast %scan3A_337 : i32 to index
        %get3A_354 = arith.constant 32 : index
        %get3A_355 = tpu.vector_load %arg9[%get3A_353, %get3A_354] {strides = array<i32>} : memref<128x64xf32, #tpu.memory_space<vmem>>, vector<16xf32>,
        %mul3A_356 = arith.mulf %get3A_355, %gather3A : vector<16xf32>
        %swap3A_357 = arith.index_cast %scan3A_337 : i32 to index
        %swap3A_358 = arith.constant 32 : index
        %swap3A_359 = tpu.vector_load %arg9[%swap3A_357, %swap3A_358] {strides = array<i32>} : memref<128x64xf32, #tpu.memory_space<vmem>>, vector<16xf32>,
        tpu.vector_store %arg9[%swap3A_357, %swap3A_358], %mul3A_356 {strides = array<i32>} : memref<128x64xf32, #tpu.memory_space<vmem>>, vector<16xf32>,
        %get3A_360 = arith.index_cast %scan3A_337 : i32 to index
        %get3A_361 = arith.constant 48 : index
        %get3A_362 = tpu.vector_load %arg9[%get3A_360, %get3A_361] {strides = array<i32>} : memref<128x64xf32, #tpu.memory_space<vmem>>, vector<16xf32>,
        %mul3A_363 = arith.mulf %get3A_362, %gather3A : vector<16xf32>
        %swap3A_364 = arith.index_cast %scan3A_337 : i32 to index
        %swap3A_365 = arith.constant 48 : index
        %swap3A_366 = tpu.vector_load %arg9[%swap3A_364, %swap3A_365] {strides = array<i32>} : memref<128x64xf32, #tpu.memory_space<vmem>>, vector<16xf32>,
        tpu.vector_store %arg9[%swap3A_364, %swap3A_365], %mul3A_363 {strides = array<i32>} : memref<128x64xf32, #tpu.memory_space<vmem>>, vector<16xf32>,
      }
      %scan3A_336 = arith.constant 128 : i32
      %run_scoped3A = arith.constant 4 : i32
      "tpu.region"() ({
        %run_scoped3A_337 = tpu.sem_alloc : memref<!tpu.dma_semaphore, #tpu.memory_space<semaphore_mem>>
        %dma_start3A_338 = arith.constant 0 : i32
        %dma_start3A_339 = tpu.memref_slice %arg6[%run_scoped3A, %arg0, %add3A_330, %dma_start3A_338] : memref<5x2x10240x64xf32, #tpu.memory_space<hbm>> -> memref<1x1x128x64xf32, #tpu.memory_space<hbm>>
        %dma_start3A_340 = tpu.memref_squeeze %dma_start3A_339 : memref<1x1x128x64xf32, #tpu.memory_space<hbm>> -> memref<128x64xf32, #tpu.memory_space<hbm>>
        %dma_start3A_341 = arith.constant 0 : i32
        %dma_start3A_342 = tpu.memref_slice %arg6[%run_scoped3A, %arg0, %add3A_330, %dma_start3A_341] : memref<5x2x10240x64xf32, #tpu.memory_space<hbm>> -> memref<1x1x128x64xf32, #tpu.memory_space<hbm>>
        %dma_start3A_343 = tpu.memref_squeeze %dma_start3A_342 : memref<1x1x128x64xf32, #tpu.memory_space<hbm>> -> memref<128x64xf32, #tpu.memory_space<hbm>>
        tpu.enqueue_dma source(%arg9 : memref<128x64xf32, #tpu.memory_space<vmem>>) target(%dma_start3A_343 : memref<128x64xf32, #tpu.memory_space<hbm>>) target_semaphore(%run_scoped3A_337 : memref<!tpu.dma_semaphore, #tpu.memory_space<semaphore_mem>>)
        %dma_wait3A_344 = arith.constant 0 : i32
        %dma_wait3A_345 = tpu.memref_slice %arg6[%run_scoped3A, %arg0, %add3A_330, %dma_wait3A_344] : memref<5x2x10240x64xf32, #tpu.memory_space<hbm>> -> memref<1x1x128x64xf32, #tpu.memory_space<hbm>>
        %dma_wait3A_346 = tpu.memref_squeeze %dma_wait3A_345 : memref<1x1x128x64xf32, #tpu.memory_space<hbm>> -> memref<128x64xf32, #tpu.memory_space<hbm>>
        %dma_wait3A_347 = arith.constant 0 : i32
        %dma_wait3A_348 = tpu.memref_slice %arg6[%run_scoped3A, %arg0, %add3A_330, %dma_wait3A_347] : memref<5x2x10240x64xf32, #tpu.memory_space<hbm>> -> memref<1x1x128x64xf32, #tpu.memory_space<hbm>>
        %dma_wait3A_349 = tpu.memref_squeeze %dma_wait3A_348 : memref<1x1x128x64xf32, #tpu.memory_space<hbm>> -> memref<128x64xf32, #tpu.memory_space<hbm>>
        tpu.wait_dma2 semaphore(%run_scoped3A_337 : memref<!tpu.dma_semaphore, #tpu.memory_space<semaphore_mem>>) src(%arg9 : memref<128x64xf32, #tpu.memory_space<vmem>>) dst(%dma_wait3A_349 : memref<128x64xf32, #tpu.memory_space<hbm>>)
        tpu.yield
      }) : () -> ()
    }
    %scan3A_326 = arith.constant 5 : i32
    return
  }
}

module attributes {stable_mosaic.version = 14 : i64} {
  func.func @body(%arg0: i32, %arg1: memref<1000x128xf32, #tpu.memory_space<vmem>>, %arg2: memref<5x2x1000x64xf32, #tpu.memory_space<vmem>>, %arg3: memref<1000x1xf32, #tpu.memory_space<vmem>>, %arg4: memref<128x128xf32, #tpu.memory_space<vmem>>, %arg5: memref<1x128xf32, #tpu.memory_space<vmem>>, %arg6: memref<1000x128xf32, #tpu.memory_space<vmem>>) attributes {dimension_semantics = [#tpu.dimension_semantics<arbitrary>], iteration_bounds = array<i64: 10>, scalar_prefetch = 0 : i64, scratch_operands = 0 : i64, tpu.core_type = #tpu.core_type<tc>, window_params = [{transform_indices = @transform_0, window_bounds = array<i64: 1000, 128>}, {transform_indices = @transform_1, window_bounds = array<i64: 5, 2, 1000, 64>}, {transform_indices = @transform_2, window_bounds = array<i64: 1000, 1>}, {pipeline_mode = #tpu.pipeline_mode<synchronous>, transform_indices = @transform_3, window_bounds = array<i64: 128, 128>}, {pipeline_mode = #tpu.pipeline_mode<synchronous>, transform_indices = @transform_4, window_bounds = array<i64: 1, 128>}, {transform_indices = @transform_5, window_bounds = array<i64: 1000, 128>}]} {
    %get3A = arith.constant 0 : index
    %get3A_0 = arith.constant 0 : index
    %get3A_1 = vector.load %arg3[%get3A, %get3A_0] : memref<1000x1xf32, #tpu.memory_space<vmem>>, vector<1000x1xf32>
    %sqrt3A = math.sqrt %get3A_1 : vector<1000x1xf32>
    %get3A_2 = arith.constant 0 : index
    %get3A_3 = arith.constant 0 : index
    %get3A_4 = arith.constant 0 : index
    %get3A_5 = arith.constant 0 : index
    %get3A_6 = vector.load %arg2[%get3A_2, %get3A_3, %get3A_4, %get3A_5] : memref<5x2x1000x64xf32, #tpu.memory_space<vmem>>, vector<5x2x1000x64xf32>
    %slice3A = vector.extract_strided_slice %get3A_6 {offsets = [0, 0, 0, 0], sizes = [1, 2, 1000, 64], strides = [1, 1, 1, 1]} : vector<5x2x1000x64xf32> to vector<1x2x1000x64xf32>
    %squeeze3A = vector.shape_cast %slice3A : vector<1x2x1000x64xf32> to vector<2x1000x64xf32>
    %slice3A_7 = vector.extract_strided_slice %get3A_6 {offsets = [1, 0, 0, 0], sizes = [1, 2, 1000, 64], strides = [1, 1, 1, 1]} : vector<5x2x1000x64xf32> to vector<1x2x1000x64xf32>
    %squeeze3A_8 = vector.shape_cast %slice3A_7 : vector<1x2x1000x64xf32> to vector<2x1000x64xf32>
    %add3A = arith.addf %squeeze3A, %squeeze3A_8 : vector<2x1000x64xf32>
    %slice3A_9 = vector.extract_strided_slice %get3A_6 {offsets = [2, 0, 0, 0], sizes = [1, 2, 1000, 64], strides = [1, 1, 1, 1]} : vector<5x2x1000x64xf32> to vector<1x2x1000x64xf32>
    %squeeze3A_10 = vector.shape_cast %slice3A_9 : vector<1x2x1000x64xf32> to vector<2x1000x64xf32>
    %add3A_11 = arith.addf %add3A, %squeeze3A_10 : vector<2x1000x64xf32>
    %slice3A_12 = vector.extract_strided_slice %get3A_6 {offsets = [3, 0, 0, 0], sizes = [1, 2, 1000, 64], strides = [1, 1, 1, 1]} : vector<5x2x1000x64xf32> to vector<1x2x1000x64xf32>
    %squeeze3A_13 = vector.shape_cast %slice3A_12 : vector<1x2x1000x64xf32> to vector<2x1000x64xf32>
    %add3A_14 = arith.addf %add3A_11, %squeeze3A_13 : vector<2x1000x64xf32>
    %slice3A_15 = vector.extract_strided_slice %get3A_6 {offsets = [4, 0, 0, 0], sizes = [1, 2, 1000, 64], strides = [1, 1, 1, 1]} : vector<5x2x1000x64xf32> to vector<1x2x1000x64xf32>
    %squeeze3A_16 = vector.shape_cast %slice3A_15 : vector<1x2x1000x64xf32> to vector<2x1000x64xf32>
    %add3A_17 = arith.addf %add3A_14, %squeeze3A_16 : vector<2x1000x64xf32>
    %slice3A_18 = vector.extract_strided_slice %add3A_17 {offsets = [0, 0, 0], sizes = [1, 1000, 64], strides = [1, 1, 1]} : vector<2x1000x64xf32> to vector<1x1000x64xf32>
    %squeeze3A_19 = vector.shape_cast %slice3A_18 : vector<1x1000x64xf32> to vector<1000x64xf32>
    %slice3A_20 = vector.extract_strided_slice %add3A_17 {offsets = [1, 0, 0], sizes = [1, 1000, 64], strides = [1, 1, 1]} : vector<2x1000x64xf32> to vector<1x1000x64xf32>
    %squeeze3A_21 = vector.shape_cast %slice3A_20 : vector<1x1000x64xf32> to vector<1000x64xf32>
    %concatenate3A = tpu.concatenate %squeeze3A_19, %squeeze3A_21 in 1 : vector<1000x64xf32>, vector<1000x64xf32> -> vector<1000x128xf32>
    %get3A_22 = arith.constant 0 : index
    %get3A_23 = arith.constant 0 : index
    %get3A_24 = vector.load %arg1[%get3A_22, %get3A_23] : memref<1000x128xf32, #tpu.memory_space<vmem>>, vector<1000x128xf32>
    %mul3A = arith.constant 1.000000e-01 : f32
    %mul3A_25 = vector.broadcast %mul3A : f32 to vector<1000x128xf32>
    %mul3A_26 = arith.mulf %mul3A_25, %get3A_24 : vector<1000x128xf32>
    %mul3A_27 = arith.constant 1.800000e-01 : f32
    %mul3A_28 = vector.broadcast %mul3A_27 : f32 to vector<1000x1xf32>
    %mul3A_29 = arith.mulf %mul3A_28, %sqrt3A : vector<1000x1xf32>
    %mul3A_30 = vector.broadcast %mul3A_29 : vector<1000x1xf32> to vector<1000x128xf32>
    %mul3A_31 = arith.mulf %mul3A_30, %concatenate3A : vector<1000x128xf32>
    %add3A_32 = arith.addf %mul3A_26, %mul3A_31 : vector<1000x128xf32>
    %get3A_33 = arith.constant 0 : index
    %get3A_34 = arith.constant 0 : index
    %get3A_35 = vector.load %arg4[%get3A_33, %get3A_34] : memref<128x128xf32, #tpu.memory_space<vmem>>, vector<128x128xf32>
    %dot_general3A = arith.constant dense<0.000000e+00> : vector<1000x128xf32>
    %dot_general3A_36 = tpu.matmul %add3A_32, %get3A_35, %dot_general3A {dimension_numbers = #tpu.dot_dimension_numbers<[1], [0], [0], [1], [0, 0, 1, 1], [], []>, transpose_lhs_hint = false} : vector<1000x128xf32>, vector<128x128xf32>, vector<1000x128xf32> -> vector<1000x128xf32>
    %get3A_37 = arith.constant 0 : index
    %get3A_38 = arith.constant 0 : index
    %get3A_39 = vector.load %arg5[%get3A_37, %get3A_38] : memref<1x128xf32, #tpu.memory_space<vmem>>, vector<1x128xf32>
    %add3A_40 = vector.broadcast %get3A_39 : vector<1x128xf32> to vector<1000x128xf32>
    %add3A_41 = arith.addf %dot_general3A_36, %add3A_40 : vector<1000x128xf32>
    %swap3A = arith.constant 0 : index
    %swap3A_42 = arith.constant 0 : index
    %swap3A_43 = vector.load %arg6[%swap3A, %swap3A_42] : memref<1000x128xf32, #tpu.memory_space<vmem>>, vector<1000x128xf32>
    tpu.vector_store %arg6[%swap3A, %swap3A_42], %add3A_41 {strides = array<i32>} : memref<1000x128xf32, #tpu.memory_space<vmem>>, vector<1000x128xf32>,
    return
  }
  func.func @transform_0(%arg0: i32) -> (i32, i32) {
    %c0_i32 = arith.constant 0 : i32
    %c0_i32_0 = arith.constant 0 : i32
    return %arg0, %c0_i32 : i32, i32
  }
  func.func @transform_1(%arg0: i32) -> (i32, i32, i32, i32) {
    %c0_i32 = arith.constant 0 : i32
    %c0_i32_0 = arith.constant 0 : i32
    %c0_i32_1 = arith.constant 0 : i32
    %c0_i32_2 = arith.constant 0 : i32
    return %c0_i32, %c0_i32_0, %arg0, %c0_i32_1 : i32, i32, i32, i32
  }
  func.func @transform_2(%arg0: i32) -> (i32, i32) {
    %c0_i32 = arith.constant 0 : i32
    %c0_i32_0 = arith.constant 0 : i32
    return %arg0, %c0_i32 : i32, i32
  }
  func.func @transform_3(%arg0: i32) -> (i32, i32) {
    %c0_i32 = arith.constant 0 : i32
    %c0_i32_0 = arith.constant 0 : i32
    %c0_i32_1 = arith.constant 0 : i32
    return %c0_i32, %c0_i32_0 : i32, i32
  }
  func.func @transform_4(%arg0: i32) -> (i32, i32) {
    %c0_i32 = arith.constant 0 : i32
    %c0_i32_0 = arith.constant 0 : i32
    %c0_i32_1 = arith.constant 0 : i32
    return %c0_i32, %c0_i32_0 : i32, i32
  }
  func.func @transform_5(%arg0: i32) -> (i32, i32) {
    %c0_i32 = arith.constant 0 : i32
    %c0_i32_0 = arith.constant 0 : i32
    return %arg0, %c0_i32 : i32, i32
  }
}

</mosaic_0001>

<sc_bundles>
// kernel: kernel.5.cloned.1.call-start
scs
__scs_entry_jumppad:
0x0: {  	(pc) =	sbr.rel $0x88, $3  }
0x1: {  	(tag) =	ssettag $0x0;
	lr =	simm.s32 $0x1  }
0x2: {  	[smem:$0x3F9D] =	sst lr;
	_ =	strace $0xD0000000  }
0x3: {  	_ = 	snop  }
0x4: {  	_ = 	snop  }
0x5: {  	_ = 	snop  }
0x6: {  	_ = 	snop  }
0x7: {  	_ = 	snop  }
__scs_overlays_trampoline_lowered:
0x8: {  	[smem:$0x3FAC] =	sst s0  }
0x9: {  	[smem:$0x3FAD] =	sst s1  }
0xa: {  	[smem:$0x3FAE] =	sst s2  }
0xb: {  	[smem:$0x3FAF] =	sst s3  }
0xc: {  	[smem:$0x3FB0] =	sst s4  }
0xd: {  	[smem:$0x3FB1] =	sst s5  }
0xe: {  	[smem:$0x3FB2] =	sst s6  }
0xf: {  	[smem:$0x3FB3] =	sst s7  }
0x10: {  	[smem:$0x3FB4] =	sst s8  }
0x11: {  	[smem:$0x3FB5] =	sst s9;
	s0 =	simm.s32 @!p0 $0x0  }
0x12: {  	s1 =	sld [smem:$0x3F9B];
	s0 =	simm.s32 @p0 $0x1  }
0x13: {  	[smem:$0x3FB6] =	sst s0;
	s0 =	simm.s32 @!p1 $0x0  }
0x14: {  	s2 =	sld [smem:$0x3F9A];
	s0 =	simm.s32 @p1 $0x1  }
0x15: {  	[smem:$0x3FB7] =	sst s0;
	s0 =	simm.s32 @!p2 $0x0  }
0x16: {  	s3 =	sld [smem:$0x3FDB];
	s0 =	simm.s32 @p2 $0x1  }
0x17: {  	s4 =	simm.s32 $0x1BF5;
	[smem:$0x3FB9] =	sst s0  }
0x18: {  	s0 =	sld [smem:$0x3F9C];
	_ =	swait.ge [sflag:s4], $0x0  }
0x19: {  	s7 =	sld [smem:$0x3F9D]  }
0x1a: {  	s8 =	sadd.s32 $0xFFFFE003, lr  }
0x1b: {  	s9 =	sadd.s32 $0xFFFFFEF7, lr;
	s5 =	simm.s32 $0xFFFFFFFF;
	p2 =	slt.u32 s8, $0xFFFFF086  }
0x1c: {  	p1 =	slt.u32 s9, $0xF7A;
	s5 =	simm.s32 @!p2 $0x0  }
0x1d: {  	s5 =	simm.s32 @p1 $0x1;
	p0 =	seq.s32 s7, s2  }
0x1e: {  	s7 =	smul.u32 @!p0 $0xF7A, s2;
	p2 =	seq.s32 @!p0 s5, $0x0  }
0x1f: {  	s9 =	smul.u32 $0xF7A, s1;
	s8 =	simm.s32 @!p0 $0x1BF5;
	p2 =	por !p2, p0  }
0x20: {  	[sflag:s8] =	ssyncset.s32 @!p0 $0xFFFFF086;
	s6 =	sadd.s32 @!p0 s3, s7;
	s7 =	simm.s32 @!p0 $0x108  }
0x21: {  	s3 =	sadd.s32 s3, s9;
	s6 =	sadd.s32 @!p0 $0x88, s6;
	s7 =	simm.s32 @p2 $0x1082  }
0x22: {  	[simem:s7], [sflag:s8] =	dma.local @!p0 [hbm:s6], $0xF7A  }
0x23: {  	s9 =	sor.u32 $0xD0000000, s2;
	s6 =	simm.s32 $0x108;
	_ =	swait.ge @!p0 [sflag:s8], $0x0  }
0x24: {  	s3 =	sadd.s32 $0x88, s3;
	s6 =	simm.s32 @!p1 $0x1082;
	[sflag:s4] =	ssyncset.s32 $0xFFFFF086  }
0x25: {  	[simem:s6], [sflag:s4] =	dma.local [hbm:s3], $0xF7A  }
0x26: {  	[smem:$0x3F9D] =	sst s1;
	(tag) =	ssettag s2;
	_ =	strace s9  }
0x27: {  	s1 =	sld [smem:$0x3FAD]  }
0x28: {  	s2 =	sld [smem:$0x3FAE]  }
0x29: {  	s4 =	sld [smem:$0x3FB0]  }
0x2a: {  	p0 =	seq.s32 s5, $0x0;
	s5 =	sld [smem:$0x3FB1]  }
0x2b: {  	s6 =	sld [smem:$0x3FB2]  }
0x2c: {  	s7 =	sld [smem:$0x3FB3]  }
0x2d: {  	s3 =	simm.s32 $0x108;
	s8 =	sld [smem:$0x3FB4]  }
0x2e: {  	s3 =	simm.s32 @!p0 $0x1082;
	s9 =	sld [smem:$0x3FB5]  }
0x2f: {  	lr =	sadd.s32 s0, s3;
	s0 =	sld [smem:$0x3FAC]  }
0x30: {  	s3 =	sld [smem:$0x3FAF]  }
0x31: {  	[smem:$0x3FB8] =	sst s10  }
0x32: {  	s10 =	sld [smem:$0x3FB6];
	_ =	sdelay $0x3  }
0x33: {  	p0 =	seq.s32 s10, $0x1;
	s10 =	sld [smem:$0x3FB8];
	_ =	sdelay $0x3  }
0x34: {  	[smem:$0x3FB8] =	sst s10  }
0x35: {  	s10 =	sld [smem:$0x3FB7];
	_ =	sdelay $0x3  }
0x36: {  	p1 =	seq.s32 s10, $0x1;
	s10 =	sld [smem:$0x3FB8];
	_ =	sdelay $0x3  }
0x37: {  	[smem:$0x3FB8] =	sst s10  }
0x38: {  	s10 =	sld [smem:$0x3FB9]  }
0x39: {  	_ = 	snop;
	(pc) =	sbr.ind lr, $3  }
0x3a: {  	_ = 	snop  }
0x3b: {  	_ = 	snop  }
0x3c: {  	p2 =	seq.s32 s10, $0x1;
	s10 =	sld [smem:$0x3FB8]  }
0x3d: {  	_ =	shalt  }
0x3e: {  	_ =	shalt  }
0x3f: {  	_ =	shalt  }
0x40: {  	_ =	shalt  }
0x41: {  	_ =	shalt  }
0x42: {  	_ =	shalt  }
0x43: {  	_ =	shalt  }
0x44: {  	_ =	shalt  }
0x45: {  	_ =	shalt  }
0x46: {  	_ =	shalt  }
0x47: {  	_ =	shalt  }
0x48: {  	_ =	shalt  }
0x49: {  	_ =	shalt  }
0x4a: {  	_ =	shalt  }
0x4b: {  	_ =	shalt  }
0x4c: {  	_ =	shalt  }
0x4d: {  	_ =	shalt  }
0x4e: {  	_ =	shalt  }
0x4f: {  	_ =	shalt  }
0x50: {  	_ =	shalt  }
0x51: {  	_ =	shalt  }
0x52: {  	_ =	shalt  }
0x53: {  	_ =	shalt  }
0x54: {  	_ =	shalt  }
0x55: {  	_ =	shalt  }
0x56: {  	_ =	shalt  }
0x57: {  	_ =	shalt  }
0x58: {  	_ =	shalt  }
0x59: {  	_ =	shalt  }
0x5a: {  	_ =	shalt  }
0x5b: {  	_ =	shalt  }
0x5c: {  	_ =	shalt  }
0x5d: {  	_ =	shalt  }
0x5e: {  	_ =	shalt  }
0x5f: {  	_ =	shalt  }
0x60: {  	_ =	shalt  }
0x61: {  	_ =	shalt  }
0x62: {  	_ =	shalt  }
0x63: {  	_ =	shalt  }
0x64: {  	_ =	shalt  }
0x65: {  	_ =	shalt  }
0x66: {  	_ =	shalt  }
0x67: {  	_ =	shalt  }
0x68: {  	_ =	shalt  }
0x69: {  	_ =	shalt  }
0x6a: {  	_ =	shalt  }
0x6b: {  	_ =	shalt  }
0x6c: {  	_ =	shalt  }
0x6d: {  	_ =	shalt  }
0x6e: {  	_ =	shalt  }
0x6f: {  	_ =	shalt  }
0x70: {  	_ =	shalt  }
0x71: {  	_ =	shalt  }
0x72: {  	_ =	shalt  }
0x73: {  	_ =	shalt  }
0x74: {  	_ =	shalt  }
0x75: {  	_ =	shalt  }
0x76: {  	_ =	shalt  }
0x77: {  	_ =	shalt  }
0x78: {  	_ =	shalt  }
0x79: {  	_ =	shalt  }
0x7a: {  	_ =	shalt  }
0x7b: {  	_ =	shalt  }
0x7c: {  	_ =	shalt  }
0x7d: {  	_ =	shalt  }
0x7e: {  	_ =	shalt  }
0x7f: {  	_ =	shalt  }
0x80: {  	_ =	shalt  }
0x81: {  	_ =	shalt  }
0x82: {  	_ =	shalt  }
0x83: {  	_ =	shalt  }
0x84: {  	_ =	shalt  }
0x85: {  	_ =	shalt  }
0x86: {  	_ =	shalt  }
0x87: {  	_ =	shalt  }
.Lfunc_end0:
.L_simem_size_0:
called_computation_lowered:
.L_overlay_start_0:
0x88: {  	s2 =	sld [smem:$0x3FD9]  }
0x89: {  	s3 =	sld [smem:$0x3FFE];
	_ =	sdelay $0x1  }
0x8a: {  	s1 =	srdreg.scid  }
0x8b: {  	s0 =	sand.u32 $0x1, s1  }
0x8c: {  	s17 =	sshll.u32 s0, $0xA;
	s2 =	sadd.s32 s3, s2  }
0x8d: {  	s2 =	sadd.s32 s2, s17  }
0x8e: {  	[smem:$0x3FC4] =	sst s2  }
0x8f: {  	_ = 	snop  }
0x90: {  	s2 =	sld [smem:$0x3FD0];
	(tm) =	ssettm $0x1  }
0x91: {  	s18 =	sld [smem:$0x3FFB];
	_ =	sdelay $0x3  }
0x92: {  	_ =	strace s18  }
0x93: {  	s3 =	sld [smem:$0x3FFC];
	_ =	sdelay $0x3  }
0x94: {  	_ =	strace s3  }
0x95: {  	s3 =	sld [smem:$0x3FFD];
	_ =	sdelay $0x3  }
0x96: {  	_ =	strace s3  }
0x97: {  	_ =	strace $0x8FFFFFFF  }
0x98: {  	s19 =	sld [smem:$0x3FDB];
	_ =	sdelay $0x1  }
0x99: {  	s4 =	simm.s32 $_scs_section_size  }
0x9a: {  	s5 =	simm.s32 $_size__tile_overlayer_lowered;
	s6 =	simm.s32 $_tile_overlayer_lowered  }
0x9b: {  	s22 =	simm.s32 $0x1BFF;
	s21 =	sshll.u32 s6, $0x1;
	s3 =	sadd.s32 s4, s19  }
0x9c: {  	s7 =	simm.s32 $0x0;
	s20 =	sshll.u32 s5, $0x1;
	s5 =	sadd.s32 s21, s3  }
0x9d: {  	[timem:s7], [sflag:s22] =	dma.local [hbm:s5], s20  }
0x9e: {  	_ =	swait.ge [sflag:s22], s20  }
0x9f: {  	s4 =	ssub.s32 $0x0, s20;
	[sflag:s22] =	ssyncset.done $0x0  }
0xa0: {  	[sflag:s22] =	ssyncadd.s32 s4;
	_ =	sdelay $0x1  }
0xa1: {  	s23 =	simm.s32 $0x1B8B  }
0xa2: {  	_ =	swait.ge [sflag:s23], $0x1  }
0xa3: {  	[sflag:s23] =	ssyncset.done $0x0  }
0xa4: {  	s25 =	simm.s32 $0x1B8E;
	s24 =	sld [smem:$0x3FFE];
	[sflag:s23] =	ssyncadd.s32 $0xFFFFFFFF  }
0xa5: {  	s26 =	simm.s32 $execute0_lowered;
	[smem:$0x3FD2] =	sst s25  }
0xa6: {  	s5 =	sshll.u32 s26, $0x1;
	_ =	strace $0x80000046;
	[dreg:$0x1] =	wrdreg $0xFFFFFFFF  }
0xa7: {  	s28 =	simm.s32 $_size_execute0_lowered;
	s3 =	sadd.s32 s3, s5;
	[dreg:$0x0] =	wrdreg $0x0  }
0xa8: {  	s5 =	sshll.u32 s28, $0x1;
	[dreg:$0x2] =	wrdreg s3  }
0xa9: {  	[dreg:$0x3] =	wrdreg s5  }
0xaa: {  	[dreg:$0x4] =	wrdreg $0xC0  }
0xab: {  	_ =	task [dreg:s7], $0x5FFFF  }
0xac: {  	[dreg:$0x1] =	wrdreg $0xFFFFFFFF  }
0xad: {  	[dreg:$0x0] =	wrdreg $0x60  }
0xae: {  	[dreg:$0x2] =	wrdreg s2  }
0xaf: {  	[dreg:$0x3] =	wrdreg s24  }
0xb0: {  	[dreg:$0x4] =	wrdreg $0x0  }
0xb1: {  	[dreg:$0x5] =	wrdreg $0x9  }
0xb2: {  	_ =	task.clear_ibuf [dreg:s7], $0x6FFFF;
	_ =	strace $0x90000046  }
0xb3: {  	s29 =	simm.s32 $0x9;
	_ =	strace $0x80000048  }
0xb4: {  	_ =	swait.ge [sflag:s29], $0x1  }
0xb5: {  	[sflag:s29] =	ssyncadd.s32 $0xFFFFFFFF  }
0xb6: {  	_ =	strace $0x90000048  }
0xb7: {  	_ =	sfence  }
0xb8: {  	s30 =	sld [smem:$0x0];
	_ =	sdelay $0x2  }
0xb9: {  	s31 =	sshll.u32 s1, $0xD;
	s1 =	sshrl.u32 s1, $0x2  }
0xba: {  	s3 =	sand.u32 $0x4000, s31;
	s1 =	sadd.s32 s1, s30  }
0xbb: {  	s0 =	sor.u32 s3, s0;
	s1 =	sshll.u32 s1, $0x11  }
0xbc: {  	s0 =	sor.u32 s1, s0  }
0xbd: {  	s0 =	sadd.s32 $0x8F2B, s0  }
0xbe: {  	[sflag:s0] =	ssyncadd.remote.s32 $0x1  }
0xbf: {  	_ =	sfence.sel $0xFFFF  }
0xc0: {  	[dreg:$0x0] =	wrdreg $0xFFFFFFFF;
	(pc) =	sbr.abs _section_cstart, $3  }
0xc1: {  	[dreg:$0x1] =	wrdreg $0xFFFFFFFF  }
0xc2: {  	_ =	task.clear_ibuf [dreg:s7], $0x2FFFF;
	_ =	strace $0x9FFFFFFF  }
0xc3: {  	(tm) =	ssettm $0x7FFFFFFF  }
tec
execute0_lowered:
.L_overlay_start_1:
0x0: {  	(tag) =	ssettag $0x1  }
0x1: {  	s6 =	rddreg [dreg:$0x0]  }
0x2: {  	s1 =	srdreg.scid;
	s4 =	rddreg [dreg:$0x1]  }
0x3: {  	s0 =	stileid.u32;
	s2 =	rddreg [dreg:$0x2]  }
0x4: {  	s3 =	simm.s32 $0x0;
	s24 =	simm.f32 $1.000000000e+00;
	s15 =	simm.s32 $0x400  }
0x5: {  	s16 =	simm.s32 $0x3;
	s17 =	simm.s32 $0x280;
	s18 =	simm.s32 $0x300  }
0x6: {  	s19 =	simm.s32 $0x1;
	s20 =	simm.s32 $0x80;
	s21 =	simm.s32 $0x380  }
0x7: {  	s22 =	simm.s32 $0x4;
	s23 =	simm.s32 $0x2;
	s26 =	simm.s32 $0x0  }
0x8: {  	s5 =	sand.u32 $0x1, s1;
	s7 =	smul.u32 $0x280, s0;
	[smem:$0x7FF] =	sst s3  }
0x9: {  	s9 =	smul.u32 $0xA0, s0;
	s6 =	sadd.s32 $0x10, s6;
	s25 =	sshll.u32 s0, $0x6  }
0xa: {  	s8 =	smul.u32 $0x2800, s5;
	_ =	strace $0x80000047;
	s30 =	ssub.s32 $0x2, s5  }
0xb: {  	s31 =	smul.u32 $0x50, s5;
	p0 =	seq.s32 s5, $0x0;
	s11 =	sshrl.u32 s30, $0x1  }
0xc: {  	s24 =	simm.s32 @!p0 $0x0;
	s5 =	sadd.s32 s7, s2;
	s8 =	sadd.s32 s7, s8  }
0xd: {  	s11 =	ssub.s32 s30, s11;
	s7 =	sadd.s32 $0x9F, s9;
	s12 =	sadd.s32 $0x100, s5  }
0xe: {  	s13 =	sadd.s32 $0x180, s5;
	s14 =	sadd.s32 $0x200, s5;
	s8 =	sshrl.u32 s8, $0x3  }
0xf: {  	v0 =	vmov s24;
	s24 =	sor.u32 $0x1C03, s25;
	s10 =	sadd.s32 s8, s4;
	s4 =	sadd.s32 s31, s9  }
0x10: {  	s25 =	sshrl.u32 s5, $0x3;
	s8 =	sshll.u32 s4, $0x5;
	s9 =	sadd.s32 $0x1400, s10  }
0x11: {  	v1 =	vimm.f32 $1.000000000e+00;
	s10 =	smax.u32 s11, $0x1;
	s11 =	sadd.s32 $0x80, s5;
	s8 =	sadd.s32 s8, s6  }
.LBB2_1:
0x12: {  	[tilespmem:$0x380] =	vst v1  }
0x13: {  	[tilespmem:$0x400] =	vst v0  }
0x14: {  	[tilespmem:$0x390] =	vst v1  }
0x15: {  	[tilespmem:$0x410] =	vst v0  }
0x16: {  	[tilespmem:$0x3A0] =	vst v1  }
0x17: {  	[tilespmem:$0x420] =	vst v0  }
0x18: {  	[tilespmem:$0x3B0] =	vst v1  }
0x19: {  	[tilespmem:$0x430] =	vst v0  }
0x1a: {  	[tilespmem:$0x3C0] =	vst v1  }
0x1b: {  	[tilespmem:$0x440] =	vst v0  }
0x1c: {  	[tilespmem:$0x3D0] =	vst v1  }
0x1d: {  	[tilespmem:$0x450] =	vst v0  }
0x1e: {  	[tilespmem:$0x3E0] =	vst v1  }
0x1f: {  	[tilespmem:$0x460] =	vst v0  }
0x20: {  	[tilespmem:$0x3F0] =	vst v1  }
0x21: {  	[tilespmem:$0x470] =	vst v0  }
0x22: {  	[spmem:s5] =	stream.linear.scatter [tilespmem:s15], [sflag:$0x3], $0x80, $0x38;
	[tilespmem:$0x480] =	vst v63  }
0x23: {  	_ =	swait.ge [sflag:s16], $0x80  }
0x24: {  	[sflag:s16] =	ssyncset.done $0x0  }
0x25: {  	[sflag:s16] =	ssyncadd.s32 $0xFFFFFF80  }
0x26: {  	[spmem:s11] =	stream.linear.scatter [tilespmem:s15], [sflag:$0x3], $0x80, $0x38;
	[tilespmem:$0x480] =	vst v63  }
0x27: {  	_ =	swait.ge [sflag:s16], $0x80  }
0x28: {  	[sflag:s16] =	ssyncset.done $0x0  }
0x29: {  	[sflag:s16] =	ssyncadd.s32 $0xFFFFFF80  }
0x2a: {  	[spmem:s12] =	stream.linear.scatter [tilespmem:s15], [sflag:$0x3], $0x80, $0x38;
	[tilespmem:$0x480] =	vst v63  }
0x2b: {  	_ =	swait.ge [sflag:s16], $0x80  }
0x2c: {  	[sflag:s16] =	ssyncset.done $0x0  }
0x2d: {  	[sflag:s16] =	ssyncadd.s32 $0xFFFFFF80  }
0x2e: {  	[spmem:s13] =	stream.linear.scatter [tilespmem:s15], [sflag:$0x3], $0x80, $0x38;
	[tilespmem:$0x480] =	vst v63  }
0x2f: {  	_ =	swait.ge [sflag:s16], $0x80  }
0x30: {  	s28 =	sadd.s32 $0xFFFFFFB0, s4;
	[sflag:s16] =	ssyncset.done $0x0  }
0x31: {  	s29 =	sadd.s32 $0x51, s28;
	[sflag:s16] =	ssyncadd.s32 $0xFFFFFF80  }
0x32: {  	[spmem:s14] =	stream.linear.scatter [tilespmem:s15], [sflag:$0x3], $0x80, $0x38;
	[tilespmem:$0x480] =	vst v63  }
0x33: {  	s30 =	smov.u32 s7;
	p0 =	slt.s32 s29, s7;
	_ =	swait.ge [sflag:s16], $0x80  }
0x34: {  	s30 =	smov.u32 @p0 s29;
	[sflag:s16] =	ssyncset.done $0x0  }
0x35: {  	s29 =	sshll.u32 s30, $0x5;
	[sflag:s16] =	ssyncadd.s32 $0xFFFFFF80  }
0x36: {  	s29 =	sand.u32 $0x1FFFFFE0, s29;
	[bflag:$0x0] =	sbarrier.arrive $0xFFFF  }
0x37: {  	[tilespmem:s17], [sflag:$0x1] =	stream.linear.gather [hbm4b:s8+s3], $0x80, $0x38;
	[tilespmem:$0x480] =	vst v63  }
0x38: {  	s28 =	sadd.s32 $0x52, s28;
	s29 =	sadd.s32 s29, s6  }
0x39: {  	[tilespmem:s18], [sflag:$0x2] =	stream.linear.gather [hbm4b:s29+s3], $0x80, $0x38;
	[tilespmem:$0x480] =	vst v63  }
0x3a: {  	p0 =	slt.s32 s28, s7;
	s29 =	smov.u32 s7  }
0x3b: {  	s30 =	smov.u32 s7;
	_ =	swait.ge [sflag:s19], $0x80;
	s29 =	smov.u32 @p0 s28  }
0x3c: {  	[sflag:s19] =	ssyncset.done $0x0;
	s28 =	sshll.u32 s29, $0x5;
	s29 =	sadd.s32 $0xFFFFFFB2, s4  }
0x3d: {  	[sflag:s19] =	ssyncadd.s32 $0xFFFFFF80;
	s28 =	sand.u32 $0x1FFFFFE0, s28;
	s31 =	sadd.s32 $0x51, s29  }
0x3e: {  	[spmem:s2] =	stream.indirect.scatter.add.f32 [tilespmem:s21], [sflag:$0x4], $0x1, s17, s20, $0xb8;
	[tilespmem:$0x480] =	vst v63  }
0x3f: {  	s1 =	sadd.s32 $0x52, s29;
	s29 =	smov.u32 s7;
	_ =	swait.ge [sflag:s22], $0x80  }
0x40: {  	p0 =	slt.s32 s31, s7;
	s28 =	sadd.s32 s28, s6;
	[sflag:s22] =	ssyncset.done $0x0  }
0x41: {  	p1 =	slt.s32 s1, s7;
	s30 =	smov.u32 @p0 s31;
	[sflag:s22] =	ssyncadd.s32 $0xFFFFFF80  }
0x42: {  	[tilespmem:s17], [sflag:$0x1] =	stream.linear.gather [hbm4b:s28+s3], $0x80, $0x38;
	[tilespmem:$0x480] =	vst v63  }
0x43: {  	s29 =	smov.u32 @p1 s1;
	s28 =	simm.s32 $0xFFFFFFB4;
	_ =	swait.ge [sflag:s23], $0x80  }
.LBB2_2:
0x44: {  	p0 =	sne.s32 s28, $0xFFFFFFFE  }
0x45: {  	[sflag:s23] =	ssyncset.done $0x0;
	s1 =	smov.u32 s28;
	s28 =	sadd.s32 $0x2, s28  }
0x46: {  	[sflag:s23] =	ssyncadd.s32 $0xFFFFFF80  }
0x47: {  	[spmem:s2] =	stream.indirect.scatter.add.f32 [tilespmem:s21], [sflag:$0x3], $0x1, s18, s20, $0xb8;
	[tilespmem:$0x480] =	vst v63  }
0x48: {  	s30 =	sshll.u32 s30, $0x5;
	_ =	swait.ge [sflag:s16], $0x80  }
0x49: {  	s30 =	sand.u32 $0x1FFFFFE0, s30;
	[sflag:s16] =	ssyncset.done $0x0  }
0x4a: {  	s30 =	sadd.s32 s30, s6;
	[sflag:s16] =	ssyncadd.s32 $0xFFFFFF80  }
0x4b: {  	[tilespmem:s18], [sflag:$0x2] =	stream.linear.gather [hbm4b:s30+s3], $0x80, $0x38;
	[tilespmem:$0x480] =	vst v63  }
0x4c: {  	_ =	swait.ge [sflag:s19], $0x80  }
0x4d: {  	[sflag:s19] =	ssyncset.done $0x0  }
0x4e: {  	[sflag:s19] =	ssyncadd.s32 $0xFFFFFF80  }
0x4f: {  	[spmem:s2] =	stream.indirect.scatter.add.f32 [tilespmem:s21], [sflag:$0x4], $0x1, s17, s20, $0xb8;
	[tilespmem:$0x480] =	vst v63  }
0x50: {  	s29 =	sshll.u32 s29, $0x5;
	s1 =	sadd.s32 s1, s4;
	_ =	swait.ge [sflag:s22], $0x80  }
0x51: {  	s29 =	sand.u32 $0x1FFFFFE0, s29;
	s31 =	sadd.s32 $0x51, s1;
	[sflag:s22] =	ssyncset.done $0x0  }
.Ltmp0:
0x52: {  	s1 =	sadd.s32 $0x52, s1;
	[sflag:s22] =	ssyncadd.s32 $0xFFFFFF80;
	(pc) =	sbr.rel @p0 .LBB2_2-.Ltmp0, $4  }
0x53: {  	s29 =	sadd.s32 s29, s6;
	p1 =	slt.s32 s31, s7;
	p2 =	slt.s32 s1, s7  }
0x54: {  	[tilespmem:s17], [sflag:$0x1] =	stream.linear.gather [hbm4b:s29+s3], $0x80, $0x38;
	[tilespmem:$0x480] =	vst v63  }
0x55: {  	s30 =	smov.u32 s7;
	s29 =	smov.u32 s7  }
0x56: {  	s30 =	smov.u32 @p1 s31;
	s29 =	smov.u32 @p2 s1;
	_ =	swait.ge [sflag:s23], $0x80  }
0x57: {  	[sflag:s23] =	ssyncset.done $0x0  }
0x58: {  	[sflag:s23] =	ssyncadd.s32 $0xFFFFFF80  }
0x59: {  	[spmem:s2] =	stream.indirect.scatter.add.f32 [tilespmem:s21], [sflag:$0x3], $0x1, s18, s20, $0xb8;
	[tilespmem:$0x480] =	vst v63  }
0x5a: {  	s1 =	sshll.u32 s30, $0x5;
	_ =	swait.ge [sflag:s16], $0x80  }
0x5b: {  	s1 =	sand.u32 $0x1FFFFFE0, s1;
	[sflag:s16] =	ssyncset.done $0x0  }
0x5c: {  	s1 =	sadd.s32 s1, s6;
	[sflag:s16] =	ssyncadd.s32 $0xFFFFFF80  }
0x5d: {  	[tilespmem:s18], [sflag:$0x2] =	stream.linear.gather [hbm4b:s1+s3], $0x80, $0x38;
	[tilespmem:$0x480] =	vst v63  }
0x5e: {  	_ =	swait.ge [sflag:s19], $0x80  }
0x5f: {  	[sflag:s19] =	ssyncset.done $0x0  }
0x60: {  	[sflag:s19] =	ssyncadd.s32 $0xFFFFFF80  }
0x61: {  	[spmem:s2] =	stream.indirect.scatter.add.f32 [tilespmem:s21], [sflag:$0x4], $0x1, s17, s20, $0xb8;
	[tilespmem:$0x480] =	vst v63  }
0x62: {  	s31 =	sshll.u32 s29, $0x5;
	_ =	swait.ge [sflag:s22], $0x80  }
0x63: {  	s1 =	sand.u32 $0x1FFFFFE0, s31;
	[sflag:s22] =	ssyncset.done $0x0  }
0x64: {  	s1 =	sadd.s32 s1, s6;
	[sflag:s22] =	ssyncadd.s32 $0xFFFFFF80  }
0x65: {  	[tilespmem:s17], [sflag:$0x1] =	stream.linear.gather [hbm4b:s1+s3], $0x80, $0x38;
	[tilespmem:$0x480] =	vst v63  }
0x66: {  	_ =	swait.ge [sflag:s23], $0x80  }
0x67: {  	[sflag:s23] =	ssyncset.done $0x0  }
0x68: {  	[sflag:s23] =	ssyncadd.s32 $0xFFFFFF80  }
0x69: {  	[spmem:s2] =	stream.indirect.scatter.add.f32 [tilespmem:s21], [sflag:$0x3], $0x1, s18, s20, $0xb8;
	[tilespmem:$0x480] =	vst v63  }
0x6a: {  	_ =	swait.ge [sflag:s16], $0x80  }
0x6b: {  	[sflag:s16] =	ssyncset.done $0x0  }
0x6c: {  	[sflag:s16] =	ssyncadd.s32 $0xFFFFFF80  }
0x6d: {  	_ =	swait.ge [sflag:s19], $0x80  }
0x6e: {  	s26 =	sadd.s32 $0x1, s26;
	[sflag:s19] =	ssyncset.done $0x0  }
0x6f: {  	p0 =	sne.s32 s26, s10;
	[sflag:s19] =	ssyncadd.s32 $0xFFFFFF80  }
.Ltmp1:
0x70: {  	[bflag:$0x0] =	sbarrier.arrive $0xFFFF;
	(pc) =	sbr.rel @p0 .LBB2_1-.Ltmp1, $4  }
0x71: {  	[hbm:s9], [sflag:s24] =	dma.local [spmem:s25], $0x50  }
0x72: {  	_ =	swait.ge [sflag:s16], $0x50  }
0x73: {  	[sflag:s16] =	ssyncset.done $0x0  }
0x74: {  	[sflag:s16] =	ssyncadd.s32 $0xFFFFFFB0  }
0x75: {  	_ =	sfence.sel $0x180000  }
0x76: {  	[bflag:$0x0] =	sbarrier.arrive $0xFFFF  }
0x77: {  	_ =	strace $0x90000047  }
0x78: {  	[bflag:$0x2] =	sbarrier.arrive $0xFFFF  }
0x79: {  	p0 =	sne.s32 s0, $0x0;
	s0 =	rddreg [dreg:$0x3]  }
0x7a: {  	s0 =	sadd.s32 @!p0 $0x100000, s0  }
0x7b: {  	[sflag:s0] =	ssyncadd.tile.s32 @!p0 $0x1;
	_ =	shalt  }
.Lfunc_end2:
_tile_overlayer_lowered:
.L_overlay_start_2:
0x7c: {  	(tag) =	ssettag $0x2  }
0x7d: {  	s0 =	rddreg [dreg:$0x0];
	s2 =	stileid.u32  }
0x7e: {  	s1 =	rddreg [dreg:$0x1];
	p0 =	sne.s32 s2, $0x0  }
0x7f: {  	s3 =	rddreg [dreg:$0x2];
	[bflag:$0x3] =	sbarrier.arrive $0xFFFF;
	s2 =	simm.s32 @!p0 $0x1C03  }
0x80: {  	[timem:s3], [sflag:s2] =	dma.local @!p0 [hbm:s0], s1  }
0x81: {  	s0 =	simm.s32 @!p0 $0x3  }
0x82: {  	_ =	swait.ge @!p0 [sflag:s0], s1  }
0x83: {  	s1 =	ssub.s32 @!p0 $0x0, s1;
	[sflag:s0] =	ssyncset.done @!p0 $0x0  }
0x84: {  	[sflag:s0] =	ssyncadd.s32 @!p0 s1  }
0x85: {  	[bflag:$0x3] =	sbarrier.arrive $0xFFFF  }
0x86: {  	_ =	shalt  }

// kernel: kernel.8.cloned.1.call-start
scs
__scs_entry_jumppad:
0x0: {  	(pc) =	sbr.rel $0x88, $3  }
0x1: {  	(tag) =	ssettag $0x0;
	lr =	simm.s32 $0x1  }
0x2: {  	[smem:$0x3F9D] =	sst lr;
	_ =	strace $0xD0000000  }
0x3: {  	_ = 	snop  }
0x4: {  	_ = 	snop  }
0x5: {  	_ = 	snop  }
0x6: {  	_ = 	snop  }
0x7: {  	_ = 	snop  }
__scs_overlays_trampoline_lowered:
0x8: {  	[smem:$0x3FAC] =	sst s0  }
0x9: {  	[smem:$0x3FAD] =	sst s1  }
0xa: {  	[smem:$0x3FAE] =	sst s2  }
0xb: {  	[smem:$0x3FAF] =	sst s3  }
0xc: {  	[smem:$0x3FB0] =	sst s4  }
0xd: {  	[smem:$0x3FB1] =	sst s5  }
0xe: {  	[smem:$0x3FB2] =	sst s6  }
0xf: {  	[smem:$0x3FB3] =	sst s7  }
0x10: {  	[smem:$0x3FB4] =	sst s8  }
0x11: {  	[smem:$0x3FB5] =	sst s9;
	s0 =	simm.s32 @!p0 $0x0  }
0x12: {  	s1 =	sld [smem:$0x3F9B];
	s0 =	simm.s32 @p0 $0x1  }
0x13: {  	[smem:$0x3FB6] =	sst s0;
	s0 =	simm.s32 @!p1 $0x0  }
0x14: {  	s2 =	sld [smem:$0x3F9A];
	s0 =	simm.s32 @p1 $0x1  }
0x15: {  	[smem:$0x3FB7] =	sst s0;
	s0 =	simm.s32 @!p2 $0x0  }
0x16: {  	s3 =	sld [smem:$0x3FDB];
	s0 =	simm.s32 @p2 $0x1  }
0x17: {  	s4 =	simm.s32 $0x1BF5;
	[smem:$0x3FB9] =	sst s0  }
0x18: {  	s0 =	sld [smem:$0x3F9C];
	_ =	swait.ge [sflag:s4], $0x0  }
0x19: {  	s7 =	sld [smem:$0x3F9D]  }
0x1a: {  	s8 =	sadd.s32 $0xFFFFE003, lr  }
0x1b: {  	s9 =	sadd.s32 $0xFFFFFEF7, lr;
	s5 =	simm.s32 $0xFFFFFFFF;
	p2 =	slt.u32 s8, $0xFFFFF086  }
0x1c: {  	p1 =	slt.u32 s9, $0xF7A;
	s5 =	simm.s32 @!p2 $0x0  }
0x1d: {  	s5 =	simm.s32 @p1 $0x1;
	p0 =	seq.s32 s7, s2  }
0x1e: {  	s7 =	smul.u32 @!p0 $0xF7A, s2;
	p2 =	seq.s32 @!p0 s5, $0x0  }
0x1f: {  	s9 =	smul.u32 $0xF7A, s1;
	s8 =	simm.s32 @!p0 $0x1BF5;
	p2 =	por !p2, p0  }
0x20: {  	[sflag:s8] =	ssyncset.s32 @!p0 $0xFFFFF086;
	s6 =	sadd.s32 @!p0 s3, s7;
	s7 =	simm.s32 @!p0 $0x108  }
0x21: {  	s3 =	sadd.s32 s3, s9;
	s6 =	sadd.s32 @!p0 $0x88, s6;
	s7 =	simm.s32 @p2 $0x1082  }
0x22: {  	[simem:s7], [sflag:s8] =	dma.local @!p0 [hbm:s6], $0xF7A  }
0x23: {  	s9 =	sor.u32 $0xD0000000, s2;
	s6 =	simm.s32 $0x108;
	_ =	swait.ge @!p0 [sflag:s8], $0x0  }
0x24: {  	s3 =	sadd.s32 $0x88, s3;
	s6 =	simm.s32 @!p1 $0x1082;
	[sflag:s4] =	ssyncset.s32 $0xFFFFF086  }
0x25: {  	[simem:s6], [sflag:s4] =	dma.local [hbm:s3], $0xF7A  }
0x26: {  	[smem:$0x3F9D] =	sst s1;
	(tag) =	ssettag s2;
	_ =	strace s9  }
0x27: {  	s1 =	sld [smem:$0x3FAD]  }
0x28: {  	s2 =	sld [smem:$0x3FAE]  }
0x29: {  	s4 =	sld [smem:$0x3FB0]  }
0x2a: {  	p0 =	seq.s32 s5, $0x0;
	s5 =	sld [smem:$0x3FB1]  }
0x2b: {  	s6 =	sld [smem:$0x3FB2]  }
0x2c: {  	s7 =	sld [smem:$0x3FB3]  }
0x2d: {  	s3 =	simm.s32 $0x108;
	s8 =	sld [smem:$0x3FB4]  }
0x2e: {  	s3 =	simm.s32 @!p0 $0x1082;
	s9 =	sld [smem:$0x3FB5]  }
0x2f: {  	lr =	sadd.s32 s0, s3;
	s0 =	sld [smem:$0x3FAC]  }
0x30: {  	s3 =	sld [smem:$0x3FAF]  }
0x31: {  	[smem:$0x3FB8] =	sst s10  }
0x32: {  	s10 =	sld [smem:$0x3FB6];
	_ =	sdelay $0x3  }
0x33: {  	p0 =	seq.s32 s10, $0x1;
	s10 =	sld [smem:$0x3FB8];
	_ =	sdelay $0x3  }
0x34: {  	[smem:$0x3FB8] =	sst s10  }
0x35: {  	s10 =	sld [smem:$0x3FB7];
	_ =	sdelay $0x3  }
0x36: {  	p1 =	seq.s32 s10, $0x1;
	s10 =	sld [smem:$0x3FB8];
	_ =	sdelay $0x3  }
0x37: {  	[smem:$0x3FB8] =	sst s10  }
0x38: {  	s10 =	sld [smem:$0x3FB9]  }
0x39: {  	_ = 	snop;
	(pc) =	sbr.ind lr, $3  }
0x3a: {  	_ = 	snop  }
0x3b: {  	_ = 	snop  }
0x3c: {  	p2 =	seq.s32 s10, $0x1;
	s10 =	sld [smem:$0x3FB8]  }
0x3d: {  	_ =	shalt  }
0x3e: {  	_ =	shalt  }
0x3f: {  	_ =	shalt  }
0x40: {  	_ =	shalt  }
0x41: {  	_ =	shalt  }
0x42: {  	_ =	shalt  }
0x43: {  	_ =	shalt  }
0x44: {  	_ =	shalt  }
0x45: {  	_ =	shalt  }
0x46: {  	_ =	shalt  }
0x47: {  	_ =	shalt  }
0x48: {  	_ =	shalt  }
0x49: {  	_ =	shalt  }
0x4a: {  	_ =	shalt  }
0x4b: {  	_ =	shalt  }
0x4c: {  	_ =	shalt  }
0x4d: {  	_ =	shalt  }
0x4e: {  	_ =	shalt  }
0x4f: {  	_ =	shalt  }
0x50: {  	_ =	shalt  }
0x51: {  	_ =	shalt  }
0x52: {  	_ =	shalt  }
0x53: {  	_ =	shalt  }
0x54: {  	_ =	shalt  }
0x55: {  	_ =	shalt  }
0x56: {  	_ =	shalt  }
0x57: {  	_ =	shalt  }
0x58: {  	_ =	shalt  }
0x59: {  	_ =	shalt  }
0x5a: {  	_ =	shalt  }
0x5b: {  	_ =	shalt  }
0x5c: {  	_ =	shalt  }
0x5d: {  	_ =	shalt  }
0x5e: {  	_ =	shalt  }
0x5f: {  	_ =	shalt  }
0x60: {  	_ =	shalt  }
0x61: {  	_ =	shalt  }
0x62: {  	_ =	shalt  }
0x63: {  	_ =	shalt  }
0x64: {  	_ =	shalt  }
0x65: {  	_ =	shalt  }
0x66: {  	_ =	shalt  }
0x67: {  	_ =	shalt  }
0x68: {  	_ =	shalt  }
0x69: {  	_ =	shalt  }
0x6a: {  	_ =	shalt  }
0x6b: {  	_ =	shalt  }
0x6c: {  	_ =	shalt  }
0x6d: {  	_ =	shalt  }
0x6e: {  	_ =	shalt  }
0x6f: {  	_ =	shalt  }
0x70: {  	_ =	shalt  }
0x71: {  	_ =	shalt  }
0x72: {  	_ =	shalt  }
0x73: {  	_ =	shalt  }
0x74: {  	_ =	shalt  }
0x75: {  	_ =	shalt  }
0x76: {  	_ =	shalt  }
0x77: {  	_ =	shalt  }
0x78: {  	_ =	shalt  }
0x79: {  	_ =	shalt  }
0x7a: {  	_ =	shalt  }
0x7b: {  	_ =	shalt  }
0x7c: {  	_ =	shalt  }
0x7d: {  	_ =	shalt  }
0x7e: {  	_ =	shalt  }
0x7f: {  	_ =	shalt  }
0x80: {  	_ =	shalt  }
0x81: {  	_ =	shalt  }
0x82: {  	_ =	shalt  }
0x83: {  	_ =	shalt  }
0x84: {  	_ =	shalt  }
0x85: {  	_ =	shalt  }
0x86: {  	_ =	shalt  }
0x87: {  	_ =	shalt  }
.Lfunc_end0:
.L_simem_size_0:
called_computation.1_lowered:
.L_overlay_start_0:
0x88: {  	s2 =	sld [smem:$0x3FD9]  }
0x89: {  	s3 =	sld [smem:$0x3FFE];
	_ =	sdelay $0x1  }
0x8a: {  	s1 =	srdreg.scid  }
0x8b: {  	s0 =	sand.u32 $0x1, s1  }
0x8c: {  	s17 =	sshll.u32 s0, $0xA;
	s2 =	sadd.s32 s3, s2  }
0x8d: {  	s2 =	sadd.s32 s2, s17  }
0x8e: {  	[smem:$0x3FC4] =	sst s2  }
0x8f: {  	_ = 	snop  }
0x90: {  	s2 =	sld [smem:$0x3FD0];
	(tm) =	ssettm $0x1  }
0x91: {  	s18 =	sld [smem:$0x3FFB];
	_ =	sdelay $0x3  }
0x92: {  	_ =	strace s18  }
0x93: {  	s3 =	sld [smem:$0x3FFC];
	_ =	sdelay $0x3  }
0x94: {  	_ =	strace s3  }
0x95: {  	s3 =	sld [smem:$0x3FFD];
	_ =	sdelay $0x3  }
0x96: {  	_ =	strace s3  }
0x97: {  	_ =	strace $0x8FFFFFFF  }
0x98: {  	s19 =	sld [smem:$0x3FDB];
	_ =	sdelay $0x1  }
0x99: {  	s4 =	simm.s32 $_scs_section_size  }
0x9a: {  	s5 =	simm.s32 $_size__tile_overlayer_lowered;
	s6 =	simm.s32 $_tile_overlayer_lowered  }
0x9b: {  	s22 =	simm.s32 $0x1BFF;
	s21 =	sshll.u32 s6, $0x1;
	s3 =	sadd.s32 s4, s19  }
0x9c: {  	s7 =	simm.s32 $0x0;
	s20 =	sshll.u32 s5, $0x1;
	s5 =	sadd.s32 s21, s3  }
0x9d: {  	[timem:s7], [sflag:s22] =	dma.local [hbm:s5], s20  }
0x9e: {  	_ =	swait.ge [sflag:s22], s20  }
0x9f: {  	s4 =	ssub.s32 $0x0, s20;
	[sflag:s22] =	ssyncset.done $0x0  }
0xa0: {  	[sflag:s22] =	ssyncadd.s32 s4;
	_ =	sdelay $0x1  }
0xa1: {  	s23 =	simm.s32 $0x1B8B  }
0xa2: {  	_ =	swait.ge [sflag:s23], $0x1  }
0xa3: {  	[sflag:s23] =	ssyncset.done $0x0  }
0xa4: {  	s25 =	simm.s32 $0x1B8E;
	s24 =	sld [smem:$0x3FFE];
	[sflag:s23] =	ssyncadd.s32 $0xFFFFFFFF  }
0xa5: {  	s26 =	simm.s32 $execute0_lowered;
	[smem:$0x3FD2] =	sst s25  }
0xa6: {  	s5 =	sshll.u32 s26, $0x1;
	_ =	strace $0x80000049;
	[dreg:$0x1] =	wrdreg $0xFFFFFFFF  }
0xa7: {  	s28 =	simm.s32 $_size_execute0_lowered;
	s3 =	sadd.s32 s3, s5;
	[dreg:$0x0] =	wrdreg $0x0  }
0xa8: {  	s5 =	sshll.u32 s28, $0x1;
	[dreg:$0x2] =	wrdreg s3  }
0xa9: {  	[dreg:$0x3] =	wrdreg s5  }
0xaa: {  	[dreg:$0x4] =	wrdreg $0xC0  }
0xab: {  	_ =	task [dreg:s7], $0x5FFFF  }
0xac: {  	[dreg:$0x1] =	wrdreg $0xFFFFFFFF  }
0xad: {  	[dreg:$0x0] =	wrdreg $0x60  }
0xae: {  	[dreg:$0x2] =	wrdreg s24  }
0xaf: {  	[dreg:$0x3] =	wrdreg s2  }
0xb0: {  	[dreg:$0x4] =	wrdreg $0x0  }
0xb1: {  	[dreg:$0x5] =	wrdreg $0xA0000  }
0xb2: {  	[dreg:$0x6] =	wrdreg $0x9  }
0xb3: {  	_ =	task.clear_ibuf [dreg:s7], $0x7FFFF;
	_ =	strace $0x90000049  }
0xb4: {  	s29 =	simm.s32 $0x9;
	_ =	strace $0x8000004B  }
0xb5: {  	_ =	swait.ge [sflag:s29], $0x1  }
0xb6: {  	[sflag:s29] =	ssyncadd.s32 $0xFFFFFFFF  }
0xb7: {  	_ =	strace $0x9000004B  }
0xb8: {  	_ =	sfence  }
0xb9: {  	s30 =	sld [smem:$0x0];
	_ =	sdelay $0x2  }
0xba: {  	s31 =	sshll.u32 s1, $0xD;
	s1 =	sshrl.u32 s1, $0x2  }
0xbb: {  	s3 =	sand.u32 $0x4000, s31;
	s1 =	sadd.s32 s1, s30  }
0xbc: {  	s0 =	sor.u32 s3, s0;
	s1 =	sshll.u32 s1, $0x11  }
0xbd: {  	s0 =	sor.u32 s1, s0  }
0xbe: {  	s0 =	sadd.s32 $0x8F2B, s0  }
0xbf: {  	[sflag:s0] =	ssyncadd.remote.s32 $0x1  }
0xc0: {  	_ =	sfence.sel $0xFFFF  }
0xc1: {  	[dreg:$0x0] =	wrdreg $0xFFFFFFFF;
	(pc) =	sbr.abs _section_cstart, $3  }
0xc2: {  	[dreg:$0x1] =	wrdreg $0xFFFFFFFF  }
0xc3: {  	_ =	task.clear_ibuf [dreg:s7], $0x2FFFF;
	_ =	strace $0x9FFFFFFF  }
0xc4: {  	(tm) =	ssettm $0x7FFFFFFF  }
0xc5: {  	_ =	shalt  }
tec
execute0_lowered:
.L_overlay_start_1:
0x0: {  	(tag) =	ssettag $0x1  }
0x1: {  	s0 =	rddreg [dreg:$0x0]  }
0x2: {  	s1 =	rddreg [dreg:$0x1]  }
0x3: {  	s3 =	rddreg [dreg:$0x2]  }
0x4: {  	s4 =	rddreg [dreg:$0x3];
	s5 =	simm.s32 $0x0;
	s8 =	stileid.u32  }
0x5: {  	s2 =	srdreg.scid;
	s18 =	simm.s32 $0x14000;
	s28 =	simm.s32 $0x80  }
0x6: {  	s15 =	simm.s32 $0x1C000;
	s16 =	simm.s32 $0x2;
	s17 =	simm.s32 $0x3  }
0x7: {  	s19 =	simm.s32 $0x6;
	[smem:$0x7FF] =	sst s5;
	s13 =	smul.u32 $0x280, s8  }
0x8: {  	s6 =	sadd.s32 $0x1E00, s0;
	s2 =	sand.u32 $0x1, s2;
	s10 =	smul.u32 $0xA0, s8  }
0x9: {  	s9 =	smul.u32 $0x1400, s8;
	_ =	strace $0x8000004A;
	[dreg:$0x7] =	wrdreg s6  }
0xa: {  	s20 =	simm.s32 $0x4;
	s7 =	ssub.s32 $0x2, s2;
	[dreg:$0x5] =	wrdreg s10  }
0xb: {  	s2 =	smul.u32 $0xA0000, s2;
	s24 =	sadd.s32 s1, s9;
	[dreg:$0x6] =	wrdreg s13  }
0xc: {  	s21 =	sshrl.u32 s13, $0x3;
	s22 =	sshrl.u32 s7, $0x1;
	[dreg:$0xc] =	wrdreg s24  }
0xd: {  	s6 =	sadd.s32 s21, s0;
	s0 =	sadd.s32 $0x2A400, s0;
	[dreg:$0xa] =	wrdreg s2  }
0xe: {  	s26 =	sadd.s32 $0x9F, s10;
	s25 =	sadd.s32 $0x20, s24;
	[dreg:$0x8] =	wrdreg s0  }
0xf: {  	s10 =	simm.s32 $0x1;
	s29 =	sadd.s32 $0x140000, s2;
	[dreg:$0xd] =	wrdreg s25  }
0x10: {  	s9 =	simm.s32 $0x7;
	s30 =	sadd.s32 $0x280000, s2;
	[dreg:$0xf] =	wrdreg s29  }
0x11: {  	s31 =	sadd.s32 $0x3C0000, s2;
	s2 =	sor.u32 $0x500000, s2;
	[dreg:$0x10] =	wrdreg s30  }
0x12: {  	s21 =	simm.s32 $0x1E300;
	s0 =	ssub.s32 s7, s22;
	[dreg:$0x11] =	wrdreg s31  }
0x13: {  	s23 =	sadd.s32 $0x1400, s6;
	s6 =	sadd.s32 $0x29E00, s6;
	[dreg:$0x12] =	wrdreg s2  }
0x14: {  	s22 =	simm.s32 $0x1E400;
	s7 =	simm.s32 $0x5;
	[dreg:$0x9] =	wrdreg s23  }
0x15: {  	[dreg:$0xb] =	wrdreg s6;
	s6 =	sadd.s32 $0x40, s24;
	s0 =	smax.u32 s0, $0x1  }
0x16: {  	s23 =	simm.s32 $0x9;
	s24 =	simm.s32 $0x1E680;
	[dreg:$0xe] =	wrdreg s6  }
0x17: {  	[dreg:$0x13] =	wrdreg s0;
	s6 =	simm.s32 $0x8;
	s0 =	simm.s32 $0x0  }
.LBB2_1:
0x18: {  	s8 =	rddreg [dreg:$0x9]  }
0x19: {  	[tilespmem:s22], [sflag:$0x9] =	stream.linear.gather [hbm4b:s8+s5], $0x280, $0x38;
	[tilespmem:$0x1E900] =	vst v63  }
0x1a: {  	_ =	swait.ge [sflag:s23], $0x280  }
0x1b: {  	[sflag:s23] =	ssyncset.done $0x0  }
0x1c: {  	s31 =	rddreg [dreg:$0xb];
	[sflag:s23] =	ssyncadd.s32 $0xFFFFFD80  }
0x1d: {  	[tilespmem:s24], [sflag:$0x9] =	stream.linear.gather [hbm4b:s31+s5], $0x280, $0x38;
	[tilespmem:$0x1E900] =	vst v63  }
0x1e: {  	_ =	swait.ge [sflag:s23], $0x280  }
0x1f: {  	s12 =	simm.s32 $0x0;
	[sflag:s23] =	ssyncset.done $0x0  }
0x20: {  	s2 =	simm.s32 $0x0;
	s8 =	rddreg [dreg:$0x7];
	[sflag:s23] =	ssyncadd.s32 $0xFFFFFD80  }
.LBB2_2:
0x21: {  	s11 =	sshll.u32 s2, $0x7  }
0x22: {  	s11 =	sadd.s32 s13, s11  }
0x23: {  	s25 =	rddreg [dreg:$0xa];
	s29 =	sshll.u32 s11, $0x6  }
0x24: {  	s11 =	sadd.s32 s25, s29  }
0x25: {  	s11 =	sshrl.u32 s11, $0x3  }
0x26: {  	s14 =	simm.s32 $0x0;
	s30 =	sadd.s32 $0x0, s12;
	s11 =	sadd.s32 s8, s11  }
0x27: {  	[tilespmem:s18], [sflag:$0x9] =	stream.linear.gather [hbm4b:s11+s14], $0x2000, $0x38;
	[tilespmem:$0x1E900] =	vst v63  }
0x28: {  	v0 =	vmov s30;
	_ =	swait.ge [sflag:s23], $0x2000  }
0x29: {  	[sflag:s23] =	ssyncset.done $0x0  }
0x2a: {  	s18 =	simm.s32 $0x14020;
	[sflag:s23] =	ssyncadd.s32 $0xFFFFE000  }
0x2b: {  	v2 =	vld [tilespmem:s18+$0xFFFFFFF0]  }
0x2c: {  	v3 =	vld [tilespmem:s18+$0x10]  }
0x2d: {  	v5 =	vld.idx.msk [tilespmem:v0+s22+$0x0], $0xffff  }
0x2e: {  	v0 =	vld [tilespmem:s18+$0xFFFFFFE0]  }
0x2f: {  	v6 =	vld [tilespmem:s18+$0x0];
	_ =	sdelay $0x3  }
0x30: {  	s31 =	sadd.s32 $0x1, s12;
	v1 =	vmul.f32 v0, v5;
	v4 =	vmul.f32 v3, v5  }
0x31: {  	s11 =	simm.s32 $0x2;
	s14 =	simm.s32 $0x14020;
	v0 =	vmov s31;
	v3 =	vmul.f32 v2, v5;
	v2 =	vmul.f32 v6, v5  }
.LBB2_3:
0x32: {  	p0 =	sne.s32 s11, $0x7F  }
0x33: {  	[tilespmem:s18+$0x10] =	vst v4;
	s14 =	sadd.s32 $0x40, s14;
	s25 =	smov.u32 s11;
	s11 =	sadd.s32 $0x1, s11  }
0x34: {  	[tilespmem:s18+$0xFFFFFFE0] =	vst v1  }
0x35: {  	v5 =	vld [tilespmem:s14+$0xFFFFFFF0];
	[tilespmem:s18+$0xFFFFFFF0] =	vst v3  }
0x36: {  	v3 =	vld [tilespmem:s14+$0x10];
	[tilespmem:s18+$0x0] =	vst v2;
	s18 =	smov.u32 s14  }
0x37: {  	v2 =	vld.idx.msk [tilespmem:v0+s22+$0x0], $0xffff  }
0x38: {  	v0 =	vld [tilespmem:s14+$0xFFFFFFE0]  }
0x39: {  	v6 =	vld [tilespmem:s14+$0x0]  }
.Ltmp0:
0x3a: {  	(pc) =	sbr.rel @p0 .LBB2_3-.Ltmp0, $3  }
0x3b: {  	_ =	sdelay $0x1  }
0x3c: {  	s25 =	sadd.s32 s25, s12;
	v4 =	vmul.f32 v3, v2;
	v1 =	vmul.f32 v0, v2  }
0x3d: {  	v3 =	vmul.f32 v5, v2;
	v0 =	vmov s25;
	v2 =	vmul.f32 v6, v2  }
0x3e: {  	[tilespmem:s18+$0x10] =	vst v4  }
0x3f: {  	s11 =	sadd.s32 $0x40, s14;
	[tilespmem:s18+$0xFFFFFFE0] =	vst v1  }
0x40: {  	v1 =	vld [tilespmem:s11+$0xFFFFFFF0];
	[tilespmem:s18+$0xFFFFFFF0] =	vst v3  }
0x41: {  	v3 =	vld [tilespmem:s11+$0x10];
	[tilespmem:s18+$0x0] =	vst v2  }
0x42: {  	v0 =	vld.idx.msk [tilespmem:v0+s22+$0x0], $0xffff  }
0x43: {  	v2 =	vld [tilespmem:s11+$0xFFFFFFE0];
	_ =	sdelay $0x1  }
0x44: {  	v4 =	vld [tilespmem:s11+$0x0];
	_ =	sdelay $0x1  }
0x45: {  	v3 =	vmul.f32 v3, v0  }
0x46: {  	v2 =	vmul.f32 v2, v0  }
0x47: {  	v1 =	vmul.f32 v1, v0;
	[tilespmem:s11+$0x10] =	vst v3  }
0x48: {  	v0 =	vmul.f32 v4, v0;
	[tilespmem:s11+$0xFFFFFFE0] =	vst v2  }
0x49: {  	[tilespmem:s11+$0xFFFFFFF0] =	vst v1  }
0x4a: {  	s30 =	sadd.s32 s29, s3;
	s18 =	simm.s32 $0x14000;
	[tilespmem:s11+$0x0] =	vst v0  }
0x4b: {  	[spmem:s30] =	stream.linear.scatter [tilespmem:s18], [sflag:$0x9], $0x2000, $0x38;
	[tilespmem:$0x1E900] =	vst v63  }
0x4c: {  	s2 =	sadd.s32 $0x1, s2;
	_ =	swait.ge [sflag:s23], $0x2000  }
0x4d: {  	p0 =	sne.s32 s2, $0x5;
	[sflag:s23] =	ssyncset.done $0x0  }
.Ltmp1:
0x4e: {  	s31 =	sadd.s32 s29, s4;
	[sflag:s23] =	ssyncadd.s32 $0xFFFFE000;
	(pc) =	sbr.rel @p0 .LBB2_2-.Ltmp1, $4  }
0x4f: {  	[spmem:s31] =	stream.linear.scatter [tilespmem:s18], [sflag:$0x9], $0x2000, $0x38;
	[tilespmem:$0x1E900] =	vst v63  }
0x50: {  	_ =	swait.ge [sflag:s23], $0x2000  }
0x51: {  	[sflag:s23] =	ssyncset.done $0x0  }
0x52: {  	s12 =	sadd.s32 $0x80, s12;
	[sflag:s23] =	ssyncadd.s32 $0xFFFFE000  }
0x53: {  	[dreg:$0x14] =	wrdreg s0  }
0x54: {  	[bflag:$0x0] =	sbarrier.arrive $0xFFFF  }
0x55: {  	s31 =	simm.s32 $0x1E000;
	s8 =	rddreg [dreg:$0xc]  }
0x56: {  	[tilespmem:s31], [sflag:$0x9] =	stream.linear.gather [hbm4b:s8+s5], $0x100, $0x38;
	[tilespmem:$0x1E900] =	vst v63  }
0x57: {  	_ =	swait.ge [sflag:s23], $0x100  }
0x58: {  	[sflag:s23] =	ssyncset.done $0x0  }
0x59: {  	s30 =	simm.s32 $0x16000;
	[sflag:s23] =	ssyncadd.s32 $0xFFFFFF00  }
0x5a: {  	[tilespmem:s30], [sflag:$0x1] =	stream.indirect.gather [spmem:s3], $0x40, s31, s28, $0xb8;
	[tilespmem:$0x1E900] =	vst v63  }
0x5b: {  	s29 =	simm.s32 $0x1E100;
	s12 =	rddreg [dreg:$0xd]  }
0x5c: {  	[tilespmem:s29], [sflag:$0x9] =	stream.linear.gather [hbm4b:s12+s5], $0x100, $0x38;
	[tilespmem:$0x1E900] =	vst v63  }
0x5d: {  	_ =	swait.ge [sflag:s23], $0x100  }
0x5e: {  	[sflag:s23] =	ssyncset.done $0x0  }
0x5f: {  	s2 =	simm.s32 $0x18000;
	[sflag:s23] =	ssyncadd.s32 $0xFFFFFF00  }
0x60: {  	[tilespmem:s2], [sflag:$0x2] =	stream.indirect.gather [spmem:s3], $0x40, s29, s28, $0xb8;
	[tilespmem:$0x1E900] =	vst v63  }
0x61: {  	s11 =	simm.s32 $0x1E200;
	s13 =	rddreg [dreg:$0xe]  }
0x62: {  	[tilespmem:s11], [sflag:$0x9] =	stream.linear.gather [hbm4b:s13+s5], $0x100, $0x38;
	[tilespmem:$0x1E900] =	vst v63  }
0x63: {  	_ =	swait.ge [sflag:s23], $0x100  }
0x64: {  	[sflag:s23] =	ssyncset.done $0x0  }
0x65: {  	s0 =	simm.s32 $0x1A000;
	s13 =	rddreg [dreg:$0x5];
	[sflag:s23] =	ssyncadd.s32 $0xFFFFFF00  }
0x66: {  	[tilespmem:s0], [sflag:$0x3] =	stream.indirect.gather [spmem:s3], $0x40, s11, s28, $0xb8;
	[tilespmem:$0x1E900] =	vst v63  }
0x67: {  	s11 =	sadd.s32 $0xFFFFFF60, s13  }
0x68: {  	s12 =	sadd.s32 $0xA3, s11  }
0x69: {  	s14 =	smov.u32 s26;
	_ =	swait.ge [sflag:s10], $0x2000;
	p0 =	slt.s32 s12, s26  }
0x6a: {  	[sflag:s10] =	ssyncset.done $0x0;
	s14 =	smov.u32 @p0 s12  }
0x6b: {  	[sflag:s10] =	ssyncadd.s32 $0xFFFFE000;
	s12 =	sshll.u32 s14, $0x5;
	s14 =	simm.s32 $0x1E080  }
0x6c: {  	[spmem:s4] =	stream.indirect.scatter.add.f32 [tilespmem:s30], [sflag:$0x5], $0x40, s14, s28, $0xb8;
	[tilespmem:$0x1E900] =	vst v63  }
0x6d: {  	s12 =	sadd.s32 s1, s12  }
0x6e: {  	[tilespmem:s21], [sflag:$0x9] =	stream.linear.gather [hbm4b:s12+s5], $0x100, $0x38;
	[tilespmem:$0x1E900] =	vst v63  }
0x6f: {  	_ =	swait.ge [sflag:s23], $0x100  }
0x70: {  	[sflag:s23] =	ssyncset.done $0x0  }
0x71: {  	[sflag:s23] =	ssyncadd.s32 $0xFFFFFF00  }
0x72: {  	[tilespmem:s15], [sflag:$0x4] =	stream.indirect.gather [spmem:s3], $0x40, s21, s28, $0xb8;
	[tilespmem:$0x1E900] =	vst v63  }
0x73: {  	_ =	swait.ge [sflag:s16], $0x2000  }
0x74: {  	s18 =	simm.s32 $0x1E180;
	s12 =	sadd.s32 $0xA4, s11;
	[sflag:s16] =	ssyncset.done $0x0  }
0x75: {  	s14 =	smov.u32 s26;
	p0 =	slt.s32 s12, s26;
	[sflag:s16] =	ssyncadd.s32 $0xFFFFE000  }
0x76: {  	[spmem:s4] =	stream.indirect.scatter.add.f32 [tilespmem:s2], [sflag:$0x6], $0x40, s18, s28, $0xb8;
	[tilespmem:$0x1E900] =	vst v63  }
0x77: {  	s14 =	smov.u32 @p0 s12;
	_ =	swait.ge [sflag:s7], $0x2000  }
0x78: {  	s12 =	sshll.u32 s14, $0x5;
	[sflag:s7] =	ssyncset.done $0x0  }
0x79: {  	s12 =	sadd.s32 s1, s12;
	[sflag:s7] =	ssyncadd.s32 $0xFFFFE000  }
0x7a: {  	[tilespmem:s31], [sflag:$0x9] =	stream.linear.gather [hbm4b:s12+s5], $0x100, $0x38;
	[tilespmem:$0x1E900] =	vst v63  }
0x7b: {  	_ =	swait.ge [sflag:s23], $0x100  }
0x7c: {  	[sflag:s23] =	ssyncset.done $0x0  }
0x7d: {  	[sflag:s23] =	ssyncadd.s32 $0xFFFFFF00  }
0x7e: {  	[tilespmem:s30], [sflag:$0x1] =	stream.indirect.gather [spmem:s3], $0x40, s31, s28, $0xb8;
	[tilespmem:$0x1E900] =	vst v63  }
0x7f: {  	_ =	swait.ge [sflag:s17], $0x2000  }
0x80: {  	s25 =	simm.s32 $0x1E280;
	s12 =	sadd.s32 $0xA5, s11;
	[sflag:s17] =	ssyncset.done $0x0  }
0x81: {  	s14 =	smov.u32 s26;
	p0 =	slt.s32 s12, s26;
	[sflag:s17] =	ssyncadd.s32 $0xFFFFE000  }
0x82: {  	[spmem:s4] =	stream.indirect.scatter.add.f32 [tilespmem:s0], [sflag:$0x7], $0x40, s25, s28, $0xb8;
	[tilespmem:$0x1E900] =	vst v63  }
0x83: {  	s14 =	smov.u32 @p0 s12;
	_ =	swait.ge [sflag:s19], $0x2000  }
0x84: {  	s12 =	sshll.u32 s14, $0x5;
	[sflag:s19] =	ssyncset.done $0x0  }
0x85: {  	s12 =	sadd.s32 s1, s12;
	[sflag:s19] =	ssyncadd.s32 $0xFFFFE000  }
0x86: {  	[tilespmem:s29], [sflag:$0x9] =	stream.linear.gather [hbm4b:s12+s5], $0x100, $0x38;
	[tilespmem:$0x1E900] =	vst v63  }
0x87: {  	_ =	swait.ge [sflag:s23], $0x100  }
0x88: {  	[sflag:s23] =	ssyncset.done $0x0  }
0x89: {  	[sflag:s23] =	ssyncadd.s32 $0xFFFFFF00  }
0x8a: {  	[tilespmem:s2], [sflag:$0x2] =	stream.indirect.gather [spmem:s3], $0x40, s29, s28, $0xb8;
	[tilespmem:$0x1E900] =	vst v63  }
0x8b: {  	s11 =	sadd.s32 $0xA6, s11;
	_ =	swait.ge [sflag:s20], $0x2000  }
0x8c: {  	p0 =	slt.s32 s11, s26;
	[sflag:s20] =	ssyncset.done $0x0  }
0x8d: {  	s25 =	simm.s32 $0x1E380;
	s12 =	smov.u32 s26;
	[sflag:s20] =	ssyncadd.s32 $0xFFFFE000  }
0x8e: {  	[spmem:s4] =	stream.indirect.scatter.add.f32 [tilespmem:s15], [sflag:$0x8], $0x40, s25, s28, $0xb8;
	[tilespmem:$0x1E900] =	vst v63  }
0x8f: {  	s12 =	smov.u32 @p0 s11;
	_ =	swait.ge [sflag:s9], $0x2000  }
0x90: {  	s11 =	sshll.u32 s12, $0x5;
	[sflag:s9] =	ssyncset.done $0x0  }
0x91: {  	s18 =	simm.s32 $0x1E200;
	s11 =	sadd.s32 s1, s11;
	[sflag:s9] =	ssyncadd.s32 $0xFFFFE000  }
0x92: {  	[tilespmem:s18], [sflag:$0x9] =	stream.linear.gather [hbm4b:s11+s5], $0x100, $0x38;
	[tilespmem:$0x1E900] =	vst v63  }
0x93: {  	_ =	swait.ge [sflag:s23], $0x100  }
0x94: {  	[sflag:s23] =	ssyncset.done $0x0  }
0x95: {  	[sflag:s23] =	ssyncadd.s32 $0xFFFFFF00  }
0x96: {  	[tilespmem:s0], [sflag:$0x3] =	stream.indirect.gather [spmem:s3], $0x40, s18, s28, $0xb8;
	[tilespmem:$0x1E900] =	vst v63  }
0x97: {  	s25 =	simm.s32 $0xFFFFFF64;
	s18 =	simm.s32 $0xFFFFFF68;
	_ =	swait.ge [sflag:s6], $0x2000  }
.LBB2_6:
0x98: {  	s11 =	sadd.s32 s25, s13;
	[sflag:s6] =	ssyncset.done $0x0;
	s13 =	smov.u32 s26  }
0x99: {  	s14 =	sadd.s32 $0xA3, s11;
	s8 =	sadd.s32 $0xA4, s11;
	[sflag:s6] =	ssyncadd.s32 $0xFFFFE000  }
0x9a: {  	_ =	swait.ge [sflag:s10], $0x2000;
	p0 =	slt.s32 s14, s26;
	p1 =	slt.s32 s8, s26  }
0x9b: {  	[sflag:s10] =	ssyncset.done $0x0;
	s13 =	smov.u32 @p0 s14;
	s14 =	smov.u32 s26  }
0x9c: {  	s14 =	smov.u32 @p1 s8;
	[sflag:s10] =	ssyncadd.s32 $0xFFFFE000  }
0x9d: {  	s8 =	sshll.u32 s13, $0x5;
	s13 =	sshll.u32 s14, $0x5;
	s14 =	simm.s32 $0x1E080  }
0x9e: {  	[spmem:s4] =	stream.indirect.scatter.add.f32 [tilespmem:s30], [sflag:$0x5], $0x40, s14, s28, $0xb8;
	[tilespmem:$0x1E900] =	vst v63  }
0x9f: {  	s8 =	sadd.s32 s1, s8  }
0xa0: {  	[tilespmem:s21], [sflag:$0x9] =	stream.linear.gather [hbm4b:s8+s5], $0x100, $0x38;
	[tilespmem:$0x1E900] =	vst v63  }
0xa1: {  	_ =	swait.ge [sflag:s23], $0x100  }
0xa2: {  	[sflag:s23] =	ssyncset.done $0x0  }
0xa3: {  	s25 =	smov.u32 s18;
	s14 =	sadd.s32 $0xA5, s11;
	[sflag:s23] =	ssyncadd.s32 $0xFFFFFF00  }
0xa4: {  	[tilespmem:s15], [sflag:$0x4] =	stream.indirect.gather [spmem:s3], $0x40, s21, s28, $0xb8;
	[tilespmem:$0x1E900] =	vst v63  }
0xa5: {  	p0 =	slt.s32 s14, s26;
	s8 =	smov.u32 s26;
	_ =	swait.ge [sflag:s16], $0x2000  }
0xa6: {  	s12 =	sadd.s32 $0x4, s18;
	s8 =	smov.u32 @p0 s14;
	[sflag:s16] =	ssyncset.done $0x0  }
0xa7: {  	p0 =	sne.s32 s18, $0xFFFFFFFC;
	s18 =	simm.s32 $0x1E180;
	[sflag:s16] =	ssyncadd.s32 $0xFFFFE000  }
0xa8: {  	[spmem:s4] =	stream.indirect.scatter.add.f32 [tilespmem:s2], [sflag:$0x6], $0x40, s18, s28, $0xb8;
	[tilespmem:$0x1E900] =	vst v63  }
0xa9: {  	_ =	swait.ge [sflag:s7], $0x2000  }
0xaa: {  	[sflag:s7] =	ssyncset.done $0x0  }
0xab: {  	s18 =	sadd.s32 s1, s13;
	[sflag:s7] =	ssyncadd.s32 $0xFFFFE000  }
0xac: {  	[tilespmem:s31], [sflag:$0x9] =	stream.linear.gather [hbm4b:s18+s5], $0x100, $0x38;
	[tilespmem:$0x1E900] =	vst v63  }
0xad: {  	s13 =	rddreg [dreg:$0x5];
	_ =	swait.ge [sflag:s23], $0x100  }
0xae: {  	[sflag:s23] =	ssyncset.done $0x0  }
0xaf: {  	[sflag:s23] =	ssyncadd.s32 $0xFFFFFF00  }
0xb0: {  	[tilespmem:s30], [sflag:$0x1] =	stream.indirect.gather [spmem:s3], $0x40, s31, s28, $0xb8;
	[tilespmem:$0x1E900] =	vst v63  }
0xb1: {  	_ =	swait.ge [sflag:s17], $0x2000  }
0xb2: {  	[sflag:s17] =	ssyncset.done $0x0  }
0xb3: {  	s18 =	simm.s32 $0x1E280;
	[sflag:s17] =	ssyncadd.s32 $0xFFFFE000  }
0xb4: {  	[spmem:s4] =	stream.indirect.scatter.add.f32 [tilespmem:s0], [sflag:$0x7], $0x40, s18, s28, $0xb8;
	[tilespmem:$0x1E900] =	vst v63  }
0xb5: {  	_ =	swait.ge [sflag:s19], $0x2000  }
0xb6: {  	s8 =	sshll.u32 s8, $0x5;
	[sflag:s19] =	ssyncset.done $0x0  }
0xb7: {  	s8 =	sadd.s32 s1, s8;
	[sflag:s19] =	ssyncadd.s32 $0xFFFFE000  }
0xb8: {  	[tilespmem:s29], [sflag:$0x9] =	stream.linear.gather [hbm4b:s8+s5], $0x100, $0x38;
	[tilespmem:$0x1E900] =	vst v63  }
0xb9: {  	_ =	swait.ge [sflag:s23], $0x100  }
0xba: {  	[sflag:s23] =	ssyncset.done $0x0  }
0xbb: {  	[sflag:s23] =	ssyncadd.s32 $0xFFFFFF00  }
0xbc: {  	[tilespmem:s2], [sflag:$0x2] =	stream.indirect.gather [spmem:s3], $0x40, s29, s28, $0xb8;
	[tilespmem:$0x1E900] =	vst v63  }
0xbd: {  	s11 =	sadd.s32 $0xA6, s11;
	_ =	swait.ge [sflag:s20], $0x2000  }
0xbe: {  	p1 =	slt.s32 s11, s26;
	s14 =	smov.u32 s26;
	[sflag:s20] =	ssyncset.done $0x0  }
0xbf: {  	s14 =	smov.u32 @p1 s11;
	s11 =	simm.s32 $0x1E380;
	[sflag:s20] =	ssyncadd.s32 $0xFFFFE000  }
0xc0: {  	[spmem:s4] =	stream.indirect.scatter.add.f32 [tilespmem:s15], [sflag:$0x8], $0x40, s11, s28, $0xb8;
	[tilespmem:$0x1E900] =	vst v63  }
0xc1: {  	_ =	swait.ge [sflag:s9], $0x2000  }
0xc2: {  	s14 =	sshll.u32 s14, $0x5;
	[sflag:s9] =	ssyncset.done $0x0  }
0xc3: {  	s18 =	sadd.s32 s1, s14;
	s14 =	simm.s32 $0x1E200;
	[sflag:s9] =	ssyncadd.s32 $0xFFFFE000  }
0xc4: {  	[tilespmem:s14], [sflag:$0x9] =	stream.linear.gather [hbm4b:s18+s5], $0x100, $0x38;
	[tilespmem:$0x1E900] =	vst v63  }
.Ltmp2:
0xc5: {  	_ =	swait.ge [sflag:s23], $0x100;
	(pc) =	sbr.rel @p0 .LBB2_6-.Ltmp2, $4  }
0xc6: {  	[sflag:s23] =	ssyncset.done $0x0  }
0xc7: {  	[sflag:s23] =	ssyncadd.s32 $0xFFFFFF00  }
0xc8: {  	[tilespmem:s0], [sflag:$0x3] =	stream.indirect.gather [spmem:s3], $0x40, s14, s28, $0xb8;
	[tilespmem:$0x1E900] =	vst v63  }
0xc9: {  	s18 =	smov.u32 s12;
	_ =	swait.ge [sflag:s6], $0x2000  }
0xca: {  	s8 =	sadd.s32 s25, s13;
	[sflag:s6] =	ssyncset.done $0x0  }
0xcb: {  	s11 =	sadd.s32 $0xA3, s8;
	[sflag:s6] =	ssyncadd.s32 $0xFFFFE000  }
0xcc: {  	s12 =	smov.u32 s26;
	_ =	swait.ge [sflag:s10], $0x2000;
	p0 =	slt.s32 s11, s26  }
0xcd: {  	[sflag:s10] =	ssyncset.done $0x0;
	s12 =	smov.u32 @p0 s11  }
0xce: {  	s18 =	simm.s32 $0x1E080;
	[sflag:s10] =	ssyncadd.s32 $0xFFFFE000;
	s11 =	sshll.u32 s12, $0x5  }
0xcf: {  	[spmem:s4] =	stream.indirect.scatter.add.f32 [tilespmem:s30], [sflag:$0x5], $0x40, s18, s28, $0xb8;
	[tilespmem:$0x1E900] =	vst v63  }
0xd0: {  	s11 =	sadd.s32 s1, s11  }
0xd1: {  	[tilespmem:s21], [sflag:$0x9] =	stream.linear.gather [hbm4b:s11+s5], $0x100, $0x38;
	[tilespmem:$0x1E900] =	vst v63  }
0xd2: {  	_ =	swait.ge [sflag:s23], $0x100  }
0xd3: {  	[sflag:s23] =	ssyncset.done $0x0  }
0xd4: {  	[sflag:s23] =	ssyncadd.s32 $0xFFFFFF00  }
0xd5: {  	[tilespmem:s15], [sflag:$0x4] =	stream.indirect.gather [spmem:s3], $0x40, s21, s28, $0xb8;
	[tilespmem:$0x1E900] =	vst v63  }
0xd6: {  	_ =	swait.ge [sflag:s16], $0x2000  }
0xd7: {  	s25 =	simm.s32 $0x1E180;
	s11 =	sadd.s32 $0xA4, s8;
	[sflag:s16] =	ssyncset.done $0x0  }
0xd8: {  	s12 =	smov.u32 s26;
	p0 =	slt.s32 s11, s26;
	[sflag:s16] =	ssyncadd.s32 $0xFFFFE000  }
0xd9: {  	[spmem:s4] =	stream.indirect.scatter.add.f32 [tilespmem:s2], [sflag:$0x6], $0x40, s25, s28, $0xb8;
	[tilespmem:$0x1E900] =	vst v63  }
0xda: {  	s12 =	smov.u32 @p0 s11;
	_ =	swait.ge [sflag:s7], $0x2000  }
0xdb: {  	s11 =	sshll.u32 s12, $0x5;
	[sflag:s7] =	ssyncset.done $0x0  }
0xdc: {  	s11 =	sadd.s32 s1, s11;
	[sflag:s7] =	ssyncadd.s32 $0xFFFFE000  }
0xdd: {  	[tilespmem:s31], [sflag:$0x9] =	stream.linear.gather [hbm4b:s11+s5], $0x100, $0x38;
	[tilespmem:$0x1E900] =	vst v63  }
0xde: {  	_ =	swait.ge [sflag:s23], $0x100  }
0xdf: {  	[sflag:s23] =	ssyncset.done $0x0  }
0xe0: {  	[sflag:s23] =	ssyncadd.s32 $0xFFFFFF00  }
0xe1: {  	[tilespmem:s30], [sflag:$0x1] =	stream.indirect.gather [spmem:s3], $0x40, s31, s28, $0xb8;
	[tilespmem:$0x1E900] =	vst v63  }
0xe2: {  	_ =	swait.ge [sflag:s17], $0x2000  }
0xe3: {  	s12 =	smov.u32 s26;
	s11 =	sadd.s32 $0xA5, s8;
	[sflag:s17] =	ssyncset.done $0x0  }
0xe4: {  	p0 =	slt.s32 s11, s26;
	s30 =	simm.s32 $0x1E280;
	[sflag:s17] =	ssyncadd.s32 $0xFFFFE000  }
0xe5: {  	[spmem:s4] =	stream.indirect.scatter.add.f32 [tilespmem:s0], [sflag:$0x7], $0x40, s30, s28, $0xb8;
	[tilespmem:$0x1E900] =	vst v63  }
0xe6: {  	s12 =	smov.u32 @p0 s11;
	_ =	swait.ge [sflag:s19], $0x2000  }
0xe7: {  	s11 =	sshll.u32 s12, $0x5;
	[sflag:s19] =	ssyncset.done $0x0  }
0xe8: {  	s11 =	sadd.s32 s1, s11;
	[sflag:s19] =	ssyncadd.s32 $0xFFFFE000  }
0xe9: {  	[tilespmem:s29], [sflag:$0x9] =	stream.linear.gather [hbm4b:s11+s5], $0x100, $0x38;
	[tilespmem:$0x1E900] =	vst v63  }
0xea: {  	_ =	swait.ge [sflag:s23], $0x100  }
0xeb: {  	[sflag:s23] =	ssyncset.done $0x0  }
0xec: {  	[sflag:s23] =	ssyncadd.s32 $0xFFFFFF00  }
0xed: {  	[tilespmem:s2], [sflag:$0x2] =	stream.indirect.gather [spmem:s3], $0x40, s29, s28, $0xb8;
	[tilespmem:$0x1E900] =	vst v63  }
0xee: {  	s8 =	sadd.s32 $0xA6, s8;
	_ =	swait.ge [sflag:s20], $0x2000  }
0xef: {  	p0 =	slt.s32 s8, s26;
	[sflag:s20] =	ssyncset.done $0x0  }
0xf0: {  	s31 =	simm.s32 $0x1E380;
	s11 =	smov.u32 s26;
	[sflag:s20] =	ssyncadd.s32 $0xFFFFE000  }
0xf1: {  	[spmem:s4] =	stream.indirect.scatter.add.f32 [tilespmem:s15], [sflag:$0x8], $0x40, s31, s28, $0xb8;
	[tilespmem:$0x1E900] =	vst v63  }
0xf2: {  	s11 =	smov.u32 @p0 s8;
	_ =	swait.ge [sflag:s9], $0x2000  }
0xf3: {  	s8 =	sshll.u32 s11, $0x5;
	[sflag:s9] =	ssyncset.done $0x0  }
0xf4: {  	s8 =	sadd.s32 s1, s8;
	[sflag:s9] =	ssyncadd.s32 $0xFFFFE000  }
0xf5: {  	[tilespmem:s14], [sflag:$0x9] =	stream.linear.gather [hbm4b:s8+s5], $0x100, $0x38;
	[tilespmem:$0x1E900] =	vst v63  }
0xf6: {  	_ =	swait.ge [sflag:s23], $0x100  }
0xf7: {  	[sflag:s23] =	ssyncset.done $0x0  }
0xf8: {  	[sflag:s23] =	ssyncadd.s32 $0xFFFFFF00  }
0xf9: {  	[tilespmem:s0], [sflag:$0x3] =	stream.indirect.gather [spmem:s3], $0x40, s14, s28, $0xb8;
	[tilespmem:$0x1E900] =	vst v63  }
0xfa: {  	_ =	swait.ge [sflag:s6], $0x2000  }
0xfb: {  	[sflag:s6] =	ssyncset.done $0x0  }
0xfc: {  	[sflag:s6] =	ssyncadd.s32 $0xFFFFE000  }
0xfd: {  	_ =	swait.ge [sflag:s10], $0x2000  }
0xfe: {  	[sflag:s10] =	ssyncset.done $0x0  }
0xff: {  	[sflag:s10] =	ssyncadd.s32 $0xFFFFE000  }
0x100: {  	_ =	swait.ge [sflag:s16], $0x2000  }
0x101: {  	[sflag:s16] =	ssyncset.done $0x0  }
0x102: {  	[sflag:s16] =	ssyncadd.s32 $0xFFFFE000  }
0x103: {  	_ =	swait.ge [sflag:s17], $0x2000  }
0x104: {  	[sflag:s17] =	ssyncset.done $0x0  }
0x105: {  	[sflag:s17] =	ssyncadd.s32 $0xFFFFE000  }
0x106: {  	s25 =	simm.s32 $0x0;
	[bflag:$0x0] =	sbarrier.arrive $0xFFFF  }
0x107: {  	s12 =	simm.s32 $0x0;
	s11 =	simm.s32 $0x14000;
	s13 =	rddreg [dreg:$0x6]  }
.LBB2_8:
0x108: {  	s8 =	sshll.u32 s25, $0x7  }
0x109: {  	s8 =	sadd.s32 s13, s8  }
0x10a: {  	s2 =	sshll.u32 s8, $0x6  }
0x10b: {  	s30 =	sadd.s32 $0x0, s12;
	s0 =	sadd.s32 s2, s4  }
0x10c: {  	[tilespmem:s11], [sflag:$0x9] =	stream.linear.gather [spmem:s0], $0x2000, $0x38;
	[tilespmem:$0x1E900] =	vst v63  }
0x10d: {  	v0 =	vmov s30;
	_ =	swait.ge [sflag:s23], $0x2000  }
0x10e: {  	[sflag:s23] =	ssyncset.done $0x0  }
0x10f: {  	s18 =	simm.s32 $0x14020;
	[sflag:s23] =	ssyncadd.s32 $0xFFFFE000  }
0x110: {  	v2 =	vld [tilespmem:s18+$0xFFFFFFF0]  }
0x111: {  	v3 =	vld [tilespmem:s18+$0x10]  }
0x112: {  	v5 =	vld.idx.msk [tilespmem:v0+s24+$0x0], $0xffff  }
0x113: {  	v0 =	vld [tilespmem:s18+$0xFFFFFFE0]  }
0x114: {  	v6 =	vld [tilespmem:s18+$0x0];
	_ =	sdelay $0x3  }
0x115: {  	s31 =	sadd.s32 $0x1, s12;
	v1 =	vmul.f32 v0, v5;
	v4 =	vmul.f32 v3, v5  }
0x116: {  	s14 =	simm.s32 $0x14020;
	s11 =	simm.s32 $0x2;
	v0 =	vmov s31;
	v3 =	vmul.f32 v2, v5;
	v2 =	vmul.f32 v6, v5  }
.LBB2_9:
0x117: {  	p0 =	sne.s32 s11, $0x7F  }
0x118: {  	[tilespmem:s18+$0x10] =	vst v4;
	s14 =	sadd.s32 $0x40, s14;
	s8 =	smov.u32 s11;
	s11 =	sadd.s32 $0x1, s11  }
0x119: {  	[tilespmem:s18+$0xFFFFFFE0] =	vst v1  }
0x11a: {  	v5 =	vld [tilespmem:s14+$0xFFFFFFF0];
	[tilespmem:s18+$0xFFFFFFF0] =	vst v3  }
0x11b: {  	v3 =	vld [tilespmem:s14+$0x10];
	[tilespmem:s18+$0x0] =	vst v2;
	s18 =	smov.u32 s14  }
0x11c: {  	v2 =	vld.idx.msk [tilespmem:v0+s24+$0x0], $0xffff  }
0x11d: {  	v0 =	vld [tilespmem:s14+$0xFFFFFFE0]  }
0x11e: {  	v6 =	vld [tilespmem:s14+$0x0]  }
.Ltmp3:
0x11f: {  	(pc) =	sbr.rel @p0 .LBB2_9-.Ltmp3, $3  }
0x120: {  	_ =	sdelay $0x1  }
0x121: {  	s8 =	sadd.s32 s8, s12;
	v4 =	vmul.f32 v3, v2;
	v1 =	vmul.f32 v0, v2  }
0x122: {  	v3 =	vmul.f32 v5, v2;
	v0 =	vmov s8;
	v2 =	vmul.f32 v6, v2  }
0x123: {  	[tilespmem:s18+$0x10] =	vst v4  }
0x124: {  	s8 =	sadd.s32 $0x40, s14;
	[tilespmem:s18+$0xFFFFFFE0] =	vst v1  }
0x125: {  	v1 =	vld [tilespmem:s8+$0xFFFFFFF0];
	[tilespmem:s18+$0xFFFFFFF0] =	vst v3  }
0x126: {  	v3 =	vld [tilespmem:s8+$0x10];
	[tilespmem:s18+$0x0] =	vst v2  }
0x127: {  	v0 =	vld.idx.msk [tilespmem:v0+s24+$0x0], $0xffff  }
0x128: {  	v2 =	vld [tilespmem:s8+$0xFFFFFFE0];
	_ =	sdelay $0x1  }
0x129: {  	v4 =	vld [tilespmem:s8+$0x0];
	_ =	sdelay $0x1  }
0x12a: {  	v3 =	vmul.f32 v3, v0  }
0x12b: {  	v2 =	vmul.f32 v2, v0  }
0x12c: {  	s11 =	rddreg [dreg:$0xa];
	v1 =	vmul.f32 v1, v0;
	[tilespmem:s8+$0x10] =	vst v3  }
0x12d: {  	s11 =	sadd.s32 s11, s2;
	v0 =	vmul.f32 v4, v0;
	[tilespmem:s8+$0xFFFFFFE0] =	vst v2  }
0x12e: {  	s30 =	rddreg [dreg:$0x8];
	s11 =	sshrl.u32 s11, $0x3;
	[tilespmem:s8+$0xFFFFFFF0] =	vst v1  }
0x12f: {  	[tilespmem:s8+$0x0] =	vst v0;
	s8 =	sadd.s32 s30, s11;
	s11 =	simm.s32 $0x14000  }
0x130: {  	[hbm4b:s8+s5] =	stream.linear.scatter [tilespmem:s11], [sflag:$0x9], $0x2000, $0x38;
	[tilespmem:$0x1E900] =	vst v63  }
0x131: {  	_ =	swait.ge [sflag:s23], $0x2000  }
0x132: {  	[sflag:s23] =	ssyncset.done $0x0  }
0x133: {  	s31 =	sadd.s32 s2, s3;
	[sflag:s23] =	ssyncadd.s32 $0xFFFFE000  }
0x134: {  	[spmem:s31] =	stream.linear.scatter [tilespmem:s11], [sflag:$0x9], $0x2000, $0x38;
	[tilespmem:$0x1E900] =	vst v63  }
0x135: {  	s25 =	sadd.s32 $0x1, s25;
	_ =	swait.ge [sflag:s23], $0x2000  }
0x136: {  	p0 =	sne.s32 s25, $0x5;
	[sflag:s23] =	ssyncset.done $0x0  }
.Ltmp4:
0x137: {  	[sflag:s23] =	ssyncadd.s32 $0xFFFFE000;
	(pc) =	sbr.rel @p0 .LBB2_8-.Ltmp4, $4  }
0x138: {  	[spmem:s0] =	stream.linear.scatter [tilespmem:s11], [sflag:$0x9], $0x2000, $0x38;
	[tilespmem:$0x1E900] =	vst v63  }
0x139: {  	_ =	swait.ge [sflag:s23], $0x2000  }
0x13a: {  	[sflag:s23] =	ssyncset.done $0x0  }
0x13b: {  	s12 =	sadd.s32 $0x80, s12;
	[sflag:s23] =	ssyncadd.s32 $0xFFFFE000  }
0x13c: {  	[bflag:$0x0] =	sbarrier.arrive $0xFFFF  }
0x13d: {  	s31 =	simm.s32 $0x1E000;
	s8 =	rddreg [dreg:$0xc]  }
0x13e: {  	[tilespmem:s31], [sflag:$0x9] =	stream.linear.gather [hbm4b:s8+s5], $0x100, $0x38;
	[tilespmem:$0x1E900] =	vst v63  }
0x13f: {  	_ =	swait.ge [sflag:s23], $0x100  }
0x140: {  	[sflag:s23] =	ssyncset.done $0x0  }
0x141: {  	s30 =	simm.s32 $0x16000;
	[sflag:s23] =	ssyncadd.s32 $0xFFFFFF00  }
0x142: {  	[tilespmem:s30], [sflag:$0x1] =	stream.indirect.gather [spmem:s3], $0x40, s31, s28, $0xb8;
	[tilespmem:$0x1E900] =	vst v63  }
0x143: {  	s29 =	simm.s32 $0x1E100;
	s12 =	rddreg [dreg:$0xd]  }
0x144: {  	[tilespmem:s29], [sflag:$0x9] =	stream.linear.gather [hbm4b:s12+s5], $0x100, $0x38;
	[tilespmem:$0x1E900] =	vst v63  }
0x145: {  	_ =	swait.ge [sflag:s23], $0x100  }
0x146: {  	[sflag:s23] =	ssyncset.done $0x0  }
0x147: {  	s2 =	simm.s32 $0x18000;
	[sflag:s23] =	ssyncadd.s32 $0xFFFFFF00  }
0x148: {  	[tilespmem:s2], [sflag:$0x2] =	stream.indirect.gather [spmem:s3], $0x40, s29, s28, $0xb8;
	[tilespmem:$0x1E900] =	vst v63  }
0x149: {  	s14 =	simm.s32 $0x1E200;
	s13 =	rddreg [dreg:$0xe]  }
0x14a: {  	[tilespmem:s14], [sflag:$0x9] =	stream.linear.gather [hbm4b:s13+s5], $0x100, $0x38;
	[tilespmem:$0x1E900] =	vst v63  }
0x14b: {  	_ =	swait.ge [sflag:s23], $0x100  }
0x14c: {  	[sflag:s23] =	ssyncset.done $0x0;
	s13 =	rddreg [dreg:$0x5]  }
0x14d: {  	s0 =	simm.s32 $0x1A000;
	[sflag:s23] =	ssyncadd.s32 $0xFFFFFF00;
	s8 =	sadd.s32 $0xFFFFFF60, s13  }
0x14e: {  	[tilespmem:s0], [sflag:$0x3] =	stream.indirect.gather [spmem:s3], $0x40, s14, s28, $0xb8;
	[tilespmem:$0x1E900] =	vst v63  }
0x14f: {  	s11 =	sadd.s32 $0xA3, s8  }
0x150: {  	s12 =	smov.u32 s26;
	_ =	swait.ge [sflag:s10], $0x2000;
	p0 =	slt.s32 s11, s26  }
0x151: {  	[sflag:s10] =	ssyncset.done $0x0;
	s12 =	smov.u32 @p0 s11  }
0x152: {  	s18 =	simm.s32 $0x1E080;
	[sflag:s10] =	ssyncadd.s32 $0xFFFFE000;
	s11 =	sshll.u32 s12, $0x5  }
0x153: {  	[spmem:s4] =	stream.indirect.scatter.add.f32 [tilespmem:s30], [sflag:$0x5], $0x40, s18, s28, $0xb8;
	[tilespmem:$0x1E900] =	vst v63  }
0x154: {  	s11 =	sadd.s32 s1, s11  }
0x155: {  	[tilespmem:s21], [sflag:$0x9] =	stream.linear.gather [hbm4b:s11+s5], $0x100, $0x38;
	[tilespmem:$0x1E900] =	vst v63  }
0x156: {  	_ =	swait.ge [sflag:s23], $0x100  }
0x157: {  	[sflag:s23] =	ssyncset.done $0x0  }
0x158: {  	[sflag:s23] =	ssyncadd.s32 $0xFFFFFF00  }
0x159: {  	[tilespmem:s15], [sflag:$0x4] =	stream.indirect.gather [spmem:s3], $0x40, s21, s28, $0xb8;
	[tilespmem:$0x1E900] =	vst v63  }
0x15a: {  	_ =	swait.ge [sflag:s16], $0x2000  }
0x15b: {  	s12 =	smov.u32 s26;
	s11 =	sadd.s32 $0xA4, s8;
	[sflag:s16] =	ssyncset.done $0x0  }
0x15c: {  	s18 =	simm.s32 $0x1E180;
	p0 =	slt.s32 s11, s26;
	[sflag:s16] =	ssyncadd.s32 $0xFFFFE000  }
0x15d: {  	[spmem:s4] =	stream.indirect.scatter.add.f32 [tilespmem:s2], [sflag:$0x6], $0x40, s18, s28, $0xb8;
	[tilespmem:$0x1E900] =	vst v63  }
0x15e: {  	s12 =	smov.u32 @p0 s11;
	_ =	swait.ge [sflag:s7], $0x2000  }
0x15f: {  	s11 =	sshll.u32 s12, $0x5;
	[sflag:s7] =	ssyncset.done $0x0  }
0x160: {  	s11 =	sadd.s32 s1, s11;
	[sflag:s7] =	ssyncadd.s32 $0xFFFFE000  }
0x161: {  	[tilespmem:s31], [sflag:$0x9] =	stream.linear.gather [hbm4b:s11+s5], $0x100, $0x38;
	[tilespmem:$0x1E900] =	vst v63  }
0x162: {  	_ =	swait.ge [sflag:s23], $0x100  }
0x163: {  	[sflag:s23] =	ssyncset.done $0x0  }
0x164: {  	[sflag:s23] =	ssyncadd.s32 $0xFFFFFF00  }
0x165: {  	[tilespmem:s30], [sflag:$0x1] =	stream.indirect.gather [spmem:s3], $0x40, s31, s28, $0xb8;
	[tilespmem:$0x1E900] =	vst v63  }
0x166: {  	_ =	swait.ge [sflag:s17], $0x2000  }
0x167: {  	s25 =	simm.s32 $0x1E280;
	s11 =	sadd.s32 $0xA5, s8;
	[sflag:s17] =	ssyncset.done $0x0  }
0x168: {  	s12 =	smov.u32 s26;
	p0 =	slt.s32 s11, s26;
	[sflag:s17] =	ssyncadd.s32 $0xFFFFE000  }
0x169: {  	[spmem:s4] =	stream.indirect.scatter.add.f32 [tilespmem:s0], [sflag:$0x7], $0x40, s25, s28, $0xb8;
	[tilespmem:$0x1E900] =	vst v63  }
0x16a: {  	s12 =	smov.u32 @p0 s11;
	_ =	swait.ge [sflag:s19], $0x2000  }
0x16b: {  	s11 =	sshll.u32 s12, $0x5;
	[sflag:s19] =	ssyncset.done $0x0  }
0x16c: {  	s11 =	sadd.s32 s1, s11;
	[sflag:s19] =	ssyncadd.s32 $0xFFFFE000  }
0x16d: {  	[tilespmem:s29], [sflag:$0x9] =	stream.linear.gather [hbm4b:s11+s5], $0x100, $0x38;
	[tilespmem:$0x1E900] =	vst v63  }
0x16e: {  	_ =	swait.ge [sflag:s23], $0x100  }
0x16f: {  	[sflag:s23] =	ssyncset.done $0x0  }
0x170: {  	[sflag:s23] =	ssyncadd.s32 $0xFFFFFF00  }
0x171: {  	[tilespmem:s2], [sflag:$0x2] =	stream.indirect.gather [spmem:s3], $0x40, s29, s28, $0xb8;
	[tilespmem:$0x1E900] =	vst v63  }
0x172: {  	s8 =	sadd.s32 $0xA6, s8;
	_ =	swait.ge [sflag:s20], $0x2000  }
0x173: {  	p0 =	slt.s32 s8, s26;
	[sflag:s20] =	ssyncset.done $0x0  }
0x174: {  	s25 =	simm.s32 $0x1E380;
	s11 =	smov.u32 s26;
	[sflag:s20] =	ssyncadd.s32 $0xFFFFE000  }
0x175: {  	[spmem:s4] =	stream.indirect.scatter.add.f32 [tilespmem:s15], [sflag:$0x8], $0x40, s25, s28, $0xb8;
	[tilespmem:$0x1E900] =	vst v63  }
0x176: {  	s11 =	smov.u32 @p0 s8;
	_ =	swait.ge [sflag:s9], $0x2000  }
0x177: {  	s8 =	sshll.u32 s11, $0x5;
	[sflag:s9] =	ssyncset.done $0x0  }
0x178: {  	s8 =	sadd.s32 s1, s8;
	[sflag:s9] =	ssyncadd.s32 $0xFFFFE000  }
0x179: {  	[tilespmem:s14], [sflag:$0x9] =	stream.linear.gather [hbm4b:s8+s5], $0x100, $0x38;
	[tilespmem:$0x1E900] =	vst v63  }
0x17a: {  	_ =	swait.ge [sflag:s23], $0x100  }
0x17b: {  	[sflag:s23] =	ssyncset.done $0x0  }
0x17c: {  	[sflag:s23] =	ssyncadd.s32 $0xFFFFFF00  }
0x17d: {  	[tilespmem:s0], [sflag:$0x3] =	stream.indirect.gather [spmem:s3], $0x40, s14, s28, $0xb8;
	[tilespmem:$0x1E900] =	vst v63  }
0x17e: {  	s18 =	simm.s32 $0xFFFFFF68;
	s25 =	simm.s32 $0xFFFFFF64;
	_ =	swait.ge [sflag:s6], $0x2000  }
.LBB2_12:
0x17f: {  	s8 =	sadd.s32 s25, s13;
	[sflag:s6] =	ssyncset.done $0x0  }
0x180: {  	s14 =	smov.u32 s26;
	s11 =	sadd.s32 $0xA3, s8;
	[sflag:s6] =	ssyncadd.s32 $0xFFFFE000  }
0x181: {  	s13 =	sadd.s32 $0xA4, s8;
	_ =	swait.ge [sflag:s10], $0x2000;
	p0 =	slt.s32 s11, s26  }
0x182: {  	p1 =	slt.s32 s13, s26;
	s14 =	smov.u32 @p0 s11;
	s11 =	smov.u32 s26  }
0x183: {  	[sflag:s10] =	ssyncset.done $0x0;
	s11 =	smov.u32 @p1 s13  }
0x184: {  	[sflag:s10] =	ssyncadd.s32 $0xFFFFE000;
	s13 =	sshll.u32 s14, $0x5;
	s14 =	simm.s32 $0x1E080  }
0x185: {  	[spmem:s4] =	stream.indirect.scatter.add.f32 [tilespmem:s30], [sflag:$0x5], $0x40, s14, s28, $0xb8;
	[tilespmem:$0x1E900] =	vst v63  }
0x186: {  	s14 =	sadd.s32 $0xA5, s8  }
0x187: {  	s13 =	sadd.s32 s1, s13;
	s8 =	sadd.s32 $0xA6, s8;
	p0 =	slt.s32 s14, s26  }
0x188: {  	[tilespmem:s21], [sflag:$0x9] =	stream.linear.gather [hbm4b:s13+s5], $0x100, $0x38;
	[tilespmem:$0x1E900] =	vst v63  }
0x189: {  	p1 =	slt.s32 s8, s26;
	s13 =	smov.u32 s26;
	_ =	swait.ge [sflag:s23], $0x100  }
0x18a: {  	s13 =	smov.u32 @p0 s14;
	s14 =	smov.u32 s26;
	[sflag:s23] =	ssyncset.done $0x0  }
0x18b: {  	s14 =	smov.u32 @p1 s8;
	[sflag:s23] =	ssyncadd.s32 $0xFFFFFF00  }
0x18c: {  	[tilespmem:s15], [sflag:$0x4] =	stream.indirect.gather [spmem:s3], $0x40, s21, s28, $0xb8;
	[tilespmem:$0x1E900] =	vst v63  }
0x18d: {  	s8 =	sshll.u32 s13, $0x5;
	s13 =	rddreg [dreg:$0x5];
	_ =	swait.ge [sflag:s16], $0x2000  }
0x18e: {  	s25 =	smov.u32 s18;
	s12 =	sadd.s32 $0x4, s18;
	[sflag:s16] =	ssyncset.done $0x0  }
0x18f: {  	p0 =	sne.s32 s18, $0xFFFFFFFC;
	s18 =	simm.s32 $0x1E180;
	[sflag:s16] =	ssyncadd.s32 $0xFFFFE000  }
0x190: {  	[spmem:s4] =	stream.indirect.scatter.add.f32 [tilespmem:s2], [sflag:$0x6], $0x40, s18, s28, $0xb8;
	[tilespmem:$0x1E900] =	vst v63  }
0x191: {  	_ =	swait.ge [sflag:s7], $0x2000  }
0x192: {  	s11 =	sshll.u32 s11, $0x5;
	[sflag:s7] =	ssyncset.done $0x0  }
0x193: {  	s11 =	sadd.s32 s1, s11;
	[sflag:s7] =	ssyncadd.s32 $0xFFFFE000  }
0x194: {  	[tilespmem:s31], [sflag:$0x9] =	stream.linear.gather [hbm4b:s11+s5], $0x100, $0x38;
	[tilespmem:$0x1E900] =	vst v63  }
0x195: {  	_ =	swait.ge [sflag:s23], $0x100  }
0x196: {  	[sflag:s23] =	ssyncset.done $0x0  }
0x197: {  	[sflag:s23] =	ssyncadd.s32 $0xFFFFFF00  }
0x198: {  	[tilespmem:s30], [sflag:$0x1] =	stream.indirect.gather [spmem:s3], $0x40, s31, s28, $0xb8;
	[tilespmem:$0x1E900] =	vst v63  }
0x199: {  	_ =	swait.ge [sflag:s17], $0x2000  }
0x19a: {  	[sflag:s17] =	ssyncset.done $0x0  }
0x19b: {  	s18 =	simm.s32 $0x1E280;
	[sflag:s17] =	ssyncadd.s32 $0xFFFFE000  }
0x19c: {  	[spmem:s4] =	stream.indirect.scatter.add.f32 [tilespmem:s0], [sflag:$0x7], $0x40, s18, s28, $0xb8;
	[tilespmem:$0x1E900] =	vst v63  }
0x19d: {  	_ =	swait.ge [sflag:s19], $0x2000  }
0x19e: {  	[sflag:s19] =	ssyncset.done $0x0  }
0x19f: {  	s8 =	sadd.s32 s1, s8;
	[sflag:s19] =	ssyncadd.s32 $0xFFFFE000  }
0x1a0: {  	[tilespmem:s29], [sflag:$0x9] =	stream.linear.gather [hbm4b:s8+s5], $0x100, $0x38;
	[tilespmem:$0x1E900] =	vst v63  }
0x1a1: {  	_ =	swait.ge [sflag:s23], $0x100  }
0x1a2: {  	[sflag:s23] =	ssyncset.done $0x0  }
0x1a3: {  	[sflag:s23] =	ssyncadd.s32 $0xFFFFFF00  }
0x1a4: {  	[tilespmem:s2], [sflag:$0x2] =	stream.indirect.gather [spmem:s3], $0x40, s29, s28, $0xb8;
	[tilespmem:$0x1E900] =	vst v63  }
0x1a5: {  	_ =	swait.ge [sflag:s20], $0x2000  }
0x1a6: {  	[sflag:s20] =	ssyncset.done $0x0  }
0x1a7: {  	s11 =	simm.s32 $0x1E380;
	[sflag:s20] =	ssyncadd.s32 $0xFFFFE000  }
0x1a8: {  	[spmem:s4] =	stream.indirect.scatter.add.f32 [tilespmem:s15], [sflag:$0x8], $0x40, s11, s28, $0xb8;
	[tilespmem:$0x1E900] =	vst v63  }
0x1a9: {  	_ =	swait.ge [sflag:s9], $0x2000  }
0x1aa: {  	s14 =	sshll.u32 s14, $0x5;
	[sflag:s9] =	ssyncset.done $0x0  }
0x1ab: {  	s18 =	sadd.s32 s1, s14;
	s14 =	simm.s32 $0x1E200;
	[sflag:s9] =	ssyncadd.s32 $0xFFFFE000  }
0x1ac: {  	[tilespmem:s14], [sflag:$0x9] =	stream.linear.gather [hbm4b:s18+s5], $0x100, $0x38;
	[tilespmem:$0x1E900] =	vst v63  }
.Ltmp5:
0x1ad: {  	_ =	swait.ge [sflag:s23], $0x100;
	(pc) =	sbr.rel @p0 .LBB2_12-.Ltmp5, $4  }
0x1ae: {  	[sflag:s23] =	ssyncset.done $0x0  }
0x1af: {  	[sflag:s23] =	ssyncadd.s32 $0xFFFFFF00  }
0x1b0: {  	[tilespmem:s0], [sflag:$0x3] =	stream.indirect.gather [spmem:s3], $0x40, s14, s28, $0xb8;
	[tilespmem:$0x1E900] =	vst v63  }
0x1b1: {  	s18 =	smov.u32 s12;
	_ =	swait.ge [sflag:s6], $0x2000  }
0x1b2: {  	s8 =	sadd.s32 s25, s13;
	[sflag:s6] =	ssyncset.done $0x0  }
0x1b3: {  	s11 =	sadd.s32 $0xA3, s8;
	[sflag:s6] =	ssyncadd.s32 $0xFFFFE000  }
0x1b4: {  	s12 =	smov.u32 s26;
	_ =	swait.ge [sflag:s10], $0x2000;
	p0 =	slt.s32 s11, s26  }
0x1b5: {  	[sflag:s10] =	ssyncset.done $0x0;
	s12 =	smov.u32 @p0 s11  }
0x1b6: {  	s18 =	simm.s32 $0x1E080;
	[sflag:s10] =	ssyncadd.s32 $0xFFFFE000;
	s11 =	sshll.u32 s12, $0x5  }
0x1b7: {  	[spmem:s4] =	stream.indirect.scatter.add.f32 [tilespmem:s30], [sflag:$0x5], $0x40, s18, s28, $0xb8;
	[tilespmem:$0x1E900] =	vst v63  }
0x1b8: {  	s11 =	sadd.s32 s1, s11  }
0x1b9: {  	[tilespmem:s21], [sflag:$0x9] =	stream.linear.gather [hbm4b:s11+s5], $0x100, $0x38;
	[tilespmem:$0x1E900] =	vst v63  }
0x1ba: {  	_ =	swait.ge [sflag:s23], $0x100  }
0x1bb: {  	[sflag:s23] =	ssyncset.done $0x0  }
0x1bc: {  	[sflag:s23] =	ssyncadd.s32 $0xFFFFFF00  }
0x1bd: {  	[tilespmem:s15], [sflag:$0x4] =	stream.indirect.gather [spmem:s3], $0x40, s21, s28, $0xb8;
	[tilespmem:$0x1E900] =	vst v63  }
0x1be: {  	_ =	swait.ge [sflag:s16], $0x2000  }
0x1bf: {  	s25 =	simm.s32 $0x1E180;
	s11 =	sadd.s32 $0xA4, s8;
	[sflag:s16] =	ssyncset.done $0x0  }
0x1c0: {  	s12 =	smov.u32 s26;
	p0 =	slt.s32 s11, s26;
	[sflag:s16] =	ssyncadd.s32 $0xFFFFE000  }
0x1c1: {  	[spmem:s4] =	stream.indirect.scatter.add.f32 [tilespmem:s2], [sflag:$0x6], $0x40, s25, s28, $0xb8;
	[tilespmem:$0x1E900] =	vst v63  }
0x1c2: {  	s12 =	smov.u32 @p0 s11;
	_ =	swait.ge [sflag:s7], $0x2000  }
0x1c3: {  	s11 =	sshll.u32 s12, $0x5;
	[sflag:s7] =	ssyncset.done $0x0  }
0x1c4: {  	s11 =	sadd.s32 s1, s11;
	[sflag:s7] =	ssyncadd.s32 $0xFFFFE000  }
0x1c5: {  	[tilespmem:s31], [sflag:$0x9] =	stream.linear.gather [hbm4b:s11+s5], $0x100, $0x38;
	[tilespmem:$0x1E900] =	vst v63  }
0x1c6: {  	_ =	swait.ge [sflag:s23], $0x100  }
0x1c7: {  	[sflag:s23] =	ssyncset.done $0x0  }
0x1c8: {  	[sflag:s23] =	ssyncadd.s32 $0xFFFFFF00  }
0x1c9: {  	[tilespmem:s30], [sflag:$0x1] =	stream.indirect.gather [spmem:s3], $0x40, s31, s28, $0xb8;
	[tilespmem:$0x1E900] =	vst v63  }
0x1ca: {  	_ =	swait.ge [sflag:s17], $0x2000  }
0x1cb: {  	s12 =	smov.u32 s26;
	s11 =	sadd.s32 $0xA5, s8;
	[sflag:s17] =	ssyncset.done $0x0  }
0x1cc: {  	p0 =	slt.s32 s11, s26;
	s30 =	simm.s32 $0x1E280;
	[sflag:s17] =	ssyncadd.s32 $0xFFFFE000  }
0x1cd: {  	[spmem:s4] =	stream.indirect.scatter.add.f32 [tilespmem:s0], [sflag:$0x7], $0x40, s30, s28, $0xb8;
	[tilespmem:$0x1E900] =	vst v63  }
0x1ce: {  	s12 =	smov.u32 @p0 s11;
	_ =	swait.ge [sflag:s19], $0x2000  }
0x1cf: {  	s11 =	sshll.u32 s12, $0x5;
	[sflag:s19] =	ssyncset.done $0x0  }
0x1d0: {  	s11 =	sadd.s32 s1, s11;
	[sflag:s19] =	ssyncadd.s32 $0xFFFFE000  }
0x1d1: {  	[tilespmem:s29], [sflag:$0x9] =	stream.linear.gather [hbm4b:s11+s5], $0x100, $0x38;
	[tilespmem:$0x1E900] =	vst v63  }
0x1d2: {  	_ =	swait.ge [sflag:s23], $0x100  }
0x1d3: {  	[sflag:s23] =	ssyncset.done $0x0  }
0x1d4: {  	[sflag:s23] =	ssyncadd.s32 $0xFFFFFF00  }
0x1d5: {  	[tilespmem:s2], [sflag:$0x2] =	stream.indirect.gather [spmem:s3], $0x40, s29, s28, $0xb8;
	[tilespmem:$0x1E900] =	vst v63  }
0x1d6: {  	s8 =	sadd.s32 $0xA6, s8;
	_ =	swait.ge [sflag:s20], $0x2000  }
0x1d7: {  	p0 =	slt.s32 s8, s26;
	[sflag:s20] =	ssyncset.done $0x0  }
0x1d8: {  	s31 =	simm.s32 $0x1E380;
	s11 =	smov.u32 s26;
	[sflag:s20] =	ssyncadd.s32 $0xFFFFE000  }
0x1d9: {  	[spmem:s4] =	stream.indirect.scatter.add.f32 [tilespmem:s15], [sflag:$0x8], $0x40, s31, s28, $0xb8;
	[tilespmem:$0x1E900] =	vst v63  }
0x1da: {  	s11 =	smov.u32 @p0 s8;
	_ =	swait.ge [sflag:s9], $0x2000  }
0x1db: {  	s8 =	sshll.u32 s11, $0x5;
	[sflag:s9] =	ssyncset.done $0x0  }
0x1dc: {  	s8 =	sadd.s32 s1, s8;
	[sflag:s9] =	ssyncadd.s32 $0xFFFFE000  }
0x1dd: {  	[tilespmem:s14], [sflag:$0x9] =	stream.linear.gather [hbm4b:s8+s5], $0x100, $0x38;
	[tilespmem:$0x1E900] =	vst v63  }
0x1de: {  	_ =	swait.ge [sflag:s23], $0x100  }
0x1df: {  	[sflag:s23] =	ssyncset.done $0x0  }
0x1e0: {  	[sflag:s23] =	ssyncadd.s32 $0xFFFFFF00  }
0x1e1: {  	[tilespmem:s0], [sflag:$0x3] =	stream.indirect.gather [spmem:s3], $0x40, s14, s28, $0xb8;
	[tilespmem:$0x1E900] =	vst v63  }
0x1e2: {  	_ =	swait.ge [sflag:s6], $0x2000  }
0x1e3: {  	[sflag:s6] =	ssyncset.done $0x0  }
0x1e4: {  	[sflag:s6] =	ssyncadd.s32 $0xFFFFE000  }
0x1e5: {  	_ =	swait.ge [sflag:s10], $0x2000  }
0x1e6: {  	[sflag:s10] =	ssyncset.done $0x0  }
0x1e7: {  	[sflag:s10] =	ssyncadd.s32 $0xFFFFE000  }
0x1e8: {  	_ =	swait.ge [sflag:s16], $0x2000  }
0x1e9: {  	[sflag:s16] =	ssyncset.done $0x0  }
0x1ea: {  	[sflag:s16] =	ssyncadd.s32 $0xFFFFE000  }
0x1eb: {  	_ =	swait.ge [sflag:s17], $0x2000  }
0x1ec: {  	[sflag:s17] =	ssyncset.done $0x0  }
0x1ed: {  	[sflag:s17] =	ssyncadd.s32 $0xFFFFE000  }
0x1ee: {  	s25 =	simm.s32 $0x0;
	[bflag:$0x0] =	sbarrier.arrive $0xFFFF  }
0x1ef: {  	s12 =	simm.s32 $0x0;
	s11 =	simm.s32 $0x14000;
	s13 =	rddreg [dreg:$0x6]  }
.LBB2_14:
0x1f0: {  	s8 =	sshll.u32 s25, $0x7  }
0x1f1: {  	s8 =	sadd.s32 s13, s8  }
0x1f2: {  	s2 =	sshll.u32 s8, $0x6  }
0x1f3: {  	s30 =	sadd.s32 $0x0, s12;
	s0 =	sadd.s32 s2, s4  }
0x1f4: {  	[tilespmem:s11], [sflag:$0x9] =	stream.linear.gather [spmem:s0], $0x2000, $0x38;
	[tilespmem:$0x1E900] =	vst v63  }
0x1f5: {  	v0 =	vmov s30;
	_ =	swait.ge [sflag:s23], $0x2000  }
0x1f6: {  	[sflag:s23] =	ssyncset.done $0x0  }
0x1f7: {  	s18 =	simm.s32 $0x14020;
	[sflag:s23] =	ssyncadd.s32 $0xFFFFE000  }
0x1f8: {  	v2 =	vld [tilespmem:s18+$0xFFFFFFF0]  }
0x1f9: {  	v3 =	vld [tilespmem:s18+$0x10]  }
0x1fa: {  	v5 =	vld.idx.msk [tilespmem:v0+s24+$0x0], $0xffff  }
0x1fb: {  	v0 =	vld [tilespmem:s18+$0xFFFFFFE0]  }
0x1fc: {  	v6 =	vld [tilespmem:s18+$0x0];
	_ =	sdelay $0x3  }
0x1fd: {  	s31 =	sadd.s32 $0x1, s12;
	v1 =	vmul.f32 v0, v5;
	v4 =	vmul.f32 v3, v5  }
0x1fe: {  	s14 =	simm.s32 $0x14020;
	s11 =	simm.s32 $0x2;
	v0 =	vmov s31;
	v3 =	vmul.f32 v2, v5;
	v2 =	vmul.f32 v6, v5  }
.LBB2_15:
0x1ff: {  	p0 =	sne.s32 s11, $0x7F  }
0x200: {  	[tilespmem:s18+$0x10] =	vst v4;
	s14 =	sadd.s32 $0x40, s14;
	s8 =	smov.u32 s11;
	s11 =	sadd.s32 $0x1, s11  }
0x201: {  	[tilespmem:s18+$0xFFFFFFE0] =	vst v1  }
0x202: {  	v5 =	vld [tilespmem:s14+$0xFFFFFFF0];
	[tilespmem:s18+$0xFFFFFFF0] =	vst v3  }
0x203: {  	v3 =	vld [tilespmem:s14+$0x10];
	[tilespmem:s18+$0x0] =	vst v2;
	s18 =	smov.u32 s14  }
0x204: {  	v2 =	vld.idx.msk [tilespmem:v0+s24+$0x0], $0xffff  }
0x205: {  	v0 =	vld [tilespmem:s14+$0xFFFFFFE0]  }
0x206: {  	v6 =	vld [tilespmem:s14+$0x0]  }
.Ltmp6:
0x207: {  	(pc) =	sbr.rel @p0 .LBB2_15-.Ltmp6, $3  }
0x208: {  	_ =	sdelay $0x1  }
0x209: {  	s8 =	sadd.s32 s8, s12;
	v4 =	vmul.f32 v3, v2;
	v1 =	vmul.f32 v0, v2  }
0x20a: {  	v3 =	vmul.f32 v5, v2;
	v0 =	vmov s8;
	v2 =	vmul.f32 v6, v2  }
0x20b: {  	[tilespmem:s18+$0x10] =	vst v4  }
0x20c: {  	s8 =	sadd.s32 $0x40, s14;
	[tilespmem:s18+$0xFFFFFFE0] =	vst v1  }
0x20d: {  	v1 =	vld [tilespmem:s8+$0xFFFFFFF0];
	[tilespmem:s18+$0xFFFFFFF0] =	vst v3  }
0x20e: {  	v3 =	vld [tilespmem:s8+$0x10];
	[tilespmem:s18+$0x0] =	vst v2  }
0x20f: {  	v0 =	vld.idx.msk [tilespmem:v0+s24+$0x0], $0xffff  }
0x210: {  	v2 =	vld [tilespmem:s8+$0xFFFFFFE0];
	_ =	sdelay $0x1  }
0x211: {  	v4 =	vld [tilespmem:s8+$0x0];
	_ =	sdelay $0x1  }
0x212: {  	v3 =	vmul.f32 v3, v0  }
0x213: {  	v2 =	vmul.f32 v2, v0  }
0x214: {  	s11 =	rddreg [dreg:$0xf];
	v1 =	vmul.f32 v1, v0;
	[tilespmem:s8+$0x10] =	vst v3  }
0x215: {  	s11 =	sadd.s32 s2, s11;
	v0 =	vmul.f32 v4, v0;
	[tilespmem:s8+$0xFFFFFFE0] =	vst v2  }
0x216: {  	s30 =	rddreg [dreg:$0x8];
	s11 =	sshrl.u32 s11, $0x3;
	[tilespmem:s8+$0xFFFFFFF0] =	vst v1  }
0x217: {  	[tilespmem:s8+$0x0] =	vst v0;
	s8 =	sadd.s32 s30, s11;
	s11 =	simm.s32 $0x14000  }
0x218: {  	[hbm4b:s8+s5] =	stream.linear.scatter [tilespmem:s11], [sflag:$0x9], $0x2000, $0x38;
	[tilespmem:$0x1E900] =	vst v63  }
0x219: {  	_ =	swait.ge [sflag:s23], $0x2000  }
0x21a: {  	[sflag:s23] =	ssyncset.done $0x0  }
0x21b: {  	s31 =	sadd.s32 s2, s3;
	[sflag:s23] =	ssyncadd.s32 $0xFFFFE000  }
0x21c: {  	[spmem:s31] =	stream.linear.scatter [tilespmem:s11], [sflag:$0x9], $0x2000, $0x38;
	[tilespmem:$0x1E900] =	vst v63  }
0x21d: {  	s25 =	sadd.s32 $0x1, s25;
	_ =	swait.ge [sflag:s23], $0x2000  }
0x21e: {  	p0 =	sne.s32 s25, $0x5;
	[sflag:s23] =	ssyncset.done $0x0  }
.Ltmp7:
0x21f: {  	[sflag:s23] =	ssyncadd.s32 $0xFFFFE000;
	(pc) =	sbr.rel @p0 .LBB2_14-.Ltmp7, $4  }
0x220: {  	[spmem:s0] =	stream.linear.scatter [tilespmem:s11], [sflag:$0x9], $0x2000, $0x38;
	[tilespmem:$0x1E900] =	vst v63  }
0x221: {  	_ =	swait.ge [sflag:s23], $0x2000  }
0x222: {  	[sflag:s23] =	ssyncset.done $0x0  }
0x223: {  	s12 =	sadd.s32 $0x80, s12;
	[sflag:s23] =	ssyncadd.s32 $0xFFFFE000  }
0x224: {  	[bflag:$0x0] =	sbarrier.arrive $0xFFFF  }
0x225: {  	s31 =	simm.s32 $0x1E000;
	s8 =	rddreg [dreg:$0xc]  }
0x226: {  	[tilespmem:s31], [sflag:$0x9] =	stream.linear.gather [hbm4b:s8+s5], $0x100, $0x38;
	[tilespmem:$0x1E900] =	vst v63  }
0x227: {  	_ =	swait.ge [sflag:s23], $0x100  }
0x228: {  	[sflag:s23] =	ssyncset.done $0x0  }
0x229: {  	s30 =	simm.s32 $0x16000;
	[sflag:s23] =	ssyncadd.s32 $0xFFFFFF00  }
0x22a: {  	[tilespmem:s30], [sflag:$0x1] =	stream.indirect.gather [spmem:s3], $0x40, s31, s28, $0xb8;
	[tilespmem:$0x1E900] =	vst v63  }
0x22b: {  	s29 =	simm.s32 $0x1E100;
	s12 =	rddreg [dreg:$0xd]  }
0x22c: {  	[tilespmem:s29], [sflag:$0x9] =	stream.linear.gather [hbm4b:s12+s5], $0x100, $0x38;
	[tilespmem:$0x1E900] =	vst v63  }
0x22d: {  	_ =	swait.ge [sflag:s23], $0x100  }
0x22e: {  	[sflag:s23] =	ssyncset.done $0x0  }
0x22f: {  	s2 =	simm.s32 $0x18000;
	[sflag:s23] =	ssyncadd.s32 $0xFFFFFF00  }
0x230: {  	[tilespmem:s2], [sflag:$0x2] =	stream.indirect.gather [spmem:s3], $0x40, s29, s28, $0xb8;
	[tilespmem:$0x1E900] =	vst v63  }
0x231: {  	s14 =	simm.s32 $0x1E200;
	s13 =	rddreg [dreg:$0xe]  }
0x232: {  	[tilespmem:s14], [sflag:$0x9] =	stream.linear.gather [hbm4b:s13+s5], $0x100, $0x38;
	[tilespmem:$0x1E900] =	vst v63  }
0x233: {  	_ =	swait.ge [sflag:s23], $0x100  }
0x234: {  	[sflag:s23] =	ssyncset.done $0x0;
	s13 =	rddreg [dreg:$0x5]  }
0x235: {  	s0 =	simm.s32 $0x1A000;
	[sflag:s23] =	ssyncadd.s32 $0xFFFFFF00;
	s8 =	sadd.s32 $0xFFFFFF60, s13  }
0x236: {  	[tilespmem:s0], [sflag:$0x3] =	stream.indirect.gather [spmem:s3], $0x40, s14, s28, $0xb8;
	[tilespmem:$0x1E900] =	vst v63  }
0x237: {  	s11 =	sadd.s32 $0xA3, s8  }
0x238: {  	s12 =	smov.u32 s26;
	_ =	swait.ge [sflag:s10], $0x2000;
	p0 =	slt.s32 s11, s26  }
0x239: {  	[sflag:s10] =	ssyncset.done $0x0;
	s12 =	smov.u32 @p0 s11  }
0x23a: {  	s18 =	simm.s32 $0x1E080;
	[sflag:s10] =	ssyncadd.s32 $0xFFFFE000;
	s11 =	sshll.u32 s12, $0x5  }
0x23b: {  	[spmem:s4] =	stream.indirect.scatter.add.f32 [tilespmem:s30], [sflag:$0x5], $0x40, s18, s28, $0xb8;
	[tilespmem:$0x1E900] =	vst v63  }
0x23c: {  	s11 =	sadd.s32 s1, s11  }
0x23d: {  	[tilespmem:s21], [sflag:$0x9] =	stream.linear.gather [hbm4b:s11+s5], $0x100, $0x38;
	[tilespmem:$0x1E900] =	vst v63  }
0x23e: {  	_ =	swait.ge [sflag:s23], $0x100  }
0x23f: {  	[sflag:s23] =	ssyncset.done $0x0  }
0x240: {  	[sflag:s23] =	ssyncadd.s32 $0xFFFFFF00  }
0x241: {  	[tilespmem:s15], [sflag:$0x4] =	stream.indirect.gather [spmem:s3], $0x40, s21, s28, $0xb8;
	[tilespmem:$0x1E900] =	vst v63  }
0x242: {  	_ =	swait.ge [sflag:s16], $0x2000  }
0x243: {  	s12 =	smov.u32 s26;
	s11 =	sadd.s32 $0xA4, s8;
	[sflag:s16] =	ssyncset.done $0x0  }
0x244: {  	s18 =	simm.s32 $0x1E180;
	p0 =	slt.s32 s11, s26;
	[sflag:s16] =	ssyncadd.s32 $0xFFFFE000  }
0x245: {  	[spmem:s4] =	stream.indirect.scatter.add.f32 [tilespmem:s2], [sflag:$0x6], $0x40, s18, s28, $0xb8;
	[tilespmem:$0x1E900] =	vst v63  }
0x246: {  	s12 =	smov.u32 @p0 s11;
	_ =	swait.ge [sflag:s7], $0x2000  }
0x247: {  	s11 =	sshll.u32 s12, $0x5;
	[sflag:s7] =	ssyncset.done $0x0  }
0x248: {  	s11 =	sadd.s32 s1, s11;
	[sflag:s7] =	ssyncadd.s32 $0xFFFFE000  }
0x249: {  	[tilespmem:s31], [sflag:$0x9] =	stream.linear.gather [hbm4b:s11+s5], $0x100, $0x38;
	[tilespmem:$0x1E900] =	vst v63  }
0x24a: {  	_ =	swait.ge [sflag:s23], $0x100  }
0x24b: {  	[sflag:s23] =	ssyncset.done $0x0  }
0x24c: {  	[sflag:s23] =	ssyncadd.s32 $0xFFFFFF00  }
0x24d: {  	[tilespmem:s30], [sflag:$0x1] =	stream.indirect.gather [spmem:s3], $0x40, s31, s28, $0xb8;
	[tilespmem:$0x1E900] =	vst v63  }
0x24e: {  	_ =	swait.ge [sflag:s17], $0x2000  }
0x24f: {  	s25 =	simm.s32 $0x1E280;
	s11 =	sadd.s32 $0xA5, s8;
	[sflag:s17] =	ssyncset.done $0x0  }
0x250: {  	s12 =	smov.u32 s26;
	p0 =	slt.s32 s11, s26;
	[sflag:s17] =	ssyncadd.s32 $0xFFFFE000  }
0x251: {  	[spmem:s4] =	stream.indirect.scatter.add.f32 [tilespmem:s0], [sflag:$0x7], $0x40, s25, s28, $0xb8;
	[tilespmem:$0x1E900] =	vst v63  }
0x252: {  	s12 =	smov.u32 @p0 s11;
	_ =	swait.ge [sflag:s19], $0x2000  }
0x253: {  	s11 =	sshll.u32 s12, $0x5;
	[sflag:s19] =	ssyncset.done $0x0  }
0x254: {  	s11 =	sadd.s32 s1, s11;
	[sflag:s19] =	ssyncadd.s32 $0xFFFFE000  }
0x255: {  	[tilespmem:s29], [sflag:$0x9] =	stream.linear.gather [hbm4b:s11+s5], $0x100, $0x38;
	[tilespmem:$0x1E900] =	vst v63  }
0x256: {  	_ =	swait.ge [sflag:s23], $0x100  }
0x257: {  	[sflag:s23] =	ssyncset.done $0x0  }
0x258: {  	[sflag:s23] =	ssyncadd.s32 $0xFFFFFF00  }
0x259: {  	[tilespmem:s2], [sflag:$0x2] =	stream.indirect.gather [spmem:s3], $0x40, s29, s28, $0xb8;
	[tilespmem:$0x1E900] =	vst v63  }
0x25a: {  	s8 =	sadd.s32 $0xA6, s8;
	_ =	swait.ge [sflag:s20], $0x2000  }
0x25b: {  	p0 =	slt.s32 s8, s26;
	[sflag:s20] =	ssyncset.done $0x0  }
0x25c: {  	s25 =	simm.s32 $0x1E380;
	s11 =	smov.u32 s26;
	[sflag:s20] =	ssyncadd.s32 $0xFFFFE000  }
0x25d: {  	[spmem:s4] =	stream.indirect.scatter.add.f32 [tilespmem:s15], [sflag:$0x8], $0x40, s25, s28, $0xb8;
	[tilespmem:$0x1E900] =	vst v63  }
0x25e: {  	s11 =	smov.u32 @p0 s8;
	_ =	swait.ge [sflag:s9], $0x2000  }
0x25f: {  	s8 =	sshll.u32 s11, $0x5;
	[sflag:s9] =	ssyncset.done $0x0  }
0x260: {  	s8 =	sadd.s32 s1, s8;
	[sflag:s9] =	ssyncadd.s32 $0xFFFFE000  }
0x261: {  	[tilespmem:s14], [sflag:$0x9] =	stream.linear.gather [hbm4b:s8+s5], $0x100, $0x38;
	[tilespmem:$0x1E900] =	vst v63  }
0x262: {  	_ =	swait.ge [sflag:s23], $0x100  }
0x263: {  	[sflag:s23] =	ssyncset.done $0x0  }
0x264: {  	[sflag:s23] =	ssyncadd.s32 $0xFFFFFF00  }
0x265: {  	[tilespmem:s0], [sflag:$0x3] =	stream.indirect.gather [spmem:s3], $0x40, s14, s28, $0xb8;
	[tilespmem:$0x1E900] =	vst v63  }
0x266: {  	s18 =	simm.s32 $0xFFFFFF68;
	s25 =	simm.s32 $0xFFFFFF64;
	_ =	swait.ge [sflag:s6], $0x2000  }
.LBB2_18:
0x267: {  	s8 =	sadd.s32 s25, s13;
	[sflag:s6] =	ssyncset.done $0x0  }
0x268: {  	s14 =	smov.u32 s26;
	s11 =	sadd.s32 $0xA3, s8;
	[sflag:s6] =	ssyncadd.s32 $0xFFFFE000  }
0x269: {  	s13 =	sadd.s32 $0xA4, s8;
	_ =	swait.ge [sflag:s10], $0x2000;
	p0 =	slt.s32 s11, s26  }
0x26a: {  	p1 =	slt.s32 s13, s26;
	s14 =	smov.u32 @p0 s11;
	s11 =	smov.u32 s26  }
0x26b: {  	[sflag:s10] =	ssyncset.done $0x0;
	s11 =	smov.u32 @p1 s13  }
0x26c: {  	[sflag:s10] =	ssyncadd.s32 $0xFFFFE000;
	s13 =	sshll.u32 s14, $0x5;
	s14 =	simm.s32 $0x1E080  }
0x26d: {  	[spmem:s4] =	stream.indirect.scatter.add.f32 [tilespmem:s30], [sflag:$0x5], $0x40, s14, s28, $0xb8;
	[tilespmem:$0x1E900] =	vst v63  }
0x26e: {  	s14 =	sadd.s32 $0xA5, s8  }
0x26f: {  	s13 =	sadd.s32 s1, s13;
	s8 =	sadd.s32 $0xA6, s8;
	p0 =	slt.s32 s14, s26  }
0x270: {  	[tilespmem:s21], [sflag:$0x9] =	stream.linear.gather [hbm4b:s13+s5], $0x100, $0x38;
	[tilespmem:$0x1E900] =	vst v63  }
0x271: {  	p1 =	slt.s32 s8, s26;
	s13 =	smov.u32 s26;
	_ =	swait.ge [sflag:s23], $0x100  }
0x272: {  	s13 =	smov.u32 @p0 s14;
	s14 =	smov.u32 s26;
	[sflag:s23] =	ssyncset.done $0x0  }
0x273: {  	s14 =	smov.u32 @p1 s8;
	[sflag:s23] =	ssyncadd.s32 $0xFFFFFF00  }
0x274: {  	[tilespmem:s15], [sflag:$0x4] =	stream.indirect.gather [spmem:s3], $0x40, s21, s28, $0xb8;
	[tilespmem:$0x1E900] =	vst v63  }
0x275: {  	s8 =	sshll.u32 s13, $0x5;
	s13 =	rddreg [dreg:$0x5];
	_ =	swait.ge [sflag:s16], $0x2000  }
0x276: {  	s25 =	smov.u32 s18;
	s12 =	sadd.s32 $0x4, s18;
	[sflag:s16] =	ssyncset.done $0x0  }
0x277: {  	p0 =	sne.s32 s18, $0xFFFFFFFC;
	s18 =	simm.s32 $0x1E180;
	[sflag:s16] =	ssyncadd.s32 $0xFFFFE000  }
0x278: {  	[spmem:s4] =	stream.indirect.scatter.add.f32 [tilespmem:s2], [sflag:$0x6], $0x40, s18, s28, $0xb8;
	[tilespmem:$0x1E900] =	vst v63  }
0x279: {  	_ =	swait.ge [sflag:s7], $0x2000  }
0x27a: {  	s11 =	sshll.u32 s11, $0x5;
	[sflag:s7] =	ssyncset.done $0x0  }
0x27b: {  	s11 =	sadd.s32 s1, s11;
	[sflag:s7] =	ssyncadd.s32 $0xFFFFE000  }
0x27c: {  	[tilespmem:s31], [sflag:$0x9] =	stream.linear.gather [hbm4b:s11+s5], $0x100, $0x38;
	[tilespmem:$0x1E900] =	vst v63  }
0x27d: {  	_ =	swait.ge [sflag:s23], $0x100  }
0x27e: {  	[sflag:s23] =	ssyncset.done $0x0  }
0x27f: {  	[sflag:s23] =	ssyncadd.s32 $0xFFFFFF00  }
0x280: {  	[tilespmem:s30], [sflag:$0x1] =	stream.indirect.gather [spmem:s3], $0x40, s31, s28, $0xb8;
	[tilespmem:$0x1E900] =	vst v63  }
0x281: {  	_ =	swait.ge [sflag:s17], $0x2000  }
0x282: {  	[sflag:s17] =	ssyncset.done $0x0  }
0x283: {  	s18 =	simm.s32 $0x1E280;
	[sflag:s17] =	ssyncadd.s32 $0xFFFFE000  }
0x284: {  	[spmem:s4] =	stream.indirect.scatter.add.f32 [tilespmem:s0], [sflag:$0x7], $0x40, s18, s28, $0xb8;
	[tilespmem:$0x1E900] =	vst v63  }
0x285: {  	_ =	swait.ge [sflag:s19], $0x2000  }
0x286: {  	[sflag:s19] =	ssyncset.done $0x0  }
0x287: {  	s8 =	sadd.s32 s1, s8;
	[sflag:s19] =	ssyncadd.s32 $0xFFFFE000  }
0x288: {  	[tilespmem:s29], [sflag:$0x9] =	stream.linear.gather [hbm4b:s8+s5], $0x100, $0x38;
	[tilespmem:$0x1E900] =	vst v63  }
0x289: {  	_ =	swait.ge [sflag:s23], $0x100  }
0x28a: {  	[sflag:s23] =	ssyncset.done $0x0  }
0x28b: {  	[sflag:s23] =	ssyncadd.s32 $0xFFFFFF00  }
0x28c: {  	[tilespmem:s2], [sflag:$0x2] =	stream.indirect.gather [spmem:s3], $0x40, s29, s28, $0xb8;
	[tilespmem:$0x1E900] =	vst v63  }
0x28d: {  	_ =	swait.ge [sflag:s20], $0x2000  }
0x28e: {  	[sflag:s20] =	ssyncset.done $0x0  }
0x28f: {  	s11 =	simm.s32 $0x1E380;
	[sflag:s20] =	ssyncadd.s32 $0xFFFFE000  }
0x290: {  	[spmem:s4] =	stream.indirect.scatter.add.f32 [tilespmem:s15], [sflag:$0x8], $0x40, s11, s28, $0xb8;
	[tilespmem:$0x1E900] =	vst v63  }
0x291: {  	_ =	swait.ge [sflag:s9], $0x2000  }
0x292: {  	s14 =	sshll.u32 s14, $0x5;
	[sflag:s9] =	ssyncset.done $0x0  }
0x293: {  	s18 =	sadd.s32 s1, s14;
	s14 =	simm.s32 $0x1E200;
	[sflag:s9] =	ssyncadd.s32 $0xFFFFE000  }
0x294: {  	[tilespmem:s14], [sflag:$0x9] =	stream.linear.gather [hbm4b:s18+s5], $0x100, $0x38;
	[tilespmem:$0x1E900] =	vst v63  }
.Ltmp8:
0x295: {  	_ =	swait.ge [sflag:s23], $0x100;
	(pc) =	sbr.rel @p0 .LBB2_18-.Ltmp8, $4  }
0x296: {  	[sflag:s23] =	ssyncset.done $0x0  }
0x297: {  	[sflag:s23] =	ssyncadd.s32 $0xFFFFFF00  }
0x298: {  	[tilespmem:s0], [sflag:$0x3] =	stream.indirect.gather [spmem:s3], $0x40, s14, s28, $0xb8;
	[tilespmem:$0x1E900] =	vst v63  }
0x299: {  	s18 =	smov.u32 s12;
	_ =	swait.ge [sflag:s6], $0x2000  }
0x29a: {  	s8 =	sadd.s32 s25, s13;
	[sflag:s6] =	ssyncset.done $0x0  }
0x29b: {  	s11 =	sadd.s32 $0xA3, s8;
	[sflag:s6] =	ssyncadd.s32 $0xFFFFE000  }
0x29c: {  	s12 =	smov.u32 s26;
	_ =	swait.ge [sflag:s10], $0x2000;
	p0 =	slt.s32 s11, s26  }
0x29d: {  	[sflag:s10] =	ssyncset.done $0x0;
	s12 =	smov.u32 @p0 s11  }
0x29e: {  	s18 =	simm.s32 $0x1E080;
	[sflag:s10] =	ssyncadd.s32 $0xFFFFE000;
	s11 =	sshll.u32 s12, $0x5  }
0x29f: {  	[spmem:s4] =	stream.indirect.scatter.add.f32 [tilespmem:s30], [sflag:$0x5], $0x40, s18, s28, $0xb8;
	[tilespmem:$0x1E900] =	vst v63  }
0x2a0: {  	s11 =	sadd.s32 s1, s11  }
0x2a1: {  	[tilespmem:s21], [sflag:$0x9] =	stream.linear.gather [hbm4b:s11+s5], $0x100, $0x38;
	[tilespmem:$0x1E900] =	vst v63  }
0x2a2: {  	_ =	swait.ge [sflag:s23], $0x100  }
0x2a3: {  	[sflag:s23] =	ssyncset.done $0x0  }
0x2a4: {  	[sflag:s23] =	ssyncadd.s32 $0xFFFFFF00  }
0x2a5: {  	[tilespmem:s15], [sflag:$0x4] =	stream.indirect.gather [spmem:s3], $0x40, s21, s28, $0xb8;
	[tilespmem:$0x1E900] =	vst v63  }
0x2a6: {  	_ =	swait.ge [sflag:s16], $0x2000  }
0x2a7: {  	s25 =	simm.s32 $0x1E180;
	s11 =	sadd.s32 $0xA4, s8;
	[sflag:s16] =	ssyncset.done $0x0  }
0x2a8: {  	s12 =	smov.u32 s26;
	p0 =	slt.s32 s11, s26;
	[sflag:s16] =	ssyncadd.s32 $0xFFFFE000  }
0x2a9: {  	[spmem:s4] =	stream.indirect.scatter.add.f32 [tilespmem:s2], [sflag:$0x6], $0x40, s25, s28, $0xb8;
	[tilespmem:$0x1E900] =	vst v63  }
0x2aa: {  	s12 =	smov.u32 @p0 s11;
	_ =	swait.ge [sflag:s7], $0x2000  }
0x2ab: {  	s11 =	sshll.u32 s12, $0x5;
	[sflag:s7] =	ssyncset.done $0x0  }
0x2ac: {  	s11 =	sadd.s32 s1, s11;
	[sflag:s7] =	ssyncadd.s32 $0xFFFFE000  }
0x2ad: {  	[tilespmem:s31], [sflag:$0x9] =	stream.linear.gather [hbm4b:s11+s5], $0x100, $0x38;
	[tilespmem:$0x1E900] =	vst v63  }
0x2ae: {  	_ =	swait.ge [sflag:s23], $0x100  }
0x2af: {  	[sflag:s23] =	ssyncset.done $0x0  }
0x2b0: {  	[sflag:s23] =	ssyncadd.s32 $0xFFFFFF00  }
0x2b1: {  	[tilespmem:s30], [sflag:$0x1] =	stream.indirect.gather [spmem:s3], $0x40, s31, s28, $0xb8;
	[tilespmem:$0x1E900] =	vst v63  }
0x2b2: {  	_ =	swait.ge [sflag:s17], $0x2000  }
0x2b3: {  	s12 =	smov.u32 s26;
	s11 =	sadd.s32 $0xA5, s8;
	[sflag:s17] =	ssyncset.done $0x0  }
0x2b4: {  	p0 =	slt.s32 s11, s26;
	s30 =	simm.s32 $0x1E280;
	[sflag:s17] =	ssyncadd.s32 $0xFFFFE000  }
0x2b5: {  	[spmem:s4] =	stream.indirect.scatter.add.f32 [tilespmem:s0], [sflag:$0x7], $0x40, s30, s28, $0xb8;
	[tilespmem:$0x1E900] =	vst v63  }
0x2b6: {  	s12 =	smov.u32 @p0 s11;
	_ =	swait.ge [sflag:s19], $0x2000  }
0x2b7: {  	s11 =	sshll.u32 s12, $0x5;
	[sflag:s19] =	ssyncset.done $0x0  }
0x2b8: {  	s11 =	sadd.s32 s1, s11;
	[sflag:s19] =	ssyncadd.s32 $0xFFFFE000  }
0x2b9: {  	[tilespmem:s29], [sflag:$0x9] =	stream.linear.gather [hbm4b:s11+s5], $0x100, $0x38;
	[tilespmem:$0x1E900] =	vst v63  }
0x2ba: {  	_ =	swait.ge [sflag:s23], $0x100  }
0x2bb: {  	[sflag:s23] =	ssyncset.done $0x0  }
0x2bc: {  	[sflag:s23] =	ssyncadd.s32 $0xFFFFFF00  }
0x2bd: {  	[tilespmem:s2], [sflag:$0x2] =	stream.indirect.gather [spmem:s3], $0x40, s29, s28, $0xb8;
	[tilespmem:$0x1E900] =	vst v63  }
0x2be: {  	s8 =	sadd.s32 $0xA6, s8;
	_ =	swait.ge [sflag:s20], $0x2000  }
0x2bf: {  	p0 =	slt.s32 s8, s26;
	[sflag:s20] =	ssyncset.done $0x0  }
0x2c0: {  	s31 =	simm.s32 $0x1E380;
	s11 =	smov.u32 s26;
	[sflag:s20] =	ssyncadd.s32 $0xFFFFE000  }
0x2c1: {  	[spmem:s4] =	stream.indirect.scatter.add.f32 [tilespmem:s15], [sflag:$0x8], $0x40, s31, s28, $0xb8;
	[tilespmem:$0x1E900] =	vst v63  }
0x2c2: {  	s11 =	smov.u32 @p0 s8;
	_ =	swait.ge [sflag:s9], $0x2000  }
0x2c3: {  	s8 =	sshll.u32 s11, $0x5;
	[sflag:s9] =	ssyncset.done $0x0  }
0x2c4: {  	s8 =	sadd.s32 s1, s8;
	[sflag:s9] =	ssyncadd.s32 $0xFFFFE000  }
0x2c5: {  	[tilespmem:s14], [sflag:$0x9] =	stream.linear.gather [hbm4b:s8+s5], $0x100, $0x38;
	[tilespmem:$0x1E900] =	vst v63  }
0x2c6: {  	_ =	swait.ge [sflag:s23], $0x100  }
0x2c7: {  	[sflag:s23] =	ssyncset.done $0x0  }
0x2c8: {  	[sflag:s23] =	ssyncadd.s32 $0xFFFFFF00  }
0x2c9: {  	[tilespmem:s0], [sflag:$0x3] =	stream.indirect.gather [spmem:s3], $0x40, s14, s28, $0xb8;
	[tilespmem:$0x1E900] =	vst v63  }
0x2ca: {  	_ =	swait.ge [sflag:s6], $0x2000  }
0x2cb: {  	[sflag:s6] =	ssyncset.done $0x0  }
0x2cc: {  	[sflag:s6] =	ssyncadd.s32 $0xFFFFE000  }
0x2cd: {  	_ =	swait.ge [sflag:s10], $0x2000  }
0x2ce: {  	[sflag:s10] =	ssyncset.done $0x0  }
0x2cf: {  	[sflag:s10] =	ssyncadd.s32 $0xFFFFE000  }
0x2d0: {  	_ =	swait.ge [sflag:s16], $0x2000  }
0x2d1: {  	[sflag:s16] =	ssyncset.done $0x0  }
0x2d2: {  	[sflag:s16] =	ssyncadd.s32 $0xFFFFE000  }
0x2d3: {  	_ =	swait.ge [sflag:s17], $0x2000  }
0x2d4: {  	[sflag:s17] =	ssyncset.done $0x0  }
0x2d5: {  	[sflag:s17] =	ssyncadd.s32 $0xFFFFE000  }
0x2d6: {  	s25 =	simm.s32 $0x0;
	[bflag:$0x0] =	sbarrier.arrive $0xFFFF  }
0x2d7: {  	s12 =	simm.s32 $0x0;
	s11 =	simm.s32 $0x14000;
	s13 =	rddreg [dreg:$0x6]  }
.LBB2_20:
0x2d8: {  	s8 =	sshll.u32 s25, $0x7  }
0x2d9: {  	s8 =	sadd.s32 s13, s8  }
0x2da: {  	s2 =	sshll.u32 s8, $0x6  }
0x2db: {  	s30 =	sadd.s32 $0x0, s12;
	s0 =	sadd.s32 s2, s4  }
0x2dc: {  	[tilespmem:s11], [sflag:$0x9] =	stream.linear.gather [spmem:s0], $0x2000, $0x38;
	[tilespmem:$0x1E900] =	vst v63  }
0x2dd: {  	v0 =	vmov s30;
	_ =	swait.ge [sflag:s23], $0x2000  }
0x2de: {  	[sflag:s23] =	ssyncset.done $0x0  }
0x2df: {  	s18 =	simm.s32 $0x14020;
	[sflag:s23] =	ssyncadd.s32 $0xFFFFE000  }
0x2e0: {  	v2 =	vld [tilespmem:s18+$0xFFFFFFF0]  }
0x2e1: {  	v3 =	vld [tilespmem:s18+$0x10]  }
0x2e2: {  	v5 =	vld.idx.msk [tilespmem:v0+s24+$0x0], $0xffff  }
0x2e3: {  	v0 =	vld [tilespmem:s18+$0xFFFFFFE0]  }
0x2e4: {  	v6 =	vld [tilespmem:s18+$0x0];
	_ =	sdelay $0x3  }
0x2e5: {  	s31 =	sadd.s32 $0x1, s12;
	v1 =	vmul.f32 v0, v5;
	v4 =	vmul.f32 v3, v5  }
0x2e6: {  	s14 =	simm.s32 $0x14020;
	s11 =	simm.s32 $0x2;
	v0 =	vmov s31;
	v3 =	vmul.f32 v2, v5;
	v2 =	vmul.f32 v6, v5  }
.LBB2_21:
0x2e7: {  	p0 =	sne.s32 s11, $0x7F  }
0x2e8: {  	[tilespmem:s18+$0x10] =	vst v4;
	s14 =	sadd.s32 $0x40, s14;
	s8 =	smov.u32 s11;
	s11 =	sadd.s32 $0x1, s11  }
0x2e9: {  	[tilespmem:s18+$0xFFFFFFE0] =	vst v1  }
0x2ea: {  	v5 =	vld [tilespmem:s14+$0xFFFFFFF0];
	[tilespmem:s18+$0xFFFFFFF0] =	vst v3  }
0x2eb: {  	v3 =	vld [tilespmem:s14+$0x10];
	[tilespmem:s18+$0x0] =	vst v2;
	s18 =	smov.u32 s14  }
0x2ec: {  	v2 =	vld.idx.msk [tilespmem:v0+s24+$0x0], $0xffff  }
0x2ed: {  	v0 =	vld [tilespmem:s14+$0xFFFFFFE0]  }
0x2ee: {  	v6 =	vld [tilespmem:s14+$0x0]  }
.Ltmp9:
0x2ef: {  	(pc) =	sbr.rel @p0 .LBB2_21-.Ltmp9, $3  }
0x2f0: {  	_ =	sdelay $0x1  }
0x2f1: {  	s8 =	sadd.s32 s8, s12;
	v4 =	vmul.f32 v3, v2;
	v1 =	vmul.f32 v0, v2  }
0x2f2: {  	v3 =	vmul.f32 v5, v2;
	v0 =	vmov s8;
	v2 =	vmul.f32 v6, v2  }
0x2f3: {  	[tilespmem:s18+$0x10] =	vst v4  }
0x2f4: {  	s8 =	sadd.s32 $0x40, s14;
	[tilespmem:s18+$0xFFFFFFE0] =	vst v1  }
0x2f5: {  	v1 =	vld [tilespmem:s8+$0xFFFFFFF0];
	[tilespmem:s18+$0xFFFFFFF0] =	vst v3  }
0x2f6: {  	v3 =	vld [tilespmem:s8+$0x10];
	[tilespmem:s18+$0x0] =	vst v2  }
0x2f7: {  	v0 =	vld.idx.msk [tilespmem:v0+s24+$0x0], $0xffff  }
0x2f8: {  	v2 =	vld [tilespmem:s8+$0xFFFFFFE0];
	_ =	sdelay $0x1  }
0x2f9: {  	v4 =	vld [tilespmem:s8+$0x0];
	_ =	sdelay $0x1  }
0x2fa: {  	v3 =	vmul.f32 v3, v0  }
0x2fb: {  	v2 =	vmul.f32 v2, v0  }
0x2fc: {  	s11 =	rddreg [dreg:$0x10];
	v1 =	vmul.f32 v1, v0;
	[tilespmem:s8+$0x10] =	vst v3  }
0x2fd: {  	s11 =	sadd.s32 s2, s11;
	v0 =	vmul.f32 v4, v0;
	[tilespmem:s8+$0xFFFFFFE0] =	vst v2  }
0x2fe: {  	s30 =	rddreg [dreg:$0x8];
	s11 =	sshrl.u32 s11, $0x3;
	[tilespmem:s8+$0xFFFFFFF0] =	vst v1  }
0x2ff: {  	[tilespmem:s8+$0x0] =	vst v0;
	s8 =	sadd.s32 s30, s11;
	s11 =	simm.s32 $0x14000  }
0x300: {  	[hbm4b:s8+s5] =	stream.linear.scatter [tilespmem:s11], [sflag:$0x9], $0x2000, $0x38;
	[tilespmem:$0x1E900] =	vst v63  }
0x301: {  	_ =	swait.ge [sflag:s23], $0x2000  }
0x302: {  	[sflag:s23] =	ssyncset.done $0x0  }
0x303: {  	s31 =	sadd.s32 s2, s3;
	[sflag:s23] =	ssyncadd.s32 $0xFFFFE000  }
0x304: {  	[spmem:s31] =	stream.linear.scatter [tilespmem:s11], [sflag:$0x9], $0x2000, $0x38;
	[tilespmem:$0x1E900] =	vst v63  }
0x305: {  	s25 =	sadd.s32 $0x1, s25;
	_ =	swait.ge [sflag:s23], $0x2000  }
0x306: {  	p0 =	sne.s32 s25, $0x5;
	[sflag:s23] =	ssyncset.done $0x0  }
.Ltmp10:
0x307: {  	[sflag:s23] =	ssyncadd.s32 $0xFFFFE000;
	(pc) =	sbr.rel @p0 .LBB2_20-.Ltmp10, $4  }
0x308: {  	[spmem:s0] =	stream.linear.scatter [tilespmem:s11], [sflag:$0x9], $0x2000, $0x38;
	[tilespmem:$0x1E900] =	vst v63  }
0x309: {  	_ =	swait.ge [sflag:s23], $0x2000  }
0x30a: {  	[sflag:s23] =	ssyncset.done $0x0  }
0x30b: {  	s12 =	sadd.s32 $0x80, s12;
	[sflag:s23] =	ssyncadd.s32 $0xFFFFE000  }
0x30c: {  	[bflag:$0x0] =	sbarrier.arrive $0xFFFF  }
0x30d: {  	s31 =	simm.s32 $0x1E000;
	s8 =	rddreg [dreg:$0xc]  }
0x30e: {  	[tilespmem:s31], [sflag:$0x9] =	stream.linear.gather [hbm4b:s8+s5], $0x100, $0x38;
	[tilespmem:$0x1E900] =	vst v63  }
0x30f: {  	_ =	swait.ge [sflag:s23], $0x100  }
0x310: {  	[sflag:s23] =	ssyncset.done $0x0  }
0x311: {  	s30 =	simm.s32 $0x16000;
	[sflag:s23] =	ssyncadd.s32 $0xFFFFFF00  }
0x312: {  	[tilespmem:s30], [sflag:$0x1] =	stream.indirect.gather [spmem:s3], $0x40, s31, s28, $0xb8;
	[tilespmem:$0x1E900] =	vst v63  }
0x313: {  	s29 =	simm.s32 $0x1E100;
	s12 =	rddreg [dreg:$0xd]  }
0x314: {  	[tilespmem:s29], [sflag:$0x9] =	stream.linear.gather [hbm4b:s12+s5], $0x100, $0x38;
	[tilespmem:$0x1E900] =	vst v63  }
0x315: {  	_ =	swait.ge [sflag:s23], $0x100  }
0x316: {  	[sflag:s23] =	ssyncset.done $0x0  }
0x317: {  	s2 =	simm.s32 $0x18000;
	[sflag:s23] =	ssyncadd.s32 $0xFFFFFF00  }
0x318: {  	[tilespmem:s2], [sflag:$0x2] =	stream.indirect.gather [spmem:s3], $0x40, s29, s28, $0xb8;
	[tilespmem:$0x1E900] =	vst v63  }
0x319: {  	s14 =	simm.s32 $0x1E200;
	s13 =	rddreg [dreg:$0xe]  }
0x31a: {  	[tilespmem:s14], [sflag:$0x9] =	stream.linear.gather [hbm4b:s13+s5], $0x100, $0x38;
	[tilespmem:$0x1E900] =	vst v63  }
0x31b: {  	_ =	swait.ge [sflag:s23], $0x100  }
0x31c: {  	[sflag:s23] =	ssyncset.done $0x0;
	s13 =	rddreg [dreg:$0x5]  }
0x31d: {  	s0 =	simm.s32 $0x1A000;
	[sflag:s23] =	ssyncadd.s32 $0xFFFFFF00;
	s8 =	sadd.s32 $0xFFFFFF60, s13  }
0x31e: {  	[tilespmem:s0], [sflag:$0x3] =	stream.indirect.gather [spmem:s3], $0x40, s14, s28, $0xb8;
	[tilespmem:$0x1E900] =	vst v63  }
0x31f: {  	s11 =	sadd.s32 $0xA3, s8  }
0x320: {  	s12 =	smov.u32 s26;
	_ =	swait.ge [sflag:s10], $0x2000;
	p0 =	slt.s32 s11, s26  }
0x321: {  	[sflag:s10] =	ssyncset.done $0x0;
	s12 =	smov.u32 @p0 s11  }
0x322: {  	s18 =	simm.s32 $0x1E080;
	[sflag:s10] =	ssyncadd.s32 $0xFFFFE000;
	s11 =	sshll.u32 s12, $0x5  }
0x323: {  	[spmem:s4] =	stream.indirect.scatter.add.f32 [tilespmem:s30], [sflag:$0x5], $0x40, s18, s28, $0xb8;
	[tilespmem:$0x1E900] =	vst v63  }
0x324: {  	s11 =	sadd.s32 s1, s11  }
0x325: {  	[tilespmem:s21], [sflag:$0x9] =	stream.linear.gather [hbm4b:s11+s5], $0x100, $0x38;
	[tilespmem:$0x1E900] =	vst v63  }
0x326: {  	_ =	swait.ge [sflag:s23], $0x100  }
0x327: {  	[sflag:s23] =	ssyncset.done $0x0  }
0x328: {  	[sflag:s23] =	ssyncadd.s32 $0xFFFFFF00  }
0x329: {  	[tilespmem:s15], [sflag:$0x4] =	stream.indirect.gather [spmem:s3], $0x40, s21, s28, $0xb8;
	[tilespmem:$0x1E900] =	vst v63  }
0x32a: {  	_ =	swait.ge [sflag:s16], $0x2000  }
0x32b: {  	s12 =	smov.u32 s26;
	s11 =	sadd.s32 $0xA4, s8;
	[sflag:s16] =	ssyncset.done $0x0  }
0x32c: {  	s18 =	simm.s32 $0x1E180;
	p0 =	slt.s32 s11, s26;
	[sflag:s16] =	ssyncadd.s32 $0xFFFFE000  }
0x32d: {  	[spmem:s4] =	stream.indirect.scatter.add.f32 [tilespmem:s2], [sflag:$0x6], $0x40, s18, s28, $0xb8;
	[tilespmem:$0x1E900] =	vst v63  }
0x32e: {  	s12 =	smov.u32 @p0 s11;
	_ =	swait.ge [sflag:s7], $0x2000  }
0x32f: {  	s11 =	sshll.u32 s12, $0x5;
	[sflag:s7] =	ssyncset.done $0x0  }
0x330: {  	s11 =	sadd.s32 s1, s11;
	[sflag:s7] =	ssyncadd.s32 $0xFFFFE000  }
0x331: {  	[tilespmem:s31], [sflag:$0x9] =	stream.linear.gather [hbm4b:s11+s5], $0x100, $0x38;
	[tilespmem:$0x1E900] =	vst v63  }
0x332: {  	_ =	swait.ge [sflag:s23], $0x100  }
0x333: {  	[sflag:s23] =	ssyncset.done $0x0  }
0x334: {  	[sflag:s23] =	ssyncadd.s32 $0xFFFFFF00  }
0x335: {  	[tilespmem:s30], [sflag:$0x1] =	stream.indirect.gather [spmem:s3], $0x40, s31, s28, $0xb8;
	[tilespmem:$0x1E900] =	vst v63  }
0x336: {  	_ =	swait.ge [sflag:s17], $0x2000  }
0x337: {  	s25 =	simm.s32 $0x1E280;
	s11 =	sadd.s32 $0xA5, s8;
	[sflag:s17] =	ssyncset.done $0x0  }
0x338: {  	s12 =	smov.u32 s26;
	p0 =	slt.s32 s11, s26;
	[sflag:s17] =	ssyncadd.s32 $0xFFFFE000  }
0x339: {  	[spmem:s4] =	stream.indirect.scatter.add.f32 [tilespmem:s0], [sflag:$0x7], $0x40, s25, s28, $0xb8;
	[tilespmem:$0x1E900] =	vst v63  }
0x33a: {  	s12 =	smov.u32 @p0 s11;
	_ =	swait.ge [sflag:s19], $0x2000  }
0x33b: {  	s11 =	sshll.u32 s12, $0x5;
	[sflag:s19] =	ssyncset.done $0x0  }
0x33c: {  	s11 =	sadd.s32 s1, s11;
	[sflag:s19] =	ssyncadd.s32 $0xFFFFE000  }
0x33d: {  	[tilespmem:s29], [sflag:$0x9] =	stream.linear.gather [hbm4b:s11+s5], $0x100, $0x38;
	[tilespmem:$0x1E900] =	vst v63  }
0x33e: {  	_ =	swait.ge [sflag:s23], $0x100  }
0x33f: {  	[sflag:s23] =	ssyncset.done $0x0  }
0x340: {  	[sflag:s23] =	ssyncadd.s32 $0xFFFFFF00  }
0x341: {  	[tilespmem:s2], [sflag:$0x2] =	stream.indirect.gather [spmem:s3], $0x40, s29, s28, $0xb8;
	[tilespmem:$0x1E900] =	vst v63  }
0x342: {  	s8 =	sadd.s32 $0xA6, s8;
	_ =	swait.ge [sflag:s20], $0x2000  }
0x343: {  	p0 =	slt.s32 s8, s26;
	[sflag:s20] =	ssyncset.done $0x0  }
0x344: {  	s25 =	simm.s32 $0x1E380;
	s11 =	smov.u32 s26;
	[sflag:s20] =	ssyncadd.s32 $0xFFFFE000  }
0x345: {  	[spmem:s4] =	stream.indirect.scatter.add.f32 [tilespmem:s15], [sflag:$0x8], $0x40, s25, s28, $0xb8;
	[tilespmem:$0x1E900] =	vst v63  }
0x346: {  	s11 =	smov.u32 @p0 s8;
	_ =	swait.ge [sflag:s9], $0x2000  }
0x347: {  	s8 =	sshll.u32 s11, $0x5;
	[sflag:s9] =	ssyncset.done $0x0  }
0x348: {  	s8 =	sadd.s32 s1, s8;
	[sflag:s9] =	ssyncadd.s32 $0xFFFFE000  }
0x349: {  	[tilespmem:s14], [sflag:$0x9] =	stream.linear.gather [hbm4b:s8+s5], $0x100, $0x38;
	[tilespmem:$0x1E900] =	vst v63  }
0x34a: {  	_ =	swait.ge [sflag:s23], $0x100  }
0x34b: {  	[sflag:s23] =	ssyncset.done $0x0  }
0x34c: {  	[sflag:s23] =	ssyncadd.s32 $0xFFFFFF00  }
0x34d: {  	[tilespmem:s0], [sflag:$0x3] =	stream.indirect.gather [spmem:s3], $0x40, s14, s28, $0xb8;
	[tilespmem:$0x1E900] =	vst v63  }
0x34e: {  	s18 =	simm.s32 $0xFFFFFF68;
	s25 =	simm.s32 $0xFFFFFF64;
	_ =	swait.ge [sflag:s6], $0x2000  }
.LBB2_24:
0x34f: {  	s8 =	sadd.s32 s25, s13;
	[sflag:s6] =	ssyncset.done $0x0  }
0x350: {  	s14 =	smov.u32 s26;
	s11 =	sadd.s32 $0xA3, s8;
	[sflag:s6] =	ssyncadd.s32 $0xFFFFE000  }
0x351: {  	s13 =	sadd.s32 $0xA4, s8;
	_ =	swait.ge [sflag:s10], $0x2000;
	p0 =	slt.s32 s11, s26  }
0x352: {  	p1 =	slt.s32 s13, s26;
	s14 =	smov.u32 @p0 s11;
	s11 =	smov.u32 s26  }
0x353: {  	[sflag:s10] =	ssyncset.done $0x0;
	s11 =	smov.u32 @p1 s13  }
0x354: {  	[sflag:s10] =	ssyncadd.s32 $0xFFFFE000;
	s13 =	sshll.u32 s14, $0x5;
	s14 =	simm.s32 $0x1E080  }
0x355: {  	[spmem:s4] =	stream.indirect.scatter.add.f32 [tilespmem:s30], [sflag:$0x5], $0x40, s14, s28, $0xb8;
	[tilespmem:$0x1E900] =	vst v63  }
0x356: {  	s14 =	sadd.s32 $0xA5, s8  }
0x357: {  	s13 =	sadd.s32 s1, s13;
	s8 =	sadd.s32 $0xA6, s8;
	p0 =	slt.s32 s14, s26  }
0x358: {  	[tilespmem:s21], [sflag:$0x9] =	stream.linear.gather [hbm4b:s13+s5], $0x100, $0x38;
	[tilespmem:$0x1E900] =	vst v63  }
0x359: {  	p1 =	slt.s32 s8, s26;
	s13 =	smov.u32 s26;
	_ =	swait.ge [sflag:s23], $0x100  }
0x35a: {  	s13 =	smov.u32 @p0 s14;
	s14 =	smov.u32 s26;
	[sflag:s23] =	ssyncset.done $0x0  }
0x35b: {  	s14 =	smov.u32 @p1 s8;
	[sflag:s23] =	ssyncadd.s32 $0xFFFFFF00  }
0x35c: {  	[tilespmem:s15], [sflag:$0x4] =	stream.indirect.gather [spmem:s3], $0x40, s21, s28, $0xb8;
	[tilespmem:$0x1E900] =	vst v63  }
0x35d: {  	s8 =	sshll.u32 s13, $0x5;
	s13 =	rddreg [dreg:$0x5];
	_ =	swait.ge [sflag:s16], $0x2000  }
0x35e: {  	s25 =	smov.u32 s18;
	s12 =	sadd.s32 $0x4, s18;
	[sflag:s16] =	ssyncset.done $0x0  }
0x35f: {  	p0 =	sne.s32 s18, $0xFFFFFFFC;
	s18 =	simm.s32 $0x1E180;
	[sflag:s16] =	ssyncadd.s32 $0xFFFFE000  }
0x360: {  	[spmem:s4] =	stream.indirect.scatter.add.f32 [tilespmem:s2], [sflag:$0x6], $0x40, s18, s28, $0xb8;
	[tilespmem:$0x1E900] =	vst v63  }
0x361: {  	_ =	swait.ge [sflag:s7], $0x2000  }
0x362: {  	s11 =	sshll.u32 s11, $0x5;
	[sflag:s7] =	ssyncset.done $0x0  }
0x363: {  	s11 =	sadd.s32 s1, s11;
	[sflag:s7] =	ssyncadd.s32 $0xFFFFE000  }
0x364: {  	[tilespmem:s31], [sflag:$0x9] =	stream.linear.gather [hbm4b:s11+s5], $0x100, $0x38;
	[tilespmem:$0x1E900] =	vst v63  }
0x365: {  	_ =	swait.ge [sflag:s23], $0x100  }
0x366: {  	[sflag:s23] =	ssyncset.done $0x0  }
0x367: {  	[sflag:s23] =	ssyncadd.s32 $0xFFFFFF00  }
0x368: {  	[tilespmem:s30], [sflag:$0x1] =	stream.indirect.gather [spmem:s3], $0x40, s31, s28, $0xb8;
	[tilespmem:$0x1E900] =	vst v63  }
0x369: {  	_ =	swait.ge [sflag:s17], $0x2000  }
0x36a: {  	[sflag:s17] =	ssyncset.done $0x0  }
0x36b: {  	s18 =	simm.s32 $0x1E280;
	[sflag:s17] =	ssyncadd.s32 $0xFFFFE000  }
0x36c: {  	[spmem:s4] =	stream.indirect.scatter.add.f32 [tilespmem:s0], [sflag:$0x7], $0x40, s18, s28, $0xb8;
	[tilespmem:$0x1E900] =	vst v63  }
0x36d: {  	_ =	swait.ge [sflag:s19], $0x2000  }
0x36e: {  	[sflag:s19] =	ssyncset.done $0x0  }
0x36f: {  	s8 =	sadd.s32 s1, s8;
	[sflag:s19] =	ssyncadd.s32 $0xFFFFE000  }
0x370: {  	[tilespmem:s29], [sflag:$0x9] =	stream.linear.gather [hbm4b:s8+s5], $0x100, $0x38;
	[tilespmem:$0x1E900] =	vst v63  }
0x371: {  	_ =	swait.ge [sflag:s23], $0x100  }
0x372: {  	[sflag:s23] =	ssyncset.done $0x0  }
0x373: {  	[sflag:s23] =	ssyncadd.s32 $0xFFFFFF00  }
0x374: {  	[tilespmem:s2], [sflag:$0x2] =	stream.indirect.gather [spmem:s3], $0x40, s29, s28, $0xb8;
	[tilespmem:$0x1E900] =	vst v63  }
0x375: {  	_ =	swait.ge [sflag:s20], $0x2000  }
0x376: {  	[sflag:s20] =	ssyncset.done $0x0  }
0x377: {  	s11 =	simm.s32 $0x1E380;
	[sflag:s20] =	ssyncadd.s32 $0xFFFFE000  }
0x378: {  	[spmem:s4] =	stream.indirect.scatter.add.f32 [tilespmem:s15], [sflag:$0x8], $0x40, s11, s28, $0xb8;
	[tilespmem:$0x1E900] =	vst v63  }
0x379: {  	_ =	swait.ge [sflag:s9], $0x2000  }
0x37a: {  	s14 =	sshll.u32 s14, $0x5;
	[sflag:s9] =	ssyncset.done $0x0  }
0x37b: {  	s18 =	sadd.s32 s1, s14;
	s14 =	simm.s32 $0x1E200;
	[sflag:s9] =	ssyncadd.s32 $0xFFFFE000  }
0x37c: {  	[tilespmem:s14], [sflag:$0x9] =	stream.linear.gather [hbm4b:s18+s5], $0x100, $0x38;
	[tilespmem:$0x1E900] =	vst v63  }
.Ltmp11:
0x37d: {  	_ =	swait.ge [sflag:s23], $0x100;
	(pc) =	sbr.rel @p0 .LBB2_24-.Ltmp11, $4  }
0x37e: {  	[sflag:s23] =	ssyncset.done $0x0  }
0x37f: {  	[sflag:s23] =	ssyncadd.s32 $0xFFFFFF00  }
0x380: {  	[tilespmem:s0], [sflag:$0x3] =	stream.indirect.gather [spmem:s3], $0x40, s14, s28, $0xb8;
	[tilespmem:$0x1E900] =	vst v63  }
0x381: {  	s18 =	smov.u32 s12;
	_ =	swait.ge [sflag:s6], $0x2000  }
0x382: {  	s8 =	sadd.s32 s25, s13;
	[sflag:s6] =	ssyncset.done $0x0  }
0x383: {  	s11 =	sadd.s32 $0xA3, s8;
	[sflag:s6] =	ssyncadd.s32 $0xFFFFE000  }
0x384: {  	s12 =	smov.u32 s26;
	_ =	swait.ge [sflag:s10], $0x2000;
	p0 =	slt.s32 s11, s26  }
0x385: {  	[sflag:s10] =	ssyncset.done $0x0;
	s12 =	smov.u32 @p0 s11  }
0x386: {  	s18 =	simm.s32 $0x1E080;
	[sflag:s10] =	ssyncadd.s32 $0xFFFFE000;
	s11 =	sshll.u32 s12, $0x5  }
0x387: {  	[spmem:s4] =	stream.indirect.scatter.add.f32 [tilespmem:s30], [sflag:$0x5], $0x40, s18, s28, $0xb8;
	[tilespmem:$0x1E900] =	vst v63  }
0x388: {  	s11 =	sadd.s32 s1, s11  }
0x389: {  	[tilespmem:s21], [sflag:$0x9] =	stream.linear.gather [hbm4b:s11+s5], $0x100, $0x38;
	[tilespmem:$0x1E900] =	vst v63  }
0x38a: {  	_ =	swait.ge [sflag:s23], $0x100  }
0x38b: {  	[sflag:s23] =	ssyncset.done $0x0  }
0x38c: {  	[sflag:s23] =	ssyncadd.s32 $0xFFFFFF00  }
0x38d: {  	[tilespmem:s15], [sflag:$0x4] =	stream.indirect.gather [spmem:s3], $0x40, s21, s28, $0xb8;
	[tilespmem:$0x1E900] =	vst v63  }
0x38e: {  	_ =	swait.ge [sflag:s16], $0x2000  }
0x38f: {  	s25 =	simm.s32 $0x1E180;
	s11 =	sadd.s32 $0xA4, s8;
	[sflag:s16] =	ssyncset.done $0x0  }
0x390: {  	s12 =	smov.u32 s26;
	p0 =	slt.s32 s11, s26;
	[sflag:s16] =	ssyncadd.s32 $0xFFFFE000  }
0x391: {  	[spmem:s4] =	stream.indirect.scatter.add.f32 [tilespmem:s2], [sflag:$0x6], $0x40, s25, s28, $0xb8;
	[tilespmem:$0x1E900] =	vst v63  }
0x392: {  	s12 =	smov.u32 @p0 s11;
	_ =	swait.ge [sflag:s7], $0x2000  }
0x393: {  	s11 =	sshll.u32 s12, $0x5;
	[sflag:s7] =	ssyncset.done $0x0  }
0x394: {  	s11 =	sadd.s32 s1, s11;
	[sflag:s7] =	ssyncadd.s32 $0xFFFFE000  }
0x395: {  	[tilespmem:s31], [sflag:$0x9] =	stream.linear.gather [hbm4b:s11+s5], $0x100, $0x38;
	[tilespmem:$0x1E900] =	vst v63  }
0x396: {  	_ =	swait.ge [sflag:s23], $0x100  }
0x397: {  	[sflag:s23] =	ssyncset.done $0x0  }
0x398: {  	[sflag:s23] =	ssyncadd.s32 $0xFFFFFF00  }
0x399: {  	[tilespmem:s30], [sflag:$0x1] =	stream.indirect.gather [spmem:s3], $0x40, s31, s28, $0xb8;
	[tilespmem:$0x1E900] =	vst v63  }
0x39a: {  	_ =	swait.ge [sflag:s17], $0x2000  }
0x39b: {  	s12 =	smov.u32 s26;
	s11 =	sadd.s32 $0xA5, s8;
	[sflag:s17] =	ssyncset.done $0x0  }
0x39c: {  	p0 =	slt.s32 s11, s26;
	s30 =	simm.s32 $0x1E280;
	[sflag:s17] =	ssyncadd.s32 $0xFFFFE000  }
0x39d: {  	[spmem:s4] =	stream.indirect.scatter.add.f32 [tilespmem:s0], [sflag:$0x7], $0x40, s30, s28, $0xb8;
	[tilespmem:$0x1E900] =	vst v63  }
0x39e: {  	s12 =	smov.u32 @p0 s11;
	_ =	swait.ge [sflag:s19], $0x2000  }
0x39f: {  	s11 =	sshll.u32 s12, $0x5;
	[sflag:s19] =	ssyncset.done $0x0  }
0x3a0: {  	s11 =	sadd.s32 s1, s11;
	[sflag:s19] =	ssyncadd.s32 $0xFFFFE000  }
0x3a1: {  	[tilespmem:s29], [sflag:$0x9] =	stream.linear.gather [hbm4b:s11+s5], $0x100, $0x38;
	[tilespmem:$0x1E900] =	vst v63  }
0x3a2: {  	_ =	swait.ge [sflag:s23], $0x100  }
0x3a3: {  	[sflag:s23] =	ssyncset.done $0x0  }
0x3a4: {  	[sflag:s23] =	ssyncadd.s32 $0xFFFFFF00  }
0x3a5: {  	[tilespmem:s2], [sflag:$0x2] =	stream.indirect.gather [spmem:s3], $0x40, s29, s28, $0xb8;
	[tilespmem:$0x1E900] =	vst v63  }
0x3a6: {  	s8 =	sadd.s32 $0xA6, s8;
	_ =	swait.ge [sflag:s20], $0x2000  }
0x3a7: {  	p0 =	slt.s32 s8, s26;
	[sflag:s20] =	ssyncset.done $0x0  }
0x3a8: {  	s31 =	simm.s32 $0x1E380;
	s11 =	smov.u32 s26;
	[sflag:s20] =	ssyncadd.s32 $0xFFFFE000  }
0x3a9: {  	[spmem:s4] =	stream.indirect.scatter.add.f32 [tilespmem:s15], [sflag:$0x8], $0x40, s31, s28, $0xb8;
	[tilespmem:$0x1E900] =	vst v63  }
0x3aa: {  	s11 =	smov.u32 @p0 s8;
	_ =	swait.ge [sflag:s9], $0x2000  }
0x3ab: {  	s8 =	sshll.u32 s11, $0x5;
	[sflag:s9] =	ssyncset.done $0x0  }
0x3ac: {  	s8 =	sadd.s32 s1, s8;
	[sflag:s9] =	ssyncadd.s32 $0xFFFFE000  }
0x3ad: {  	[tilespmem:s14], [sflag:$0x9] =	stream.linear.gather [hbm4b:s8+s5], $0x100, $0x38;
	[tilespmem:$0x1E900] =	vst v63  }
0x3ae: {  	_ =	swait.ge [sflag:s23], $0x100  }
0x3af: {  	[sflag:s23] =	ssyncset.done $0x0  }
0x3b0: {  	[sflag:s23] =	ssyncadd.s32 $0xFFFFFF00  }
0x3b1: {  	[tilespmem:s0], [sflag:$0x3] =	stream.indirect.gather [spmem:s3], $0x40, s14, s28, $0xb8;
	[tilespmem:$0x1E900] =	vst v63  }
0x3b2: {  	_ =	swait.ge [sflag:s6], $0x2000  }
0x3b3: {  	[sflag:s6] =	ssyncset.done $0x0  }
0x3b4: {  	[sflag:s6] =	ssyncadd.s32 $0xFFFFE000  }
0x3b5: {  	_ =	swait.ge [sflag:s10], $0x2000  }
0x3b6: {  	[sflag:s10] =	ssyncset.done $0x0  }
0x3b7: {  	[sflag:s10] =	ssyncadd.s32 $0xFFFFE000  }
0x3b8: {  	_ =	swait.ge [sflag:s16], $0x2000  }
0x3b9: {  	[sflag:s16] =	ssyncset.done $0x0  }
0x3ba: {  	[sflag:s16] =	ssyncadd.s32 $0xFFFFE000  }
0x3bb: {  	_ =	swait.ge [sflag:s17], $0x2000  }
0x3bc: {  	[sflag:s17] =	ssyncset.done $0x0  }
0x3bd: {  	[sflag:s17] =	ssyncadd.s32 $0xFFFFE000  }
0x3be: {  	s25 =	simm.s32 $0x0;
	[bflag:$0x0] =	sbarrier.arrive $0xFFFF  }
0x3bf: {  	s12 =	simm.s32 $0x0;
	s11 =	simm.s32 $0x14000;
	s13 =	rddreg [dreg:$0x6]  }
.LBB2_26:
0x3c0: {  	s8 =	sshll.u32 s25, $0x7  }
0x3c1: {  	s8 =	sadd.s32 s13, s8  }
0x3c2: {  	s2 =	sshll.u32 s8, $0x6  }
0x3c3: {  	s30 =	sadd.s32 $0x0, s12;
	s0 =	sadd.s32 s2, s4  }
0x3c4: {  	[tilespmem:s11], [sflag:$0x9] =	stream.linear.gather [spmem:s0], $0x2000, $0x38;
	[tilespmem:$0x1E900] =	vst v63  }
0x3c5: {  	v0 =	vmov s30;
	_ =	swait.ge [sflag:s23], $0x2000  }
0x3c6: {  	[sflag:s23] =	ssyncset.done $0x0  }
0x3c7: {  	s18 =	simm.s32 $0x14020;
	[sflag:s23] =	ssyncadd.s32 $0xFFFFE000  }
0x3c8: {  	v2 =	vld [tilespmem:s18+$0xFFFFFFF0]  }
0x3c9: {  	v3 =	vld [tilespmem:s18+$0x10]  }
0x3ca: {  	v5 =	vld.idx.msk [tilespmem:v0+s24+$0x0], $0xffff  }
0x3cb: {  	v0 =	vld [tilespmem:s18+$0xFFFFFFE0]  }
0x3cc: {  	v6 =	vld [tilespmem:s18+$0x0];
	_ =	sdelay $0x3  }
0x3cd: {  	s31 =	sadd.s32 $0x1, s12;
	v1 =	vmul.f32 v0, v5;
	v4 =	vmul.f32 v3, v5  }
0x3ce: {  	s14 =	simm.s32 $0x14020;
	s11 =	simm.s32 $0x2;
	v0 =	vmov s31;
	v3 =	vmul.f32 v2, v5;
	v2 =	vmul.f32 v6, v5  }
.LBB2_27:
0x3cf: {  	p0 =	sne.s32 s11, $0x7F  }
0x3d0: {  	[tilespmem:s18+$0x10] =	vst v4;
	s14 =	sadd.s32 $0x40, s14;
	s8 =	smov.u32 s11;
	s11 =	sadd.s32 $0x1, s11  }
0x3d1: {  	[tilespmem:s18+$0xFFFFFFE0] =	vst v1  }
0x3d2: {  	v5 =	vld [tilespmem:s14+$0xFFFFFFF0];
	[tilespmem:s18+$0xFFFFFFF0] =	vst v3  }
0x3d3: {  	v3 =	vld [tilespmem:s14+$0x10];
	[tilespmem:s18+$0x0] =	vst v2;
	s18 =	smov.u32 s14  }
0x3d4: {  	v2 =	vld.idx.msk [tilespmem:v0+s24+$0x0], $0xffff  }
0x3d5: {  	v0 =	vld [tilespmem:s14+$0xFFFFFFE0]  }
0x3d6: {  	v6 =	vld [tilespmem:s14+$0x0]  }
.Ltmp12:
0x3d7: {  	(pc) =	sbr.rel @p0 .LBB2_27-.Ltmp12, $3  }
0x3d8: {  	_ =	sdelay $0x1  }
0x3d9: {  	s8 =	sadd.s32 s8, s12;
	v4 =	vmul.f32 v3, v2;
	v1 =	vmul.f32 v0, v2  }
0x3da: {  	v3 =	vmul.f32 v5, v2;
	v0 =	vmov s8;
	v2 =	vmul.f32 v6, v2  }
0x3db: {  	[tilespmem:s18+$0x10] =	vst v4  }
0x3dc: {  	s8 =	sadd.s32 $0x40, s14;
	[tilespmem:s18+$0xFFFFFFE0] =	vst v1  }
0x3dd: {  	v1 =	vld [tilespmem:s8+$0xFFFFFFF0];
	[tilespmem:s18+$0xFFFFFFF0] =	vst v3  }
0x3de: {  	v3 =	vld [tilespmem:s8+$0x10];
	[tilespmem:s18+$0x0] =	vst v2  }
0x3df: {  	v0 =	vld.idx.msk [tilespmem:v0+s24+$0x0], $0xffff  }
0x3e0: {  	v2 =	vld [tilespmem:s8+$0xFFFFFFE0];
	_ =	sdelay $0x1  }
0x3e1: {  	v4 =	vld [tilespmem:s8+$0x0];
	_ =	sdelay $0x1  }
0x3e2: {  	v3 =	vmul.f32 v3, v0  }
0x3e3: {  	v2 =	vmul.f32 v2, v0  }
0x3e4: {  	s11 =	rddreg [dreg:$0x11];
	v1 =	vmul.f32 v1, v0;
	[tilespmem:s8+$0x10] =	vst v3  }
0x3e5: {  	s11 =	sadd.s32 s2, s11;
	v0 =	vmul.f32 v4, v0;
	[tilespmem:s8+$0xFFFFFFE0] =	vst v2  }
0x3e6: {  	s30 =	rddreg [dreg:$0x8];
	s11 =	sshrl.u32 s11, $0x3;
	[tilespmem:s8+$0xFFFFFFF0] =	vst v1  }
0x3e7: {  	[tilespmem:s8+$0x0] =	vst v0;
	s8 =	sadd.s32 s30, s11;
	s11 =	simm.s32 $0x14000  }
0x3e8: {  	[hbm4b:s8+s5] =	stream.linear.scatter [tilespmem:s11], [sflag:$0x9], $0x2000, $0x38;
	[tilespmem:$0x1E900] =	vst v63  }
0x3e9: {  	_ =	swait.ge [sflag:s23], $0x2000  }
0x3ea: {  	[sflag:s23] =	ssyncset.done $0x0  }
0x3eb: {  	s31 =	sadd.s32 s2, s3;
	[sflag:s23] =	ssyncadd.s32 $0xFFFFE000  }
0x3ec: {  	[spmem:s31] =	stream.linear.scatter [tilespmem:s11], [sflag:$0x9], $0x2000, $0x38;
	[tilespmem:$0x1E900] =	vst v63  }
0x3ed: {  	s25 =	sadd.s32 $0x1, s25;
	_ =	swait.ge [sflag:s23], $0x2000  }
0x3ee: {  	p0 =	sne.s32 s25, $0x5;
	[sflag:s23] =	ssyncset.done $0x0  }
.Ltmp13:
0x3ef: {  	[sflag:s23] =	ssyncadd.s32 $0xFFFFE000;
	(pc) =	sbr.rel @p0 .LBB2_26-.Ltmp13, $4  }
0x3f0: {  	[spmem:s0] =	stream.linear.scatter [tilespmem:s11], [sflag:$0x9], $0x2000, $0x38;
	[tilespmem:$0x1E900] =	vst v63  }
0x3f1: {  	_ =	swait.ge [sflag:s23], $0x2000  }
0x3f2: {  	[sflag:s23] =	ssyncset.done $0x0  }
0x3f3: {  	s12 =	sadd.s32 $0x80, s12;
	[sflag:s23] =	ssyncadd.s32 $0xFFFFE000  }
0x3f4: {  	[bflag:$0x0] =	sbarrier.arrive $0xFFFF  }
0x3f5: {  	s31 =	simm.s32 $0x1E000;
	s8 =	rddreg [dreg:$0xc]  }
0x3f6: {  	[tilespmem:s31], [sflag:$0x9] =	stream.linear.gather [hbm4b:s8+s5], $0x100, $0x38;
	[tilespmem:$0x1E900] =	vst v63  }
0x3f7: {  	_ =	swait.ge [sflag:s23], $0x100  }
0x3f8: {  	[sflag:s23] =	ssyncset.done $0x0  }
0x3f9: {  	s30 =	simm.s32 $0x16000;
	[sflag:s23] =	ssyncadd.s32 $0xFFFFFF00  }
0x3fa: {  	[tilespmem:s30], [sflag:$0x1] =	stream.indirect.gather [spmem:s3], $0x40, s31, s28, $0xb8;
	[tilespmem:$0x1E900] =	vst v63  }
0x3fb: {  	s29 =	simm.s32 $0x1E100;
	s12 =	rddreg [dreg:$0xd]  }
0x3fc: {  	[tilespmem:s29], [sflag:$0x9] =	stream.linear.gather [hbm4b:s12+s5], $0x100, $0x38;
	[tilespmem:$0x1E900] =	vst v63  }
0x3fd: {  	_ =	swait.ge [sflag:s23], $0x100  }
0x3fe: {  	[sflag:s23] =	ssyncset.done $0x0  }
0x3ff: {  	s2 =	simm.s32 $0x18000;
	[sflag:s23] =	ssyncadd.s32 $0xFFFFFF00  }
0x400: {  	[tilespmem:s2], [sflag:$0x2] =	stream.indirect.gather [spmem:s3], $0x40, s29, s28, $0xb8;
	[tilespmem:$0x1E900] =	vst v63  }
0x401: {  	s14 =	simm.s32 $0x1E200;
	s13 =	rddreg [dreg:$0xe]  }
0x402: {  	[tilespmem:s14], [sflag:$0x9] =	stream.linear.gather [hbm4b:s13+s5], $0x100, $0x38;
	[tilespmem:$0x1E900] =	vst v63  }
0x403: {  	_ =	swait.ge [sflag:s23], $0x100  }
0x404: {  	[sflag:s23] =	ssyncset.done $0x0;
	s13 =	rddreg [dreg:$0x5]  }
0x405: {  	s0 =	simm.s32 $0x1A000;
	[sflag:s23] =	ssyncadd.s32 $0xFFFFFF00;
	s8 =	sadd.s32 $0xFFFFFF60, s13  }
0x406: {  	[tilespmem:s0], [sflag:$0x3] =	stream.indirect.gather [spmem:s3], $0x40, s14, s28, $0xb8;
	[tilespmem:$0x1E900] =	vst v63  }
0x407: {  	s11 =	sadd.s32 $0xA3, s8  }
0x408: {  	s12 =	smov.u32 s26;
	_ =	swait.ge [sflag:s10], $0x2000;
	p0 =	slt.s32 s11, s26  }
0x409: {  	[sflag:s10] =	ssyncset.done $0x0;
	s12 =	smov.u32 @p0 s11  }
0x40a: {  	s18 =	simm.s32 $0x1E080;
	[sflag:s10] =	ssyncadd.s32 $0xFFFFE000;
	s11 =	sshll.u32 s12, $0x5  }
0x40b: {  	[spmem:s4] =	stream.indirect.scatter.add.f32 [tilespmem:s30], [sflag:$0x5], $0x40, s18, s28, $0xb8;
	[tilespmem:$0x1E900] =	vst v63  }
0x40c: {  	s11 =	sadd.s32 s1, s11  }
0x40d: {  	[tilespmem:s21], [sflag:$0x9] =	stream.linear.gather [hbm4b:s11+s5], $0x100, $0x38;
	[tilespmem:$0x1E900] =	vst v63  }
0x40e: {  	_ =	swait.ge [sflag:s23], $0x100  }
0x40f: {  	[sflag:s23] =	ssyncset.done $0x0  }
0x410: {  	[sflag:s23] =	ssyncadd.s32 $0xFFFFFF00  }
0x411: {  	[tilespmem:s15], [sflag:$0x4] =	stream.indirect.gather [spmem:s3], $0x40, s21, s28, $0xb8;
	[tilespmem:$0x1E900] =	vst v63  }
0x412: {  	_ =	swait.ge [sflag:s16], $0x2000  }
0x413: {  	s12 =	smov.u32 s26;
	s11 =	sadd.s32 $0xA4, s8;
	[sflag:s16] =	ssyncset.done $0x0  }
0x414: {  	s18 =	simm.s32 $0x1E180;
	p0 =	slt.s32 s11, s26;
	[sflag:s16] =	ssyncadd.s32 $0xFFFFE000  }
0x415: {  	[spmem:s4] =	stream.indirect.scatter.add.f32 [tilespmem:s2], [sflag:$0x6], $0x40, s18, s28, $0xb8;
	[tilespmem:$0x1E900] =	vst v63  }
0x416: {  	s12 =	smov.u32 @p0 s11;
	_ =	swait.ge [sflag:s7], $0x2000  }
0x417: {  	s11 =	sshll.u32 s12, $0x5;
	[sflag:s7] =	ssyncset.done $0x0  }
0x418: {  	s11 =	sadd.s32 s1, s11;
	[sflag:s7] =	ssyncadd.s32 $0xFFFFE000  }
0x419: {  	[tilespmem:s31], [sflag:$0x9] =	stream.linear.gather [hbm4b:s11+s5], $0x100, $0x38;
	[tilespmem:$0x1E900] =	vst v63  }
0x41a: {  	_ =	swait.ge [sflag:s23], $0x100  }
0x41b: {  	[sflag:s23] =	ssyncset.done $0x0  }
0x41c: {  	[sflag:s23] =	ssyncadd.s32 $0xFFFFFF00  }
0x41d: {  	[tilespmem:s30], [sflag:$0x1] =	stream.indirect.gather [spmem:s3], $0x40, s31, s28, $0xb8;
	[tilespmem:$0x1E900] =	vst v63  }
0x41e: {  	_ =	swait.ge [sflag:s17], $0x2000  }
0x41f: {  	s25 =	simm.s32 $0x1E280;
	s11 =	sadd.s32 $0xA5, s8;
	[sflag:s17] =	ssyncset.done $0x0  }
0x420: {  	s12 =	smov.u32 s26;
	p0 =	slt.s32 s11, s26;
	[sflag:s17] =	ssyncadd.s32 $0xFFFFE000  }
0x421: {  	[spmem:s4] =	stream.indirect.scatter.add.f32 [tilespmem:s0], [sflag:$0x7], $0x40, s25, s28, $0xb8;
	[tilespmem:$0x1E900] =	vst v63  }
0x422: {  	s12 =	smov.u32 @p0 s11;
	_ =	swait.ge [sflag:s19], $0x2000  }
0x423: {  	s11 =	sshll.u32 s12, $0x5;
	[sflag:s19] =	ssyncset.done $0x0  }
0x424: {  	s11 =	sadd.s32 s1, s11;
	[sflag:s19] =	ssyncadd.s32 $0xFFFFE000  }
0x425: {  	[tilespmem:s29], [sflag:$0x9] =	stream.linear.gather [hbm4b:s11+s5], $0x100, $0x38;
	[tilespmem:$0x1E900] =	vst v63  }
0x426: {  	_ =	swait.ge [sflag:s23], $0x100  }
0x427: {  	[sflag:s23] =	ssyncset.done $0x0  }
0x428: {  	[sflag:s23] =	ssyncadd.s32 $0xFFFFFF00  }
0x429: {  	[tilespmem:s2], [sflag:$0x2] =	stream.indirect.gather [spmem:s3], $0x40, s29, s28, $0xb8;
	[tilespmem:$0x1E900] =	vst v63  }
0x42a: {  	s8 =	sadd.s32 $0xA6, s8;
	_ =	swait.ge [sflag:s20], $0x2000  }
0x42b: {  	p0 =	slt.s32 s8, s26;
	[sflag:s20] =	ssyncset.done $0x0  }
0x42c: {  	s25 =	simm.s32 $0x1E380;
	s11 =	smov.u32 s26;
	[sflag:s20] =	ssyncadd.s32 $0xFFFFE000  }
0x42d: {  	[spmem:s4] =	stream.indirect.scatter.add.f32 [tilespmem:s15], [sflag:$0x8], $0x40, s25, s28, $0xb8;
	[tilespmem:$0x1E900] =	vst v63  }
0x42e: {  	s11 =	smov.u32 @p0 s8;
	_ =	swait.ge [sflag:s9], $0x2000  }
0x42f: {  	s8 =	sshll.u32 s11, $0x5;
	[sflag:s9] =	ssyncset.done $0x0  }
0x430: {  	s8 =	sadd.s32 s1, s8;
	[sflag:s9] =	ssyncadd.s32 $0xFFFFE000  }
0x431: {  	[tilespmem:s14], [sflag:$0x9] =	stream.linear.gather [hbm4b:s8+s5], $0x100, $0x38;
	[tilespmem:$0x1E900] =	vst v63  }
0x432: {  	_ =	swait.ge [sflag:s23], $0x100  }
0x433: {  	[sflag:s23] =	ssyncset.done $0x0  }
0x434: {  	[sflag:s23] =	ssyncadd.s32 $0xFFFFFF00  }
0x435: {  	[tilespmem:s0], [sflag:$0x3] =	stream.indirect.gather [spmem:s3], $0x40, s14, s28, $0xb8;
	[tilespmem:$0x1E900] =	vst v63  }
0x436: {  	s18 =	simm.s32 $0xFFFFFF68;
	s25 =	simm.s32 $0xFFFFFF64;
	_ =	swait.ge [sflag:s6], $0x2000  }
.LBB2_30:
0x437: {  	s8 =	sadd.s32 s25, s13;
	[sflag:s6] =	ssyncset.done $0x0  }
0x438: {  	s14 =	smov.u32 s26;
	s11 =	sadd.s32 $0xA3, s8;
	[sflag:s6] =	ssyncadd.s32 $0xFFFFE000  }
0x439: {  	s13 =	sadd.s32 $0xA4, s8;
	_ =	swait.ge [sflag:s10], $0x2000;
	p0 =	slt.s32 s11, s26  }
0x43a: {  	p1 =	slt.s32 s13, s26;
	s14 =	smov.u32 @p0 s11;
	s11 =	smov.u32 s26  }
0x43b: {  	[sflag:s10] =	ssyncset.done $0x0;
	s11 =	smov.u32 @p1 s13  }
0x43c: {  	[sflag:s10] =	ssyncadd.s32 $0xFFFFE000;
	s13 =	sshll.u32 s14, $0x5;
	s14 =	simm.s32 $0x1E080  }
0x43d: {  	[spmem:s4] =	stream.indirect.scatter.add.f32 [tilespmem:s30], [sflag:$0x5], $0x40, s14, s28, $0xb8;
	[tilespmem:$0x1E900] =	vst v63  }
0x43e: {  	s14 =	sadd.s32 $0xA5, s8  }
0x43f: {  	s13 =	sadd.s32 s1, s13;
	s8 =	sadd.s32 $0xA6, s8;
	p0 =	slt.s32 s14, s26  }
0x440: {  	[tilespmem:s21], [sflag:$0x9] =	stream.linear.gather [hbm4b:s13+s5], $0x100, $0x38;
	[tilespmem:$0x1E900] =	vst v63  }
0x441: {  	p1 =	slt.s32 s8, s26;
	s13 =	smov.u32 s26;
	_ =	swait.ge [sflag:s23], $0x100  }
0x442: {  	s13 =	smov.u32 @p0 s14;
	s14 =	smov.u32 s26;
	[sflag:s23] =	ssyncset.done $0x0  }
0x443: {  	s14 =	smov.u32 @p1 s8;
	[sflag:s23] =	ssyncadd.s32 $0xFFFFFF00  }
0x444: {  	[tilespmem:s15], [sflag:$0x4] =	stream.indirect.gather [spmem:s3], $0x40, s21, s28, $0xb8;
	[tilespmem:$0x1E900] =	vst v63  }
0x445: {  	s8 =	sshll.u32 s13, $0x5;
	s13 =	rddreg [dreg:$0x5];
	_ =	swait.ge [sflag:s16], $0x2000  }
0x446: {  	s25 =	smov.u32 s18;
	s12 =	sadd.s32 $0x4, s18;
	[sflag:s16] =	ssyncset.done $0x0  }
0x447: {  	p0 =	sne.s32 s18, $0xFFFFFFFC;
	s18 =	simm.s32 $0x1E180;
	[sflag:s16] =	ssyncadd.s32 $0xFFFFE000  }
0x448: {  	[spmem:s4] =	stream.indirect.scatter.add.f32 [tilespmem:s2], [sflag:$0x6], $0x40, s18, s28, $0xb8;
	[tilespmem:$0x1E900] =	vst v63  }
0x449: {  	_ =	swait.ge [sflag:s7], $0x2000  }
0x44a: {  	s11 =	sshll.u32 s11, $0x5;
	[sflag:s7] =	ssyncset.done $0x0  }
0x44b: {  	s11 =	sadd.s32 s1, s11;
	[sflag:s7] =	ssyncadd.s32 $0xFFFFE000  }
0x44c: {  	[tilespmem:s31], [sflag:$0x9] =	stream.linear.gather [hbm4b:s11+s5], $0x100, $0x38;
	[tilespmem:$0x1E900] =	vst v63  }
0x44d: {  	_ =	swait.ge [sflag:s23], $0x100  }
0x44e: {  	[sflag:s23] =	ssyncset.done $0x0  }
0x44f: {  	[sflag:s23] =	ssyncadd.s32 $0xFFFFFF00  }
0x450: {  	[tilespmem:s30], [sflag:$0x1] =	stream.indirect.gather [spmem:s3], $0x40, s31, s28, $0xb8;
	[tilespmem:$0x1E900] =	vst v63  }
0x451: {  	_ =	swait.ge [sflag:s17], $0x2000  }
0x452: {  	[sflag:s17] =	ssyncset.done $0x0  }
0x453: {  	s18 =	simm.s32 $0x1E280;
	[sflag:s17] =	ssyncadd.s32 $0xFFFFE000  }
0x454: {  	[spmem:s4] =	stream.indirect.scatter.add.f32 [tilespmem:s0], [sflag:$0x7], $0x40, s18, s28, $0xb8;
	[tilespmem:$0x1E900] =	vst v63  }
0x455: {  	_ =	swait.ge [sflag:s19], $0x2000  }
0x456: {  	[sflag:s19] =	ssyncset.done $0x0  }
0x457: {  	s8 =	sadd.s32 s1, s8;
	[sflag:s19] =	ssyncadd.s32 $0xFFFFE000  }
0x458: {  	[tilespmem:s29], [sflag:$0x9] =	stream.linear.gather [hbm4b:s8+s5], $0x100, $0x38;
	[tilespmem:$0x1E900] =	vst v63  }
0x459: {  	_ =	swait.ge [sflag:s23], $0x100  }
0x45a: {  	[sflag:s23] =	ssyncset.done $0x0  }
0x45b: {  	[sflag:s23] =	ssyncadd.s32 $0xFFFFFF00  }
0x45c: {  	[tilespmem:s2], [sflag:$0x2] =	stream.indirect.gather [spmem:s3], $0x40, s29, s28, $0xb8;
	[tilespmem:$0x1E900] =	vst v63  }
0x45d: {  	_ =	swait.ge [sflag:s20], $0x2000  }
0x45e: {  	[sflag:s20] =	ssyncset.done $0x0  }
0x45f: {  	s11 =	simm.s32 $0x1E380;
	[sflag:s20] =	ssyncadd.s32 $0xFFFFE000  }
0x460: {  	[spmem:s4] =	stream.indirect.scatter.add.f32 [tilespmem:s15], [sflag:$0x8], $0x40, s11, s28, $0xb8;
	[tilespmem:$0x1E900] =	vst v63  }
0x461: {  	_ =	swait.ge [sflag:s9], $0x2000  }
0x462: {  	s14 =	sshll.u32 s14, $0x5;
	[sflag:s9] =	ssyncset.done $0x0  }
0x463: {  	s18 =	sadd.s32 s1, s14;
	s14 =	simm.s32 $0x1E200;
	[sflag:s9] =	ssyncadd.s32 $0xFFFFE000  }
0x464: {  	[tilespmem:s14], [sflag:$0x9] =	stream.linear.gather [hbm4b:s18+s5], $0x100, $0x38;
	[tilespmem:$0x1E900] =	vst v63  }
.Ltmp14:
0x465: {  	_ =	swait.ge [sflag:s23], $0x100;
	(pc) =	sbr.rel @p0 .LBB2_30-.Ltmp14, $4  }
0x466: {  	[sflag:s23] =	ssyncset.done $0x0  }
0x467: {  	[sflag:s23] =	ssyncadd.s32 $0xFFFFFF00  }
0x468: {  	[tilespmem:s0], [sflag:$0x3] =	stream.indirect.gather [spmem:s3], $0x40, s14, s28, $0xb8;
	[tilespmem:$0x1E900] =	vst v63  }
0x469: {  	s18 =	smov.u32 s12;
	_ =	swait.ge [sflag:s6], $0x2000  }
0x46a: {  	s8 =	sadd.s32 s25, s13;
	[sflag:s6] =	ssyncset.done $0x0  }
0x46b: {  	s11 =	sadd.s32 $0xA3, s8;
	[sflag:s6] =	ssyncadd.s32 $0xFFFFE000  }
0x46c: {  	s12 =	smov.u32 s26;
	_ =	swait.ge [sflag:s10], $0x2000;
	p0 =	slt.s32 s11, s26  }
0x46d: {  	[sflag:s10] =	ssyncset.done $0x0;
	s12 =	smov.u32 @p0 s11  }
0x46e: {  	s18 =	simm.s32 $0x1E080;
	[sflag:s10] =	ssyncadd.s32 $0xFFFFE000;
	s11 =	sshll.u32 s12, $0x5  }
0x46f: {  	[spmem:s4] =	stream.indirect.scatter.add.f32 [tilespmem:s30], [sflag:$0x5], $0x40, s18, s28, $0xb8;
	[tilespmem:$0x1E900] =	vst v63  }
0x470: {  	s11 =	sadd.s32 s1, s11  }
0x471: {  	[tilespmem:s21], [sflag:$0x9] =	stream.linear.gather [hbm4b:s11+s5], $0x100, $0x38;
	[tilespmem:$0x1E900] =	vst v63  }
0x472: {  	_ =	swait.ge [sflag:s23], $0x100  }
0x473: {  	[sflag:s23] =	ssyncset.done $0x0  }
0x474: {  	[sflag:s23] =	ssyncadd.s32 $0xFFFFFF00  }
0x475: {  	[tilespmem:s15], [sflag:$0x4] =	stream.indirect.gather [spmem:s3], $0x40, s21, s28, $0xb8;
	[tilespmem:$0x1E900] =	vst v63  }
0x476: {  	_ =	swait.ge [sflag:s16], $0x2000  }
0x477: {  	s25 =	simm.s32 $0x1E180;
	s11 =	sadd.s32 $0xA4, s8;
	[sflag:s16] =	ssyncset.done $0x0  }
0x478: {  	s12 =	smov.u32 s26;
	p0 =	slt.s32 s11, s26;
	[sflag:s16] =	ssyncadd.s32 $0xFFFFE000  }
0x479: {  	[spmem:s4] =	stream.indirect.scatter.add.f32 [tilespmem:s2], [sflag:$0x6], $0x40, s25, s28, $0xb8;
	[tilespmem:$0x1E900] =	vst v63  }
0x47a: {  	s12 =	smov.u32 @p0 s11;
	_ =	swait.ge [sflag:s7], $0x2000  }
0x47b: {  	s11 =	sshll.u32 s12, $0x5;
	[sflag:s7] =	ssyncset.done $0x0  }
0x47c: {  	s11 =	sadd.s32 s1, s11;
	[sflag:s7] =	ssyncadd.s32 $0xFFFFE000  }
0x47d: {  	[tilespmem:s31], [sflag:$0x9] =	stream.linear.gather [hbm4b:s11+s5], $0x100, $0x38;
	[tilespmem:$0x1E900] =	vst v63  }
0x47e: {  	_ =	swait.ge [sflag:s23], $0x100  }
0x47f: {  	[sflag:s23] =	ssyncset.done $0x0  }
0x480: {  	[sflag:s23] =	ssyncadd.s32 $0xFFFFFF00  }
0x481: {  	[tilespmem:s30], [sflag:$0x1] =	stream.indirect.gather [spmem:s3], $0x40, s31, s28, $0xb8;
	[tilespmem:$0x1E900] =	vst v63  }
0x482: {  	_ =	swait.ge [sflag:s17], $0x2000  }
0x483: {  	s12 =	smov.u32 s26;
	s11 =	sadd.s32 $0xA5, s8;
	[sflag:s17] =	ssyncset.done $0x0  }
0x484: {  	p0 =	slt.s32 s11, s26;
	s30 =	simm.s32 $0x1E280;
	[sflag:s17] =	ssyncadd.s32 $0xFFFFE000  }
0x485: {  	[spmem:s4] =	stream.indirect.scatter.add.f32 [tilespmem:s0], [sflag:$0x7], $0x40, s30, s28, $0xb8;
	[tilespmem:$0x1E900] =	vst v63  }
0x486: {  	s12 =	smov.u32 @p0 s11;
	_ =	swait.ge [sflag:s19], $0x2000  }
0x487: {  	s11 =	sshll.u32 s12, $0x5;
	[sflag:s19] =	ssyncset.done $0x0  }
0x488: {  	s11 =	sadd.s32 s1, s11;
	[sflag:s19] =	ssyncadd.s32 $0xFFFFE000  }
0x489: {  	[tilespmem:s29], [sflag:$0x9] =	stream.linear.gather [hbm4b:s11+s5], $0x100, $0x38;
	[tilespmem:$0x1E900] =	vst v63  }
0x48a: {  	_ =	swait.ge [sflag:s23], $0x100  }
0x48b: {  	[sflag:s23] =	ssyncset.done $0x0  }
0x48c: {  	[sflag:s23] =	ssyncadd.s32 $0xFFFFFF00  }
0x48d: {  	[tilespmem:s2], [sflag:$0x2] =	stream.indirect.gather [spmem:s3], $0x40, s29, s28, $0xb8;
	[tilespmem:$0x1E900] =	vst v63  }
0x48e: {  	s8 =	sadd.s32 $0xA6, s8;
	_ =	swait.ge [sflag:s20], $0x2000  }
0x48f: {  	p0 =	slt.s32 s8, s26;
	[sflag:s20] =	ssyncset.done $0x0  }
0x490: {  	s31 =	simm.s32 $0x1E380;
	s11 =	smov.u32 s26;
	[sflag:s20] =	ssyncadd.s32 $0xFFFFE000  }
0x491: {  	[spmem:s4] =	stream.indirect.scatter.add.f32 [tilespmem:s15], [sflag:$0x8], $0x40, s31, s28, $0xb8;
	[tilespmem:$0x1E900] =	vst v63  }
0x492: {  	s11 =	smov.u32 @p0 s8;
	_ =	swait.ge [sflag:s9], $0x2000  }
0x493: {  	s8 =	sshll.u32 s11, $0x5;
	[sflag:s9] =	ssyncset.done $0x0  }
0x494: {  	s8 =	sadd.s32 s1, s8;
	[sflag:s9] =	ssyncadd.s32 $0xFFFFE000  }
0x495: {  	[tilespmem:s14], [sflag:$0x9] =	stream.linear.gather [hbm4b:s8+s5], $0x100, $0x38;
	[tilespmem:$0x1E900] =	vst v63  }
0x496: {  	_ =	swait.ge [sflag:s23], $0x100  }
0x497: {  	[sflag:s23] =	ssyncset.done $0x0  }
0x498: {  	[sflag:s23] =	ssyncadd.s32 $0xFFFFFF00  }
0x499: {  	[tilespmem:s0], [sflag:$0x3] =	stream.indirect.gather [spmem:s3], $0x40, s14, s28, $0xb8;
	[tilespmem:$0x1E900] =	vst v63  }
0x49a: {  	_ =	swait.ge [sflag:s6], $0x2000  }
0x49b: {  	[sflag:s6] =	ssyncset.done $0x0  }
0x49c: {  	[sflag:s6] =	ssyncadd.s32 $0xFFFFE000  }
0x49d: {  	_ =	swait.ge [sflag:s10], $0x2000  }
0x49e: {  	[sflag:s10] =	ssyncset.done $0x0  }
0x49f: {  	[sflag:s10] =	ssyncadd.s32 $0xFFFFE000  }
0x4a0: {  	_ =	swait.ge [sflag:s16], $0x2000  }
0x4a1: {  	[sflag:s16] =	ssyncset.done $0x0  }
0x4a2: {  	[sflag:s16] =	ssyncadd.s32 $0xFFFFE000  }
0x4a3: {  	_ =	swait.ge [sflag:s17], $0x2000  }
0x4a4: {  	[sflag:s17] =	ssyncset.done $0x0  }
0x4a5: {  	[sflag:s17] =	ssyncadd.s32 $0xFFFFE000  }
0x4a6: {  	[bflag:$0x0] =	sbarrier.arrive $0xFFFF  }
0x4a7: {  	s18 =	simm.s32 $0x14000;
	s13 =	rddreg [dreg:$0x6]  }
0x4a8: {  	s25 =	simm.s32 $0x0;
	s12 =	simm.s32 $0x0;
	s0 =	rddreg [dreg:$0x14]  }
.LBB2_32:
0x4a9: {  	s8 =	sshll.u32 s25, $0x7  }
0x4aa: {  	s8 =	sadd.s32 s13, s8  }
0x4ab: {  	s2 =	sshll.u32 s8, $0x6  }
0x4ac: {  	s30 =	sadd.s32 $0x0, s12;
	s8 =	sadd.s32 s2, s4  }
0x4ad: {  	[tilespmem:s18], [sflag:$0x9] =	stream.linear.gather [spmem:s8], $0x2000, $0x38;
	[tilespmem:$0x1E900] =	vst v63  }
0x4ae: {  	v0 =	vmov s30;
	_ =	swait.ge [sflag:s23], $0x2000  }
0x4af: {  	[sflag:s23] =	ssyncset.done $0x0  }
0x4b0: {  	s18 =	simm.s32 $0x14020;
	[sflag:s23] =	ssyncadd.s32 $0xFFFFE000  }
0x4b1: {  	v2 =	vld [tilespmem:s18+$0xFFFFFFF0]  }
0x4b2: {  	v3 =	vld [tilespmem:s18+$0x10]  }
0x4b3: {  	v5 =	vld.idx.msk [tilespmem:v0+s24+$0x0], $0xffff  }
0x4b4: {  	v0 =	vld [tilespmem:s18+$0xFFFFFFE0]  }
0x4b5: {  	v6 =	vld [tilespmem:s18+$0x0];
	_ =	sdelay $0x3  }
0x4b6: {  	s31 =	sadd.s32 $0x1, s12;
	v1 =	vmul.f32 v0, v5;
	v4 =	vmul.f32 v3, v5  }
0x4b7: {  	s11 =	simm.s32 $0x2;
	s14 =	simm.s32 $0x14020;
	v0 =	vmov s31;
	v3 =	vmul.f32 v2, v5;
	v2 =	vmul.f32 v6, v5  }
.LBB2_33:
0x4b8: {  	p0 =	sne.s32 s11, $0x7F  }
0x4b9: {  	[tilespmem:s18+$0x10] =	vst v4;
	s14 =	sadd.s32 $0x40, s14;
	s8 =	smov.u32 s11;
	s11 =	sadd.s32 $0x1, s11  }
0x4ba: {  	[tilespmem:s18+$0xFFFFFFE0] =	vst v1  }
0x4bb: {  	v5 =	vld [tilespmem:s14+$0xFFFFFFF0];
	[tilespmem:s18+$0xFFFFFFF0] =	vst v3  }
0x4bc: {  	v3 =	vld [tilespmem:s14+$0x10];
	[tilespmem:s18+$0x0] =	vst v2;
	s18 =	smov.u32 s14  }
0x4bd: {  	v2 =	vld.idx.msk [tilespmem:v0+s24+$0x0], $0xffff  }
0x4be: {  	v0 =	vld [tilespmem:s14+$0xFFFFFFE0]  }
0x4bf: {  	v6 =	vld [tilespmem:s14+$0x0]  }
.Ltmp15:
0x4c0: {  	(pc) =	sbr.rel @p0 .LBB2_33-.Ltmp15, $3  }
0x4c1: {  	_ =	sdelay $0x1  }
0x4c2: {  	s8 =	sadd.s32 s8, s12;
	v4 =	vmul.f32 v3, v2;
	v1 =	vmul.f32 v0, v2  }
0x4c3: {  	v3 =	vmul.f32 v5, v2;
	v0 =	vmov s8;
	v2 =	vmul.f32 v6, v2  }
0x4c4: {  	[tilespmem:s18+$0x10] =	vst v4  }
0x4c5: {  	s8 =	sadd.s32 $0x40, s14;
	[tilespmem:s18+$0xFFFFFFE0] =	vst v1  }
0x4c6: {  	v1 =	vld [tilespmem:s8+$0xFFFFFFF0];
	[tilespmem:s18+$0xFFFFFFF0] =	vst v3  }
0x4c7: {  	v3 =	vld [tilespmem:s8+$0x10];
	[tilespmem:s18+$0x0] =	vst v2  }
0x4c8: {  	v0 =	vld.idx.msk [tilespmem:v0+s24+$0x0], $0xffff  }
0x4c9: {  	v2 =	vld [tilespmem:s8+$0xFFFFFFE0];
	_ =	sdelay $0x1  }
0x4ca: {  	v4 =	vld [tilespmem:s8+$0x0];
	_ =	sdelay $0x1  }
0x4cb: {  	v3 =	vmul.f32 v3, v0  }
0x4cc: {  	v2 =	vmul.f32 v2, v0  }
0x4cd: {  	s11 =	rddreg [dreg:$0x12];
	v1 =	vmul.f32 v1, v0;
	[tilespmem:s8+$0x10] =	vst v3  }
0x4ce: {  	s25 =	sadd.s32 $0x1, s25;
	s11 =	sadd.s32 s2, s11;
	v0 =	vmul.f32 v4, v0;
	[tilespmem:s8+$0xFFFFFFE0] =	vst v2  }
0x4cf: {  	s31 =	rddreg [dreg:$0x8];
	p0 =	sne.s32 s25, $0x5;
	s11 =	sshrl.u32 s11, $0x3;
	[tilespmem:s8+$0xFFFFFFF0] =	vst v1  }
.Ltmp16:
0x4d0: {  	s18 =	simm.s32 $0x14000;
	[tilespmem:s8+$0x0] =	vst v0;
	s8 =	sadd.s32 s31, s11;
	(pc) =	sbr.rel @p0 .LBB2_32-.Ltmp16, $4  }
0x4d1: {  	[hbm4b:s8+s5] =	stream.linear.scatter [tilespmem:s18], [sflag:$0x9], $0x2000, $0x38;
	[tilespmem:$0x1E900] =	vst v63  }
0x4d2: {  	_ =	swait.ge [sflag:s23], $0x2000  }
0x4d3: {  	[sflag:s23] =	ssyncset.done $0x0  }
0x4d4: {  	s12 =	sadd.s32 $0x80, s12;
	[sflag:s23] =	ssyncadd.s32 $0xFFFFE000  }
0x4d5: {  	s0 =	sadd.s32 $0x1, s0;
	s8 =	rddreg [dreg:$0x13]  }
0x4d6: {  	p0 =	sne.s32 s0, s8  }
.Ltmp17:
0x4d7: {  	_ = 	snop;
	(pc) =	sbr.rel @p0 .LBB2_1-.Ltmp17, $1  }
0x4d8: {  	_ =	sdelay $0x3  }
0x4d9: {  	_ =	sfence.sel $0x180000  }
0x4da: {  	[bflag:$0x0] =	sbarrier.arrive $0xFFFF  }
0x4db: {  	_ =	strace $0x9000004A  }
0x4dc: {  	s0 =	stileid.u32;
	[bflag:$0x2] =	sbarrier.arrive $0xFFFF  }
0x4dd: {  	p0 =	sne.s32 s0, $0x0;
	s0 =	rddreg [dreg:$0x4]  }
0x4de: {  	s0 =	sadd.s32 @!p0 $0x100000, s0  }
0x4df: {  	[sflag:s0] =	ssyncadd.tile.s32 @!p0 $0x1;
	_ =	shalt  }
.Lfunc_end2:
_tile_overlayer_lowered:
.L_overlay_start_2:
0x4e0: {  	(tag) =	ssettag $0x2  }
0x4e1: {  	s0 =	rddreg [dreg:$0x0];
	s2 =	stileid.u32  }
0x4e2: {  	s1 =	rddreg [dreg:$0x1];
	p0 =	sne.s32 s2, $0x0  }
0x4e3: {  	s3 =	rddreg [dreg:$0x2];
	[bflag:$0x3] =	sbarrier.arrive $0xFFFF;
	s2 =	simm.s32 @!p0 $0x1C09  }
0x4e4: {  	[timem:s3], [sflag:s2] =	dma.local @!p0 [hbm:s0], s1  }
0x4e5: {  	s0 =	simm.s32 @!p0 $0x9  }
0x4e6: {  	_ =	swait.ge @!p0 [sflag:s0], s1  }
0x4e7: {  	s1 =	ssub.s32 @!p0 $0x0, s1;
	[sflag:s0] =	ssyncset.done @!p0 $0x0  }
0x4e8: {  	[sflag:s0] =	ssyncadd.s32 @!p0 s1  }
0x4e9: {  	[bflag:$0x3] =	sbarrier.arrive $0xFFFF  }
0x4ea: {  	_ =	shalt  }

</sc_bundles>
